<compile_context>
chip_gen: v7x
topology: tpu7x:2x2x1
jax: 0.10.2.dev20260603
libtpu: 0.0.44.dev20260713+nightly
codegen_flags: <defaults>
</compile_context>

<pallas_src>
import functools

import jax
import jax.numpy as jnp
from jax import lax
from jax.experimental import pallas as pl
from jax.experimental.pallas import tpu as pltpu
from jax.experimental.pallas import tpu_sc as plsc

N = 10000
D = 128
E = 320000

NC = 2
NS = 16
NW = NC * NS
EPW = E // NW
RSTRIDE = 624
RSPAN = 640
C = 128
NCHUNK = EPW // C
TAIL = EPW - NCHUNK * C



def _deg_body(ones_hbm, dst_hbm, out_hbm, di0, di1, di2, di3, dt,
              ones_v, acc, is0, is1, is2, is3, ss0, ss1):
    didx = (di0, di1, di2, di3)
    isem = (is0, is1, is2, is3)
    ssem = (ss0, ss1)
    c = lax.axis_index("c")
    s = lax.axis_index("s")
    base = (c * NS + s) * EPW
    r0 = pl.multiple_of(s * RSTRIDE, 8)
    pltpu.sync_copy(ones_hbm.at[pl.ds(0, C)], ones_v)
    pltpu.sync_copy(ones_hbm.at[pl.ds(r0, RSPAN)], acc.at[pl.ds(r0, RSPAN)])
    plsc.subcore_barrier()

    def ioff(ch):
        return pl.multiple_of(base + ch * C, 8)

    def idx_sync(ch, q):
        pltpu.sync_copy(dst_hbm.at[pl.ds(ioff(ch), C)], didx[q])

    def idx_start(ch, q):
        pltpu.async_copy(dst_hbm.at[pl.ds(ioff(ch), C)], didx[q], isem[q])

    def idx_wait(ch, q):
        pltpu.make_async_copy(dst_hbm.at[pl.ds(ioff(ch), C)], didx[q], isem[q]).wait()

    def scat_start(q, r):
        pltpu.async_copy(ones_v, acc.at[didx[q]], ssem[r], add=True)

    def scat_wait(q, r):
        pltpu.make_async_copy(ones_v, acc.at[didx[q]], ssem[r]).wait()

    idx_sync(0, 0)
    idx_sync(1, 1)
    idx_start(2, 2)
    idx_start(3, 3)
    scat_start(0, 0)
    scat_start(1, 1)

    def body(g, carry):
        for b in range(4):
            ch = 4 * g + 2 + b
            scat_wait(b % 4, b % 2)
            idx_wait(ch, (2 + b) % 4)
            scat_start((2 + b) % 4, b % 2)
            idx_start(ch + 2, b % 4)
        return carry

    lax.fori_loop(0, (NCHUNK - 6) // 4, body, 0)
    for k in range(4):
        ch = NCHUNK - 4 + k
        scat_wait((ch - 2) % 4, ch % 2)
        idx_wait(ch, ch % 4)
        scat_start(ch % 4, ch % 2)
        if k < 2:
            idx_start(ch + 2, (ch + 2) % 4)
    scat_wait((NCHUNK - 2) % 4, (NCHUNK - 2) % 2)
    scat_wait((NCHUNK - 1) % 4, (NCHUNK - 1) % 2)
    offt = pl.multiple_of(base + NCHUNK * C, 8)
    pltpu.sync_copy(dst_hbm.at[pl.ds(offt, TAIL)], dt)
    pltpu.sync_copy(ones_v.at[pl.ds(0, TAIL)], acc.at[dt], add=True)
    plsc.subcore_barrier()
    pltpu.sync_copy(
        acc.at[pl.ds(r0, RSPAN)], out_hbm.at[c, pl.ds(r0, RSPAN)]
    )


@functools.cache
def _deg_kernel():
    mesh = plsc.VectorSubcoreMesh(
        core_axis_name="c", subcore_axis_name="s", num_cores=NC, num_subcores=NS
    )
    return pl.kernel(
        _deg_body,
        out_type=jax.ShapeDtypeStruct((NC, N, D), jnp.float32),
        mesh=mesh,
        scratch_types=[
            pltpu.VMEM((C,), jnp.int32),
            pltpu.VMEM((C,), jnp.int32),
            pltpu.VMEM((C,), jnp.int32),
            pltpu.VMEM((C,), jnp.int32),
            pltpu.VMEM((TAIL,), jnp.int32),
            pltpu.VMEM((C, D), jnp.float32),
            pltpu.VMEM_SHARED((N, D), jnp.float32),
            pltpu.SemaphoreType.DMA,
            pltpu.SemaphoreType.DMA,
            pltpu.SemaphoreType.DMA,
            pltpu.SemaphoreType.DMA,
            pltpu.SemaphoreType.DMA,
            pltpu.SemaphoreType.DMA,
        ],
    )


def _deg_from_raw(raw):
    return (raw[0, :, 0] + raw[1, :, 0] - 2.0).reshape(N, 1)



def _scat_body(
    g_hbm, src_hbm, dst_hbm, out_hbm,
    si0, si1, si2, si3, di0, di1, di2, di3, st, dt,
    rows0, rows1, rowst,
    acc, is0, is1, is2, is3, gs0, gs1, ss0, ss1, ts,
):
    sidx = (si0, si1, si2, si3)
    didx = (di0, di1, di2, di3)
    rows = (rows0, rows1)
    isem = (is0, is1, is2, is3)
    gsem = (gs0, gs1)
    ssem = (ss0, ss1)
    c = lax.axis_index("c")
    s = lax.axis_index("s")
    base = (c * NS + s) * EPW

    def ioff(ch):
        return pl.multiple_of(base + ch * C, 8)

    def idx_sync(ch, q):
        pltpu.sync_copy(src_hbm.at[pl.ds(ioff(ch), C)], sidx[q])
        pltpu.sync_copy(dst_hbm.at[pl.ds(ioff(ch), C)], didx[q])

    def idx_start(ch, q):
        pltpu.async_copy(src_hbm.at[pl.ds(ioff(ch), C)], sidx[q], isem[q])
        pltpu.async_copy(dst_hbm.at[pl.ds(ioff(ch), C)], didx[q], isem[q])

    def idx_wait(ch, q):
        pltpu.make_async_copy(src_hbm.at[pl.ds(ioff(ch), C)], sidx[q], isem[q]).wait()
        pltpu.make_async_copy(dst_hbm.at[pl.ds(ioff(ch), C)], didx[q], isem[q]).wait()

    def gather_start(q, r):
        pltpu.async_copy(g_hbm.at[sidx[q]], rows[r], gsem[r])

    def gather_wait(q, r):
        pltpu.make_async_copy(g_hbm.at[sidx[q]], rows[r], gsem[r]).wait()

    def scat_start(q, r):
        pltpu.async_copy(rows[r], acc.at[didx[q]], ssem[r], add=True)

    def scat_wait(q, r):
        pltpu.make_async_copy(rows[r], acc.at[didx[q]], ssem[r]).wait()

    idx_sync(0, 0)
    idx_sync(1, 1)
    idx_start(2, 2)
    idx_start(3, 3)
    offt = pl.multiple_of(base + NCHUNK * C, 8)
    pltpu.async_copy(src_hbm.at[pl.ds(offt, TAIL)], st, ts)
    pltpu.async_copy(dst_hbm.at[pl.ds(offt, TAIL)], dt, ts)
    gather_start(0, 0)
    r0 = pl.multiple_of(s * RSTRIDE, 8)
    pltpu.sync_copy(g_hbm.at[pl.ds(r0, RSPAN)], acc.at[pl.ds(r0, RSPAN)])
    plsc.subcore_barrier()
    gather_start(1, 1)
    gather_wait(0, 0)
    scat_start(0, 0)

    def body(g, carry):
        for b in range(4):
            ch = 4 * g + 2 + b
            rcur = b % 2
            qcur = (2 + b) % 4
            scat_wait(b % 4, rcur)
            idx_wait(ch, qcur)
            gather_start(qcur, rcur)
            gather_wait((1 + b) % 4, 1 - rcur)
            scat_start((1 + b) % 4, 1 - rcur)
            idx_start(ch + 2, b % 4)
        return carry

    lax.fori_loop(0, (NCHUNK - 6) // 4, body, 0)

    for k in range(4):
        ch = NCHUNK - 4 + k
        rcur = ch % 2
        qcur = ch % 4
        scat_wait((ch - 2) % 4, rcur)
        idx_wait(ch, qcur)
        gather_start(qcur, rcur)
        gather_wait((ch - 1) % 4, 1 - rcur)
        scat_start((ch - 1) % 4, 1 - rcur)
        if k < 2:
            idx_start(ch + 2, (ch + 2) % 4)
    gather_wait((NCHUNK - 1) % 4, (NCHUNK - 1) % 2)
    scat_start((NCHUNK - 1) % 4, (NCHUNK - 1) % 2)
    pltpu.make_async_copy(src_hbm.at[pl.ds(offt, TAIL)], st, ts).wait()
    pltpu.make_async_copy(dst_hbm.at[pl.ds(offt, TAIL)], dt, ts).wait()
    pltpu.async_copy(g_hbm.at[st], rowst, ts)
    scat_wait((NCHUNK - 2) % 4, (NCHUNK - 2) % 2)
    scat_wait((NCHUNK - 1) % 4, (NCHUNK - 1) % 2)
    pltpu.make_async_copy(g_hbm.at[st], rowst, ts).wait()
    pltpu.sync_copy(rowst, acc.at[dt], add=True)
    plsc.subcore_barrier()
    pltpu.sync_copy(
        acc.at[pl.ds(r0, RSPAN)], out_hbm.at[c, pl.ds(r0, RSPAN)]
    )


@functools.cache
def _scat_kernel():
    mesh = plsc.VectorSubcoreMesh(
        core_axis_name="c", subcore_axis_name="s", num_cores=NC, num_subcores=NS
    )
    return pl.kernel(
        _scat_body,
        out_type=jax.ShapeDtypeStruct((NC, N, D), jnp.float32),
        mesh=mesh,
        scratch_types=[
            pltpu.VMEM((C,), jnp.int32),
            pltpu.VMEM((C,), jnp.int32),
            pltpu.VMEM((C,), jnp.int32),
            pltpu.VMEM((C,), jnp.int32),
            pltpu.VMEM((C,), jnp.int32),
            pltpu.VMEM((C,), jnp.int32),
            pltpu.VMEM((C,), jnp.int32),
            pltpu.VMEM((C,), jnp.int32),
            pltpu.VMEM((TAIL,), jnp.int32),
            pltpu.VMEM((TAIL,), jnp.int32),
            pltpu.VMEM((C, D), jnp.float32),
            pltpu.VMEM((C, D), jnp.float32),
            pltpu.VMEM((TAIL, D), jnp.float32),
            pltpu.VMEM_SHARED((N, D), jnp.float32),
            pltpu.SemaphoreType.DMA,
            pltpu.SemaphoreType.DMA,
            pltpu.SemaphoreType.DMA,
            pltpu.SemaphoreType.DMA,
            pltpu.SemaphoreType.DMA,
            pltpu.SemaphoreType.DMA,
            pltpu.SemaphoreType.DMA,
            pltpu.SemaphoreType.DMA,
            pltpu.SemaphoreType.DMA,
        ],
    )


BR = 400
NB = N // BR


def _pre_body(x_ref, w_ref, deg_ref, g_ref, dinv_ref):
    dinv = lax.rsqrt(deg_ref[...] + 1.0)
    g_ref[...] = (
        jnp.dot(x_ref[...], w_ref[...], preferred_element_type=jnp.float32) * dinv
    )
    dinv_ref[...] = jnp.broadcast_to(dinv, (BR, 16))


_pre_kernel = pl.pallas_call(
    _pre_body,
    grid=(NB,),
    in_specs=[
        pl.BlockSpec((BR, D), lambda i: (i, 0)),
        pl.BlockSpec((D, D), lambda i: (0, 0)),
        pl.BlockSpec((BR, 1), lambda i: (i, 0)),
    ],
    out_specs=[
        pl.BlockSpec((BR, D), lambda i: (i, 0)),
        pl.BlockSpec((BR, 16), lambda i: (i, 0)),
    ],
    out_shape=[
        jax.ShapeDtypeStruct((N, D), jnp.float32),
        jax.ShapeDtypeStruct((N, 16), jnp.float32),
    ],
)


def _mid_body(part_ref, g_ref, dinv_ref, b_ref, w_ref, gn_ref):
    dinv = dinv_ref[:, 0:1]
    agg = part_ref[0] + part_ref[1] - g_ref[...]
    xn = jnp.maximum(agg * dinv + b_ref[...], 0.0)
    gn_ref[...] = (
        jnp.dot(xn, w_ref[...], preferred_element_type=jnp.float32) * dinv
    )


_mid_kernel = pl.pallas_call(
    _mid_body,
    grid=(NB,),
    in_specs=[
        pl.BlockSpec((NC, BR, D), lambda i: (0, i, 0)),
        pl.BlockSpec((BR, D), lambda i: (i, 0)),
        pl.BlockSpec((BR, 16), lambda i: (i, 0)),
        pl.BlockSpec((1, D), lambda i: (0, 0)),
        pl.BlockSpec((D, D), lambda i: (0, 0)),
    ],
    out_specs=pl.BlockSpec((BR, D), lambda i: (i, 0)),
    out_shape=jax.ShapeDtypeStruct((N, D), jnp.float32),
)


def _fin_body(part_ref, g_ref, dinv_ref, b_ref, x0_ref, wl_ref, bl_ref,
              h_ref, out_ref):
    i = pl.program_id(0)
    dinv = dinv_ref[:, 0:1]
    agg = part_ref[0] + part_ref[1] - g_ref[...]
    h = jnp.maximum(agg * dinv + b_ref[...], 0.0) + x0_ref[...]
    h_ref[...] = h

    @pl.when(i == 0)
    def _():
        out_ref[...] = jnp.zeros_like(out_ref)

    out_ref[...] += jnp.sum(h, axis=0, keepdims=True)

    @pl.when(i == NB - 1)
    def _():
        out_ref[...] = (
            jnp.dot(out_ref[...] * (1.0 / N), wl_ref[...],
                    preferred_element_type=jnp.float32)
            + bl_ref[...]
        )


_fin_kernel = pl.pallas_call(
    _fin_body,
    grid=(NB,),
    in_specs=[
        pl.BlockSpec((NC, BR, D), lambda i: (0, i, 0)),
        pl.BlockSpec((BR, D), lambda i: (i, 0)),
        pl.BlockSpec((BR, 16), lambda i: (i, 0)),
        pl.BlockSpec((1, D), lambda i: (0, 0)),
        pl.BlockSpec((BR, D), lambda i: (i, 0)),
        pl.BlockSpec((D, D), lambda i: (0, 0)),
        pl.BlockSpec((1, D), lambda i: (0, 0)),
    ],
    out_specs=[
        pl.BlockSpec((BR, D), lambda i: (i, 0)),
        pl.BlockSpec((1, D), lambda i: (0, 0)),
    ],
    out_shape=[
        jax.ShapeDtypeStruct((N, D), jnp.float32),
        jax.ShapeDtypeStruct((1, D), jnp.float32),
    ],
)


def kernel(graph_x, graph_edge, W1, b1, W2, b2, W3, b3, Wl, bl):
    edge = graph_edge.astype(jnp.int32)
    src = edge[0]
    dst = edge[1]

    deg = _deg_from_raw(_deg_kernel()(jnp.ones((N, D), jnp.float32), dst))
    g1, dinv16 = _pre_kernel(graph_x, W1, deg)
    p1 = _scat_kernel()(g1, src, dst)
    g2 = _mid_kernel(p1, g1, dinv16, b1.reshape(1, D), W2)
    p2 = _scat_kernel()(g2, src, dst)
    g3 = _mid_kernel(p2, g2, dinv16, b2.reshape(1, D), W3)
    p3 = _scat_kernel()(g3, src, dst)
    h, out = _fin_kernel(
        p3, g3, dinv16, b3.reshape(1, D), graph_x, Wl, bl.reshape(1, D)
    )
    return (h, out)

# --- scband reference (transcript-rebuilt; emitter-appended) ---
"""Pipeline reference for scband-graph-emb-67276367724817 (READ-ONLY COPY).

The authoritative reference and input builder live on the scoring server;
editing this copy changes nothing except your own understanding.
"""

import jax, jax.numpy as jnp
import numpy as np

N = 10000
D = 128
E = 320000


def gcn_conv(x, edge_index, W, b):
    # GCNConv with add_self_loops=True, normalize=True (symmetric norm)
    src = edge_index[0]
    dst = edge_index[1]
    loop = jnp.arange(N, dtype=src.dtype)
    src = jnp.concatenate([src, loop])
    dst = jnp.concatenate([dst, loop])
    h = x @ W
    deg = jnp.zeros((N,), dtype=x.dtype).at[dst].add(1.0)
    dinv = jnp.where(deg > 0, jax.lax.rsqrt(deg), 0.0)
    norm = dinv[src] * dinv[dst]
    msg = h[src] * norm[:, None]
    out = jnp.zeros_like(h).at[dst].add(msg)
    return out + b


def setup_inputs(seed: int = 0) -> dict:
    key = jax.random.key(seed)
    ks = jax.random.split(key, 12)
    graph_x = jax.random.normal(ks[0], (N, D), dtype=jnp.float32)
    graph_edge = jax.random.randint(ks[1], (2, E), 0, N, dtype=jnp.int64)
    s = 1.0 / np.sqrt(D)
    W1 = jax.random.normal(ks[2], (D, D), dtype=jnp.float32) * s
    b1 = jnp.zeros((D,), dtype=jnp.float32)
    W2 = jax.random.normal(ks[3], (D, D), dtype=jnp.float32) * s
    b2 = jnp.zeros((D,), dtype=jnp.float32)
    W3 = jax.random.normal(ks[4], (D, D), dtype=jnp.float32) * s
    b3 = jnp.zeros((D,), dtype=jnp.float32)
    Wl = jax.random.normal(ks[5], (D, D), dtype=jnp.float32) * s
    bl = jax.random.normal(ks[6], (D,), dtype=jnp.float32) * s
    return {"graph_x": graph_x, "graph_edge": graph_edge, "W1": W1, "b1": b1, "W2": W2, "b2": b2, "W3": W3, "b3": b3, "Wl": Wl, "bl": bl}


def reference(graph_x, graph_edge, W1, b1, W2, b2, W3, b3, Wl, bl):
    _h = graph_x
    h = gcn_conv(graph_x, graph_edge, W1, b1)
    h = jax.nn.relu(h)
    h = gcn_conv(h, graph_edge, W2, b2)
    h = jax.nn.relu(h)
    h = gcn_conv(h, graph_edge, W3, b3)
    h = jax.nn.relu(h)
    h = h + _h
    out = h @ Wl + bl
    # global_mean_pool with batch=None -> mean over all nodes, keepdim
    out = jnp.mean(out, axis=0, keepdims=True)
    return (h, out)

if __name__ == "__main__":
    import jax
    _d = setup_inputs()
    print(jax.jit(kernel)(*tuple(_d.values())))

</pallas_src>

<mosaic_0001>
#map = affine_map<(d0, d1) -> (0, 0)>
#map1 = affine_map<(d0, d1) -> (0)>
#map2 = affine_map<(d0, d1) -> (0, 0, 0)>
module attributes {stable_mosaic.version = 14 : i64} {
  func.func @_scat_body(%arg0: i32, %arg1: i32, %arg2: memref<10000x128xf32, #tpu.memory_space<hbm>>, %arg3: memref<320000xi32, #tpu.memory_space<hbm>>, %arg4: memref<320000xi32, #tpu.memory_space<hbm>>, %arg5: memref<2x10000x128xf32, #tpu.memory_space<hbm>>, %arg6: memref<128xi32, #tpu.memory_space<vmem>>, %arg7: memref<128xi32, #tpu.memory_space<vmem>>, %arg8: memref<128xi32, #tpu.memory_space<vmem>>, %arg9: memref<128xi32, #tpu.memory_space<vmem>>, %arg10: memref<128xi32, #tpu.memory_space<vmem>>, %arg11: memref<128xi32, #tpu.memory_space<vmem>>, %arg12: memref<128xi32, #tpu.memory_space<vmem>>, %arg13: memref<128xi32, #tpu.memory_space<vmem>>, %arg14: memref<16xi32, #tpu.memory_space<vmem>>, %arg15: memref<16xi32, #tpu.memory_space<vmem>>, %arg16: memref<128x128xf32, #tpu.memory_space<vmem>>, %arg17: memref<128x128xf32, #tpu.memory_space<vmem>>, %arg18: memref<16x128xf32, #tpu.memory_space<vmem>>, %arg19: memref<10000x128xf32, #tpu.memory_space<vmem_shared>>, %arg20: memref<!tpu.dma_semaphore, #tpu.memory_space<semaphore_mem>>, %arg21: memref<!tpu.dma_semaphore, #tpu.memory_space<semaphore_mem>>, %arg22: memref<!tpu.dma_semaphore, #tpu.memory_space<semaphore_mem>>, %arg23: memref<!tpu.dma_semaphore, #tpu.memory_space<semaphore_mem>>, %arg24: memref<!tpu.dma_semaphore, #tpu.memory_space<semaphore_mem>>, %arg25: memref<!tpu.dma_semaphore, #tpu.memory_space<semaphore_mem>>, %arg26: memref<!tpu.dma_semaphore, #tpu.memory_space<semaphore_mem>>, %arg27: memref<!tpu.dma_semaphore, #tpu.memory_space<semaphore_mem>>, %arg28: memref<!tpu.dma_semaphore, #tpu.memory_space<semaphore_mem>>) attributes {dimension_semantics = [#tpu.dimension_semantics<core_parallel>, #tpu.dimension_semantics<subcore_parallel>], iteration_bounds = array<i64: 2, 16>, scalar_prefetch = 0 : i64, scratch_operands = 23 : i64, tpu.core_type = #tpu.core_type<sc_vector_subcore>, window_params = [{transform_indices = #map}, {transform_indices = #map1}, {transform_indices = #map1}, {transform_indices = #map2}]} {
    %mul3A = arith.constant 16 : i32
    %mul3A_0 = arith.muli %arg0, %mul3A : i32
    %add3A = arith.addi %mul3A_0, %arg1 : i32
    %mul3A_1 = arith.constant 10000 : i32
    %mul3A_2 = arith.muli %add3A, %mul3A_1 : i32
    %add3A_3 = arith.constant 0 : i32
    %add3A_4 = arith.addi %mul3A_2, %add3A_3 : i32
    %multiple_of3A = tpu.assume_multiple %add3A_4, 8 : i32
    "tpu.region"() ({
      %run_scoped3A = tpu.sem_alloc : memref<!tpu.dma_semaphore, #tpu.memory_space<semaphore_mem>>
      %dma_start3A_190 = tpu.memref_slice %arg3[%multiple_of3A] : memref<320000xi32, #tpu.memory_space<hbm>> -> memref<128xi32, #tpu.memory_space<hbm>>
      %dma_start3A_191 = tpu.memref_slice %arg3[%multiple_of3A] : memref<320000xi32, #tpu.memory_space<hbm>> -> memref<128xi32, #tpu.memory_space<hbm>>
      tpu.enqueue_dma source(%dma_start3A_191 : memref<128xi32, #tpu.memory_space<hbm>>) target(%arg6 : memref<128xi32, #tpu.memory_space<vmem>>) target_semaphore(%run_scoped3A : memref<!tpu.dma_semaphore, #tpu.memory_space<semaphore_mem>>)
      %dma_wait3A_192 = tpu.memref_slice %arg3[%multiple_of3A] : memref<320000xi32, #tpu.memory_space<hbm>> -> memref<128xi32, #tpu.memory_space<hbm>>
      %dma_wait3A_193 = tpu.memref_slice %arg3[%multiple_of3A] : memref<320000xi32, #tpu.memory_space<hbm>> -> memref<128xi32, #tpu.memory_space<hbm>>
      tpu.wait_dma2 semaphore(%run_scoped3A : memref<!tpu.dma_semaphore, #tpu.memory_space<semaphore_mem>>) src(%dma_wait3A_193 : memref<128xi32, #tpu.memory_space<hbm>>) dst(%arg6 : memref<128xi32, #tpu.memory_space<vmem>>)
      tpu.yield
    }) : () -> ()
    %add3A_5 = arith.constant 0 : i32
    %add3A_6 = arith.addi %mul3A_2, %add3A_5 : i32
    %multiple_of3A_7 = tpu.assume_multiple %add3A_6, 8 : i32
    "tpu.region"() ({
      %run_scoped3A = tpu.sem_alloc : memref<!tpu.dma_semaphore, #tpu.memory_space<semaphore_mem>>
      %dma_start3A_190 = tpu.memref_slice %arg4[%multiple_of3A_7] : memref<320000xi32, #tpu.memory_space<hbm>> -> memref<128xi32, #tpu.memory_space<hbm>>
      %dma_start3A_191 = tpu.memref_slice %arg4[%multiple_of3A_7] : memref<320000xi32, #tpu.memory_space<hbm>> -> memref<128xi32, #tpu.memory_space<hbm>>
      tpu.enqueue_dma source(%dma_start3A_191 : memref<128xi32, #tpu.memory_space<hbm>>) target(%arg10 : memref<128xi32, #tpu.memory_space<vmem>>) target_semaphore(%run_scoped3A : memref<!tpu.dma_semaphore, #tpu.memory_space<semaphore_mem>>)
      %dma_wait3A_192 = tpu.memref_slice %arg4[%multiple_of3A_7] : memref<320000xi32, #tpu.memory_space<hbm>> -> memref<128xi32, #tpu.memory_space<hbm>>
      %dma_wait3A_193 = tpu.memref_slice %arg4[%multiple_of3A_7] : memref<320000xi32, #tpu.memory_space<hbm>> -> memref<128xi32, #tpu.memory_space<hbm>>
      tpu.wait_dma2 semaphore(%run_scoped3A : memref<!tpu.dma_semaphore, #tpu.memory_space<semaphore_mem>>) src(%dma_wait3A_193 : memref<128xi32, #tpu.memory_space<hbm>>) dst(%arg10 : memref<128xi32, #tpu.memory_space<vmem>>)
      tpu.yield
    }) : () -> ()
    %add3A_8 = arith.constant 128 : i32
    %add3A_9 = arith.addi %mul3A_2, %add3A_8 : i32
    %multiple_of3A_10 = tpu.assume_multiple %add3A_9, 8 : i32
    "tpu.region"() ({
      %run_scoped3A = tpu.sem_alloc : memref<!tpu.dma_semaphore, #tpu.memory_space<semaphore_mem>>
      %dma_start3A_190 = tpu.memref_slice %arg3[%multiple_of3A_10] : memref<320000xi32, #tpu.memory_space<hbm>> -> memref<128xi32, #tpu.memory_space<hbm>>
      %dma_start3A_191 = tpu.memref_slice %arg3[%multiple_of3A_10] : memref<320000xi32, #tpu.memory_space<hbm>> -> memref<128xi32, #tpu.memory_space<hbm>>
      tpu.enqueue_dma source(%dma_start3A_191 : memref<128xi32, #tpu.memory_space<hbm>>) target(%arg7 : memref<128xi32, #tpu.memory_space<vmem>>) target_semaphore(%run_scoped3A : memref<!tpu.dma_semaphore, #tpu.memory_space<semaphore_mem>>)
      %dma_wait3A_192 = tpu.memref_slice %arg3[%multiple_of3A_10] : memref<320000xi32, #tpu.memory_space<hbm>> -> memref<128xi32, #tpu.memory_space<hbm>>
      %dma_wait3A_193 = tpu.memref_slice %arg3[%multiple_of3A_10] : memref<320000xi32, #tpu.memory_space<hbm>> -> memref<128xi32, #tpu.memory_space<hbm>>
      tpu.wait_dma2 semaphore(%run_scoped3A : memref<!tpu.dma_semaphore, #tpu.memory_space<semaphore_mem>>) src(%dma_wait3A_193 : memref<128xi32, #tpu.memory_space<hbm>>) dst(%arg7 : memref<128xi32, #tpu.memory_space<vmem>>)
      tpu.yield
    }) : () -> ()
    %add3A_11 = arith.constant 128 : i32
    %add3A_12 = arith.addi %mul3A_2, %add3A_11 : i32
    %multiple_of3A_13 = tpu.assume_multiple %add3A_12, 8 : i32
    "tpu.region"() ({
      %run_scoped3A = tpu.sem_alloc : memref<!tpu.dma_semaphore, #tpu.memory_space<semaphore_mem>>
      %dma_start3A_190 = tpu.memref_slice %arg4[%multiple_of3A_13] : memref<320000xi32, #tpu.memory_space<hbm>> -> memref<128xi32, #tpu.memory_space<hbm>>
      %dma_start3A_191 = tpu.memref_slice %arg4[%multiple_of3A_13] : memref<320000xi32, #tpu.memory_space<hbm>> -> memref<128xi32, #tpu.memory_space<hbm>>
      tpu.enqueue_dma source(%dma_start3A_191 : memref<128xi32, #tpu.memory_space<hbm>>) target(%arg11 : memref<128xi32, #tpu.memory_space<vmem>>) target_semaphore(%run_scoped3A : memref<!tpu.dma_semaphore, #tpu.memory_space<semaphore_mem>>)
      %dma_wait3A_192 = tpu.memref_slice %arg4[%multiple_of3A_13] : memref<320000xi32, #tpu.memory_space<hbm>> -> memref<128xi32, #tpu.memory_space<hbm>>
      %dma_wait3A_193 = tpu.memref_slice %arg4[%multiple_of3A_13] : memref<320000xi32, #tpu.memory_space<hbm>> -> memref<128xi32, #tpu.memory_space<hbm>>
      tpu.wait_dma2 semaphore(%run_scoped3A : memref<!tpu.dma_semaphore, #tpu.memory_space<semaphore_mem>>) src(%dma_wait3A_193 : memref<128xi32, #tpu.memory_space<hbm>>) dst(%arg11 : memref<128xi32, #tpu.memory_space<vmem>>)
      tpu.yield
    }) : () -> ()
    %add3A_14 = arith.constant 256 : i32
    %add3A_15 = arith.addi %mul3A_2, %add3A_14 : i32
    %multiple_of3A_16 = tpu.assume_multiple %add3A_15, 8 : i32
    %dma_start3A = tpu.memref_slice %arg3[%multiple_of3A_16] : memref<320000xi32, #tpu.memory_space<hbm>> -> memref<128xi32, #tpu.memory_space<hbm>>
    %dma_start3A_17 = tpu.memref_slice %arg3[%multiple_of3A_16] : memref<320000xi32, #tpu.memory_space<hbm>> -> memref<128xi32, #tpu.memory_space<hbm>>
    tpu.enqueue_dma source(%dma_start3A_17 : memref<128xi32, #tpu.memory_space<hbm>>) target(%arg8 : memref<128xi32, #tpu.memory_space<vmem>>) target_semaphore(%arg22 : memref<!tpu.dma_semaphore, #tpu.memory_space<semaphore_mem>>)
    %add3A_18 = arith.constant 256 : i32
    %add3A_19 = arith.addi %mul3A_2, %add3A_18 : i32
    %multiple_of3A_20 = tpu.assume_multiple %add3A_19, 8 : i32
    %dma_start3A_21 = tpu.memref_slice %arg4[%multiple_of3A_20] : memref<320000xi32, #tpu.memory_space<hbm>> -> memref<128xi32, #tpu.memory_space<hbm>>
    %dma_start3A_22 = tpu.memref_slice %arg4[%multiple_of3A_20] : memref<320000xi32, #tpu.memory_space<hbm>> -> memref<128xi32, #tpu.memory_space<hbm>>
    tpu.enqueue_dma source(%dma_start3A_22 : memref<128xi32, #tpu.memory_space<hbm>>) target(%arg12 : memref<128xi32, #tpu.memory_space<vmem>>) target_semaphore(%arg22 : memref<!tpu.dma_semaphore, #tpu.memory_space<semaphore_mem>>)
    %add3A_23 = arith.constant 384 : i32
    %add3A_24 = arith.addi %mul3A_2, %add3A_23 : i32
    %multiple_of3A_25 = tpu.assume_multiple %add3A_24, 8 : i32
    %dma_start3A_26 = tpu.memref_slice %arg3[%multiple_of3A_25] : memref<320000xi32, #tpu.memory_space<hbm>> -> memref<128xi32, #tpu.memory_space<hbm>>
    %dma_start3A_27 = tpu.memref_slice %arg3[%multiple_of3A_25] : memref<320000xi32, #tpu.memory_space<hbm>> -> memref<128xi32, #tpu.memory_space<hbm>>
    tpu.enqueue_dma source(%dma_start3A_27 : memref<128xi32, #tpu.memory_space<hbm>>) target(%arg9 : memref<128xi32, #tpu.memory_space<vmem>>) target_semaphore(%arg23 : memref<!tpu.dma_semaphore, #tpu.memory_space<semaphore_mem>>)
    %add3A_28 = arith.constant 384 : i32
    %add3A_29 = arith.addi %mul3A_2, %add3A_28 : i32
    %multiple_of3A_30 = tpu.assume_multiple %add3A_29, 8 : i32
    %dma_start3A_31 = tpu.memref_slice %arg4[%multiple_of3A_30] : memref<320000xi32, #tpu.memory_space<hbm>> -> memref<128xi32, #tpu.memory_space<hbm>>
    %dma_start3A_32 = tpu.memref_slice %arg4[%multiple_of3A_30] : memref<320000xi32, #tpu.memory_space<hbm>> -> memref<128xi32, #tpu.memory_space<hbm>>
    tpu.enqueue_dma source(%dma_start3A_32 : memref<128xi32, #tpu.memory_space<hbm>>) target(%arg13 : memref<128xi32, #tpu.memory_space<vmem>>) target_semaphore(%arg23 : memref<!tpu.dma_semaphore, #tpu.memory_space<semaphore_mem>>)
    %add3A_33 = arith.constant 9984 : i32
    %add3A_34 = arith.addi %mul3A_2, %add3A_33 : i32
    %multiple_of3A_35 = tpu.assume_multiple %add3A_34, 8 : i32
    %dma_start3A_36 = tpu.memref_slice %arg3[%multiple_of3A_35] : memref<320000xi32, #tpu.memory_space<hbm>> -> memref<16xi32, #tpu.memory_space<hbm>>
    %dma_start3A_37 = tpu.memref_slice %arg3[%multiple_of3A_35] : memref<320000xi32, #tpu.memory_space<hbm>> -> memref<16xi32, #tpu.memory_space<hbm>>
    tpu.enqueue_dma source(%dma_start3A_37 : memref<16xi32, #tpu.memory_space<hbm>>) target(%arg14 : memref<16xi32, #tpu.memory_space<vmem>>) target_semaphore(%arg28 : memref<!tpu.dma_semaphore, #tpu.memory_space<semaphore_mem>>)
    %dma_start3A_38 = tpu.memref_slice %arg4[%multiple_of3A_35] : memref<320000xi32, #tpu.memory_space<hbm>> -> memref<16xi32, #tpu.memory_space<hbm>>
    %dma_start3A_39 = tpu.memref_slice %arg4[%multiple_of3A_35] : memref<320000xi32, #tpu.memory_space<hbm>> -> memref<16xi32, #tpu.memory_space<hbm>>
    tpu.enqueue_dma source(%dma_start3A_39 : memref<16xi32, #tpu.memory_space<hbm>>) target(%arg15 : memref<16xi32, #tpu.memory_space<vmem>>) target_semaphore(%arg28 : memref<!tpu.dma_semaphore, #tpu.memory_space<semaphore_mem>>)
    %dma_start3A_40 = arith.constant 0 : i32
    %dma_start3A_41 = arith.constant 0 : i32
    %dma_start3A_42 = tpu.memref_slice %arg2[%dma_start3A_40, %dma_start3A_41] : memref<10000x128xf32, #tpu.memory_space<hbm>> -> memref<10000x128xf32, #tpu.memory_space<hbm>>
    tpu.enqueue_indirect_dma source(%dma_start3A_42 : memref<10000x128xf32, #tpu.memory_space<hbm>>) target(%arg16 : memref<128x128xf32, #tpu.memory_space<vmem>>) offsets(%arg6 : memref<128xi32, #tpu.memory_space<vmem>>) semaphore(%arg24 : memref<!tpu.dma_semaphore, #tpu.memory_space<semaphore_mem>>)
    %mul3A_43 = arith.constant 624 : i32
    %mul3A_44 = arith.muli %arg1, %mul3A_43 : i32
    %multiple_of3A_45 = tpu.assume_multiple %mul3A_44, 8 : i32
    "tpu.region"() ({
      %run_scoped3A = tpu.sem_alloc : memref<!tpu.dma_semaphore, #tpu.memory_space<semaphore_mem>>
      %dma_start3A_190 = arith.constant 0 : i32
      %dma_start3A_191 = tpu.memref_slice %arg19[%multiple_of3A_45, %dma_start3A_190] : memref<10000x128xf32, #tpu.memory_space<vmem_shared>> -> memref<640x128xf32, #tpu.memory_space<vmem_shared>>
      %dma_start3A_192 = arith.constant 0 : i32
      %dma_start3A_193 = tpu.memref_slice %arg2[%multiple_of3A_45, %dma_start3A_192] : memref<10000x128xf32, #tpu.memory_space<hbm>> -> memref<640x128xf32, #tpu.memory_space<hbm>>
      tpu.enqueue_dma source(%dma_start3A_193 : memref<640x128xf32, #tpu.memory_space<hbm>>) target(%dma_start3A_191 : memref<640x128xf32, #tpu.memory_space<vmem_shared>>) target_semaphore(%run_scoped3A : memref<!tpu.dma_semaphore, #tpu.memory_space<semaphore_mem>>)
      %dma_wait3A_194 = arith.constant 0 : i32
      %dma_wait3A_195 = tpu.memref_slice %arg19[%multiple_of3A_45, %dma_wait3A_194] : memref<10000x128xf32, #tpu.memory_space<vmem_shared>> -> memref<640x128xf32, #tpu.memory_space<vmem_shared>>
      %dma_wait3A_196 = arith.constant 0 : i32
      %dma_wait3A_197 = tpu.memref_slice %arg2[%multiple_of3A_45, %dma_wait3A_196] : memref<10000x128xf32, #tpu.memory_space<hbm>> -> memref<640x128xf32, #tpu.memory_space<hbm>>
      tpu.wait_dma2 semaphore(%run_scoped3A : memref<!tpu.dma_semaphore, #tpu.memory_space<semaphore_mem>>) src(%dma_wait3A_197 : memref<640x128xf32, #tpu.memory_space<hbm>>) dst(%dma_wait3A_195 : memref<640x128xf32, #tpu.memory_space<vmem_shared>>)
      tpu.yield
    }) : () -> ()
    %barrier3A = arith.constant 0 : index
    tpu.barrier barrier_id(%barrier3A)
    %dma_start3A_46 = arith.constant 0 : i32
    %dma_start3A_47 = arith.constant 0 : i32
    %dma_start3A_48 = tpu.memref_slice %arg2[%dma_start3A_46, %dma_start3A_47] : memref<10000x128xf32, #tpu.memory_space<hbm>> -> memref<10000x128xf32, #tpu.memory_space<hbm>>
    tpu.enqueue_indirect_dma source(%dma_start3A_48 : memref<10000x128xf32, #tpu.memory_space<hbm>>) target(%arg17 : memref<128x128xf32, #tpu.memory_space<vmem>>) offsets(%arg7 : memref<128xi32, #tpu.memory_space<vmem>>) semaphore(%arg25 : memref<!tpu.dma_semaphore, #tpu.memory_space<semaphore_mem>>)
    %dma_wait3A = arith.constant 0 : i32
    %dma_wait3A_49 = arith.constant 0 : i32
    %dma_wait3A_50 = tpu.memref_slice %arg2[%dma_wait3A, %dma_wait3A_49] : memref<10000x128xf32, #tpu.memory_space<hbm>> -> memref<10000x128xf32, #tpu.memory_space<hbm>>
    tpu.wait_indirect_dma semaphore(%arg24 : memref<!tpu.dma_semaphore, #tpu.memory_space<semaphore_mem>>) src(%dma_wait3A_50 : memref<10000x128xf32, #tpu.memory_space<hbm>>) dst(%arg16 : memref<128x128xf32, #tpu.memory_space<vmem>>)
    %dma_start3A_51 = arith.constant 0 : i32
    %dma_start3A_52 = arith.constant 0 : i32
    %dma_start3A_53 = tpu.memref_slice %arg19[%dma_start3A_51, %dma_start3A_52] : memref<10000x128xf32, #tpu.memory_space<vmem_shared>> -> memref<10000x128xf32, #tpu.memory_space<vmem_shared>>
    tpu.enqueue_indirect_dma source(%arg16 : memref<128x128xf32, #tpu.memory_space<vmem>>) target(%dma_start3A_53 : memref<10000x128xf32, #tpu.memory_space<vmem_shared>>) offsets(%arg10 : memref<128xi32, #tpu.memory_space<vmem>>) semaphore(%arg26 : memref<!tpu.dma_semaphore, #tpu.memory_space<semaphore_mem>>) {add = true}
    %scan3A = arith.constant 0 : i32
    %scan3A_54 = arith.constant 0 : i32
    %scan3A_55 = arith.constant 18 : i32
    %scan3A_56 = arith.addi %scan3A_54, %scan3A_55 : i32
    %scan3A_57 = arith.constant 1 : i32
    scf.for %scan3A_190 = %scan3A_54 to %scan3A_56 step %scan3A_57  : i32 {
      %mul3A_191 = arith.constant 4 : i32
      %mul3A_192 = arith.muli %mul3A_191, %scan3A_190 : i32
      %add3A_193 = arith.constant 2 : i32
      %add3A_194 = arith.addi %mul3A_192, %add3A_193 : i32
      %add3A_195 = arith.constant 0 : i32
      %add3A_196 = arith.addi %add3A_194, %add3A_195 : i32
      %dma_wait3A_197 = arith.constant 0 : i32
      %dma_wait3A_198 = arith.constant 0 : i32
      %dma_wait3A_199 = tpu.memref_slice %arg19[%dma_wait3A_197, %dma_wait3A_198] : memref<10000x128xf32, #tpu.memory_space<vmem_shared>> -> memref<10000x128xf32, #tpu.memory_space<vmem_shared>>
      tpu.wait_indirect_dma semaphore(%arg26 : memref<!tpu.dma_semaphore, #tpu.memory_space<semaphore_mem>>) src(%arg16 : memref<128x128xf32, #tpu.memory_space<vmem>>) dst(%dma_wait3A_199 : memref<10000x128xf32, #tpu.memory_space<vmem_shared>>)
      %mul3A_200 = arith.constant 128 : i32
      %mul3A_201 = arith.muli %add3A_196, %mul3A_200 : i32
      %add3A_202 = arith.addi %mul3A_2, %mul3A_201 : i32
      %multiple_of3A_203 = tpu.assume_multiple %add3A_202, 8 : i32
      %dma_wait3A_204 = tpu.memref_slice %arg3[%multiple_of3A_203] : memref<320000xi32, #tpu.memory_space<hbm>> -> memref<128xi32, #tpu.memory_space<hbm>>
      %dma_wait3A_205 = tpu.memref_slice %arg3[%multiple_of3A_203] : memref<320000xi32, #tpu.memory_space<hbm>> -> memref<128xi32, #tpu.memory_space<hbm>>
      tpu.wait_dma2 semaphore(%arg22 : memref<!tpu.dma_semaphore, #tpu.memory_space<semaphore_mem>>) src(%dma_wait3A_205 : memref<128xi32, #tpu.memory_space<hbm>>) dst(%arg8 : memref<128xi32, #tpu.memory_space<vmem>>)
      %mul3A_206 = arith.constant 128 : i32
      %mul3A_207 = arith.muli %add3A_196, %mul3A_206 : i32
      %add3A_208 = arith.addi %mul3A_2, %mul3A_207 : i32
      %multiple_of3A_209 = tpu.assume_multiple %add3A_208, 8 : i32
      %dma_wait3A_210 = tpu.memref_slice %arg4[%multiple_of3A_209] : memref<320000xi32, #tpu.memory_space<hbm>> -> memref<128xi32, #tpu.memory_space<hbm>>
      %dma_wait3A_211 = tpu.memref_slice %arg4[%multiple_of3A_209] : memref<320000xi32, #tpu.memory_space<hbm>> -> memref<128xi32, #tpu.memory_space<hbm>>
      tpu.wait_dma2 semaphore(%arg22 : memref<!tpu.dma_semaphore, #tpu.memory_space<semaphore_mem>>) src(%dma_wait3A_211 : memref<128xi32, #tpu.memory_space<hbm>>) dst(%arg12 : memref<128xi32, #tpu.memory_space<vmem>>)
      %dma_start3A_212 = arith.constant 0 : i32
      %dma_start3A_213 = arith.constant 0 : i32
      %dma_start3A_214 = tpu.memref_slice %arg2[%dma_start3A_212, %dma_start3A_213] : memref<10000x128xf32, #tpu.memory_space<hbm>> -> memref<10000x128xf32, #tpu.memory_space<hbm>>
      tpu.enqueue_indirect_dma source(%dma_start3A_214 : memref<10000x128xf32, #tpu.memory_space<hbm>>) target(%arg16 : memref<128x128xf32, #tpu.memory_space<vmem>>) offsets(%arg8 : memref<128xi32, #tpu.memory_space<vmem>>) semaphore(%arg24 : memref<!tpu.dma_semaphore, #tpu.memory_space<semaphore_mem>>)
      %dma_wait3A_215 = arith.constant 0 : i32
      %dma_wait3A_216 = arith.constant 0 : i32
      %dma_wait3A_217 = tpu.memref_slice %arg2[%dma_wait3A_215, %dma_wait3A_216] : memref<10000x128xf32, #tpu.memory_space<hbm>> -> memref<10000x128xf32, #tpu.memory_space<hbm>>
      tpu.wait_indirect_dma semaphore(%arg25 : memref<!tpu.dma_semaphore, #tpu.memory_space<semaphore_mem>>) src(%dma_wait3A_217 : memref<10000x128xf32, #tpu.memory_space<hbm>>) dst(%arg17 : memref<128x128xf32, #tpu.memory_space<vmem>>)
      %dma_start3A_218 = arith.constant 0 : i32
      %dma_start3A_219 = arith.constant 0 : i32
      %dma_start3A_220 = tpu.memref_slice %arg19[%dma_start3A_218, %dma_start3A_219] : memref<10000x128xf32, #tpu.memory_space<vmem_shared>> -> memref<10000x128xf32, #tpu.memory_space<vmem_shared>>
      tpu.enqueue_indirect_dma source(%arg17 : memref<128x128xf32, #tpu.memory_space<vmem>>) target(%dma_start3A_220 : memref<10000x128xf32, #tpu.memory_space<vmem_shared>>) offsets(%arg11 : memref<128xi32, #tpu.memory_space<vmem>>) semaphore(%arg27 : memref<!tpu.dma_semaphore, #tpu.memory_space<semaphore_mem>>) {add = true}
      %add3A_221 = arith.constant 2 : i32
      %add3A_222 = arith.addi %add3A_196, %add3A_221 : i32
      %mul3A_223 = arith.constant 128 : i32
      %mul3A_224 = arith.muli %add3A_222, %mul3A_223 : i32
      %add3A_225 = arith.addi %mul3A_2, %mul3A_224 : i32
      %multiple_of3A_226 = tpu.assume_multiple %add3A_225, 8 : i32
      %dma_start3A_227 = tpu.memref_slice %arg3[%multiple_of3A_226] : memref<320000xi32, #tpu.memory_space<hbm>> -> memref<128xi32, #tpu.memory_space<hbm>>
      %dma_start3A_228 = tpu.memref_slice %arg3[%multiple_of3A_226] : memref<320000xi32, #tpu.memory_space<hbm>> -> memref<128xi32, #tpu.memory_space<hbm>>
      tpu.enqueue_dma source(%dma_start3A_228 : memref<128xi32, #tpu.memory_space<hbm>>) target(%arg6 : memref<128xi32, #tpu.memory_space<vmem>>) target_semaphore(%arg20 : memref<!tpu.dma_semaphore, #tpu.memory_space<semaphore_mem>>)
      %mul3A_229 = arith.constant 128 : i32
      %mul3A_230 = arith.muli %add3A_222, %mul3A_229 : i32
      %add3A_231 = arith.addi %mul3A_2, %mul3A_230 : i32
      %multiple_of3A_232 = tpu.assume_multiple %add3A_231, 8 : i32
      %dma_start3A_233 = tpu.memref_slice %arg4[%multiple_of3A_232] : memref<320000xi32, #tpu.memory_space<hbm>> -> memref<128xi32, #tpu.memory_space<hbm>>
      %dma_start3A_234 = tpu.memref_slice %arg4[%multiple_of3A_232] : memref<320000xi32, #tpu.memory_space<hbm>> -> memref<128xi32, #tpu.memory_space<hbm>>
      tpu.enqueue_dma source(%dma_start3A_234 : memref<128xi32, #tpu.memory_space<hbm>>) target(%arg10 : memref<128xi32, #tpu.memory_space<vmem>>) target_semaphore(%arg20 : memref<!tpu.dma_semaphore, #tpu.memory_space<semaphore_mem>>)
      %mul3A_235 = arith.constant 4 : i32
      %mul3A_236 = arith.muli %mul3A_235, %scan3A_190 : i32
      %add3A_237 = arith.constant 2 : i32
      %add3A_238 = arith.addi %mul3A_236, %add3A_237 : i32
      %add3A_239 = arith.constant 1 : i32
      %add3A_240 = arith.addi %add3A_238, %add3A_239 : i32
      %dma_wait3A_241 = arith.constant 0 : i32
      %dma_wait3A_242 = arith.constant 0 : i32
      %dma_wait3A_243 = tpu.memref_slice %arg19[%dma_wait3A_241, %dma_wait3A_242] : memref<10000x128xf32, #tpu.memory_space<vmem_shared>> -> memref<10000x128xf32, #tpu.memory_space<vmem_shared>>
      tpu.wait_indirect_dma semaphore(%arg27 : memref<!tpu.dma_semaphore, #tpu.memory_space<semaphore_mem>>) src(%arg17 : memref<128x128xf32, #tpu.memory_space<vmem>>) dst(%dma_wait3A_243 : memref<10000x128xf32, #tpu.memory_space<vmem_shared>>)
      %mul3A_244 = arith.constant 128 : i32
      %mul3A_245 = arith.muli %add3A_240, %mul3A_244 : i32
      %add3A_246 = arith.addi %mul3A_2, %mul3A_245 : i32
      %multiple_of3A_247 = tpu.assume_multiple %add3A_246, 8 : i32
      %dma_wait3A_248 = tpu.memref_slice %arg3[%multiple_of3A_247] : memref<320000xi32, #tpu.memory_space<hbm>> -> memref<128xi32, #tpu.memory_space<hbm>>
      %dma_wait3A_249 = tpu.memref_slice %arg3[%multiple_of3A_247] : memref<320000xi32, #tpu.memory_space<hbm>> -> memref<128xi32, #tpu.memory_space<hbm>>
      tpu.wait_dma2 semaphore(%arg23 : memref<!tpu.dma_semaphore, #tpu.memory_space<semaphore_mem>>) src(%dma_wait3A_249 : memref<128xi32, #tpu.memory_space<hbm>>) dst(%arg9 : memref<128xi32, #tpu.memory_space<vmem>>)
      %mul3A_250 = arith.constant 128 : i32
      %mul3A_251 = arith.muli %add3A_240, %mul3A_250 : i32
      %add3A_252 = arith.addi %mul3A_2, %mul3A_251 : i32
      %multiple_of3A_253 = tpu.assume_multiple %add3A_252, 8 : i32
      %dma_wait3A_254 = tpu.memref_slice %arg4[%multiple_of3A_253] : memref<320000xi32, #tpu.memory_space<hbm>> -> memref<128xi32, #tpu.memory_space<hbm>>
      %dma_wait3A_255 = tpu.memref_slice %arg4[%multiple_of3A_253] : memref<320000xi32, #tpu.memory_space<hbm>> -> memref<128xi32, #tpu.memory_space<hbm>>
      tpu.wait_dma2 semaphore(%arg23 : memref<!tpu.dma_semaphore, #tpu.memory_space<semaphore_mem>>) src(%dma_wait3A_255 : memref<128xi32, #tpu.memory_space<hbm>>) dst(%arg13 : memref<128xi32, #tpu.memory_space<vmem>>)
      %dma_start3A_256 = arith.constant 0 : i32
      %dma_start3A_257 = arith.constant 0 : i32
      %dma_start3A_258 = tpu.memref_slice %arg2[%dma_start3A_256, %dma_start3A_257] : memref<10000x128xf32, #tpu.memory_space<hbm>> -> memref<10000x128xf32, #tpu.memory_space<hbm>>
      tpu.enqueue_indirect_dma source(%dma_start3A_258 : memref<10000x128xf32, #tpu.memory_space<hbm>>) target(%arg17 : memref<128x128xf32, #tpu.memory_space<vmem>>) offsets(%arg9 : memref<128xi32, #tpu.memory_space<vmem>>) semaphore(%arg25 : memref<!tpu.dma_semaphore, #tpu.memory_space<semaphore_mem>>)
      %dma_wait3A_259 = arith.constant 0 : i32
      %dma_wait3A_260 = arith.constant 0 : i32
      %dma_wait3A_261 = tpu.memref_slice %arg2[%dma_wait3A_259, %dma_wait3A_260] : memref<10000x128xf32, #tpu.memory_space<hbm>> -> memref<10000x128xf32, #tpu.memory_space<hbm>>
      tpu.wait_indirect_dma semaphore(%arg24 : memref<!tpu.dma_semaphore, #tpu.memory_space<semaphore_mem>>) src(%dma_wait3A_261 : memref<10000x128xf32, #tpu.memory_space<hbm>>) dst(%arg16 : memref<128x128xf32, #tpu.memory_space<vmem>>)
      %dma_start3A_262 = arith.constant 0 : i32
      %dma_start3A_263 = arith.constant 0 : i32
      %dma_start3A_264 = tpu.memref_slice %arg19[%dma_start3A_262, %dma_start3A_263] : memref<10000x128xf32, #tpu.memory_space<vmem_shared>> -> memref<10000x128xf32, #tpu.memory_space<vmem_shared>>
      tpu.enqueue_indirect_dma source(%arg16 : memref<128x128xf32, #tpu.memory_space<vmem>>) target(%dma_start3A_264 : memref<10000x128xf32, #tpu.memory_space<vmem_shared>>) offsets(%arg12 : memref<128xi32, #tpu.memory_space<vmem>>) semaphore(%arg26 : memref<!tpu.dma_semaphore, #tpu.memory_space<semaphore_mem>>) {add = true}
      %add3A_265 = arith.constant 2 : i32
      %add3A_266 = arith.addi %add3A_240, %add3A_265 : i32
      %mul3A_267 = arith.constant 128 : i32
      %mul3A_268 = arith.muli %add3A_266, %mul3A_267 : i32
      %add3A_269 = arith.addi %mul3A_2, %mul3A_268 : i32
      %multiple_of3A_270 = tpu.assume_multiple %add3A_269, 8 : i32
      %dma_start3A_271 = tpu.memref_slice %arg3[%multiple_of3A_270] : memref<320000xi32, #tpu.memory_space<hbm>> -> memref<128xi32, #tpu.memory_space<hbm>>
      %dma_start3A_272 = tpu.memref_slice %arg3[%multiple_of3A_270] : memref<320000xi32, #tpu.memory_space<hbm>> -> memref<128xi32, #tpu.memory_space<hbm>>
      tpu.enqueue_dma source(%dma_start3A_272 : memref<128xi32, #tpu.memory_space<hbm>>) target(%arg7 : memref<128xi32, #tpu.memory_space<vmem>>) target_semaphore(%arg21 : memref<!tpu.dma_semaphore, #tpu.memory_space<semaphore_mem>>)
      %mul3A_273 = arith.constant 128 : i32
      %mul3A_274 = arith.muli %add3A_266, %mul3A_273 : i32
      %add3A_275 = arith.addi %mul3A_2, %mul3A_274 : i32
      %multiple_of3A_276 = tpu.assume_multiple %add3A_275, 8 : i32
      %dma_start3A_277 = tpu.memref_slice %arg4[%multiple_of3A_276] : memref<320000xi32, #tpu.memory_space<hbm>> -> memref<128xi32, #tpu.memory_space<hbm>>
      %dma_start3A_278 = tpu.memref_slice %arg4[%multiple_of3A_276] : memref<320000xi32, #tpu.memory_space<hbm>> -> memref<128xi32, #tpu.memory_space<hbm>>
      tpu.enqueue_dma source(%dma_start3A_278 : memref<128xi32, #tpu.memory_space<hbm>>) target(%arg11 : memref<128xi32, #tpu.memory_space<vmem>>) target_semaphore(%arg21 : memref<!tpu.dma_semaphore, #tpu.memory_space<semaphore_mem>>)
      %mul3A_279 = arith.constant 4 : i32
      %mul3A_280 = arith.muli %mul3A_279, %scan3A_190 : i32
      %add3A_281 = arith.constant 2 : i32
      %add3A_282 = arith.addi %mul3A_280, %add3A_281 : i32
      %add3A_283 = arith.constant 2 : i32
      %add3A_284 = arith.addi %add3A_282, %add3A_283 : i32
      %dma_wait3A_285 = arith.constant 0 : i32
      %dma_wait3A_286 = arith.constant 0 : i32
      %dma_wait3A_287 = tpu.memref_slice %arg19[%dma_wait3A_285, %dma_wait3A_286] : memref<10000x128xf32, #tpu.memory_space<vmem_shared>> -> memref<10000x128xf32, #tpu.memory_space<vmem_shared>>
      tpu.wait_indirect_dma semaphore(%arg26 : memref<!tpu.dma_semaphore, #tpu.memory_space<semaphore_mem>>) src(%arg16 : memref<128x128xf32, #tpu.memory_space<vmem>>) dst(%dma_wait3A_287 : memref<10000x128xf32, #tpu.memory_space<vmem_shared>>)
      %mul3A_288 = arith.constant 128 : i32
      %mul3A_289 = arith.muli %add3A_284, %mul3A_288 : i32
      %add3A_290 = arith.addi %mul3A_2, %mul3A_289 : i32
      %multiple_of3A_291 = tpu.assume_multiple %add3A_290, 8 : i32
      %dma_wait3A_292 = tpu.memref_slice %arg3[%multiple_of3A_291] : memref<320000xi32, #tpu.memory_space<hbm>> -> memref<128xi32, #tpu.memory_space<hbm>>
      %dma_wait3A_293 = tpu.memref_slice %arg3[%multiple_of3A_291] : memref<320000xi32, #tpu.memory_space<hbm>> -> memref<128xi32, #tpu.memory_space<hbm>>
      tpu.wait_dma2 semaphore(%arg20 : memref<!tpu.dma_semaphore, #tpu.memory_space<semaphore_mem>>) src(%dma_wait3A_293 : memref<128xi32, #tpu.memory_space<hbm>>) dst(%arg6 : memref<128xi32, #tpu.memory_space<vmem>>)
      %mul3A_294 = arith.constant 128 : i32
      %mul3A_295 = arith.muli %add3A_284, %mul3A_294 : i32
      %add3A_296 = arith.addi %mul3A_2, %mul3A_295 : i32
      %multiple_of3A_297 = tpu.assume_multiple %add3A_296, 8 : i32
      %dma_wait3A_298 = tpu.memref_slice %arg4[%multiple_of3A_297] : memref<320000xi32, #tpu.memory_space<hbm>> -> memref<128xi32, #tpu.memory_space<hbm>>
      %dma_wait3A_299 = tpu.memref_slice %arg4[%multiple_of3A_297] : memref<320000xi32, #tpu.memory_space<hbm>> -> memref<128xi32, #tpu.memory_space<hbm>>
      tpu.wait_dma2 semaphore(%arg20 : memref<!tpu.dma_semaphore, #tpu.memory_space<semaphore_mem>>) src(%dma_wait3A_299 : memref<128xi32, #tpu.memory_space<hbm>>) dst(%arg10 : memref<128xi32, #tpu.memory_space<vmem>>)
      %dma_start3A_300 = arith.constant 0 : i32
      %dma_start3A_301 = arith.constant 0 : i32
      %dma_start3A_302 = tpu.memref_slice %arg2[%dma_start3A_300, %dma_start3A_301] : memref<10000x128xf32, #tpu.memory_space<hbm>> -> memref<10000x128xf32, #tpu.memory_space<hbm>>
      tpu.enqueue_indirect_dma source(%dma_start3A_302 : memref<10000x128xf32, #tpu.memory_space<hbm>>) target(%arg16 : memref<128x128xf32, #tpu.memory_space<vmem>>) offsets(%arg6 : memref<128xi32, #tpu.memory_space<vmem>>) semaphore(%arg24 : memref<!tpu.dma_semaphore, #tpu.memory_space<semaphore_mem>>)
      %dma_wait3A_303 = arith.constant 0 : i32
      %dma_wait3A_304 = arith.constant 0 : i32
      %dma_wait3A_305 = tpu.memref_slice %arg2[%dma_wait3A_303, %dma_wait3A_304] : memref<10000x128xf32, #tpu.memory_space<hbm>> -> memref<10000x128xf32, #tpu.memory_space<hbm>>
      tpu.wait_indirect_dma semaphore(%arg25 : memref<!tpu.dma_semaphore, #tpu.memory_space<semaphore_mem>>) src(%dma_wait3A_305 : memref<10000x128xf32, #tpu.memory_space<hbm>>) dst(%arg17 : memref<128x128xf32, #tpu.memory_space<vmem>>)
      %dma_start3A_306 = arith.constant 0 : i32
      %dma_start3A_307 = arith.constant 0 : i32
      %dma_start3A_308 = tpu.memref_slice %arg19[%dma_start3A_306, %dma_start3A_307] : memref<10000x128xf32, #tpu.memory_space<vmem_shared>> -> memref<10000x128xf32, #tpu.memory_space<vmem_shared>>
      tpu.enqueue_indirect_dma source(%arg17 : memref<128x128xf32, #tpu.memory_space<vmem>>) target(%dma_start3A_308 : memref<10000x128xf32, #tpu.memory_space<vmem_shared>>) offsets(%arg13 : memref<128xi32, #tpu.memory_space<vmem>>) semaphore(%arg27 : memref<!tpu.dma_semaphore, #tpu.memory_space<semaphore_mem>>) {add = true}
      %add3A_309 = arith.constant 2 : i32
      %add3A_310 = arith.addi %add3A_284, %add3A_309 : i32
      %mul3A_311 = arith.constant 128 : i32
      %mul3A_312 = arith.muli %add3A_310, %mul3A_311 : i32
      %add3A_313 = arith.addi %mul3A_2, %mul3A_312 : i32
      %multiple_of3A_314 = tpu.assume_multiple %add3A_313, 8 : i32
      %dma_start3A_315 = tpu.memref_slice %arg3[%multiple_of3A_314] : memref<320000xi32, #tpu.memory_space<hbm>> -> memref<128xi32, #tpu.memory_space<hbm>>
      %dma_start3A_316 = tpu.memref_slice %arg3[%multiple_of3A_314] : memref<320000xi32, #tpu.memory_space<hbm>> -> memref<128xi32, #tpu.memory_space<hbm>>
      tpu.enqueue_dma source(%dma_start3A_316 : memref<128xi32, #tpu.memory_space<hbm>>) target(%arg8 : memref<128xi32, #tpu.memory_space<vmem>>) target_semaphore(%arg22 : memref<!tpu.dma_semaphore, #tpu.memory_space<semaphore_mem>>)
      %mul3A_317 = arith.constant 128 : i32
      %mul3A_318 = arith.muli %add3A_310, %mul3A_317 : i32
      %add3A_319 = arith.addi %mul3A_2, %mul3A_318 : i32
      %multiple_of3A_320 = tpu.assume_multiple %add3A_319, 8 : i32
      %dma_start3A_321 = tpu.memref_slice %arg4[%multiple_of3A_320] : memref<320000xi32, #tpu.memory_space<hbm>> -> memref<128xi32, #tpu.memory_space<hbm>>
      %dma_start3A_322 = tpu.memref_slice %arg4[%multiple_of3A_320] : memref<320000xi32, #tpu.memory_space<hbm>> -> memref<128xi32, #tpu.memory_space<hbm>>
      tpu.enqueue_dma source(%dma_start3A_322 : memref<128xi32, #tpu.memory_space<hbm>>) target(%arg12 : memref<128xi32, #tpu.memory_space<vmem>>) target_semaphore(%arg22 : memref<!tpu.dma_semaphore, #tpu.memory_space<semaphore_mem>>)
      %mul3A_323 = arith.constant 4 : i32
      %mul3A_324 = arith.muli %mul3A_323, %scan3A_190 : i32
      %add3A_325 = arith.constant 2 : i32
      %add3A_326 = arith.addi %mul3A_324, %add3A_325 : i32
      %add3A_327 = arith.constant 3 : i32
      %add3A_328 = arith.addi %add3A_326, %add3A_327 : i32
      %dma_wait3A_329 = arith.constant 0 : i32
      %dma_wait3A_330 = arith.constant 0 : i32
      %dma_wait3A_331 = tpu.memref_slice %arg19[%dma_wait3A_329, %dma_wait3A_330] : memref<10000x128xf32, #tpu.memory_space<vmem_shared>> -> memref<10000x128xf32, #tpu.memory_space<vmem_shared>>
      tpu.wait_indirect_dma semaphore(%arg27 : memref<!tpu.dma_semaphore, #tpu.memory_space<semaphore_mem>>) src(%arg17 : memref<128x128xf32, #tpu.memory_space<vmem>>) dst(%dma_wait3A_331 : memref<10000x128xf32, #tpu.memory_space<vmem_shared>>)
      %mul3A_332 = arith.constant 128 : i32
      %mul3A_333 = arith.muli %add3A_328, %mul3A_332 : i32
      %add3A_334 = arith.addi %mul3A_2, %mul3A_333 : i32
      %multiple_of3A_335 = tpu.assume_multiple %add3A_334, 8 : i32
      %dma_wait3A_336 = tpu.memref_slice %arg3[%multiple_of3A_335] : memref<320000xi32, #tpu.memory_space<hbm>> -> memref<128xi32, #tpu.memory_space<hbm>>
      %dma_wait3A_337 = tpu.memref_slice %arg3[%multiple_of3A_335] : memref<320000xi32, #tpu.memory_space<hbm>> -> memref<128xi32, #tpu.memory_space<hbm>>
      tpu.wait_dma2 semaphore(%arg21 : memref<!tpu.dma_semaphore, #tpu.memory_space<semaphore_mem>>) src(%dma_wait3A_337 : memref<128xi32, #tpu.memory_space<hbm>>) dst(%arg7 : memref<128xi32, #tpu.memory_space<vmem>>)
      %mul3A_338 = arith.constant 128 : i32
      %mul3A_339 = arith.muli %add3A_328, %mul3A_338 : i32
      %add3A_340 = arith.addi %mul3A_2, %mul3A_339 : i32
      %multiple_of3A_341 = tpu.assume_multiple %add3A_340, 8 : i32
      %dma_wait3A_342 = tpu.memref_slice %arg4[%multiple_of3A_341] : memref<320000xi32, #tpu.memory_space<hbm>> -> memref<128xi32, #tpu.memory_space<hbm>>
      %dma_wait3A_343 = tpu.memref_slice %arg4[%multiple_of3A_341] : memref<320000xi32, #tpu.memory_space<hbm>> -> memref<128xi32, #tpu.memory_space<hbm>>
      tpu.wait_dma2 semaphore(%arg21 : memref<!tpu.dma_semaphore, #tpu.memory_space<semaphore_mem>>) src(%dma_wait3A_343 : memref<128xi32, #tpu.memory_space<hbm>>) dst(%arg11 : memref<128xi32, #tpu.memory_space<vmem>>)
      %dma_start3A_344 = arith.constant 0 : i32
      %dma_start3A_345 = arith.constant 0 : i32
      %dma_start3A_346 = tpu.memref_slice %arg2[%dma_start3A_344, %dma_start3A_345] : memref<10000x128xf32, #tpu.memory_space<hbm>> -> memref<10000x128xf32, #tpu.memory_space<hbm>>
      tpu.enqueue_indirect_dma source(%dma_start3A_346 : memref<10000x128xf32, #tpu.memory_space<hbm>>) target(%arg17 : memref<128x128xf32, #tpu.memory_space<vmem>>) offsets(%arg7 : memref<128xi32, #tpu.memory_space<vmem>>) semaphore(%arg25 : memref<!tpu.dma_semaphore, #tpu.memory_space<semaphore_mem>>)
      %dma_wait3A_347 = arith.constant 0 : i32
      %dma_wait3A_348 = arith.constant 0 : i32
      %dma_wait3A_349 = tpu.memref_slice %arg2[%dma_wait3A_347, %dma_wait3A_348] : memref<10000x128xf32, #tpu.memory_space<hbm>> -> memref<10000x128xf32, #tpu.memory_space<hbm>>
      tpu.wait_indirect_dma semaphore(%arg24 : memref<!tpu.dma_semaphore, #tpu.memory_space<semaphore_mem>>) src(%dma_wait3A_349 : memref<10000x128xf32, #tpu.memory_space<hbm>>) dst(%arg16 : memref<128x128xf32, #tpu.memory_space<vmem>>)
      %dma_start3A_350 = arith.constant 0 : i32
      %dma_start3A_351 = arith.constant 0 : i32
      %dma_start3A_352 = tpu.memref_slice %arg19[%dma_start3A_350, %dma_start3A_351] : memref<10000x128xf32, #tpu.memory_space<vmem_shared>> -> memref<10000x128xf32, #tpu.memory_space<vmem_shared>>
      tpu.enqueue_indirect_dma source(%arg16 : memref<128x128xf32, #tpu.memory_space<vmem>>) target(%dma_start3A_352 : memref<10000x128xf32, #tpu.memory_space<vmem_shared>>) offsets(%arg10 : memref<128xi32, #tpu.memory_space<vmem>>) semaphore(%arg26 : memref<!tpu.dma_semaphore, #tpu.memory_space<semaphore_mem>>) {add = true}
      %add3A_353 = arith.constant 2 : i32
      %add3A_354 = arith.addi %add3A_328, %add3A_353 : i32
      %mul3A_355 = arith.constant 128 : i32
      %mul3A_356 = arith.muli %add3A_354, %mul3A_355 : i32
      %add3A_357 = arith.addi %mul3A_2, %mul3A_356 : i32
      %multiple_of3A_358 = tpu.assume_multiple %add3A_357, 8 : i32
      %dma_start3A_359 = tpu.memref_slice %arg3[%multiple_of3A_358] : memref<320000xi32, #tpu.memory_space<hbm>> -> memref<128xi32, #tpu.memory_space<hbm>>
      %dma_start3A_360 = tpu.memref_slice %arg3[%multiple_of3A_358] : memref<320000xi32, #tpu.memory_space<hbm>> -> memref<128xi32, #tpu.memory_space<hbm>>
      tpu.enqueue_dma source(%dma_start3A_360 : memref<128xi32, #tpu.memory_space<hbm>>) target(%arg9 : memref<128xi32, #tpu.memory_space<vmem>>) target_semaphore(%arg23 : memref<!tpu.dma_semaphore, #tpu.memory_space<semaphore_mem>>)
      %mul3A_361 = arith.constant 128 : i32
      %mul3A_362 = arith.muli %add3A_354, %mul3A_361 : i32
      %add3A_363 = arith.addi %mul3A_2, %mul3A_362 : i32
      %multiple_of3A_364 = tpu.assume_multiple %add3A_363, 8 : i32
      %dma_start3A_365 = tpu.memref_slice %arg4[%multiple_of3A_364] : memref<320000xi32, #tpu.memory_space<hbm>> -> memref<128xi32, #tpu.memory_space<hbm>>
      %dma_start3A_366 = tpu.memref_slice %arg4[%multiple_of3A_364] : memref<320000xi32, #tpu.memory_space<hbm>> -> memref<128xi32, #tpu.memory_space<hbm>>
      tpu.enqueue_dma source(%dma_start3A_366 : memref<128xi32, #tpu.memory_space<hbm>>) target(%arg13 : memref<128xi32, #tpu.memory_space<vmem>>) target_semaphore(%arg23 : memref<!tpu.dma_semaphore, #tpu.memory_space<semaphore_mem>>)
    }
    %scan3A_58 = arith.constant 18 : i32
    %dma_wait3A_59 = arith.constant 0 : i32
    %dma_wait3A_60 = arith.constant 0 : i32
    %dma_wait3A_61 = tpu.memref_slice %arg19[%dma_wait3A_59, %dma_wait3A_60] : memref<10000x128xf32, #tpu.memory_space<vmem_shared>> -> memref<10000x128xf32, #tpu.memory_space<vmem_shared>>
    tpu.wait_indirect_dma semaphore(%arg26 : memref<!tpu.dma_semaphore, #tpu.memory_space<semaphore_mem>>) src(%arg16 : memref<128x128xf32, #tpu.memory_space<vmem>>) dst(%dma_wait3A_61 : memref<10000x128xf32, #tpu.memory_space<vmem_shared>>)
    %add3A_62 = arith.constant 9472 : i32
    %add3A_63 = arith.addi %mul3A_2, %add3A_62 : i32
    %multiple_of3A_64 = tpu.assume_multiple %add3A_63, 8 : i32
    %dma_wait3A_65 = tpu.memref_slice %arg3[%multiple_of3A_64] : memref<320000xi32, #tpu.memory_space<hbm>> -> memref<128xi32, #tpu.memory_space<hbm>>
    %dma_wait3A_66 = tpu.memref_slice %arg3[%multiple_of3A_64] : memref<320000xi32, #tpu.memory_space<hbm>> -> memref<128xi32, #tpu.memory_space<hbm>>
    tpu.wait_dma2 semaphore(%arg22 : memref<!tpu.dma_semaphore, #tpu.memory_space<semaphore_mem>>) src(%dma_wait3A_66 : memref<128xi32, #tpu.memory_space<hbm>>) dst(%arg8 : memref<128xi32, #tpu.memory_space<vmem>>)
    %add3A_67 = arith.constant 9472 : i32
    %add3A_68 = arith.addi %mul3A_2, %add3A_67 : i32
    %multiple_of3A_69 = tpu.assume_multiple %add3A_68, 8 : i32
    %dma_wait3A_70 = tpu.memref_slice %arg4[%multiple_of3A_69] : memref<320000xi32, #tpu.memory_space<hbm>> -> memref<128xi32, #tpu.memory_space<hbm>>
    %dma_wait3A_71 = tpu.memref_slice %arg4[%multiple_of3A_69] : memref<320000xi32, #tpu.memory_space<hbm>> -> memref<128xi32, #tpu.memory_space<hbm>>
    tpu.wait_dma2 semaphore(%arg22 : memref<!tpu.dma_semaphore, #tpu.memory_space<semaphore_mem>>) src(%dma_wait3A_71 : memref<128xi32, #tpu.memory_space<hbm>>) dst(%arg12 : memref<128xi32, #tpu.memory_space<vmem>>)
    %dma_start3A_72 = arith.constant 0 : i32
    %dma_start3A_73 = arith.constant 0 : i32
    %dma_start3A_74 = tpu.memref_slice %arg2[%dma_start3A_72, %dma_start3A_73] : memref<10000x128xf32, #tpu.memory_space<hbm>> -> memref<10000x128xf32, #tpu.memory_space<hbm>>
    tpu.enqueue_indirect_dma source(%dma_start3A_74 : memref<10000x128xf32, #tpu.memory_space<hbm>>) target(%arg16 : memref<128x128xf32, #tpu.memory_space<vmem>>) offsets(%arg8 : memref<128xi32, #tpu.memory_space<vmem>>) semaphore(%arg24 : memref<!tpu.dma_semaphore, #tpu.memory_space<semaphore_mem>>)
    %dma_wait3A_75 = arith.constant 0 : i32
    %dma_wait3A_76 = arith.constant 0 : i32
    %dma_wait3A_77 = tpu.memref_slice %arg2[%dma_wait3A_75, %dma_wait3A_76] : memref<10000x128xf32, #tpu.memory_space<hbm>> -> memref<10000x128xf32, #tpu.memory_space<hbm>>
    tpu.wait_indirect_dma semaphore(%arg25 : memref<!tpu.dma_semaphore, #tpu.memory_space<semaphore_mem>>) src(%dma_wait3A_77 : memref<10000x128xf32, #tpu.memory_space<hbm>>) dst(%arg17 : memref<128x128xf32, #tpu.memory_space<vmem>>)
    %dma_start3A_78 = arith.constant 0 : i32
    %dma_start3A_79 = arith.constant 0 : i32
    %dma_start3A_80 = tpu.memref_slice %arg19[%dma_start3A_78, %dma_start3A_79] : memref<10000x128xf32, #tpu.memory_space<vmem_shared>> -> memref<10000x128xf32, #tpu.memory_space<vmem_shared>>
    tpu.enqueue_indirect_dma source(%arg17 : memref<128x128xf32, #tpu.memory_space<vmem>>) target(%dma_start3A_80 : memref<10000x128xf32, #tpu.memory_space<vmem_shared>>) offsets(%arg11 : memref<128xi32, #tpu.memory_space<vmem>>) semaphore(%arg27 : memref<!tpu.dma_semaphore, #tpu.memory_space<semaphore_mem>>) {add = true}
    %add3A_81 = arith.constant 9728 : i32
    %add3A_82 = arith.addi %mul3A_2, %add3A_81 : i32
    %multiple_of3A_83 = tpu.assume_multiple %add3A_82, 8 : i32
    %dma_start3A_84 = tpu.memref_slice %arg3[%multiple_of3A_83] : memref<320000xi32, #tpu.memory_space<hbm>> -> memref<128xi32, #tpu.memory_space<hbm>>
    %dma_start3A_85 = tpu.memref_slice %arg3[%multiple_of3A_83] : memref<320000xi32, #tpu.memory_space<hbm>> -> memref<128xi32, #tpu.memory_space<hbm>>
    tpu.enqueue_dma source(%dma_start3A_85 : memref<128xi32, #tpu.memory_space<hbm>>) target(%arg6 : memref<128xi32, #tpu.memory_space<vmem>>) target_semaphore(%arg20 : memref<!tpu.dma_semaphore, #tpu.memory_space<semaphore_mem>>)
    %add3A_86 = arith.constant 9728 : i32
    %add3A_87 = arith.addi %mul3A_2, %add3A_86 : i32
    %multiple_of3A_88 = tpu.assume_multiple %add3A_87, 8 : i32
    %dma_start3A_89 = tpu.memref_slice %arg4[%multiple_of3A_88] : memref<320000xi32, #tpu.memory_space<hbm>> -> memref<128xi32, #tpu.memory_space<hbm>>
    %dma_start3A_90 = tpu.memref_slice %arg4[%multiple_of3A_88] : memref<320000xi32, #tpu.memory_space<hbm>> -> memref<128xi32, #tpu.memory_space<hbm>>
    tpu.enqueue_dma source(%dma_start3A_90 : memref<128xi32, #tpu.memory_space<hbm>>) target(%arg10 : memref<128xi32, #tpu.memory_space<vmem>>) target_semaphore(%arg20 : memref<!tpu.dma_semaphore, #tpu.memory_space<semaphore_mem>>)
    %dma_wait3A_91 = arith.constant 0 : i32
    %dma_wait3A_92 = arith.constant 0 : i32
    %dma_wait3A_93 = tpu.memref_slice %arg19[%dma_wait3A_91, %dma_wait3A_92] : memref<10000x128xf32, #tpu.memory_space<vmem_shared>> -> memref<10000x128xf32, #tpu.memory_space<vmem_shared>>
    tpu.wait_indirect_dma semaphore(%arg27 : memref<!tpu.dma_semaphore, #tpu.memory_space<semaphore_mem>>) src(%arg17 : memref<128x128xf32, #tpu.memory_space<vmem>>) dst(%dma_wait3A_93 : memref<10000x128xf32, #tpu.memory_space<vmem_shared>>)
    %add3A_94 = arith.constant 9600 : i32
    %add3A_95 = arith.addi %mul3A_2, %add3A_94 : i32
    %multiple_of3A_96 = tpu.assume_multiple %add3A_95, 8 : i32
    %dma_wait3A_97 = tpu.memref_slice %arg3[%multiple_of3A_96] : memref<320000xi32, #tpu.memory_space<hbm>> -> memref<128xi32, #tpu.memory_space<hbm>>
    %dma_wait3A_98 = tpu.memref_slice %arg3[%multiple_of3A_96] : memref<320000xi32, #tpu.memory_space<hbm>> -> memref<128xi32, #tpu.memory_space<hbm>>
    tpu.wait_dma2 semaphore(%arg23 : memref<!tpu.dma_semaphore, #tpu.memory_space<semaphore_mem>>) src(%dma_wait3A_98 : memref<128xi32, #tpu.memory_space<hbm>>) dst(%arg9 : memref<128xi32, #tpu.memory_space<vmem>>)
    %add3A_99 = arith.constant 9600 : i32
    %add3A_100 = arith.addi %mul3A_2, %add3A_99 : i32
    %multiple_of3A_101 = tpu.assume_multiple %add3A_100, 8 : i32
    %dma_wait3A_102 = tpu.memref_slice %arg4[%multiple_of3A_101] : memref<320000xi32, #tpu.memory_space<hbm>> -> memref<128xi32, #tpu.memory_space<hbm>>
    %dma_wait3A_103 = tpu.memref_slice %arg4[%multiple_of3A_101] : memref<320000xi32, #tpu.memory_space<hbm>> -> memref<128xi32, #tpu.memory_space<hbm>>
    tpu.wait_dma2 semaphore(%arg23 : memref<!tpu.dma_semaphore, #tpu.memory_space<semaphore_mem>>) src(%dma_wait3A_103 : memref<128xi32, #tpu.memory_space<hbm>>) dst(%arg13 : memref<128xi32, #tpu.memory_space<vmem>>)
    %dma_start3A_104 = arith.constant 0 : i32
    %dma_start3A_105 = arith.constant 0 : i32
    %dma_start3A_106 = tpu.memref_slice %arg2[%dma_start3A_104, %dma_start3A_105] : memref<10000x128xf32, #tpu.memory_space<hbm>> -> memref<10000x128xf32, #tpu.memory_space<hbm>>
    tpu.enqueue_indirect_dma source(%dma_start3A_106 : memref<10000x128xf32, #tpu.memory_space<hbm>>) target(%arg17 : memref<128x128xf32, #tpu.memory_space<vmem>>) offsets(%arg9 : memref<128xi32, #tpu.memory_space<vmem>>) semaphore(%arg25 : memref<!tpu.dma_semaphore, #tpu.memory_space<semaphore_mem>>)
    %dma_wait3A_107 = arith.constant 0 : i32
    %dma_wait3A_108 = arith.constant 0 : i32
    %dma_wait3A_109 = tpu.memref_slice %arg2[%dma_wait3A_107, %dma_wait3A_108] : memref<10000x128xf32, #tpu.memory_space<hbm>> -> memref<10000x128xf32, #tpu.memory_space<hbm>>
    tpu.wait_indirect_dma semaphore(%arg24 : memref<!tpu.dma_semaphore, #tpu.memory_space<semaphore_mem>>) src(%dma_wait3A_109 : memref<10000x128xf32, #tpu.memory_space<hbm>>) dst(%arg16 : memref<128x128xf32, #tpu.memory_space<vmem>>)
    %dma_start3A_110 = arith.constant 0 : i32
    %dma_start3A_111 = arith.constant 0 : i32
    %dma_start3A_112 = tpu.memref_slice %arg19[%dma_start3A_110, %dma_start3A_111] : memref<10000x128xf32, #tpu.memory_space<vmem_shared>> -> memref<10000x128xf32, #tpu.memory_space<vmem_shared>>
    tpu.enqueue_indirect_dma source(%arg16 : memref<128x128xf32, #tpu.memory_space<vmem>>) target(%dma_start3A_112 : memref<10000x128xf32, #tpu.memory_space<vmem_shared>>) offsets(%arg12 : memref<128xi32, #tpu.memory_space<vmem>>) semaphore(%arg26 : memref<!tpu.dma_semaphore, #tpu.memory_space<semaphore_mem>>) {add = true}
    %add3A_113 = arith.constant 9856 : i32
    %add3A_114 = arith.addi %mul3A_2, %add3A_113 : i32
    %multiple_of3A_115 = tpu.assume_multiple %add3A_114, 8 : i32
    %dma_start3A_116 = tpu.memref_slice %arg3[%multiple_of3A_115] : memref<320000xi32, #tpu.memory_space<hbm>> -> memref<128xi32, #tpu.memory_space<hbm>>
    %dma_start3A_117 = tpu.memref_slice %arg3[%multiple_of3A_115] : memref<320000xi32, #tpu.memory_space<hbm>> -> memref<128xi32, #tpu.memory_space<hbm>>
    tpu.enqueue_dma source(%dma_start3A_117 : memref<128xi32, #tpu.memory_space<hbm>>) target(%arg7 : memref<128xi32, #tpu.memory_space<vmem>>) target_semaphore(%arg21 : memref<!tpu.dma_semaphore, #tpu.memory_space<semaphore_mem>>)
    %add3A_118 = arith.constant 9856 : i32
    %add3A_119 = arith.addi %mul3A_2, %add3A_118 : i32
    %multiple_of3A_120 = tpu.assume_multiple %add3A_119, 8 : i32
    %dma_start3A_121 = tpu.memref_slice %arg4[%multiple_of3A_120] : memref<320000xi32, #tpu.memory_space<hbm>> -> memref<128xi32, #tpu.memory_space<hbm>>
    %dma_start3A_122 = tpu.memref_slice %arg4[%multiple_of3A_120] : memref<320000xi32, #tpu.memory_space<hbm>> -> memref<128xi32, #tpu.memory_space<hbm>>
    tpu.enqueue_dma source(%dma_start3A_122 : memref<128xi32, #tpu.memory_space<hbm>>) target(%arg11 : memref<128xi32, #tpu.memory_space<vmem>>) target_semaphore(%arg21 : memref<!tpu.dma_semaphore, #tpu.memory_space<semaphore_mem>>)
    %dma_wait3A_123 = arith.constant 0 : i32
    %dma_wait3A_124 = arith.constant 0 : i32
    %dma_wait3A_125 = tpu.memref_slice %arg19[%dma_wait3A_123, %dma_wait3A_124] : memref<10000x128xf32, #tpu.memory_space<vmem_shared>> -> memref<10000x128xf32, #tpu.memory_space<vmem_shared>>
    tpu.wait_indirect_dma semaphore(%arg26 : memref<!tpu.dma_semaphore, #tpu.memory_space<semaphore_mem>>) src(%arg16 : memref<128x128xf32, #tpu.memory_space<vmem>>) dst(%dma_wait3A_125 : memref<10000x128xf32, #tpu.memory_space<vmem_shared>>)
    %add3A_126 = arith.constant 9728 : i32
    %add3A_127 = arith.addi %mul3A_2, %add3A_126 : i32
    %multiple_of3A_128 = tpu.assume_multiple %add3A_127, 8 : i32
    %dma_wait3A_129 = tpu.memref_slice %arg3[%multiple_of3A_128] : memref<320000xi32, #tpu.memory_space<hbm>> -> memref<128xi32, #tpu.memory_space<hbm>>
    %dma_wait3A_130 = tpu.memref_slice %arg3[%multiple_of3A_128] : memref<320000xi32, #tpu.memory_space<hbm>> -> memref<128xi32, #tpu.memory_space<hbm>>
    tpu.wait_dma2 semaphore(%arg20 : memref<!tpu.dma_semaphore, #tpu.memory_space<semaphore_mem>>) src(%dma_wait3A_130 : memref<128xi32, #tpu.memory_space<hbm>>) dst(%arg6 : memref<128xi32, #tpu.memory_space<vmem>>)
    %add3A_131 = arith.constant 9728 : i32
    %add3A_132 = arith.addi %mul3A_2, %add3A_131 : i32
    %multiple_of3A_133 = tpu.assume_multiple %add3A_132, 8 : i32
    %dma_wait3A_134 = tpu.memref_slice %arg4[%multiple_of3A_133] : memref<320000xi32, #tpu.memory_space<hbm>> -> memref<128xi32, #tpu.memory_space<hbm>>
    %dma_wait3A_135 = tpu.memref_slice %arg4[%multiple_of3A_133] : memref<320000xi32, #tpu.memory_space<hbm>> -> memref<128xi32, #tpu.memory_space<hbm>>
    tpu.wait_dma2 semaphore(%arg20 : memref<!tpu.dma_semaphore, #tpu.memory_space<semaphore_mem>>) src(%dma_wait3A_135 : memref<128xi32, #tpu.memory_space<hbm>>) dst(%arg10 : memref<128xi32, #tpu.memory_space<vmem>>)
    %dma_start3A_136 = arith.constant 0 : i32
    %dma_start3A_137 = arith.constant 0 : i32
    %dma_start3A_138 = tpu.memref_slice %arg2[%dma_start3A_136, %dma_start3A_137] : memref<10000x128xf32, #tpu.memory_space<hbm>> -> memref<10000x128xf32, #tpu.memory_space<hbm>>
    tpu.enqueue_indirect_dma source(%dma_start3A_138 : memref<10000x128xf32, #tpu.memory_space<hbm>>) target(%arg16 : memref<128x128xf32, #tpu.memory_space<vmem>>) offsets(%arg6 : memref<128xi32, #tpu.memory_space<vmem>>) semaphore(%arg24 : memref<!tpu.dma_semaphore, #tpu.memory_space<semaphore_mem>>)
    %dma_wait3A_139 = arith.constant 0 : i32
    %dma_wait3A_140 = arith.constant 0 : i32
    %dma_wait3A_141 = tpu.memref_slice %arg2[%dma_wait3A_139, %dma_wait3A_140] : memref<10000x128xf32, #tpu.memory_space<hbm>> -> memref<10000x128xf32, #tpu.memory_space<hbm>>
    tpu.wait_indirect_dma semaphore(%arg25 : memref<!tpu.dma_semaphore, #tpu.memory_space<semaphore_mem>>) src(%dma_wait3A_141 : memref<10000x128xf32, #tpu.memory_space<hbm>>) dst(%arg17 : memref<128x128xf32, #tpu.memory_space<vmem>>)
    %dma_start3A_142 = arith.constant 0 : i32
    %dma_start3A_143 = arith.constant 0 : i32
    %dma_start3A_144 = tpu.memref_slice %arg19[%dma_start3A_142, %dma_start3A_143] : memref<10000x128xf32, #tpu.memory_space<vmem_shared>> -> memref<10000x128xf32, #tpu.memory_space<vmem_shared>>
    tpu.enqueue_indirect_dma source(%arg17 : memref<128x128xf32, #tpu.memory_space<vmem>>) target(%dma_start3A_144 : memref<10000x128xf32, #tpu.memory_space<vmem_shared>>) offsets(%arg13 : memref<128xi32, #tpu.memory_space<vmem>>) semaphore(%arg27 : memref<!tpu.dma_semaphore, #tpu.memory_space<semaphore_mem>>) {add = true}
    %dma_wait3A_145 = arith.constant 0 : i32
    %dma_wait3A_146 = arith.constant 0 : i32
    %dma_wait3A_147 = tpu.memref_slice %arg19[%dma_wait3A_145, %dma_wait3A_146] : memref<10000x128xf32, #tpu.memory_space<vmem_shared>> -> memref<10000x128xf32, #tpu.memory_space<vmem_shared>>
    tpu.wait_indirect_dma semaphore(%arg27 : memref<!tpu.dma_semaphore, #tpu.memory_space<semaphore_mem>>) src(%arg17 : memref<128x128xf32, #tpu.memory_space<vmem>>) dst(%dma_wait3A_147 : memref<10000x128xf32, #tpu.memory_space<vmem_shared>>)
    %add3A_148 = arith.constant 9856 : i32
    %add3A_149 = arith.addi %mul3A_2, %add3A_148 : i32
    %multiple_of3A_150 = tpu.assume_multiple %add3A_149, 8 : i32
    %dma_wait3A_151 = tpu.memref_slice %arg3[%multiple_of3A_150] : memref<320000xi32, #tpu.memory_space<hbm>> -> memref<128xi32, #tpu.memory_space<hbm>>
    %dma_wait3A_152 = tpu.memref_slice %arg3[%multiple_of3A_150] : memref<320000xi32, #tpu.memory_space<hbm>> -> memref<128xi32, #tpu.memory_space<hbm>>
    tpu.wait_dma2 semaphore(%arg21 : memref<!tpu.dma_semaphore, #tpu.memory_space<semaphore_mem>>) src(%dma_wait3A_152 : memref<128xi32, #tpu.memory_space<hbm>>) dst(%arg7 : memref<128xi32, #tpu.memory_space<vmem>>)
    %add3A_153 = arith.constant 9856 : i32
    %add3A_154 = arith.addi %mul3A_2, %add3A_153 : i32
    %multiple_of3A_155 = tpu.assume_multiple %add3A_154, 8 : i32
    %dma_wait3A_156 = tpu.memref_slice %arg4[%multiple_of3A_155] : memref<320000xi32, #tpu.memory_space<hbm>> -> memref<128xi32, #tpu.memory_space<hbm>>
    %dma_wait3A_157 = tpu.memref_slice %arg4[%multiple_of3A_155] : memref<320000xi32, #tpu.memory_space<hbm>> -> memref<128xi32, #tpu.memory_space<hbm>>
    tpu.wait_dma2 semaphore(%arg21 : memref<!tpu.dma_semaphore, #tpu.memory_space<semaphore_mem>>) src(%dma_wait3A_157 : memref<128xi32, #tpu.memory_space<hbm>>) dst(%arg11 : memref<128xi32, #tpu.memory_space<vmem>>)
    %dma_start3A_158 = arith.constant 0 : i32
    %dma_start3A_159 = arith.constant 0 : i32
    %dma_start3A_160 = tpu.memref_slice %arg2[%dma_start3A_158, %dma_start3A_159] : memref<10000x128xf32, #tpu.memory_space<hbm>> -> memref<10000x128xf32, #tpu.memory_space<hbm>>
    tpu.enqueue_indirect_dma source(%dma_start3A_160 : memref<10000x128xf32, #tpu.memory_space<hbm>>) target(%arg17 : memref<128x128xf32, #tpu.memory_space<vmem>>) offsets(%arg7 : memref<128xi32, #tpu.memory_space<vmem>>) semaphore(%arg25 : memref<!tpu.dma_semaphore, #tpu.memory_space<semaphore_mem>>)
    %dma_wait3A_161 = arith.constant 0 : i32
    %dma_wait3A_162 = arith.constant 0 : i32
    %dma_wait3A_163 = tpu.memref_slice %arg2[%dma_wait3A_161, %dma_wait3A_162] : memref<10000x128xf32, #tpu.memory_space<hbm>> -> memref<10000x128xf32, #tpu.memory_space<hbm>>
    tpu.wait_indirect_dma semaphore(%arg24 : memref<!tpu.dma_semaphore, #tpu.memory_space<semaphore_mem>>) src(%dma_wait3A_163 : memref<10000x128xf32, #tpu.memory_space<hbm>>) dst(%arg16 : memref<128x128xf32, #tpu.memory_space<vmem>>)
    %dma_start3A_164 = arith.constant 0 : i32
    %dma_start3A_165 = arith.constant 0 : i32
    %dma_start3A_166 = tpu.memref_slice %arg19[%dma_start3A_164, %dma_start3A_165] : memref<10000x128xf32, #tpu.memory_space<vmem_shared>> -> memref<10000x128xf32, #tpu.memory_space<vmem_shared>>
    tpu.enqueue_indirect_dma source(%arg16 : memref<128x128xf32, #tpu.memory_space<vmem>>) target(%dma_start3A_166 : memref<10000x128xf32, #tpu.memory_space<vmem_shared>>) offsets(%arg10 : memref<128xi32, #tpu.memory_space<vmem>>) semaphore(%arg26 : memref<!tpu.dma_semaphore, #tpu.memory_space<semaphore_mem>>) {add = true}
    %dma_wait3A_167 = arith.constant 0 : i32
    %dma_wait3A_168 = arith.constant 0 : i32
    %dma_wait3A_169 = tpu.memref_slice %arg2[%dma_wait3A_167, %dma_wait3A_168] : memref<10000x128xf32, #tpu.memory_space<hbm>> -> memref<10000x128xf32, #tpu.memory_space<hbm>>
    tpu.wait_indirect_dma semaphore(%arg25 : memref<!tpu.dma_semaphore, #tpu.memory_space<semaphore_mem>>) src(%dma_wait3A_169 : memref<10000x128xf32, #tpu.memory_space<hbm>>) dst(%arg17 : memref<128x128xf32, #tpu.memory_space<vmem>>)
    %dma_start3A_170 = arith.constant 0 : i32
    %dma_start3A_171 = arith.constant 0 : i32
    %dma_start3A_172 = tpu.memref_slice %arg19[%dma_start3A_170, %dma_start3A_171] : memref<10000x128xf32, #tpu.memory_space<vmem_shared>> -> memref<10000x128xf32, #tpu.memory_space<vmem_shared>>
    tpu.enqueue_indirect_dma source(%arg17 : memref<128x128xf32, #tpu.memory_space<vmem>>) target(%dma_start3A_172 : memref<10000x128xf32, #tpu.memory_space<vmem_shared>>) offsets(%arg11 : memref<128xi32, #tpu.memory_space<vmem>>) semaphore(%arg27 : memref<!tpu.dma_semaphore, #tpu.memory_space<semaphore_mem>>) {add = true}
    %dma_wait3A_173 = tpu.memref_slice %arg3[%multiple_of3A_35] : memref<320000xi32, #tpu.memory_space<hbm>> -> memref<16xi32, #tpu.memory_space<hbm>>
    %dma_wait3A_174 = tpu.memref_slice %arg3[%multiple_of3A_35] : memref<320000xi32, #tpu.memory_space<hbm>> -> memref<16xi32, #tpu.memory_space<hbm>>
    tpu.wait_dma2 semaphore(%arg28 : memref<!tpu.dma_semaphore, #tpu.memory_space<semaphore_mem>>) src(%dma_wait3A_174 : memref<16xi32, #tpu.memory_space<hbm>>) dst(%arg14 : memref<16xi32, #tpu.memory_space<vmem>>)
    %dma_wait3A_175 = tpu.memref_slice %arg4[%multiple_of3A_35] : memref<320000xi32, #tpu.memory_space<hbm>> -> memref<16xi32, #tpu.memory_space<hbm>>
    %dma_wait3A_176 = tpu.memref_slice %arg4[%multiple_of3A_35] : memref<320000xi32, #tpu.memory_space<hbm>> -> memref<16xi32, #tpu.memory_space<hbm>>
    tpu.wait_dma2 semaphore(%arg28 : memref<!tpu.dma_semaphore, #tpu.memory_space<semaphore_mem>>) src(%dma_wait3A_176 : memref<16xi32, #tpu.memory_space<hbm>>) dst(%arg15 : memref<16xi32, #tpu.memory_space<vmem>>)
    %dma_start3A_177 = arith.constant 0 : i32
    %dma_start3A_178 = arith.constant 0 : i32
    %dma_start3A_179 = tpu.memref_slice %arg2[%dma_start3A_177, %dma_start3A_178] : memref<10000x128xf32, #tpu.memory_space<hbm>> -> memref<10000x128xf32, #tpu.memory_space<hbm>>
    tpu.enqueue_indirect_dma source(%dma_start3A_179 : memref<10000x128xf32, #tpu.memory_space<hbm>>) target(%arg18 : memref<16x128xf32, #tpu.memory_space<vmem>>) offsets(%arg14 : memref<16xi32, #tpu.memory_space<vmem>>) semaphore(%arg28 : memref<!tpu.dma_semaphore, #tpu.memory_space<semaphore_mem>>)
    %dma_wait3A_180 = arith.constant 0 : i32
    %dma_wait3A_181 = arith.constant 0 : i32
    %dma_wait3A_182 = tpu.memref_slice %arg19[%dma_wait3A_180, %dma_wait3A_181] : memref<10000x128xf32, #tpu.memory_space<vmem_shared>> -> memref<10000x128xf32, #tpu.memory_space<vmem_shared>>
    tpu.wait_indirect_dma semaphore(%arg26 : memref<!tpu.dma_semaphore, #tpu.memory_space<semaphore_mem>>) src(%arg16 : memref<128x128xf32, #tpu.memory_space<vmem>>) dst(%dma_wait3A_182 : memref<10000x128xf32, #tpu.memory_space<vmem_shared>>)
    %dma_wait3A_183 = arith.constant 0 : i32
    %dma_wait3A_184 = arith.constant 0 : i32
    %dma_wait3A_185 = tpu.memref_slice %arg19[%dma_wait3A_183, %dma_wait3A_184] : memref<10000x128xf32, #tpu.memory_space<vmem_shared>> -> memref<10000x128xf32, #tpu.memory_space<vmem_shared>>
    tpu.wait_indirect_dma semaphore(%arg27 : memref<!tpu.dma_semaphore, #tpu.memory_space<semaphore_mem>>) src(%arg17 : memref<128x128xf32, #tpu.memory_space<vmem>>) dst(%dma_wait3A_185 : memref<10000x128xf32, #tpu.memory_space<vmem_shared>>)
    %dma_wait3A_186 = arith.constant 0 : i32
    %dma_wait3A_187 = arith.constant 0 : i32
    %dma_wait3A_188 = tpu.memref_slice %arg2[%dma_wait3A_186, %dma_wait3A_187] : memref<10000x128xf32, #tpu.memory_space<hbm>> -> memref<10000x128xf32, #tpu.memory_space<hbm>>
    tpu.wait_indirect_dma semaphore(%arg28 : memref<!tpu.dma_semaphore, #tpu.memory_space<semaphore_mem>>) src(%dma_wait3A_188 : memref<10000x128xf32, #tpu.memory_space<hbm>>) dst(%arg18 : memref<16x128xf32, #tpu.memory_space<vmem>>)
    "tpu.region"() ({
      %run_scoped3A = tpu.sem_alloc : memref<!tpu.dma_semaphore, #tpu.memory_space<semaphore_mem>>
      %dma_start3A_190 = arith.constant 0 : i32
      %dma_start3A_191 = arith.constant 0 : i32
      %dma_start3A_192 = tpu.memref_slice %arg19[%dma_start3A_190, %dma_start3A_191] : memref<10000x128xf32, #tpu.memory_space<vmem_shared>> -> memref<10000x128xf32, #tpu.memory_space<vmem_shared>>
      tpu.enqueue_indirect_dma source(%arg18 : memref<16x128xf32, #tpu.memory_space<vmem>>) target(%dma_start3A_192 : memref<10000x128xf32, #tpu.memory_space<vmem_shared>>) offsets(%arg15 : memref<16xi32, #tpu.memory_space<vmem>>) semaphore(%run_scoped3A : memref<!tpu.dma_semaphore, #tpu.memory_space<semaphore_mem>>) {add = true}
      %dma_wait3A_193 = arith.constant 0 : i32
      %dma_wait3A_194 = arith.constant 0 : i32
      %dma_wait3A_195 = tpu.memref_slice %arg19[%dma_wait3A_193, %dma_wait3A_194] : memref<10000x128xf32, #tpu.memory_space<vmem_shared>> -> memref<10000x128xf32, #tpu.memory_space<vmem_shared>>
      tpu.wait_indirect_dma semaphore(%run_scoped3A : memref<!tpu.dma_semaphore, #tpu.memory_space<semaphore_mem>>) src(%arg18 : memref<16x128xf32, #tpu.memory_space<vmem>>) dst(%dma_wait3A_195 : memref<10000x128xf32, #tpu.memory_space<vmem_shared>>)
      tpu.yield
    }) : () -> ()
    %barrier3A_189 = arith.constant 0 : index
    tpu.barrier barrier_id(%barrier3A_189)
    "tpu.region"() ({
      %run_scoped3A = tpu.sem_alloc : memref<!tpu.dma_semaphore, #tpu.memory_space<semaphore_mem>>
      %dma_start3A_190 = arith.constant 0 : i32
      %dma_start3A_191 = tpu.memref_slice %arg5[%arg0, %multiple_of3A_45, %dma_start3A_190] : memref<2x10000x128xf32, #tpu.memory_space<hbm>> -> memref<1x640x128xf32, #tpu.memory_space<hbm>>
      %dma_start3A_192 = tpu.memref_squeeze %dma_start3A_191 : memref<1x640x128xf32, #tpu.memory_space<hbm>> -> memref<640x128xf32, #tpu.memory_space<hbm>>
      %dma_start3A_193 = arith.constant 0 : i32
      %dma_start3A_194 = tpu.memref_slice %arg19[%multiple_of3A_45, %dma_start3A_193] : memref<10000x128xf32, #tpu.memory_space<vmem_shared>> -> memref<640x128xf32, #tpu.memory_space<vmem_shared>>
      tpu.enqueue_dma source(%dma_start3A_194 : memref<640x128xf32, #tpu.memory_space<vmem_shared>>) target(%dma_start3A_192 : memref<640x128xf32, #tpu.memory_space<hbm>>) target_semaphore(%run_scoped3A : memref<!tpu.dma_semaphore, #tpu.memory_space<semaphore_mem>>)
      %dma_wait3A_195 = arith.constant 0 : i32
      %dma_wait3A_196 = tpu.memref_slice %arg5[%arg0, %multiple_of3A_45, %dma_wait3A_195] : memref<2x10000x128xf32, #tpu.memory_space<hbm>> -> memref<1x640x128xf32, #tpu.memory_space<hbm>>
      %dma_wait3A_197 = tpu.memref_squeeze %dma_wait3A_196 : memref<1x640x128xf32, #tpu.memory_space<hbm>> -> memref<640x128xf32, #tpu.memory_space<hbm>>
      %dma_wait3A_198 = arith.constant 0 : i32
      %dma_wait3A_199 = tpu.memref_slice %arg19[%multiple_of3A_45, %dma_wait3A_198] : memref<10000x128xf32, #tpu.memory_space<vmem_shared>> -> memref<640x128xf32, #tpu.memory_space<vmem_shared>>
      tpu.wait_dma2 semaphore(%run_scoped3A : memref<!tpu.dma_semaphore, #tpu.memory_space<semaphore_mem>>) src(%dma_wait3A_199 : memref<640x128xf32, #tpu.memory_space<vmem_shared>>) dst(%dma_wait3A_197 : memref<640x128xf32, #tpu.memory_space<hbm>>)
      tpu.yield
    }) : () -> ()
    return
  }
}

#map = affine_map<(d0, d1) -> (0, 0)>
#map1 = affine_map<(d0, d1) -> (0)>
#map2 = affine_map<(d0, d1) -> (0, 0, 0)>
module attributes {stable_mosaic.version = 14 : i64} {
  func.func @_deg_body(%arg0: i32, %arg1: i32, %arg2: memref<10000x128xf32, #tpu.memory_space<hbm>>, %arg3: memref<320000xi32, #tpu.memory_space<hbm>>, %arg4: memref<2x10000x128xf32, #tpu.memory_space<hbm>>, %arg5: memref<128xi32, #tpu.memory_space<vmem>>, %arg6: memref<128xi32, #tpu.memory_space<vmem>>, %arg7: memref<128xi32, #tpu.memory_space<vmem>>, %arg8: memref<128xi32, #tpu.memory_space<vmem>>, %arg9: memref<16xi32, #tpu.memory_space<vmem>>, %arg10: memref<128x128xf32, #tpu.memory_space<vmem>>, %arg11: memref<10000x128xf32, #tpu.memory_space<vmem_shared>>, %arg12: memref<!tpu.dma_semaphore, #tpu.memory_space<semaphore_mem>>, %arg13: memref<!tpu.dma_semaphore, #tpu.memory_space<semaphore_mem>>, %arg14: memref<!tpu.dma_semaphore, #tpu.memory_space<semaphore_mem>>, %arg15: memref<!tpu.dma_semaphore, #tpu.memory_space<semaphore_mem>>, %arg16: memref<!tpu.dma_semaphore, #tpu.memory_space<semaphore_mem>>, %arg17: memref<!tpu.dma_semaphore, #tpu.memory_space<semaphore_mem>>) attributes {dimension_semantics = [#tpu.dimension_semantics<core_parallel>, #tpu.dimension_semantics<subcore_parallel>], iteration_bounds = array<i64: 2, 16>, scalar_prefetch = 0 : i64, scratch_operands = 13 : i64, tpu.core_type = #tpu.core_type<sc_vector_subcore>, window_params = [{transform_indices = #map}, {transform_indices = #map1}, {transform_indices = #map2}]} {
    %mul3A = arith.constant 16 : i32
    %mul3A_0 = arith.muli %arg0, %mul3A : i32
    %add3A = arith.addi %mul3A_0, %arg1 : i32
    %mul3A_1 = arith.constant 10000 : i32
    %mul3A_2 = arith.muli %add3A, %mul3A_1 : i32
    %mul3A_3 = arith.constant 624 : i32
    %mul3A_4 = arith.muli %arg1, %mul3A_3 : i32
    %multiple_of3A = tpu.assume_multiple %mul3A_4, 8 : i32
    "tpu.region"() ({
      %run_scoped3A = tpu.sem_alloc : memref<!tpu.dma_semaphore, #tpu.memory_space<semaphore_mem>>
      %dma_start3A_94 = arith.constant 0 : i32
      %dma_start3A_95 = arith.constant 0 : i32
      %dma_start3A_96 = tpu.memref_slice %arg2[%dma_start3A_94, %dma_start3A_95] : memref<10000x128xf32, #tpu.memory_space<hbm>> -> memref<128x128xf32, #tpu.memory_space<hbm>>
      %dma_start3A_97 = arith.constant 0 : i32
      %dma_start3A_98 = arith.constant 0 : i32
      %dma_start3A_99 = tpu.memref_slice %arg2[%dma_start3A_97, %dma_start3A_98] : memref<10000x128xf32, #tpu.memory_space<hbm>> -> memref<128x128xf32, #tpu.memory_space<hbm>>
      tpu.enqueue_dma source(%dma_start3A_99 : memref<128x128xf32, #tpu.memory_space<hbm>>) target(%arg10 : memref<128x128xf32, #tpu.memory_space<vmem>>) target_semaphore(%run_scoped3A : memref<!tpu.dma_semaphore, #tpu.memory_space<semaphore_mem>>)
      %dma_wait3A_100 = arith.constant 0 : i32
      %dma_wait3A_101 = arith.constant 0 : i32
      %dma_wait3A_102 = tpu.memref_slice %arg2[%dma_wait3A_100, %dma_wait3A_101] : memref<10000x128xf32, #tpu.memory_space<hbm>> -> memref<128x128xf32, #tpu.memory_space<hbm>>
      %dma_wait3A_103 = arith.constant 0 : i32
      %dma_wait3A_104 = arith.constant 0 : i32
      %dma_wait3A_105 = tpu.memref_slice %arg2[%dma_wait3A_103, %dma_wait3A_104] : memref<10000x128xf32, #tpu.memory_space<hbm>> -> memref<128x128xf32, #tpu.memory_space<hbm>>
      tpu.wait_dma2 semaphore(%run_scoped3A : memref<!tpu.dma_semaphore, #tpu.memory_space<semaphore_mem>>) src(%dma_wait3A_105 : memref<128x128xf32, #tpu.memory_space<hbm>>) dst(%arg10 : memref<128x128xf32, #tpu.memory_space<vmem>>)
      tpu.yield
    }) : () -> ()
    "tpu.region"() ({
      %run_scoped3A = tpu.sem_alloc : memref<!tpu.dma_semaphore, #tpu.memory_space<semaphore_mem>>
      %dma_start3A_94 = arith.constant 0 : i32
      %dma_start3A_95 = tpu.memref_slice %arg11[%multiple_of3A, %dma_start3A_94] : memref<10000x128xf32, #tpu.memory_space<vmem_shared>> -> memref<640x128xf32, #tpu.memory_space<vmem_shared>>
      %dma_start3A_96 = arith.constant 0 : i32
      %dma_start3A_97 = tpu.memref_slice %arg2[%multiple_of3A, %dma_start3A_96] : memref<10000x128xf32, #tpu.memory_space<hbm>> -> memref<640x128xf32, #tpu.memory_space<hbm>>
      tpu.enqueue_dma source(%dma_start3A_97 : memref<640x128xf32, #tpu.memory_space<hbm>>) target(%dma_start3A_95 : memref<640x128xf32, #tpu.memory_space<vmem_shared>>) target_semaphore(%run_scoped3A : memref<!tpu.dma_semaphore, #tpu.memory_space<semaphore_mem>>)
      %dma_wait3A_98 = arith.constant 0 : i32
      %dma_wait3A_99 = tpu.memref_slice %arg11[%multiple_of3A, %dma_wait3A_98] : memref<10000x128xf32, #tpu.memory_space<vmem_shared>> -> memref<640x128xf32, #tpu.memory_space<vmem_shared>>
      %dma_wait3A_100 = arith.constant 0 : i32
      %dma_wait3A_101 = tpu.memref_slice %arg2[%multiple_of3A, %dma_wait3A_100] : memref<10000x128xf32, #tpu.memory_space<hbm>> -> memref<640x128xf32, #tpu.memory_space<hbm>>
      tpu.wait_dma2 semaphore(%run_scoped3A : memref<!tpu.dma_semaphore, #tpu.memory_space<semaphore_mem>>) src(%dma_wait3A_101 : memref<640x128xf32, #tpu.memory_space<hbm>>) dst(%dma_wait3A_99 : memref<640x128xf32, #tpu.memory_space<vmem_shared>>)
      tpu.yield
    }) : () -> ()
    %barrier3A = arith.constant 0 : index
    tpu.barrier barrier_id(%barrier3A)
    %add3A_5 = arith.constant 0 : i32
    %add3A_6 = arith.addi %mul3A_2, %add3A_5 : i32
    %multiple_of3A_7 = tpu.assume_multiple %add3A_6, 8 : i32
    "tpu.region"() ({
      %run_scoped3A = tpu.sem_alloc : memref<!tpu.dma_semaphore, #tpu.memory_space<semaphore_mem>>
      %dma_start3A_94 = tpu.memref_slice %arg3[%multiple_of3A_7] : memref<320000xi32, #tpu.memory_space<hbm>> -> memref<128xi32, #tpu.memory_space<hbm>>
      %dma_start3A_95 = tpu.memref_slice %arg3[%multiple_of3A_7] : memref<320000xi32, #tpu.memory_space<hbm>> -> memref<128xi32, #tpu.memory_space<hbm>>
      tpu.enqueue_dma source(%dma_start3A_95 : memref<128xi32, #tpu.memory_space<hbm>>) target(%arg5 : memref<128xi32, #tpu.memory_space<vmem>>) target_semaphore(%run_scoped3A : memref<!tpu.dma_semaphore, #tpu.memory_space<semaphore_mem>>)
      %dma_wait3A_96 = tpu.memref_slice %arg3[%multiple_of3A_7] : memref<320000xi32, #tpu.memory_space<hbm>> -> memref<128xi32, #tpu.memory_space<hbm>>
      %dma_wait3A_97 = tpu.memref_slice %arg3[%multiple_of3A_7] : memref<320000xi32, #tpu.memory_space<hbm>> -> memref<128xi32, #tpu.memory_space<hbm>>
      tpu.wait_dma2 semaphore(%run_scoped3A : memref<!tpu.dma_semaphore, #tpu.memory_space<semaphore_mem>>) src(%dma_wait3A_97 : memref<128xi32, #tpu.memory_space<hbm>>) dst(%arg5 : memref<128xi32, #tpu.memory_space<vmem>>)
      tpu.yield
    }) : () -> ()
    %add3A_8 = arith.constant 128 : i32
    %add3A_9 = arith.addi %mul3A_2, %add3A_8 : i32
    %multiple_of3A_10 = tpu.assume_multiple %add3A_9, 8 : i32
    "tpu.region"() ({
      %run_scoped3A = tpu.sem_alloc : memref<!tpu.dma_semaphore, #tpu.memory_space<semaphore_mem>>
      %dma_start3A_94 = tpu.memref_slice %arg3[%multiple_of3A_10] : memref<320000xi32, #tpu.memory_space<hbm>> -> memref<128xi32, #tpu.memory_space<hbm>>
      %dma_start3A_95 = tpu.memref_slice %arg3[%multiple_of3A_10] : memref<320000xi32, #tpu.memory_space<hbm>> -> memref<128xi32, #tpu.memory_space<hbm>>
      tpu.enqueue_dma source(%dma_start3A_95 : memref<128xi32, #tpu.memory_space<hbm>>) target(%arg6 : memref<128xi32, #tpu.memory_space<vmem>>) target_semaphore(%run_scoped3A : memref<!tpu.dma_semaphore, #tpu.memory_space<semaphore_mem>>)
      %dma_wait3A_96 = tpu.memref_slice %arg3[%multiple_of3A_10] : memref<320000xi32, #tpu.memory_space<hbm>> -> memref<128xi32, #tpu.memory_space<hbm>>
      %dma_wait3A_97 = tpu.memref_slice %arg3[%multiple_of3A_10] : memref<320000xi32, #tpu.memory_space<hbm>> -> memref<128xi32, #tpu.memory_space<hbm>>
      tpu.wait_dma2 semaphore(%run_scoped3A : memref<!tpu.dma_semaphore, #tpu.memory_space<semaphore_mem>>) src(%dma_wait3A_97 : memref<128xi32, #tpu.memory_space<hbm>>) dst(%arg6 : memref<128xi32, #tpu.memory_space<vmem>>)
      tpu.yield
    }) : () -> ()
    %add3A_11 = arith.constant 256 : i32
    %add3A_12 = arith.addi %mul3A_2, %add3A_11 : i32
    %multiple_of3A_13 = tpu.assume_multiple %add3A_12, 8 : i32
    %dma_start3A = tpu.memref_slice %arg3[%multiple_of3A_13] : memref<320000xi32, #tpu.memory_space<hbm>> -> memref<128xi32, #tpu.memory_space<hbm>>
    %dma_start3A_14 = tpu.memref_slice %arg3[%multiple_of3A_13] : memref<320000xi32, #tpu.memory_space<hbm>> -> memref<128xi32, #tpu.memory_space<hbm>>
    tpu.enqueue_dma source(%dma_start3A_14 : memref<128xi32, #tpu.memory_space<hbm>>) target(%arg7 : memref<128xi32, #tpu.memory_space<vmem>>) target_semaphore(%arg14 : memref<!tpu.dma_semaphore, #tpu.memory_space<semaphore_mem>>)
    %add3A_15 = arith.constant 384 : i32
    %add3A_16 = arith.addi %mul3A_2, %add3A_15 : i32
    %multiple_of3A_17 = tpu.assume_multiple %add3A_16, 8 : i32
    %dma_start3A_18 = tpu.memref_slice %arg3[%multiple_of3A_17] : memref<320000xi32, #tpu.memory_space<hbm>> -> memref<128xi32, #tpu.memory_space<hbm>>
    %dma_start3A_19 = tpu.memref_slice %arg3[%multiple_of3A_17] : memref<320000xi32, #tpu.memory_space<hbm>> -> memref<128xi32, #tpu.memory_space<hbm>>
    tpu.enqueue_dma source(%dma_start3A_19 : memref<128xi32, #tpu.memory_space<hbm>>) target(%arg8 : memref<128xi32, #tpu.memory_space<vmem>>) target_semaphore(%arg15 : memref<!tpu.dma_semaphore, #tpu.memory_space<semaphore_mem>>)
    %dma_start3A_20 = arith.constant 0 : i32
    %dma_start3A_21 = arith.constant 0 : i32
    %dma_start3A_22 = tpu.memref_slice %arg11[%dma_start3A_20, %dma_start3A_21] : memref<10000x128xf32, #tpu.memory_space<vmem_shared>> -> memref<10000x128xf32, #tpu.memory_space<vmem_shared>>
    tpu.enqueue_indirect_dma source(%arg10 : memref<128x128xf32, #tpu.memory_space<vmem>>) target(%dma_start3A_22 : memref<10000x128xf32, #tpu.memory_space<vmem_shared>>) offsets(%arg5 : memref<128xi32, #tpu.memory_space<vmem>>) semaphore(%arg16 : memref<!tpu.dma_semaphore, #tpu.memory_space<semaphore_mem>>) {add = true}
    %dma_start3A_23 = arith.constant 0 : i32
    %dma_start3A_24 = arith.constant 0 : i32
    %dma_start3A_25 = tpu.memref_slice %arg11[%dma_start3A_23, %dma_start3A_24] : memref<10000x128xf32, #tpu.memory_space<vmem_shared>> -> memref<10000x128xf32, #tpu.memory_space<vmem_shared>>
    tpu.enqueue_indirect_dma source(%arg10 : memref<128x128xf32, #tpu.memory_space<vmem>>) target(%dma_start3A_25 : memref<10000x128xf32, #tpu.memory_space<vmem_shared>>) offsets(%arg6 : memref<128xi32, #tpu.memory_space<vmem>>) semaphore(%arg17 : memref<!tpu.dma_semaphore, #tpu.memory_space<semaphore_mem>>) {add = true}
    %scan3A = arith.constant 0 : i32
    %scan3A_26 = arith.constant 0 : i32
    %scan3A_27 = arith.constant 18 : i32
    %scan3A_28 = arith.addi %scan3A_26, %scan3A_27 : i32
    %scan3A_29 = arith.constant 1 : i32
    scf.for %scan3A_94 = %scan3A_26 to %scan3A_28 step %scan3A_29  : i32 {
      %mul3A_95 = arith.constant 4 : i32
      %mul3A_96 = arith.muli %mul3A_95, %scan3A_94 : i32
      %add3A_97 = arith.constant 2 : i32
      %add3A_98 = arith.addi %mul3A_96, %add3A_97 : i32
      %add3A_99 = arith.constant 0 : i32
      %add3A_100 = arith.addi %add3A_98, %add3A_99 : i32
      %dma_wait3A_101 = arith.constant 0 : i32
      %dma_wait3A_102 = arith.constant 0 : i32
      %dma_wait3A_103 = tpu.memref_slice %arg11[%dma_wait3A_101, %dma_wait3A_102] : memref<10000x128xf32, #tpu.memory_space<vmem_shared>> -> memref<10000x128xf32, #tpu.memory_space<vmem_shared>>
      tpu.wait_indirect_dma semaphore(%arg16 : memref<!tpu.dma_semaphore, #tpu.memory_space<semaphore_mem>>) src(%arg10 : memref<128x128xf32, #tpu.memory_space<vmem>>) dst(%dma_wait3A_103 : memref<10000x128xf32, #tpu.memory_space<vmem_shared>>)
      %mul3A_104 = arith.constant 128 : i32
      %mul3A_105 = arith.muli %add3A_100, %mul3A_104 : i32
      %add3A_106 = arith.addi %mul3A_2, %mul3A_105 : i32
      %multiple_of3A_107 = tpu.assume_multiple %add3A_106, 8 : i32
      %dma_wait3A_108 = tpu.memref_slice %arg3[%multiple_of3A_107] : memref<320000xi32, #tpu.memory_space<hbm>> -> memref<128xi32, #tpu.memory_space<hbm>>
      %dma_wait3A_109 = tpu.memref_slice %arg3[%multiple_of3A_107] : memref<320000xi32, #tpu.memory_space<hbm>> -> memref<128xi32, #tpu.memory_space<hbm>>
      tpu.wait_dma2 semaphore(%arg14 : memref<!tpu.dma_semaphore, #tpu.memory_space<semaphore_mem>>) src(%dma_wait3A_109 : memref<128xi32, #tpu.memory_space<hbm>>) dst(%arg7 : memref<128xi32, #tpu.memory_space<vmem>>)
      %dma_start3A_110 = arith.constant 0 : i32
      %dma_start3A_111 = arith.constant 0 : i32
      %dma_start3A_112 = tpu.memref_slice %arg11[%dma_start3A_110, %dma_start3A_111] : memref<10000x128xf32, #tpu.memory_space<vmem_shared>> -> memref<10000x128xf32, #tpu.memory_space<vmem_shared>>
      tpu.enqueue_indirect_dma source(%arg10 : memref<128x128xf32, #tpu.memory_space<vmem>>) target(%dma_start3A_112 : memref<10000x128xf32, #tpu.memory_space<vmem_shared>>) offsets(%arg7 : memref<128xi32, #tpu.memory_space<vmem>>) semaphore(%arg16 : memref<!tpu.dma_semaphore, #tpu.memory_space<semaphore_mem>>) {add = true}
      %add3A_113 = arith.constant 2 : i32
      %add3A_114 = arith.addi %add3A_100, %add3A_113 : i32
      %mul3A_115 = arith.constant 128 : i32
      %mul3A_116 = arith.muli %add3A_114, %mul3A_115 : i32
      %add3A_117 = arith.addi %mul3A_2, %mul3A_116 : i32
      %multiple_of3A_118 = tpu.assume_multiple %add3A_117, 8 : i32
      %dma_start3A_119 = tpu.memref_slice %arg3[%multiple_of3A_118] : memref<320000xi32, #tpu.memory_space<hbm>> -> memref<128xi32, #tpu.memory_space<hbm>>
      %dma_start3A_120 = tpu.memref_slice %arg3[%multiple_of3A_118] : memref<320000xi32, #tpu.memory_space<hbm>> -> memref<128xi32, #tpu.memory_space<hbm>>
      tpu.enqueue_dma source(%dma_start3A_120 : memref<128xi32, #tpu.memory_space<hbm>>) target(%arg5 : memref<128xi32, #tpu.memory_space<vmem>>) target_semaphore(%arg12 : memref<!tpu.dma_semaphore, #tpu.memory_space<semaphore_mem>>)
      %mul3A_121 = arith.constant 4 : i32
      %mul3A_122 = arith.muli %mul3A_121, %scan3A_94 : i32
      %add3A_123 = arith.constant 2 : i32
      %add3A_124 = arith.addi %mul3A_122, %add3A_123 : i32
      %add3A_125 = arith.constant 1 : i32
      %add3A_126 = arith.addi %add3A_124, %add3A_125 : i32
      %dma_wait3A_127 = arith.constant 0 : i32
      %dma_wait3A_128 = arith.constant 0 : i32
      %dma_wait3A_129 = tpu.memref_slice %arg11[%dma_wait3A_127, %dma_wait3A_128] : memref<10000x128xf32, #tpu.memory_space<vmem_shared>> -> memref<10000x128xf32, #tpu.memory_space<vmem_shared>>
      tpu.wait_indirect_dma semaphore(%arg17 : memref<!tpu.dma_semaphore, #tpu.memory_space<semaphore_mem>>) src(%arg10 : memref<128x128xf32, #tpu.memory_space<vmem>>) dst(%dma_wait3A_129 : memref<10000x128xf32, #tpu.memory_space<vmem_shared>>)
      %mul3A_130 = arith.constant 128 : i32
      %mul3A_131 = arith.muli %add3A_126, %mul3A_130 : i32
      %add3A_132 = arith.addi %mul3A_2, %mul3A_131 : i32
      %multiple_of3A_133 = tpu.assume_multiple %add3A_132, 8 : i32
      %dma_wait3A_134 = tpu.memref_slice %arg3[%multiple_of3A_133] : memref<320000xi32, #tpu.memory_space<hbm>> -> memref<128xi32, #tpu.memory_space<hbm>>
      %dma_wait3A_135 = tpu.memref_slice %arg3[%multiple_of3A_133] : memref<320000xi32, #tpu.memory_space<hbm>> -> memref<128xi32, #tpu.memory_space<hbm>>
      tpu.wait_dma2 semaphore(%arg15 : memref<!tpu.dma_semaphore, #tpu.memory_space<semaphore_mem>>) src(%dma_wait3A_135 : memref<128xi32, #tpu.memory_space<hbm>>) dst(%arg8 : memref<128xi32, #tpu.memory_space<vmem>>)
      %dma_start3A_136 = arith.constant 0 : i32
      %dma_start3A_137 = arith.constant 0 : i32
      %dma_start3A_138 = tpu.memref_slice %arg11[%dma_start3A_136, %dma_start3A_137] : memref<10000x128xf32, #tpu.memory_space<vmem_shared>> -> memref<10000x128xf32, #tpu.memory_space<vmem_shared>>
      tpu.enqueue_indirect_dma source(%arg10 : memref<128x128xf32, #tpu.memory_space<vmem>>) target(%dma_start3A_138 : memref<10000x128xf32, #tpu.memory_space<vmem_shared>>) offsets(%arg8 : memref<128xi32, #tpu.memory_space<vmem>>) semaphore(%arg17 : memref<!tpu.dma_semaphore, #tpu.memory_space<semaphore_mem>>) {add = true}
      %add3A_139 = arith.constant 2 : i32
      %add3A_140 = arith.addi %add3A_126, %add3A_139 : i32
      %mul3A_141 = arith.constant 128 : i32
      %mul3A_142 = arith.muli %add3A_140, %mul3A_141 : i32
      %add3A_143 = arith.addi %mul3A_2, %mul3A_142 : i32
      %multiple_of3A_144 = tpu.assume_multiple %add3A_143, 8 : i32
      %dma_start3A_145 = tpu.memref_slice %arg3[%multiple_of3A_144] : memref<320000xi32, #tpu.memory_space<hbm>> -> memref<128xi32, #tpu.memory_space<hbm>>
      %dma_start3A_146 = tpu.memref_slice %arg3[%multiple_of3A_144] : memref<320000xi32, #tpu.memory_space<hbm>> -> memref<128xi32, #tpu.memory_space<hbm>>
      tpu.enqueue_dma source(%dma_start3A_146 : memref<128xi32, #tpu.memory_space<hbm>>) target(%arg6 : memref<128xi32, #tpu.memory_space<vmem>>) target_semaphore(%arg13 : memref<!tpu.dma_semaphore, #tpu.memory_space<semaphore_mem>>)
      %mul3A_147 = arith.constant 4 : i32
      %mul3A_148 = arith.muli %mul3A_147, %scan3A_94 : i32
      %add3A_149 = arith.constant 2 : i32
      %add3A_150 = arith.addi %mul3A_148, %add3A_149 : i32
      %add3A_151 = arith.constant 2 : i32
      %add3A_152 = arith.addi %add3A_150, %add3A_151 : i32
      %dma_wait3A_153 = arith.constant 0 : i32
      %dma_wait3A_154 = arith.constant 0 : i32
      %dma_wait3A_155 = tpu.memref_slice %arg11[%dma_wait3A_153, %dma_wait3A_154] : memref<10000x128xf32, #tpu.memory_space<vmem_shared>> -> memref<10000x128xf32, #tpu.memory_space<vmem_shared>>
      tpu.wait_indirect_dma semaphore(%arg16 : memref<!tpu.dma_semaphore, #tpu.memory_space<semaphore_mem>>) src(%arg10 : memref<128x128xf32, #tpu.memory_space<vmem>>) dst(%dma_wait3A_155 : memref<10000x128xf32, #tpu.memory_space<vmem_shared>>)
      %mul3A_156 = arith.constant 128 : i32
      %mul3A_157 = arith.muli %add3A_152, %mul3A_156 : i32
      %add3A_158 = arith.addi %mul3A_2, %mul3A_157 : i32
      %multiple_of3A_159 = tpu.assume_multiple %add3A_158, 8 : i32
      %dma_wait3A_160 = tpu.memref_slice %arg3[%multiple_of3A_159] : memref<320000xi32, #tpu.memory_space<hbm>> -> memref<128xi32, #tpu.memory_space<hbm>>
      %dma_wait3A_161 = tpu.memref_slice %arg3[%multiple_of3A_159] : memref<320000xi32, #tpu.memory_space<hbm>> -> memref<128xi32, #tpu.memory_space<hbm>>
      tpu.wait_dma2 semaphore(%arg12 : memref<!tpu.dma_semaphore, #tpu.memory_space<semaphore_mem>>) src(%dma_wait3A_161 : memref<128xi32, #tpu.memory_space<hbm>>) dst(%arg5 : memref<128xi32, #tpu.memory_space<vmem>>)
      %dma_start3A_162 = arith.constant 0 : i32
      %dma_start3A_163 = arith.constant 0 : i32
      %dma_start3A_164 = tpu.memref_slice %arg11[%dma_start3A_162, %dma_start3A_163] : memref<10000x128xf32, #tpu.memory_space<vmem_shared>> -> memref<10000x128xf32, #tpu.memory_space<vmem_shared>>
      tpu.enqueue_indirect_dma source(%arg10 : memref<128x128xf32, #tpu.memory_space<vmem>>) target(%dma_start3A_164 : memref<10000x128xf32, #tpu.memory_space<vmem_shared>>) offsets(%arg5 : memref<128xi32, #tpu.memory_space<vmem>>) semaphore(%arg16 : memref<!tpu.dma_semaphore, #tpu.memory_space<semaphore_mem>>) {add = true}
      %add3A_165 = arith.constant 2 : i32
      %add3A_166 = arith.addi %add3A_152, %add3A_165 : i32
      %mul3A_167 = arith.constant 128 : i32
      %mul3A_168 = arith.muli %add3A_166, %mul3A_167 : i32
      %add3A_169 = arith.addi %mul3A_2, %mul3A_168 : i32
      %multiple_of3A_170 = tpu.assume_multiple %add3A_169, 8 : i32
      %dma_start3A_171 = tpu.memref_slice %arg3[%multiple_of3A_170] : memref<320000xi32, #tpu.memory_space<hbm>> -> memref<128xi32, #tpu.memory_space<hbm>>
      %dma_start3A_172 = tpu.memref_slice %arg3[%multiple_of3A_170] : memref<320000xi32, #tpu.memory_space<hbm>> -> memref<128xi32, #tpu.memory_space<hbm>>
      tpu.enqueue_dma source(%dma_start3A_172 : memref<128xi32, #tpu.memory_space<hbm>>) target(%arg7 : memref<128xi32, #tpu.memory_space<vmem>>) target_semaphore(%arg14 : memref<!tpu.dma_semaphore, #tpu.memory_space<semaphore_mem>>)
      %mul3A_173 = arith.constant 4 : i32
      %mul3A_174 = arith.muli %mul3A_173, %scan3A_94 : i32
      %add3A_175 = arith.constant 2 : i32
      %add3A_176 = arith.addi %mul3A_174, %add3A_175 : i32
      %add3A_177 = arith.constant 3 : i32
      %add3A_178 = arith.addi %add3A_176, %add3A_177 : i32
      %dma_wait3A_179 = arith.constant 0 : i32
      %dma_wait3A_180 = arith.constant 0 : i32
      %dma_wait3A_181 = tpu.memref_slice %arg11[%dma_wait3A_179, %dma_wait3A_180] : memref<10000x128xf32, #tpu.memory_space<vmem_shared>> -> memref<10000x128xf32, #tpu.memory_space<vmem_shared>>
      tpu.wait_indirect_dma semaphore(%arg17 : memref<!tpu.dma_semaphore, #tpu.memory_space<semaphore_mem>>) src(%arg10 : memref<128x128xf32, #tpu.memory_space<vmem>>) dst(%dma_wait3A_181 : memref<10000x128xf32, #tpu.memory_space<vmem_shared>>)
      %mul3A_182 = arith.constant 128 : i32
      %mul3A_183 = arith.muli %add3A_178, %mul3A_182 : i32
      %add3A_184 = arith.addi %mul3A_2, %mul3A_183 : i32
      %multiple_of3A_185 = tpu.assume_multiple %add3A_184, 8 : i32
      %dma_wait3A_186 = tpu.memref_slice %arg3[%multiple_of3A_185] : memref<320000xi32, #tpu.memory_space<hbm>> -> memref<128xi32, #tpu.memory_space<hbm>>
      %dma_wait3A_187 = tpu.memref_slice %arg3[%multiple_of3A_185] : memref<320000xi32, #tpu.memory_space<hbm>> -> memref<128xi32, #tpu.memory_space<hbm>>
      tpu.wait_dma2 semaphore(%arg13 : memref<!tpu.dma_semaphore, #tpu.memory_space<semaphore_mem>>) src(%dma_wait3A_187 : memref<128xi32, #tpu.memory_space<hbm>>) dst(%arg6 : memref<128xi32, #tpu.memory_space<vmem>>)
      %dma_start3A_188 = arith.constant 0 : i32
      %dma_start3A_189 = arith.constant 0 : i32
      %dma_start3A_190 = tpu.memref_slice %arg11[%dma_start3A_188, %dma_start3A_189] : memref<10000x128xf32, #tpu.memory_space<vmem_shared>> -> memref<10000x128xf32, #tpu.memory_space<vmem_shared>>
      tpu.enqueue_indirect_dma source(%arg10 : memref<128x128xf32, #tpu.memory_space<vmem>>) target(%dma_start3A_190 : memref<10000x128xf32, #tpu.memory_space<vmem_shared>>) offsets(%arg6 : memref<128xi32, #tpu.memory_space<vmem>>) semaphore(%arg17 : memref<!tpu.dma_semaphore, #tpu.memory_space<semaphore_mem>>) {add = true}
      %add3A_191 = arith.constant 2 : i32
      %add3A_192 = arith.addi %add3A_178, %add3A_191 : i32
      %mul3A_193 = arith.constant 128 : i32
      %mul3A_194 = arith.muli %add3A_192, %mul3A_193 : i32
      %add3A_195 = arith.addi %mul3A_2, %mul3A_194 : i32
      %multiple_of3A_196 = tpu.assume_multiple %add3A_195, 8 : i32
      %dma_start3A_197 = tpu.memref_slice %arg3[%multiple_of3A_196] : memref<320000xi32, #tpu.memory_space<hbm>> -> memref<128xi32, #tpu.memory_space<hbm>>
      %dma_start3A_198 = tpu.memref_slice %arg3[%multiple_of3A_196] : memref<320000xi32, #tpu.memory_space<hbm>> -> memref<128xi32, #tpu.memory_space<hbm>>
      tpu.enqueue_dma source(%dma_start3A_198 : memref<128xi32, #tpu.memory_space<hbm>>) target(%arg8 : memref<128xi32, #tpu.memory_space<vmem>>) target_semaphore(%arg15 : memref<!tpu.dma_semaphore, #tpu.memory_space<semaphore_mem>>)
    }
    %scan3A_30 = arith.constant 18 : i32
    %dma_wait3A = arith.constant 0 : i32
    %dma_wait3A_31 = arith.constant 0 : i32
    %dma_wait3A_32 = tpu.memref_slice %arg11[%dma_wait3A, %dma_wait3A_31] : memref<10000x128xf32, #tpu.memory_space<vmem_shared>> -> memref<10000x128xf32, #tpu.memory_space<vmem_shared>>
    tpu.wait_indirect_dma semaphore(%arg16 : memref<!tpu.dma_semaphore, #tpu.memory_space<semaphore_mem>>) src(%arg10 : memref<128x128xf32, #tpu.memory_space<vmem>>) dst(%dma_wait3A_32 : memref<10000x128xf32, #tpu.memory_space<vmem_shared>>)
    %add3A_33 = arith.constant 9472 : i32
    %add3A_34 = arith.addi %mul3A_2, %add3A_33 : i32
    %multiple_of3A_35 = tpu.assume_multiple %add3A_34, 8 : i32
    %dma_wait3A_36 = tpu.memref_slice %arg3[%multiple_of3A_35] : memref<320000xi32, #tpu.memory_space<hbm>> -> memref<128xi32, #tpu.memory_space<hbm>>
    %dma_wait3A_37 = tpu.memref_slice %arg3[%multiple_of3A_35] : memref<320000xi32, #tpu.memory_space<hbm>> -> memref<128xi32, #tpu.memory_space<hbm>>
    tpu.wait_dma2 semaphore(%arg14 : memref<!tpu.dma_semaphore, #tpu.memory_space<semaphore_mem>>) src(%dma_wait3A_37 : memref<128xi32, #tpu.memory_space<hbm>>) dst(%arg7 : memref<128xi32, #tpu.memory_space<vmem>>)
    %dma_start3A_38 = arith.constant 0 : i32
    %dma_start3A_39 = arith.constant 0 : i32
    %dma_start3A_40 = tpu.memref_slice %arg11[%dma_start3A_38, %dma_start3A_39] : memref<10000x128xf32, #tpu.memory_space<vmem_shared>> -> memref<10000x128xf32, #tpu.memory_space<vmem_shared>>
    tpu.enqueue_indirect_dma source(%arg10 : memref<128x128xf32, #tpu.memory_space<vmem>>) target(%dma_start3A_40 : memref<10000x128xf32, #tpu.memory_space<vmem_shared>>) offsets(%arg7 : memref<128xi32, #tpu.memory_space<vmem>>) semaphore(%arg16 : memref<!tpu.dma_semaphore, #tpu.memory_space<semaphore_mem>>) {add = true}
    %add3A_41 = arith.constant 9728 : i32
    %add3A_42 = arith.addi %mul3A_2, %add3A_41 : i32
    %multiple_of3A_43 = tpu.assume_multiple %add3A_42, 8 : i32
    %dma_start3A_44 = tpu.memref_slice %arg3[%multiple_of3A_43] : memref<320000xi32, #tpu.memory_space<hbm>> -> memref<128xi32, #tpu.memory_space<hbm>>
    %dma_start3A_45 = tpu.memref_slice %arg3[%multiple_of3A_43] : memref<320000xi32, #tpu.memory_space<hbm>> -> memref<128xi32, #tpu.memory_space<hbm>>
    tpu.enqueue_dma source(%dma_start3A_45 : memref<128xi32, #tpu.memory_space<hbm>>) target(%arg5 : memref<128xi32, #tpu.memory_space<vmem>>) target_semaphore(%arg12 : memref<!tpu.dma_semaphore, #tpu.memory_space<semaphore_mem>>)
    %dma_wait3A_46 = arith.constant 0 : i32
    %dma_wait3A_47 = arith.constant 0 : i32
    %dma_wait3A_48 = tpu.memref_slice %arg11[%dma_wait3A_46, %dma_wait3A_47] : memref<10000x128xf32, #tpu.memory_space<vmem_shared>> -> memref<10000x128xf32, #tpu.memory_space<vmem_shared>>
    tpu.wait_indirect_dma semaphore(%arg17 : memref<!tpu.dma_semaphore, #tpu.memory_space<semaphore_mem>>) src(%arg10 : memref<128x128xf32, #tpu.memory_space<vmem>>) dst(%dma_wait3A_48 : memref<10000x128xf32, #tpu.memory_space<vmem_shared>>)
    %add3A_49 = arith.constant 9600 : i32
    %add3A_50 = arith.addi %mul3A_2, %add3A_49 : i32
    %multiple_of3A_51 = tpu.assume_multiple %add3A_50, 8 : i32
    %dma_wait3A_52 = tpu.memref_slice %arg3[%multiple_of3A_51] : memref<320000xi32, #tpu.memory_space<hbm>> -> memref<128xi32, #tpu.memory_space<hbm>>
    %dma_wait3A_53 = tpu.memref_slice %arg3[%multiple_of3A_51] : memref<320000xi32, #tpu.memory_space<hbm>> -> memref<128xi32, #tpu.memory_space<hbm>>
    tpu.wait_dma2 semaphore(%arg15 : memref<!tpu.dma_semaphore, #tpu.memory_space<semaphore_mem>>) src(%dma_wait3A_53 : memref<128xi32, #tpu.memory_space<hbm>>) dst(%arg8 : memref<128xi32, #tpu.memory_space<vmem>>)
    %dma_start3A_54 = arith.constant 0 : i32
    %dma_start3A_55 = arith.constant 0 : i32
    %dma_start3A_56 = tpu.memref_slice %arg11[%dma_start3A_54, %dma_start3A_55] : memref<10000x128xf32, #tpu.memory_space<vmem_shared>> -> memref<10000x128xf32, #tpu.memory_space<vmem_shared>>
    tpu.enqueue_indirect_dma source(%arg10 : memref<128x128xf32, #tpu.memory_space<vmem>>) target(%dma_start3A_56 : memref<10000x128xf32, #tpu.memory_space<vmem_shared>>) offsets(%arg8 : memref<128xi32, #tpu.memory_space<vmem>>) semaphore(%arg17 : memref<!tpu.dma_semaphore, #tpu.memory_space<semaphore_mem>>) {add = true}
    %add3A_57 = arith.constant 9856 : i32
    %add3A_58 = arith.addi %mul3A_2, %add3A_57 : i32
    %multiple_of3A_59 = tpu.assume_multiple %add3A_58, 8 : i32
    %dma_start3A_60 = tpu.memref_slice %arg3[%multiple_of3A_59] : memref<320000xi32, #tpu.memory_space<hbm>> -> memref<128xi32, #tpu.memory_space<hbm>>
    %dma_start3A_61 = tpu.memref_slice %arg3[%multiple_of3A_59] : memref<320000xi32, #tpu.memory_space<hbm>> -> memref<128xi32, #tpu.memory_space<hbm>>
    tpu.enqueue_dma source(%dma_start3A_61 : memref<128xi32, #tpu.memory_space<hbm>>) target(%arg6 : memref<128xi32, #tpu.memory_space<vmem>>) target_semaphore(%arg13 : memref<!tpu.dma_semaphore, #tpu.memory_space<semaphore_mem>>)
    %dma_wait3A_62 = arith.constant 0 : i32
    %dma_wait3A_63 = arith.constant 0 : i32
    %dma_wait3A_64 = tpu.memref_slice %arg11[%dma_wait3A_62, %dma_wait3A_63] : memref<10000x128xf32, #tpu.memory_space<vmem_shared>> -> memref<10000x128xf32, #tpu.memory_space<vmem_shared>>
    tpu.wait_indirect_dma semaphore(%arg16 : memref<!tpu.dma_semaphore, #tpu.memory_space<semaphore_mem>>) src(%arg10 : memref<128x128xf32, #tpu.memory_space<vmem>>) dst(%dma_wait3A_64 : memref<10000x128xf32, #tpu.memory_space<vmem_shared>>)
    %add3A_65 = arith.constant 9728 : i32
    %add3A_66 = arith.addi %mul3A_2, %add3A_65 : i32
    %multiple_of3A_67 = tpu.assume_multiple %add3A_66, 8 : i32
    %dma_wait3A_68 = tpu.memref_slice %arg3[%multiple_of3A_67] : memref<320000xi32, #tpu.memory_space<hbm>> -> memref<128xi32, #tpu.memory_space<hbm>>
    %dma_wait3A_69 = tpu.memref_slice %arg3[%multiple_of3A_67] : memref<320000xi32, #tpu.memory_space<hbm>> -> memref<128xi32, #tpu.memory_space<hbm>>
    tpu.wait_dma2 semaphore(%arg12 : memref<!tpu.dma_semaphore, #tpu.memory_space<semaphore_mem>>) src(%dma_wait3A_69 : memref<128xi32, #tpu.memory_space<hbm>>) dst(%arg5 : memref<128xi32, #tpu.memory_space<vmem>>)
    %dma_start3A_70 = arith.constant 0 : i32
    %dma_start3A_71 = arith.constant 0 : i32
    %dma_start3A_72 = tpu.memref_slice %arg11[%dma_start3A_70, %dma_start3A_71] : memref<10000x128xf32, #tpu.memory_space<vmem_shared>> -> memref<10000x128xf32, #tpu.memory_space<vmem_shared>>
    tpu.enqueue_indirect_dma source(%arg10 : memref<128x128xf32, #tpu.memory_space<vmem>>) target(%dma_start3A_72 : memref<10000x128xf32, #tpu.memory_space<vmem_shared>>) offsets(%arg5 : memref<128xi32, #tpu.memory_space<vmem>>) semaphore(%arg16 : memref<!tpu.dma_semaphore, #tpu.memory_space<semaphore_mem>>) {add = true}
    %dma_wait3A_73 = arith.constant 0 : i32
    %dma_wait3A_74 = arith.constant 0 : i32
    %dma_wait3A_75 = tpu.memref_slice %arg11[%dma_wait3A_73, %dma_wait3A_74] : memref<10000x128xf32, #tpu.memory_space<vmem_shared>> -> memref<10000x128xf32, #tpu.memory_space<vmem_shared>>
    tpu.wait_indirect_dma semaphore(%arg17 : memref<!tpu.dma_semaphore, #tpu.memory_space<semaphore_mem>>) src(%arg10 : memref<128x128xf32, #tpu.memory_space<vmem>>) dst(%dma_wait3A_75 : memref<10000x128xf32, #tpu.memory_space<vmem_shared>>)
    %add3A_76 = arith.constant 9856 : i32
    %add3A_77 = arith.addi %mul3A_2, %add3A_76 : i32
    %multiple_of3A_78 = tpu.assume_multiple %add3A_77, 8 : i32
    %dma_wait3A_79 = tpu.memref_slice %arg3[%multiple_of3A_78] : memref<320000xi32, #tpu.memory_space<hbm>> -> memref<128xi32, #tpu.memory_space<hbm>>
    %dma_wait3A_80 = tpu.memref_slice %arg3[%multiple_of3A_78] : memref<320000xi32, #tpu.memory_space<hbm>> -> memref<128xi32, #tpu.memory_space<hbm>>
    tpu.wait_dma2 semaphore(%arg13 : memref<!tpu.dma_semaphore, #tpu.memory_space<semaphore_mem>>) src(%dma_wait3A_80 : memref<128xi32, #tpu.memory_space<hbm>>) dst(%arg6 : memref<128xi32, #tpu.memory_space<vmem>>)
    %dma_start3A_81 = arith.constant 0 : i32
    %dma_start3A_82 = arith.constant 0 : i32
    %dma_start3A_83 = tpu.memref_slice %arg11[%dma_start3A_81, %dma_start3A_82] : memref<10000x128xf32, #tpu.memory_space<vmem_shared>> -> memref<10000x128xf32, #tpu.memory_space<vmem_shared>>
    tpu.enqueue_indirect_dma source(%arg10 : memref<128x128xf32, #tpu.memory_space<vmem>>) target(%dma_start3A_83 : memref<10000x128xf32, #tpu.memory_space<vmem_shared>>) offsets(%arg6 : memref<128xi32, #tpu.memory_space<vmem>>) semaphore(%arg17 : memref<!tpu.dma_semaphore, #tpu.memory_space<semaphore_mem>>) {add = true}
    %dma_wait3A_84 = arith.constant 0 : i32
    %dma_wait3A_85 = arith.constant 0 : i32
    %dma_wait3A_86 = tpu.memref_slice %arg11[%dma_wait3A_84, %dma_wait3A_85] : memref<10000x128xf32, #tpu.memory_space<vmem_shared>> -> memref<10000x128xf32, #tpu.memory_space<vmem_shared>>
    tpu.wait_indirect_dma semaphore(%arg16 : memref<!tpu.dma_semaphore, #tpu.memory_space<semaphore_mem>>) src(%arg10 : memref<128x128xf32, #tpu.memory_space<vmem>>) dst(%dma_wait3A_86 : memref<10000x128xf32, #tpu.memory_space<vmem_shared>>)
    %dma_wait3A_87 = arith.constant 0 : i32
    %dma_wait3A_88 = arith.constant 0 : i32
    %dma_wait3A_89 = tpu.memref_slice %arg11[%dma_wait3A_87, %dma_wait3A_88] : memref<10000x128xf32, #tpu.memory_space<vmem_shared>> -> memref<10000x128xf32, #tpu.memory_space<vmem_shared>>
    tpu.wait_indirect_dma semaphore(%arg17 : memref<!tpu.dma_semaphore, #tpu.memory_space<semaphore_mem>>) src(%arg10 : memref<128x128xf32, #tpu.memory_space<vmem>>) dst(%dma_wait3A_89 : memref<10000x128xf32, #tpu.memory_space<vmem_shared>>)
    %add3A_90 = arith.constant 9984 : i32
    %add3A_91 = arith.addi %mul3A_2, %add3A_90 : i32
    %multiple_of3A_92 = tpu.assume_multiple %add3A_91, 8 : i32
    "tpu.region"() ({
      %run_scoped3A = tpu.sem_alloc : memref<!tpu.dma_semaphore, #tpu.memory_space<semaphore_mem>>
      %dma_start3A_94 = tpu.memref_slice %arg3[%multiple_of3A_92] : memref<320000xi32, #tpu.memory_space<hbm>> -> memref<16xi32, #tpu.memory_space<hbm>>
      %dma_start3A_95 = tpu.memref_slice %arg3[%multiple_of3A_92] : memref<320000xi32, #tpu.memory_space<hbm>> -> memref<16xi32, #tpu.memory_space<hbm>>
      tpu.enqueue_dma source(%dma_start3A_95 : memref<16xi32, #tpu.memory_space<hbm>>) target(%arg9 : memref<16xi32, #tpu.memory_space<vmem>>) target_semaphore(%run_scoped3A : memref<!tpu.dma_semaphore, #tpu.memory_space<semaphore_mem>>)
      %dma_wait3A_96 = tpu.memref_slice %arg3[%multiple_of3A_92] : memref<320000xi32, #tpu.memory_space<hbm>> -> memref<16xi32, #tpu.memory_space<hbm>>
      %dma_wait3A_97 = tpu.memref_slice %arg3[%multiple_of3A_92] : memref<320000xi32, #tpu.memory_space<hbm>> -> memref<16xi32, #tpu.memory_space<hbm>>
      tpu.wait_dma2 semaphore(%run_scoped3A : memref<!tpu.dma_semaphore, #tpu.memory_space<semaphore_mem>>) src(%dma_wait3A_97 : memref<16xi32, #tpu.memory_space<hbm>>) dst(%arg9 : memref<16xi32, #tpu.memory_space<vmem>>)
      tpu.yield
    }) : () -> ()
    "tpu.region"() ({
      %run_scoped3A = tpu.sem_alloc : memref<!tpu.dma_semaphore, #tpu.memory_space<semaphore_mem>>
      %dma_start3A_94 = arith.constant 0 : i32
      %dma_start3A_95 = arith.constant 0 : i32
      %dma_start3A_96 = tpu.memref_slice %arg10[%dma_start3A_94, %dma_start3A_95] : memref<128x128xf32, #tpu.memory_space<vmem>> -> memref<16x128xf32, #tpu.memory_space<vmem>>
      %dma_start3A_97 = arith.constant 0 : i32
      %dma_start3A_98 = arith.constant 0 : i32
      %dma_start3A_99 = tpu.memref_slice %arg11[%dma_start3A_97, %dma_start3A_98] : memref<10000x128xf32, #tpu.memory_space<vmem_shared>> -> memref<10000x128xf32, #tpu.memory_space<vmem_shared>>
      tpu.enqueue_indirect_dma source(%dma_start3A_96 : memref<16x128xf32, #tpu.memory_space<vmem>>) target(%dma_start3A_99 : memref<10000x128xf32, #tpu.memory_space<vmem_shared>>) offsets(%arg9 : memref<16xi32, #tpu.memory_space<vmem>>) semaphore(%run_scoped3A : memref<!tpu.dma_semaphore, #tpu.memory_space<semaphore_mem>>) {add = true}
      %dma_wait3A_100 = arith.constant 0 : i32
      %dma_wait3A_101 = arith.constant 0 : i32
      %dma_wait3A_102 = tpu.memref_slice %arg10[%dma_wait3A_100, %dma_wait3A_101] : memref<128x128xf32, #tpu.memory_space<vmem>> -> memref<16x128xf32, #tpu.memory_space<vmem>>
      %dma_wait3A_103 = arith.constant 0 : i32
      %dma_wait3A_104 = arith.constant 0 : i32
      %dma_wait3A_105 = tpu.memref_slice %arg11[%dma_wait3A_103, %dma_wait3A_104] : memref<10000x128xf32, #tpu.memory_space<vmem_shared>> -> memref<10000x128xf32, #tpu.memory_space<vmem_shared>>
      tpu.wait_indirect_dma semaphore(%run_scoped3A : memref<!tpu.dma_semaphore, #tpu.memory_space<semaphore_mem>>) src(%dma_wait3A_102 : memref<16x128xf32, #tpu.memory_space<vmem>>) dst(%dma_wait3A_105 : memref<10000x128xf32, #tpu.memory_space<vmem_shared>>)
      tpu.yield
    }) : () -> ()
    %barrier3A_93 = arith.constant 0 : index
    tpu.barrier barrier_id(%barrier3A_93)
    "tpu.region"() ({
      %run_scoped3A = tpu.sem_alloc : memref<!tpu.dma_semaphore, #tpu.memory_space<semaphore_mem>>
      %dma_start3A_94 = arith.constant 0 : i32
      %dma_start3A_95 = tpu.memref_slice %arg4[%arg0, %multiple_of3A, %dma_start3A_94] : memref<2x10000x128xf32, #tpu.memory_space<hbm>> -> memref<1x640x128xf32, #tpu.memory_space<hbm>>
      %dma_start3A_96 = tpu.memref_squeeze %dma_start3A_95 : memref<1x640x128xf32, #tpu.memory_space<hbm>> -> memref<640x128xf32, #tpu.memory_space<hbm>>
      %dma_start3A_97 = arith.constant 0 : i32
      %dma_start3A_98 = tpu.memref_slice %arg11[%multiple_of3A, %dma_start3A_97] : memref<10000x128xf32, #tpu.memory_space<vmem_shared>> -> memref<640x128xf32, #tpu.memory_space<vmem_shared>>
      tpu.enqueue_dma source(%dma_start3A_98 : memref<640x128xf32, #tpu.memory_space<vmem_shared>>) target(%dma_start3A_96 : memref<640x128xf32, #tpu.memory_space<hbm>>) target_semaphore(%run_scoped3A : memref<!tpu.dma_semaphore, #tpu.memory_space<semaphore_mem>>)
      %dma_wait3A_99 = arith.constant 0 : i32
      %dma_wait3A_100 = tpu.memref_slice %arg4[%arg0, %multiple_of3A, %dma_wait3A_99] : memref<2x10000x128xf32, #tpu.memory_space<hbm>> -> memref<1x640x128xf32, #tpu.memory_space<hbm>>
      %dma_wait3A_101 = tpu.memref_squeeze %dma_wait3A_100 : memref<1x640x128xf32, #tpu.memory_space<hbm>> -> memref<640x128xf32, #tpu.memory_space<hbm>>
      %dma_wait3A_102 = arith.constant 0 : i32
      %dma_wait3A_103 = tpu.memref_slice %arg11[%multiple_of3A, %dma_wait3A_102] : memref<10000x128xf32, #tpu.memory_space<vmem_shared>> -> memref<640x128xf32, #tpu.memory_space<vmem_shared>>
      tpu.wait_dma2 semaphore(%run_scoped3A : memref<!tpu.dma_semaphore, #tpu.memory_space<semaphore_mem>>) src(%dma_wait3A_103 : memref<640x128xf32, #tpu.memory_space<vmem_shared>>) dst(%dma_wait3A_101 : memref<640x128xf32, #tpu.memory_space<hbm>>)
      tpu.yield
    }) : () -> ()
    return
  }
}

#map = affine_map<(d0, d1) -> (0, 0)>
#map1 = affine_map<(d0, d1) -> (0)>
#map2 = affine_map<(d0, d1) -> (0, 0, 0)>
module attributes {stable_mosaic.version = 14 : i64} {
  func.func @_scat_body(%arg0: i32, %arg1: i32, %arg2: memref<10000x128xf32, #tpu.memory_space<hbm>>, %arg3: memref<320000xi32, #tpu.memory_space<hbm>>, %arg4: memref<320000xi32, #tpu.memory_space<hbm>>, %arg5: memref<2x10000x128xf32, #tpu.memory_space<hbm>>, %arg6: memref<128xi32, #tpu.memory_space<vmem>>, %arg7: memref<128xi32, #tpu.memory_space<vmem>>, %arg8: memref<128xi32, #tpu.memory_space<vmem>>, %arg9: memref<128xi32, #tpu.memory_space<vmem>>, %arg10: memref<128xi32, #tpu.memory_space<vmem>>, %arg11: memref<128xi32, #tpu.memory_space<vmem>>, %arg12: memref<128xi32, #tpu.memory_space<vmem>>, %arg13: memref<128xi32, #tpu.memory_space<vmem>>, %arg14: memref<16xi32, #tpu.memory_space<vmem>>, %arg15: memref<16xi32, #tpu.memory_space<vmem>>, %arg16: memref<128x128xf32, #tpu.memory_space<vmem>>, %arg17: memref<128x128xf32, #tpu.memory_space<vmem>>, %arg18: memref<16x128xf32, #tpu.memory_space<vmem>>, %arg19: memref<10000x128xf32, #tpu.memory_space<vmem_shared>>, %arg20: memref<!tpu.dma_semaphore, #tpu.memory_space<semaphore_mem>>, %arg21: memref<!tpu.dma_semaphore, #tpu.memory_space<semaphore_mem>>, %arg22: memref<!tpu.dma_semaphore, #tpu.memory_space<semaphore_mem>>, %arg23: memref<!tpu.dma_semaphore, #tpu.memory_space<semaphore_mem>>, %arg24: memref<!tpu.dma_semaphore, #tpu.memory_space<semaphore_mem>>, %arg25: memref<!tpu.dma_semaphore, #tpu.memory_space<semaphore_mem>>, %arg26: memref<!tpu.dma_semaphore, #tpu.memory_space<semaphore_mem>>, %arg27: memref<!tpu.dma_semaphore, #tpu.memory_space<semaphore_mem>>, %arg28: memref<!tpu.dma_semaphore, #tpu.memory_space<semaphore_mem>>) attributes {dimension_semantics = [#tpu.dimension_semantics<core_parallel>, #tpu.dimension_semantics<subcore_parallel>], iteration_bounds = array<i64: 2, 16>, scalar_prefetch = 0 : i64, scratch_operands = 23 : i64, tpu.core_type = #tpu.core_type<sc_vector_subcore>, window_params = [{transform_indices = #map}, {transform_indices = #map1}, {transform_indices = #map1}, {transform_indices = #map2}]} {
    %mul3A = arith.constant 16 : i32
    %mul3A_0 = arith.muli %arg0, %mul3A : i32
    %add3A = arith.addi %mul3A_0, %arg1 : i32
    %mul3A_1 = arith.constant 10000 : i32
    %mul3A_2 = arith.muli %add3A, %mul3A_1 : i32
    %add3A_3 = arith.constant 0 : i32
    %add3A_4 = arith.addi %mul3A_2, %add3A_3 : i32
    %multiple_of3A = tpu.assume_multiple %add3A_4, 8 : i32
    "tpu.region"() ({
      %run_scoped3A = tpu.sem_alloc : memref<!tpu.dma_semaphore, #tpu.memory_space<semaphore_mem>>
      %dma_start3A_190 = tpu.memref_slice %arg3[%multiple_of3A] : memref<320000xi32, #tpu.memory_space<hbm>> -> memref<128xi32, #tpu.memory_space<hbm>>
      %dma_start3A_191 = tpu.memref_slice %arg3[%multiple_of3A] : memref<320000xi32, #tpu.memory_space<hbm>> -> memref<128xi32, #tpu.memory_space<hbm>>
      tpu.enqueue_dma source(%dma_start3A_191 : memref<128xi32, #tpu.memory_space<hbm>>) target(%arg6 : memref<128xi32, #tpu.memory_space<vmem>>) target_semaphore(%run_scoped3A : memref<!tpu.dma_semaphore, #tpu.memory_space<semaphore_mem>>)
      %dma_wait3A_192 = tpu.memref_slice %arg3[%multiple_of3A] : memref<320000xi32, #tpu.memory_space<hbm>> -> memref<128xi32, #tpu.memory_space<hbm>>
      %dma_wait3A_193 = tpu.memref_slice %arg3[%multiple_of3A] : memref<320000xi32, #tpu.memory_space<hbm>> -> memref<128xi32, #tpu.memory_space<hbm>>
      tpu.wait_dma2 semaphore(%run_scoped3A : memref<!tpu.dma_semaphore, #tpu.memory_space<semaphore_mem>>) src(%dma_wait3A_193 : memref<128xi32, #tpu.memory_space<hbm>>) dst(%arg6 : memref<128xi32, #tpu.memory_space<vmem>>)
      tpu.yield
    }) : () -> ()
    %add3A_5 = arith.constant 0 : i32
    %add3A_6 = arith.addi %mul3A_2, %add3A_5 : i32
    %multiple_of3A_7 = tpu.assume_multiple %add3A_6, 8 : i32
    "tpu.region"() ({
      %run_scoped3A = tpu.sem_alloc : memref<!tpu.dma_semaphore, #tpu.memory_space<semaphore_mem>>
      %dma_start3A_190 = tpu.memref_slice %arg4[%multiple_of3A_7] : memref<320000xi32, #tpu.memory_space<hbm>> -> memref<128xi32, #tpu.memory_space<hbm>>
      %dma_start3A_191 = tpu.memref_slice %arg4[%multiple_of3A_7] : memref<320000xi32, #tpu.memory_space<hbm>> -> memref<128xi32, #tpu.memory_space<hbm>>
      tpu.enqueue_dma source(%dma_start3A_191 : memref<128xi32, #tpu.memory_space<hbm>>) target(%arg10 : memref<128xi32, #tpu.memory_space<vmem>>) target_semaphore(%run_scoped3A : memref<!tpu.dma_semaphore, #tpu.memory_space<semaphore_mem>>)
      %dma_wait3A_192 = tpu.memref_slice %arg4[%multiple_of3A_7] : memref<320000xi32, #tpu.memory_space<hbm>> -> memref<128xi32, #tpu.memory_space<hbm>>
      %dma_wait3A_193 = tpu.memref_slice %arg4[%multiple_of3A_7] : memref<320000xi32, #tpu.memory_space<hbm>> -> memref<128xi32, #tpu.memory_space<hbm>>
      tpu.wait_dma2 semaphore(%run_scoped3A : memref<!tpu.dma_semaphore, #tpu.memory_space<semaphore_mem>>) src(%dma_wait3A_193 : memref<128xi32, #tpu.memory_space<hbm>>) dst(%arg10 : memref<128xi32, #tpu.memory_space<vmem>>)
      tpu.yield
    }) : () -> ()
    %add3A_8 = arith.constant 128 : i32
    %add3A_9 = arith.addi %mul3A_2, %add3A_8 : i32
    %multiple_of3A_10 = tpu.assume_multiple %add3A_9, 8 : i32
    "tpu.region"() ({
      %run_scoped3A = tpu.sem_alloc : memref<!tpu.dma_semaphore, #tpu.memory_space<semaphore_mem>>
      %dma_start3A_190 = tpu.memref_slice %arg3[%multiple_of3A_10] : memref<320000xi32, #tpu.memory_space<hbm>> -> memref<128xi32, #tpu.memory_space<hbm>>
      %dma_start3A_191 = tpu.memref_slice %arg3[%multiple_of3A_10] : memref<320000xi32, #tpu.memory_space<hbm>> -> memref<128xi32, #tpu.memory_space<hbm>>
      tpu.enqueue_dma source(%dma_start3A_191 : memref<128xi32, #tpu.memory_space<hbm>>) target(%arg7 : memref<128xi32, #tpu.memory_space<vmem>>) target_semaphore(%run_scoped3A : memref<!tpu.dma_semaphore, #tpu.memory_space<semaphore_mem>>)
      %dma_wait3A_192 = tpu.memref_slice %arg3[%multiple_of3A_10] : memref<320000xi32, #tpu.memory_space<hbm>> -> memref<128xi32, #tpu.memory_space<hbm>>
      %dma_wait3A_193 = tpu.memref_slice %arg3[%multiple_of3A_10] : memref<320000xi32, #tpu.memory_space<hbm>> -> memref<128xi32, #tpu.memory_space<hbm>>
      tpu.wait_dma2 semaphore(%run_scoped3A : memref<!tpu.dma_semaphore, #tpu.memory_space<semaphore_mem>>) src(%dma_wait3A_193 : memref<128xi32, #tpu.memory_space<hbm>>) dst(%arg7 : memref<128xi32, #tpu.memory_space<vmem>>)
      tpu.yield
    }) : () -> ()
    %add3A_11 = arith.constant 128 : i32
    %add3A_12 = arith.addi %mul3A_2, %add3A_11 : i32
    %multiple_of3A_13 = tpu.assume_multiple %add3A_12, 8 : i32
    "tpu.region"() ({
      %run_scoped3A = tpu.sem_alloc : memref<!tpu.dma_semaphore, #tpu.memory_space<semaphore_mem>>
      %dma_start3A_190 = tpu.memref_slice %arg4[%multiple_of3A_13] : memref<320000xi32, #tpu.memory_space<hbm>> -> memref<128xi32, #tpu.memory_space<hbm>>
      %dma_start3A_191 = tpu.memref_slice %arg4[%multiple_of3A_13] : memref<320000xi32, #tpu.memory_space<hbm>> -> memref<128xi32, #tpu.memory_space<hbm>>
      tpu.enqueue_dma source(%dma_start3A_191 : memref<128xi32, #tpu.memory_space<hbm>>) target(%arg11 : memref<128xi32, #tpu.memory_space<vmem>>) target_semaphore(%run_scoped3A : memref<!tpu.dma_semaphore, #tpu.memory_space<semaphore_mem>>)
      %dma_wait3A_192 = tpu.memref_slice %arg4[%multiple_of3A_13] : memref<320000xi32, #tpu.memory_space<hbm>> -> memref<128xi32, #tpu.memory_space<hbm>>
      %dma_wait3A_193 = tpu.memref_slice %arg4[%multiple_of3A_13] : memref<320000xi32, #tpu.memory_space<hbm>> -> memref<128xi32, #tpu.memory_space<hbm>>
      tpu.wait_dma2 semaphore(%run_scoped3A : memref<!tpu.dma_semaphore, #tpu.memory_space<semaphore_mem>>) src(%dma_wait3A_193 : memref<128xi32, #tpu.memory_space<hbm>>) dst(%arg11 : memref<128xi32, #tpu.memory_space<vmem>>)
      tpu.yield
    }) : () -> ()
    %add3A_14 = arith.constant 256 : i32
    %add3A_15 = arith.addi %mul3A_2, %add3A_14 : i32
    %multiple_of3A_16 = tpu.assume_multiple %add3A_15, 8 : i32
    %dma_start3A = tpu.memref_slice %arg3[%multiple_of3A_16] : memref<320000xi32, #tpu.memory_space<hbm>> -> memref<128xi32, #tpu.memory_space<hbm>>
    %dma_start3A_17 = tpu.memref_slice %arg3[%multiple_of3A_16] : memref<320000xi32, #tpu.memory_space<hbm>> -> memref<128xi32, #tpu.memory_space<hbm>>
    tpu.enqueue_dma source(%dma_start3A_17 : memref<128xi32, #tpu.memory_space<hbm>>) target(%arg8 : memref<128xi32, #tpu.memory_space<vmem>>) target_semaphore(%arg22 : memref<!tpu.dma_semaphore, #tpu.memory_space<semaphore_mem>>)
    %add3A_18 = arith.constant 256 : i32
    %add3A_19 = arith.addi %mul3A_2, %add3A_18 : i32
    %multiple_of3A_20 = tpu.assume_multiple %add3A_19, 8 : i32
    %dma_start3A_21 = tpu.memref_slice %arg4[%multiple_of3A_20] : memref<320000xi32, #tpu.memory_space<hbm>> -> memref<128xi32, #tpu.memory_space<hbm>>
    %dma_start3A_22 = tpu.memref_slice %arg4[%multiple_of3A_20] : memref<320000xi32, #tpu.memory_space<hbm>> -> memref<128xi32, #tpu.memory_space<hbm>>
    tpu.enqueue_dma source(%dma_start3A_22 : memref<128xi32, #tpu.memory_space<hbm>>) target(%arg12 : memref<128xi32, #tpu.memory_space<vmem>>) target_semaphore(%arg22 : memref<!tpu.dma_semaphore, #tpu.memory_space<semaphore_mem>>)
    %add3A_23 = arith.constant 384 : i32
    %add3A_24 = arith.addi %mul3A_2, %add3A_23 : i32
    %multiple_of3A_25 = tpu.assume_multiple %add3A_24, 8 : i32
    %dma_start3A_26 = tpu.memref_slice %arg3[%multiple_of3A_25] : memref<320000xi32, #tpu.memory_space<hbm>> -> memref<128xi32, #tpu.memory_space<hbm>>
    %dma_start3A_27 = tpu.memref_slice %arg3[%multiple_of3A_25] : memref<320000xi32, #tpu.memory_space<hbm>> -> memref<128xi32, #tpu.memory_space<hbm>>
    tpu.enqueue_dma source(%dma_start3A_27 : memref<128xi32, #tpu.memory_space<hbm>>) target(%arg9 : memref<128xi32, #tpu.memory_space<vmem>>) target_semaphore(%arg23 : memref<!tpu.dma_semaphore, #tpu.memory_space<semaphore_mem>>)
    %add3A_28 = arith.constant 384 : i32
    %add3A_29 = arith.addi %mul3A_2, %add3A_28 : i32
    %multiple_of3A_30 = tpu.assume_multiple %add3A_29, 8 : i32
    %dma_start3A_31 = tpu.memref_slice %arg4[%multiple_of3A_30] : memref<320000xi32, #tpu.memory_space<hbm>> -> memref<128xi32, #tpu.memory_space<hbm>>
    %dma_start3A_32 = tpu.memref_slice %arg4[%multiple_of3A_30] : memref<320000xi32, #tpu.memory_space<hbm>> -> memref<128xi32, #tpu.memory_space<hbm>>
    tpu.enqueue_dma source(%dma_start3A_32 : memref<128xi32, #tpu.memory_space<hbm>>) target(%arg13 : memref<128xi32, #tpu.memory_space<vmem>>) target_semaphore(%arg23 : memref<!tpu.dma_semaphore, #tpu.memory_space<semaphore_mem>>)
    %add3A_33 = arith.constant 9984 : i32
    %add3A_34 = arith.addi %mul3A_2, %add3A_33 : i32
    %multiple_of3A_35 = tpu.assume_multiple %add3A_34, 8 : i32
    %dma_start3A_36 = tpu.memref_slice %arg3[%multiple_of3A_35] : memref<320000xi32, #tpu.memory_space<hbm>> -> memref<16xi32, #tpu.memory_space<hbm>>
    %dma_start3A_37 = tpu.memref_slice %arg3[%multiple_of3A_35] : memref<320000xi32, #tpu.memory_space<hbm>> -> memref<16xi32, #tpu.memory_space<hbm>>
    tpu.enqueue_dma source(%dma_start3A_37 : memref<16xi32, #tpu.memory_space<hbm>>) target(%arg14 : memref<16xi32, #tpu.memory_space<vmem>>) target_semaphore(%arg28 : memref<!tpu.dma_semaphore, #tpu.memory_space<semaphore_mem>>)
    %dma_start3A_38 = tpu.memref_slice %arg4[%multiple_of3A_35] : memref<320000xi32, #tpu.memory_space<hbm>> -> memref<16xi32, #tpu.memory_space<hbm>>
    %dma_start3A_39 = tpu.memref_slice %arg4[%multiple_of3A_35] : memref<320000xi32, #tpu.memory_space<hbm>> -> memref<16xi32, #tpu.memory_space<hbm>>
    tpu.enqueue_dma source(%dma_start3A_39 : memref<16xi32, #tpu.memory_space<hbm>>) target(%arg15 : memref<16xi32, #tpu.memory_space<vmem>>) target_semaphore(%arg28 : memref<!tpu.dma_semaphore, #tpu.memory_space<semaphore_mem>>)
    %dma_start3A_40 = arith.constant 0 : i32
    %dma_start3A_41 = arith.constant 0 : i32
    %dma_start3A_42 = tpu.memref_slice %arg2[%dma_start3A_40, %dma_start3A_41] : memref<10000x128xf32, #tpu.memory_space<hbm>> -> memref<10000x128xf32, #tpu.memory_space<hbm>>
    tpu.enqueue_indirect_dma source(%dma_start3A_42 : memref<10000x128xf32, #tpu.memory_space<hbm>>) target(%arg16 : memref<128x128xf32, #tpu.memory_space<vmem>>) offsets(%arg6 : memref<128xi32, #tpu.memory_space<vmem>>) semaphore(%arg24 : memref<!tpu.dma_semaphore, #tpu.memory_space<semaphore_mem>>)
    %mul3A_43 = arith.constant 624 : i32
    %mul3A_44 = arith.muli %arg1, %mul3A_43 : i32
    %multiple_of3A_45 = tpu.assume_multiple %mul3A_44, 8 : i32
    "tpu.region"() ({
      %run_scoped3A = tpu.sem_alloc : memref<!tpu.dma_semaphore, #tpu.memory_space<semaphore_mem>>
      %dma_start3A_190 = arith.constant 0 : i32
      %dma_start3A_191 = tpu.memref_slice %arg19[%multiple_of3A_45, %dma_start3A_190] : memref<10000x128xf32, #tpu.memory_space<vmem_shared>> -> memref<640x128xf32, #tpu.memory_space<vmem_shared>>
      %dma_start3A_192 = arith.constant 0 : i32
      %dma_start3A_193 = tpu.memref_slice %arg2[%multiple_of3A_45, %dma_start3A_192] : memref<10000x128xf32, #tpu.memory_space<hbm>> -> memref<640x128xf32, #tpu.memory_space<hbm>>
      tpu.enqueue_dma source(%dma_start3A_193 : memref<640x128xf32, #tpu.memory_space<hbm>>) target(%dma_start3A_191 : memref<640x128xf32, #tpu.memory_space<vmem_shared>>) target_semaphore(%run_scoped3A : memref<!tpu.dma_semaphore, #tpu.memory_space<semaphore_mem>>)
      %dma_wait3A_194 = arith.constant 0 : i32
      %dma_wait3A_195 = tpu.memref_slice %arg19[%multiple_of3A_45, %dma_wait3A_194] : memref<10000x128xf32, #tpu.memory_space<vmem_shared>> -> memref<640x128xf32, #tpu.memory_space<vmem_shared>>
      %dma_wait3A_196 = arith.constant 0 : i32
      %dma_wait3A_197 = tpu.memref_slice %arg2[%multiple_of3A_45, %dma_wait3A_196] : memref<10000x128xf32, #tpu.memory_space<hbm>> -> memref<640x128xf32, #tpu.memory_space<hbm>>
      tpu.wait_dma2 semaphore(%run_scoped3A : memref<!tpu.dma_semaphore, #tpu.memory_space<semaphore_mem>>) src(%dma_wait3A_197 : memref<640x128xf32, #tpu.memory_space<hbm>>) dst(%dma_wait3A_195 : memref<640x128xf32, #tpu.memory_space<vmem_shared>>)
      tpu.yield
    }) : () -> ()
    %barrier3A = arith.constant 0 : index
    tpu.barrier barrier_id(%barrier3A)
    %dma_start3A_46 = arith.constant 0 : i32
    %dma_start3A_47 = arith.constant 0 : i32
    %dma_start3A_48 = tpu.memref_slice %arg2[%dma_start3A_46, %dma_start3A_47] : memref<10000x128xf32, #tpu.memory_space<hbm>> -> memref<10000x128xf32, #tpu.memory_space<hbm>>
    tpu.enqueue_indirect_dma source(%dma_start3A_48 : memref<10000x128xf32, #tpu.memory_space<hbm>>) target(%arg17 : memref<128x128xf32, #tpu.memory_space<vmem>>) offsets(%arg7 : memref<128xi32, #tpu.memory_space<vmem>>) semaphore(%arg25 : memref<!tpu.dma_semaphore, #tpu.memory_space<semaphore_mem>>)
    %dma_wait3A = arith.constant 0 : i32
    %dma_wait3A_49 = arith.constant 0 : i32
    %dma_wait3A_50 = tpu.memref_slice %arg2[%dma_wait3A, %dma_wait3A_49] : memref<10000x128xf32, #tpu.memory_space<hbm>> -> memref<10000x128xf32, #tpu.memory_space<hbm>>
    tpu.wait_indirect_dma semaphore(%arg24 : memref<!tpu.dma_semaphore, #tpu.memory_space<semaphore_mem>>) src(%dma_wait3A_50 : memref<10000x128xf32, #tpu.memory_space<hbm>>) dst(%arg16 : memref<128x128xf32, #tpu.memory_space<vmem>>)
    %dma_start3A_51 = arith.constant 0 : i32
    %dma_start3A_52 = arith.constant 0 : i32
    %dma_start3A_53 = tpu.memref_slice %arg19[%dma_start3A_51, %dma_start3A_52] : memref<10000x128xf32, #tpu.memory_space<vmem_shared>> -> memref<10000x128xf32, #tpu.memory_space<vmem_shared>>
    tpu.enqueue_indirect_dma source(%arg16 : memref<128x128xf32, #tpu.memory_space<vmem>>) target(%dma_start3A_53 : memref<10000x128xf32, #tpu.memory_space<vmem_shared>>) offsets(%arg10 : memref<128xi32, #tpu.memory_space<vmem>>) semaphore(%arg26 : memref<!tpu.dma_semaphore, #tpu.memory_space<semaphore_mem>>) {add = true}
    %scan3A = arith.constant 0 : i32
    %scan3A_54 = arith.constant 0 : i32
    %scan3A_55 = arith.constant 18 : i32
    %scan3A_56 = arith.addi %scan3A_54, %scan3A_55 : i32
    %scan3A_57 = arith.constant 1 : i32
    scf.for %scan3A_190 = %scan3A_54 to %scan3A_56 step %scan3A_57  : i32 {
      %mul3A_191 = arith.constant 4 : i32
      %mul3A_192 = arith.muli %mul3A_191, %scan3A_190 : i32
      %add3A_193 = arith.constant 2 : i32
      %add3A_194 = arith.addi %mul3A_192, %add3A_193 : i32
      %add3A_195 = arith.constant 0 : i32
      %add3A_196 = arith.addi %add3A_194, %add3A_195 : i32
      %dma_wait3A_197 = arith.constant 0 : i32
      %dma_wait3A_198 = arith.constant 0 : i32
      %dma_wait3A_199 = tpu.memref_slice %arg19[%dma_wait3A_197, %dma_wait3A_198] : memref<10000x128xf32, #tpu.memory_space<vmem_shared>> -> memref<10000x128xf32, #tpu.memory_space<vmem_shared>>
      tpu.wait_indirect_dma semaphore(%arg26 : memref<!tpu.dma_semaphore, #tpu.memory_space<semaphore_mem>>) src(%arg16 : memref<128x128xf32, #tpu.memory_space<vmem>>) dst(%dma_wait3A_199 : memref<10000x128xf32, #tpu.memory_space<vmem_shared>>)
      %mul3A_200 = arith.constant 128 : i32
      %mul3A_201 = arith.muli %add3A_196, %mul3A_200 : i32
      %add3A_202 = arith.addi %mul3A_2, %mul3A_201 : i32
      %multiple_of3A_203 = tpu.assume_multiple %add3A_202, 8 : i32
      %dma_wait3A_204 = tpu.memref_slice %arg3[%multiple_of3A_203] : memref<320000xi32, #tpu.memory_space<hbm>> -> memref<128xi32, #tpu.memory_space<hbm>>
      %dma_wait3A_205 = tpu.memref_slice %arg3[%multiple_of3A_203] : memref<320000xi32, #tpu.memory_space<hbm>> -> memref<128xi32, #tpu.memory_space<hbm>>
      tpu.wait_dma2 semaphore(%arg22 : memref<!tpu.dma_semaphore, #tpu.memory_space<semaphore_mem>>) src(%dma_wait3A_205 : memref<128xi32, #tpu.memory_space<hbm>>) dst(%arg8 : memref<128xi32, #tpu.memory_space<vmem>>)
      %mul3A_206 = arith.constant 128 : i32
      %mul3A_207 = arith.muli %add3A_196, %mul3A_206 : i32
      %add3A_208 = arith.addi %mul3A_2, %mul3A_207 : i32
      %multiple_of3A_209 = tpu.assume_multiple %add3A_208, 8 : i32
      %dma_wait3A_210 = tpu.memref_slice %arg4[%multiple_of3A_209] : memref<320000xi32, #tpu.memory_space<hbm>> -> memref<128xi32, #tpu.memory_space<hbm>>
      %dma_wait3A_211 = tpu.memref_slice %arg4[%multiple_of3A_209] : memref<320000xi32, #tpu.memory_space<hbm>> -> memref<128xi32, #tpu.memory_space<hbm>>
      tpu.wait_dma2 semaphore(%arg22 : memref<!tpu.dma_semaphore, #tpu.memory_space<semaphore_mem>>) src(%dma_wait3A_211 : memref<128xi32, #tpu.memory_space<hbm>>) dst(%arg12 : memref<128xi32, #tpu.memory_space<vmem>>)
      %dma_start3A_212 = arith.constant 0 : i32
      %dma_start3A_213 = arith.constant 0 : i32
      %dma_start3A_214 = tpu.memref_slice %arg2[%dma_start3A_212, %dma_start3A_213] : memref<10000x128xf32, #tpu.memory_space<hbm>> -> memref<10000x128xf32, #tpu.memory_space<hbm>>
      tpu.enqueue_indirect_dma source(%dma_start3A_214 : memref<10000x128xf32, #tpu.memory_space<hbm>>) target(%arg16 : memref<128x128xf32, #tpu.memory_space<vmem>>) offsets(%arg8 : memref<128xi32, #tpu.memory_space<vmem>>) semaphore(%arg24 : memref<!tpu.dma_semaphore, #tpu.memory_space<semaphore_mem>>)
      %dma_wait3A_215 = arith.constant 0 : i32
      %dma_wait3A_216 = arith.constant 0 : i32
      %dma_wait3A_217 = tpu.memref_slice %arg2[%dma_wait3A_215, %dma_wait3A_216] : memref<10000x128xf32, #tpu.memory_space<hbm>> -> memref<10000x128xf32, #tpu.memory_space<hbm>>
      tpu.wait_indirect_dma semaphore(%arg25 : memref<!tpu.dma_semaphore, #tpu.memory_space<semaphore_mem>>) src(%dma_wait3A_217 : memref<10000x128xf32, #tpu.memory_space<hbm>>) dst(%arg17 : memref<128x128xf32, #tpu.memory_space<vmem>>)
      %dma_start3A_218 = arith.constant 0 : i32
      %dma_start3A_219 = arith.constant 0 : i32
      %dma_start3A_220 = tpu.memref_slice %arg19[%dma_start3A_218, %dma_start3A_219] : memref<10000x128xf32, #tpu.memory_space<vmem_shared>> -> memref<10000x128xf32, #tpu.memory_space<vmem_shared>>
      tpu.enqueue_indirect_dma source(%arg17 : memref<128x128xf32, #tpu.memory_space<vmem>>) target(%dma_start3A_220 : memref<10000x128xf32, #tpu.memory_space<vmem_shared>>) offsets(%arg11 : memref<128xi32, #tpu.memory_space<vmem>>) semaphore(%arg27 : memref<!tpu.dma_semaphore, #tpu.memory_space<semaphore_mem>>) {add = true}
      %add3A_221 = arith.constant 2 : i32
      %add3A_222 = arith.addi %add3A_196, %add3A_221 : i32
      %mul3A_223 = arith.constant 128 : i32
      %mul3A_224 = arith.muli %add3A_222, %mul3A_223 : i32
      %add3A_225 = arith.addi %mul3A_2, %mul3A_224 : i32
      %multiple_of3A_226 = tpu.assume_multiple %add3A_225, 8 : i32
      %dma_start3A_227 = tpu.memref_slice %arg3[%multiple_of3A_226] : memref<320000xi32, #tpu.memory_space<hbm>> -> memref<128xi32, #tpu.memory_space<hbm>>
      %dma_start3A_228 = tpu.memref_slice %arg3[%multiple_of3A_226] : memref<320000xi32, #tpu.memory_space<hbm>> -> memref<128xi32, #tpu.memory_space<hbm>>
      tpu.enqueue_dma source(%dma_start3A_228 : memref<128xi32, #tpu.memory_space<hbm>>) target(%arg6 : memref<128xi32, #tpu.memory_space<vmem>>) target_semaphore(%arg20 : memref<!tpu.dma_semaphore, #tpu.memory_space<semaphore_mem>>)
      %mul3A_229 = arith.constant 128 : i32
      %mul3A_230 = arith.muli %add3A_222, %mul3A_229 : i32
      %add3A_231 = arith.addi %mul3A_2, %mul3A_230 : i32
      %multiple_of3A_232 = tpu.assume_multiple %add3A_231, 8 : i32
      %dma_start3A_233 = tpu.memref_slice %arg4[%multiple_of3A_232] : memref<320000xi32, #tpu.memory_space<hbm>> -> memref<128xi32, #tpu.memory_space<hbm>>
      %dma_start3A_234 = tpu.memref_slice %arg4[%multiple_of3A_232] : memref<320000xi32, #tpu.memory_space<hbm>> -> memref<128xi32, #tpu.memory_space<hbm>>
      tpu.enqueue_dma source(%dma_start3A_234 : memref<128xi32, #tpu.memory_space<hbm>>) target(%arg10 : memref<128xi32, #tpu.memory_space<vmem>>) target_semaphore(%arg20 : memref<!tpu.dma_semaphore, #tpu.memory_space<semaphore_mem>>)
      %mul3A_235 = arith.constant 4 : i32
      %mul3A_236 = arith.muli %mul3A_235, %scan3A_190 : i32
      %add3A_237 = arith.constant 2 : i32
      %add3A_238 = arith.addi %mul3A_236, %add3A_237 : i32
      %add3A_239 = arith.constant 1 : i32
      %add3A_240 = arith.addi %add3A_238, %add3A_239 : i32
      %dma_wait3A_241 = arith.constant 0 : i32
      %dma_wait3A_242 = arith.constant 0 : i32
      %dma_wait3A_243 = tpu.memref_slice %arg19[%dma_wait3A_241, %dma_wait3A_242] : memref<10000x128xf32, #tpu.memory_space<vmem_shared>> -> memref<10000x128xf32, #tpu.memory_space<vmem_shared>>
      tpu.wait_indirect_dma semaphore(%arg27 : memref<!tpu.dma_semaphore, #tpu.memory_space<semaphore_mem>>) src(%arg17 : memref<128x128xf32, #tpu.memory_space<vmem>>) dst(%dma_wait3A_243 : memref<10000x128xf32, #tpu.memory_space<vmem_shared>>)
      %mul3A_244 = arith.constant 128 : i32
      %mul3A_245 = arith.muli %add3A_240, %mul3A_244 : i32
      %add3A_246 = arith.addi %mul3A_2, %mul3A_245 : i32
      %multiple_of3A_247 = tpu.assume_multiple %add3A_246, 8 : i32
      %dma_wait3A_248 = tpu.memref_slice %arg3[%multiple_of3A_247] : memref<320000xi32, #tpu.memory_space<hbm>> -> memref<128xi32, #tpu.memory_space<hbm>>
      %dma_wait3A_249 = tpu.memref_slice %arg3[%multiple_of3A_247] : memref<320000xi32, #tpu.memory_space<hbm>> -> memref<128xi32, #tpu.memory_space<hbm>>
      tpu.wait_dma2 semaphore(%arg23 : memref<!tpu.dma_semaphore, #tpu.memory_space<semaphore_mem>>) src(%dma_wait3A_249 : memref<128xi32, #tpu.memory_space<hbm>>) dst(%arg9 : memref<128xi32, #tpu.memory_space<vmem>>)
      %mul3A_250 = arith.constant 128 : i32
      %mul3A_251 = arith.muli %add3A_240, %mul3A_250 : i32
      %add3A_252 = arith.addi %mul3A_2, %mul3A_251 : i32
      %multiple_of3A_253 = tpu.assume_multiple %add3A_252, 8 : i32
      %dma_wait3A_254 = tpu.memref_slice %arg4[%multiple_of3A_253] : memref<320000xi32, #tpu.memory_space<hbm>> -> memref<128xi32, #tpu.memory_space<hbm>>
      %dma_wait3A_255 = tpu.memref_slice %arg4[%multiple_of3A_253] : memref<320000xi32, #tpu.memory_space<hbm>> -> memref<128xi32, #tpu.memory_space<hbm>>
      tpu.wait_dma2 semaphore(%arg23 : memref<!tpu.dma_semaphore, #tpu.memory_space<semaphore_mem>>) src(%dma_wait3A_255 : memref<128xi32, #tpu.memory_space<hbm>>) dst(%arg13 : memref<128xi32, #tpu.memory_space<vmem>>)
      %dma_start3A_256 = arith.constant 0 : i32
      %dma_start3A_257 = arith.constant 0 : i32
      %dma_start3A_258 = tpu.memref_slice %arg2[%dma_start3A_256, %dma_start3A_257] : memref<10000x128xf32, #tpu.memory_space<hbm>> -> memref<10000x128xf32, #tpu.memory_space<hbm>>
      tpu.enqueue_indirect_dma source(%dma_start3A_258 : memref<10000x128xf32, #tpu.memory_space<hbm>>) target(%arg17 : memref<128x128xf32, #tpu.memory_space<vmem>>) offsets(%arg9 : memref<128xi32, #tpu.memory_space<vmem>>) semaphore(%arg25 : memref<!tpu.dma_semaphore, #tpu.memory_space<semaphore_mem>>)
      %dma_wait3A_259 = arith.constant 0 : i32
      %dma_wait3A_260 = arith.constant 0 : i32
      %dma_wait3A_261 = tpu.memref_slice %arg2[%dma_wait3A_259, %dma_wait3A_260] : memref<10000x128xf32, #tpu.memory_space<hbm>> -> memref<10000x128xf32, #tpu.memory_space<hbm>>
      tpu.wait_indirect_dma semaphore(%arg24 : memref<!tpu.dma_semaphore, #tpu.memory_space<semaphore_mem>>) src(%dma_wait3A_261 : memref<10000x128xf32, #tpu.memory_space<hbm>>) dst(%arg16 : memref<128x128xf32, #tpu.memory_space<vmem>>)
      %dma_start3A_262 = arith.constant 0 : i32
      %dma_start3A_263 = arith.constant 0 : i32
      %dma_start3A_264 = tpu.memref_slice %arg19[%dma_start3A_262, %dma_start3A_263] : memref<10000x128xf32, #tpu.memory_space<vmem_shared>> -> memref<10000x128xf32, #tpu.memory_space<vmem_shared>>
      tpu.enqueue_indirect_dma source(%arg16 : memref<128x128xf32, #tpu.memory_space<vmem>>) target(%dma_start3A_264 : memref<10000x128xf32, #tpu.memory_space<vmem_shared>>) offsets(%arg12 : memref<128xi32, #tpu.memory_space<vmem>>) semaphore(%arg26 : memref<!tpu.dma_semaphore, #tpu.memory_space<semaphore_mem>>) {add = true}
      %add3A_265 = arith.constant 2 : i32
      %add3A_266 = arith.addi %add3A_240, %add3A_265 : i32
      %mul3A_267 = arith.constant 128 : i32
      %mul3A_268 = arith.muli %add3A_266, %mul3A_267 : i32
      %add3A_269 = arith.addi %mul3A_2, %mul3A_268 : i32
      %multiple_of3A_270 = tpu.assume_multiple %add3A_269, 8 : i32
      %dma_start3A_271 = tpu.memref_slice %arg3[%multiple_of3A_270] : memref<320000xi32, #tpu.memory_space<hbm>> -> memref<128xi32, #tpu.memory_space<hbm>>
      %dma_start3A_272 = tpu.memref_slice %arg3[%multiple_of3A_270] : memref<320000xi32, #tpu.memory_space<hbm>> -> memref<128xi32, #tpu.memory_space<hbm>>
      tpu.enqueue_dma source(%dma_start3A_272 : memref<128xi32, #tpu.memory_space<hbm>>) target(%arg7 : memref<128xi32, #tpu.memory_space<vmem>>) target_semaphore(%arg21 : memref<!tpu.dma_semaphore, #tpu.memory_space<semaphore_mem>>)
      %mul3A_273 = arith.constant 128 : i32
      %mul3A_274 = arith.muli %add3A_266, %mul3A_273 : i32
      %add3A_275 = arith.addi %mul3A_2, %mul3A_274 : i32
      %multiple_of3A_276 = tpu.assume_multiple %add3A_275, 8 : i32
      %dma_start3A_277 = tpu.memref_slice %arg4[%multiple_of3A_276] : memref<320000xi32, #tpu.memory_space<hbm>> -> memref<128xi32, #tpu.memory_space<hbm>>
      %dma_start3A_278 = tpu.memref_slice %arg4[%multiple_of3A_276] : memref<320000xi32, #tpu.memory_space<hbm>> -> memref<128xi32, #tpu.memory_space<hbm>>
      tpu.enqueue_dma source(%dma_start3A_278 : memref<128xi32, #tpu.memory_space<hbm>>) target(%arg11 : memref<128xi32, #tpu.memory_space<vmem>>) target_semaphore(%arg21 : memref<!tpu.dma_semaphore, #tpu.memory_space<semaphore_mem>>)
      %mul3A_279 = arith.constant 4 : i32
      %mul3A_280 = arith.muli %mul3A_279, %scan3A_190 : i32
      %add3A_281 = arith.constant 2 : i32
      %add3A_282 = arith.addi %mul3A_280, %add3A_281 : i32
      %add3A_283 = arith.constant 2 : i32
      %add3A_284 = arith.addi %add3A_282, %add3A_283 : i32
      %dma_wait3A_285 = arith.constant 0 : i32
      %dma_wait3A_286 = arith.constant 0 : i32
      %dma_wait3A_287 = tpu.memref_slice %arg19[%dma_wait3A_285, %dma_wait3A_286] : memref<10000x128xf32, #tpu.memory_space<vmem_shared>> -> memref<10000x128xf32, #tpu.memory_space<vmem_shared>>
      tpu.wait_indirect_dma semaphore(%arg26 : memref<!tpu.dma_semaphore, #tpu.memory_space<semaphore_mem>>) src(%arg16 : memref<128x128xf32, #tpu.memory_space<vmem>>) dst(%dma_wait3A_287 : memref<10000x128xf32, #tpu.memory_space<vmem_shared>>)
      %mul3A_288 = arith.constant 128 : i32
      %mul3A_289 = arith.muli %add3A_284, %mul3A_288 : i32
      %add3A_290 = arith.addi %mul3A_2, %mul3A_289 : i32
      %multiple_of3A_291 = tpu.assume_multiple %add3A_290, 8 : i32
      %dma_wait3A_292 = tpu.memref_slice %arg3[%multiple_of3A_291] : memref<320000xi32, #tpu.memory_space<hbm>> -> memref<128xi32, #tpu.memory_space<hbm>>
      %dma_wait3A_293 = tpu.memref_slice %arg3[%multiple_of3A_291] : memref<320000xi32, #tpu.memory_space<hbm>> -> memref<128xi32, #tpu.memory_space<hbm>>
      tpu.wait_dma2 semaphore(%arg20 : memref<!tpu.dma_semaphore, #tpu.memory_space<semaphore_mem>>) src(%dma_wait3A_293 : memref<128xi32, #tpu.memory_space<hbm>>) dst(%arg6 : memref<128xi32, #tpu.memory_space<vmem>>)
      %mul3A_294 = arith.constant 128 : i32
      %mul3A_295 = arith.muli %add3A_284, %mul3A_294 : i32
      %add3A_296 = arith.addi %mul3A_2, %mul3A_295 : i32
      %multiple_of3A_297 = tpu.assume_multiple %add3A_296, 8 : i32
      %dma_wait3A_298 = tpu.memref_slice %arg4[%multiple_of3A_297] : memref<320000xi32, #tpu.memory_space<hbm>> -> memref<128xi32, #tpu.memory_space<hbm>>
      %dma_wait3A_299 = tpu.memref_slice %arg4[%multiple_of3A_297] : memref<320000xi32, #tpu.memory_space<hbm>> -> memref<128xi32, #tpu.memory_space<hbm>>
      tpu.wait_dma2 semaphore(%arg20 : memref<!tpu.dma_semaphore, #tpu.memory_space<semaphore_mem>>) src(%dma_wait3A_299 : memref<128xi32, #tpu.memory_space<hbm>>) dst(%arg10 : memref<128xi32, #tpu.memory_space<vmem>>)
      %dma_start3A_300 = arith.constant 0 : i32
      %dma_start3A_301 = arith.constant 0 : i32
      %dma_start3A_302 = tpu.memref_slice %arg2[%dma_start3A_300, %dma_start3A_301] : memref<10000x128xf32, #tpu.memory_space<hbm>> -> memref<10000x128xf32, #tpu.memory_space<hbm>>
      tpu.enqueue_indirect_dma source(%dma_start3A_302 : memref<10000x128xf32, #tpu.memory_space<hbm>>) target(%arg16 : memref<128x128xf32, #tpu.memory_space<vmem>>) offsets(%arg6 : memref<128xi32, #tpu.memory_space<vmem>>) semaphore(%arg24 : memref<!tpu.dma_semaphore, #tpu.memory_space<semaphore_mem>>)
      %dma_wait3A_303 = arith.constant 0 : i32
      %dma_wait3A_304 = arith.constant 0 : i32
      %dma_wait3A_305 = tpu.memref_slice %arg2[%dma_wait3A_303, %dma_wait3A_304] : memref<10000x128xf32, #tpu.memory_space<hbm>> -> memref<10000x128xf32, #tpu.memory_space<hbm>>
      tpu.wait_indirect_dma semaphore(%arg25 : memref<!tpu.dma_semaphore, #tpu.memory_space<semaphore_mem>>) src(%dma_wait3A_305 : memref<10000x128xf32, #tpu.memory_space<hbm>>) dst(%arg17 : memref<128x128xf32, #tpu.memory_space<vmem>>)
      %dma_start3A_306 = arith.constant 0 : i32
      %dma_start3A_307 = arith.constant 0 : i32
      %dma_start3A_308 = tpu.memref_slice %arg19[%dma_start3A_306, %dma_start3A_307] : memref<10000x128xf32, #tpu.memory_space<vmem_shared>> -> memref<10000x128xf32, #tpu.memory_space<vmem_shared>>
      tpu.enqueue_indirect_dma source(%arg17 : memref<128x128xf32, #tpu.memory_space<vmem>>) target(%dma_start3A_308 : memref<10000x128xf32, #tpu.memory_space<vmem_shared>>) offsets(%arg13 : memref<128xi32, #tpu.memory_space<vmem>>) semaphore(%arg27 : memref<!tpu.dma_semaphore, #tpu.memory_space<semaphore_mem>>) {add = true}
      %add3A_309 = arith.constant 2 : i32
      %add3A_310 = arith.addi %add3A_284, %add3A_309 : i32
      %mul3A_311 = arith.constant 128 : i32
      %mul3A_312 = arith.muli %add3A_310, %mul3A_311 : i32
      %add3A_313 = arith.addi %mul3A_2, %mul3A_312 : i32
      %multiple_of3A_314 = tpu.assume_multiple %add3A_313, 8 : i32
      %dma_start3A_315 = tpu.memref_slice %arg3[%multiple_of3A_314] : memref<320000xi32, #tpu.memory_space<hbm>> -> memref<128xi32, #tpu.memory_space<hbm>>
      %dma_start3A_316 = tpu.memref_slice %arg3[%multiple_of3A_314] : memref<320000xi32, #tpu.memory_space<hbm>> -> memref<128xi32, #tpu.memory_space<hbm>>
      tpu.enqueue_dma source(%dma_start3A_316 : memref<128xi32, #tpu.memory_space<hbm>>) target(%arg8 : memref<128xi32, #tpu.memory_space<vmem>>) target_semaphore(%arg22 : memref<!tpu.dma_semaphore, #tpu.memory_space<semaphore_mem>>)
      %mul3A_317 = arith.constant 128 : i32
      %mul3A_318 = arith.muli %add3A_310, %mul3A_317 : i32
      %add3A_319 = arith.addi %mul3A_2, %mul3A_318 : i32
      %multiple_of3A_320 = tpu.assume_multiple %add3A_319, 8 : i32
      %dma_start3A_321 = tpu.memref_slice %arg4[%multiple_of3A_320] : memref<320000xi32, #tpu.memory_space<hbm>> -> memref<128xi32, #tpu.memory_space<hbm>>
      %dma_start3A_322 = tpu.memref_slice %arg4[%multiple_of3A_320] : memref<320000xi32, #tpu.memory_space<hbm>> -> memref<128xi32, #tpu.memory_space<hbm>>
      tpu.enqueue_dma source(%dma_start3A_322 : memref<128xi32, #tpu.memory_space<hbm>>) target(%arg12 : memref<128xi32, #tpu.memory_space<vmem>>) target_semaphore(%arg22 : memref<!tpu.dma_semaphore, #tpu.memory_space<semaphore_mem>>)
      %mul3A_323 = arith.constant 4 : i32
      %mul3A_324 = arith.muli %mul3A_323, %scan3A_190 : i32
      %add3A_325 = arith.constant 2 : i32
      %add3A_326 = arith.addi %mul3A_324, %add3A_325 : i32
      %add3A_327 = arith.constant 3 : i32
      %add3A_328 = arith.addi %add3A_326, %add3A_327 : i32
      %dma_wait3A_329 = arith.constant 0 : i32
      %dma_wait3A_330 = arith.constant 0 : i32
      %dma_wait3A_331 = tpu.memref_slice %arg19[%dma_wait3A_329, %dma_wait3A_330] : memref<10000x128xf32, #tpu.memory_space<vmem_shared>> -> memref<10000x128xf32, #tpu.memory_space<vmem_shared>>
      tpu.wait_indirect_dma semaphore(%arg27 : memref<!tpu.dma_semaphore, #tpu.memory_space<semaphore_mem>>) src(%arg17 : memref<128x128xf32, #tpu.memory_space<vmem>>) dst(%dma_wait3A_331 : memref<10000x128xf32, #tpu.memory_space<vmem_shared>>)
      %mul3A_332 = arith.constant 128 : i32
      %mul3A_333 = arith.muli %add3A_328, %mul3A_332 : i32
      %add3A_334 = arith.addi %mul3A_2, %mul3A_333 : i32
      %multiple_of3A_335 = tpu.assume_multiple %add3A_334, 8 : i32
      %dma_wait3A_336 = tpu.memref_slice %arg3[%multiple_of3A_335] : memref<320000xi32, #tpu.memory_space<hbm>> -> memref<128xi32, #tpu.memory_space<hbm>>
      %dma_wait3A_337 = tpu.memref_slice %arg3[%multiple_of3A_335] : memref<320000xi32, #tpu.memory_space<hbm>> -> memref<128xi32, #tpu.memory_space<hbm>>
      tpu.wait_dma2 semaphore(%arg21 : memref<!tpu.dma_semaphore, #tpu.memory_space<semaphore_mem>>) src(%dma_wait3A_337 : memref<128xi32, #tpu.memory_space<hbm>>) dst(%arg7 : memref<128xi32, #tpu.memory_space<vmem>>)
      %mul3A_338 = arith.constant 128 : i32
      %mul3A_339 = arith.muli %add3A_328, %mul3A_338 : i32
      %add3A_340 = arith.addi %mul3A_2, %mul3A_339 : i32
      %multiple_of3A_341 = tpu.assume_multiple %add3A_340, 8 : i32
      %dma_wait3A_342 = tpu.memref_slice %arg4[%multiple_of3A_341] : memref<320000xi32, #tpu.memory_space<hbm>> -> memref<128xi32, #tpu.memory_space<hbm>>
      %dma_wait3A_343 = tpu.memref_slice %arg4[%multiple_of3A_341] : memref<320000xi32, #tpu.memory_space<hbm>> -> memref<128xi32, #tpu.memory_space<hbm>>
      tpu.wait_dma2 semaphore(%arg21 : memref<!tpu.dma_semaphore, #tpu.memory_space<semaphore_mem>>) src(%dma_wait3A_343 : memref<128xi32, #tpu.memory_space<hbm>>) dst(%arg11 : memref<128xi32, #tpu.memory_space<vmem>>)
      %dma_start3A_344 = arith.constant 0 : i32
      %dma_start3A_345 = arith.constant 0 : i32
      %dma_start3A_346 = tpu.memref_slice %arg2[%dma_start3A_344, %dma_start3A_345] : memref<10000x128xf32, #tpu.memory_space<hbm>> -> memref<10000x128xf32, #tpu.memory_space<hbm>>
      tpu.enqueue_indirect_dma source(%dma_start3A_346 : memref<10000x128xf32, #tpu.memory_space<hbm>>) target(%arg17 : memref<128x128xf32, #tpu.memory_space<vmem>>) offsets(%arg7 : memref<128xi32, #tpu.memory_space<vmem>>) semaphore(%arg25 : memref<!tpu.dma_semaphore, #tpu.memory_space<semaphore_mem>>)
      %dma_wait3A_347 = arith.constant 0 : i32
      %dma_wait3A_348 = arith.constant 0 : i32
      %dma_wait3A_349 = tpu.memref_slice %arg2[%dma_wait3A_347, %dma_wait3A_348] : memref<10000x128xf32, #tpu.memory_space<hbm>> -> memref<10000x128xf32, #tpu.memory_space<hbm>>
      tpu.wait_indirect_dma semaphore(%arg24 : memref<!tpu.dma_semaphore, #tpu.memory_space<semaphore_mem>>) src(%dma_wait3A_349 : memref<10000x128xf32, #tpu.memory_space<hbm>>) dst(%arg16 : memref<128x128xf32, #tpu.memory_space<vmem>>)
      %dma_start3A_350 = arith.constant 0 : i32
      %dma_start3A_351 = arith.constant 0 : i32
      %dma_start3A_352 = tpu.memref_slice %arg19[%dma_start3A_350, %dma_start3A_351] : memref<10000x128xf32, #tpu.memory_space<vmem_shared>> -> memref<10000x128xf32, #tpu.memory_space<vmem_shared>>
      tpu.enqueue_indirect_dma source(%arg16 : memref<128x128xf32, #tpu.memory_space<vmem>>) target(%dma_start3A_352 : memref<10000x128xf32, #tpu.memory_space<vmem_shared>>) offsets(%arg10 : memref<128xi32, #tpu.memory_space<vmem>>) semaphore(%arg26 : memref<!tpu.dma_semaphore, #tpu.memory_space<semaphore_mem>>) {add = true}
      %add3A_353 = arith.constant 2 : i32
      %add3A_354 = arith.addi %add3A_328, %add3A_353 : i32
      %mul3A_355 = arith.constant 128 : i32
      %mul3A_356 = arith.muli %add3A_354, %mul3A_355 : i32
      %add3A_357 = arith.addi %mul3A_2, %mul3A_356 : i32
      %multiple_of3A_358 = tpu.assume_multiple %add3A_357, 8 : i32
      %dma_start3A_359 = tpu.memref_slice %arg3[%multiple_of3A_358] : memref<320000xi32, #tpu.memory_space<hbm>> -> memref<128xi32, #tpu.memory_space<hbm>>
      %dma_start3A_360 = tpu.memref_slice %arg3[%multiple_of3A_358] : memref<320000xi32, #tpu.memory_space<hbm>> -> memref<128xi32, #tpu.memory_space<hbm>>
      tpu.enqueue_dma source(%dma_start3A_360 : memref<128xi32, #tpu.memory_space<hbm>>) target(%arg9 : memref<128xi32, #tpu.memory_space<vmem>>) target_semaphore(%arg23 : memref<!tpu.dma_semaphore, #tpu.memory_space<semaphore_mem>>)
      %mul3A_361 = arith.constant 128 : i32
      %mul3A_362 = arith.muli %add3A_354, %mul3A_361 : i32
      %add3A_363 = arith.addi %mul3A_2, %mul3A_362 : i32
      %multiple_of3A_364 = tpu.assume_multiple %add3A_363, 8 : i32
      %dma_start3A_365 = tpu.memref_slice %arg4[%multiple_of3A_364] : memref<320000xi32, #tpu.memory_space<hbm>> -> memref<128xi32, #tpu.memory_space<hbm>>
      %dma_start3A_366 = tpu.memref_slice %arg4[%multiple_of3A_364] : memref<320000xi32, #tpu.memory_space<hbm>> -> memref<128xi32, #tpu.memory_space<hbm>>
      tpu.enqueue_dma source(%dma_start3A_366 : memref<128xi32, #tpu.memory_space<hbm>>) target(%arg13 : memref<128xi32, #tpu.memory_space<vmem>>) target_semaphore(%arg23 : memref<!tpu.dma_semaphore, #tpu.memory_space<semaphore_mem>>)
    }
    %scan3A_58 = arith.constant 18 : i32
    %dma_wait3A_59 = arith.constant 0 : i32
    %dma_wait3A_60 = arith.constant 0 : i32
    %dma_wait3A_61 = tpu.memref_slice %arg19[%dma_wait3A_59, %dma_wait3A_60] : memref<10000x128xf32, #tpu.memory_space<vmem_shared>> -> memref<10000x128xf32, #tpu.memory_space<vmem_shared>>
    tpu.wait_indirect_dma semaphore(%arg26 : memref<!tpu.dma_semaphore, #tpu.memory_space<semaphore_mem>>) src(%arg16 : memref<128x128xf32, #tpu.memory_space<vmem>>) dst(%dma_wait3A_61 : memref<10000x128xf32, #tpu.memory_space<vmem_shared>>)
    %add3A_62 = arith.constant 9472 : i32
    %add3A_63 = arith.addi %mul3A_2, %add3A_62 : i32
    %multiple_of3A_64 = tpu.assume_multiple %add3A_63, 8 : i32
    %dma_wait3A_65 = tpu.memref_slice %arg3[%multiple_of3A_64] : memref<320000xi32, #tpu.memory_space<hbm>> -> memref<128xi32, #tpu.memory_space<hbm>>
    %dma_wait3A_66 = tpu.memref_slice %arg3[%multiple_of3A_64] : memref<320000xi32, #tpu.memory_space<hbm>> -> memref<128xi32, #tpu.memory_space<hbm>>
    tpu.wait_dma2 semaphore(%arg22 : memref<!tpu.dma_semaphore, #tpu.memory_space<semaphore_mem>>) src(%dma_wait3A_66 : memref<128xi32, #tpu.memory_space<hbm>>) dst(%arg8 : memref<128xi32, #tpu.memory_space<vmem>>)
    %add3A_67 = arith.constant 9472 : i32
    %add3A_68 = arith.addi %mul3A_2, %add3A_67 : i32
    %multiple_of3A_69 = tpu.assume_multiple %add3A_68, 8 : i32
    %dma_wait3A_70 = tpu.memref_slice %arg4[%multiple_of3A_69] : memref<320000xi32, #tpu.memory_space<hbm>> -> memref<128xi32, #tpu.memory_space<hbm>>
    %dma_wait3A_71 = tpu.memref_slice %arg4[%multiple_of3A_69] : memref<320000xi32, #tpu.memory_space<hbm>> -> memref<128xi32, #tpu.memory_space<hbm>>
    tpu.wait_dma2 semaphore(%arg22 : memref<!tpu.dma_semaphore, #tpu.memory_space<semaphore_mem>>) src(%dma_wait3A_71 : memref<128xi32, #tpu.memory_space<hbm>>) dst(%arg12 : memref<128xi32, #tpu.memory_space<vmem>>)
    %dma_start3A_72 = arith.constant 0 : i32
    %dma_start3A_73 = arith.constant 0 : i32
    %dma_start3A_74 = tpu.memref_slice %arg2[%dma_start3A_72, %dma_start3A_73] : memref<10000x128xf32, #tpu.memory_space<hbm>> -> memref<10000x128xf32, #tpu.memory_space<hbm>>
    tpu.enqueue_indirect_dma source(%dma_start3A_74 : memref<10000x128xf32, #tpu.memory_space<hbm>>) target(%arg16 : memref<128x128xf32, #tpu.memory_space<vmem>>) offsets(%arg8 : memref<128xi32, #tpu.memory_space<vmem>>) semaphore(%arg24 : memref<!tpu.dma_semaphore, #tpu.memory_space<semaphore_mem>>)
    %dma_wait3A_75 = arith.constant 0 : i32
    %dma_wait3A_76 = arith.constant 0 : i32
    %dma_wait3A_77 = tpu.memref_slice %arg2[%dma_wait3A_75, %dma_wait3A_76] : memref<10000x128xf32, #tpu.memory_space<hbm>> -> memref<10000x128xf32, #tpu.memory_space<hbm>>
    tpu.wait_indirect_dma semaphore(%arg25 : memref<!tpu.dma_semaphore, #tpu.memory_space<semaphore_mem>>) src(%dma_wait3A_77 : memref<10000x128xf32, #tpu.memory_space<hbm>>) dst(%arg17 : memref<128x128xf32, #tpu.memory_space<vmem>>)
    %dma_start3A_78 = arith.constant 0 : i32
    %dma_start3A_79 = arith.constant 0 : i32
    %dma_start3A_80 = tpu.memref_slice %arg19[%dma_start3A_78, %dma_start3A_79] : memref<10000x128xf32, #tpu.memory_space<vmem_shared>> -> memref<10000x128xf32, #tpu.memory_space<vmem_shared>>
    tpu.enqueue_indirect_dma source(%arg17 : memref<128x128xf32, #tpu.memory_space<vmem>>) target(%dma_start3A_80 : memref<10000x128xf32, #tpu.memory_space<vmem_shared>>) offsets(%arg11 : memref<128xi32, #tpu.memory_space<vmem>>) semaphore(%arg27 : memref<!tpu.dma_semaphore, #tpu.memory_space<semaphore_mem>>) {add = true}
    %add3A_81 = arith.constant 9728 : i32
    %add3A_82 = arith.addi %mul3A_2, %add3A_81 : i32
    %multiple_of3A_83 = tpu.assume_multiple %add3A_82, 8 : i32
    %dma_start3A_84 = tpu.memref_slice %arg3[%multiple_of3A_83] : memref<320000xi32, #tpu.memory_space<hbm>> -> memref<128xi32, #tpu.memory_space<hbm>>
    %dma_start3A_85 = tpu.memref_slice %arg3[%multiple_of3A_83] : memref<320000xi32, #tpu.memory_space<hbm>> -> memref<128xi32, #tpu.memory_space<hbm>>
    tpu.enqueue_dma source(%dma_start3A_85 : memref<128xi32, #tpu.memory_space<hbm>>) target(%arg6 : memref<128xi32, #tpu.memory_space<vmem>>) target_semaphore(%arg20 : memref<!tpu.dma_semaphore, #tpu.memory_space<semaphore_mem>>)
    %add3A_86 = arith.constant 9728 : i32
    %add3A_87 = arith.addi %mul3A_2, %add3A_86 : i32
    %multiple_of3A_88 = tpu.assume_multiple %add3A_87, 8 : i32
    %dma_start3A_89 = tpu.memref_slice %arg4[%multiple_of3A_88] : memref<320000xi32, #tpu.memory_space<hbm>> -> memref<128xi32, #tpu.memory_space<hbm>>
    %dma_start3A_90 = tpu.memref_slice %arg4[%multiple_of3A_88] : memref<320000xi32, #tpu.memory_space<hbm>> -> memref<128xi32, #tpu.memory_space<hbm>>
    tpu.enqueue_dma source(%dma_start3A_90 : memref<128xi32, #tpu.memory_space<hbm>>) target(%arg10 : memref<128xi32, #tpu.memory_space<vmem>>) target_semaphore(%arg20 : memref<!tpu.dma_semaphore, #tpu.memory_space<semaphore_mem>>)
    %dma_wait3A_91 = arith.constant 0 : i32
    %dma_wait3A_92 = arith.constant 0 : i32
    %dma_wait3A_93 = tpu.memref_slice %arg19[%dma_wait3A_91, %dma_wait3A_92] : memref<10000x128xf32, #tpu.memory_space<vmem_shared>> -> memref<10000x128xf32, #tpu.memory_space<vmem_shared>>
    tpu.wait_indirect_dma semaphore(%arg27 : memref<!tpu.dma_semaphore, #tpu.memory_space<semaphore_mem>>) src(%arg17 : memref<128x128xf32, #tpu.memory_space<vmem>>) dst(%dma_wait3A_93 : memref<10000x128xf32, #tpu.memory_space<vmem_shared>>)
    %add3A_94 = arith.constant 9600 : i32
    %add3A_95 = arith.addi %mul3A_2, %add3A_94 : i32
    %multiple_of3A_96 = tpu.assume_multiple %add3A_95, 8 : i32
    %dma_wait3A_97 = tpu.memref_slice %arg3[%multiple_of3A_96] : memref<320000xi32, #tpu.memory_space<hbm>> -> memref<128xi32, #tpu.memory_space<hbm>>
    %dma_wait3A_98 = tpu.memref_slice %arg3[%multiple_of3A_96] : memref<320000xi32, #tpu.memory_space<hbm>> -> memref<128xi32, #tpu.memory_space<hbm>>
    tpu.wait_dma2 semaphore(%arg23 : memref<!tpu.dma_semaphore, #tpu.memory_space<semaphore_mem>>) src(%dma_wait3A_98 : memref<128xi32, #tpu.memory_space<hbm>>) dst(%arg9 : memref<128xi32, #tpu.memory_space<vmem>>)
    %add3A_99 = arith.constant 9600 : i32
    %add3A_100 = arith.addi %mul3A_2, %add3A_99 : i32
    %multiple_of3A_101 = tpu.assume_multiple %add3A_100, 8 : i32
    %dma_wait3A_102 = tpu.memref_slice %arg4[%multiple_of3A_101] : memref<320000xi32, #tpu.memory_space<hbm>> -> memref<128xi32, #tpu.memory_space<hbm>>
    %dma_wait3A_103 = tpu.memref_slice %arg4[%multiple_of3A_101] : memref<320000xi32, #tpu.memory_space<hbm>> -> memref<128xi32, #tpu.memory_space<hbm>>
    tpu.wait_dma2 semaphore(%arg23 : memref<!tpu.dma_semaphore, #tpu.memory_space<semaphore_mem>>) src(%dma_wait3A_103 : memref<128xi32, #tpu.memory_space<hbm>>) dst(%arg13 : memref<128xi32, #tpu.memory_space<vmem>>)
    %dma_start3A_104 = arith.constant 0 : i32
    %dma_start3A_105 = arith.constant 0 : i32
    %dma_start3A_106 = tpu.memref_slice %arg2[%dma_start3A_104, %dma_start3A_105] : memref<10000x128xf32, #tpu.memory_space<hbm>> -> memref<10000x128xf32, #tpu.memory_space<hbm>>
    tpu.enqueue_indirect_dma source(%dma_start3A_106 : memref<10000x128xf32, #tpu.memory_space<hbm>>) target(%arg17 : memref<128x128xf32, #tpu.memory_space<vmem>>) offsets(%arg9 : memref<128xi32, #tpu.memory_space<vmem>>) semaphore(%arg25 : memref<!tpu.dma_semaphore, #tpu.memory_space<semaphore_mem>>)
    %dma_wait3A_107 = arith.constant 0 : i32
    %dma_wait3A_108 = arith.constant 0 : i32
    %dma_wait3A_109 = tpu.memref_slice %arg2[%dma_wait3A_107, %dma_wait3A_108] : memref<10000x128xf32, #tpu.memory_space<hbm>> -> memref<10000x128xf32, #tpu.memory_space<hbm>>
    tpu.wait_indirect_dma semaphore(%arg24 : memref<!tpu.dma_semaphore, #tpu.memory_space<semaphore_mem>>) src(%dma_wait3A_109 : memref<10000x128xf32, #tpu.memory_space<hbm>>) dst(%arg16 : memref<128x128xf32, #tpu.memory_space<vmem>>)
    %dma_start3A_110 = arith.constant 0 : i32
    %dma_start3A_111 = arith.constant 0 : i32
    %dma_start3A_112 = tpu.memref_slice %arg19[%dma_start3A_110, %dma_start3A_111] : memref<10000x128xf32, #tpu.memory_space<vmem_shared>> -> memref<10000x128xf32, #tpu.memory_space<vmem_shared>>
    tpu.enqueue_indirect_dma source(%arg16 : memref<128x128xf32, #tpu.memory_space<vmem>>) target(%dma_start3A_112 : memref<10000x128xf32, #tpu.memory_space<vmem_shared>>) offsets(%arg12 : memref<128xi32, #tpu.memory_space<vmem>>) semaphore(%arg26 : memref<!tpu.dma_semaphore, #tpu.memory_space<semaphore_mem>>) {add = true}
    %add3A_113 = arith.constant 9856 : i32
    %add3A_114 = arith.addi %mul3A_2, %add3A_113 : i32
    %multiple_of3A_115 = tpu.assume_multiple %add3A_114, 8 : i32
    %dma_start3A_116 = tpu.memref_slice %arg3[%multiple_of3A_115] : memref<320000xi32, #tpu.memory_space<hbm>> -> memref<128xi32, #tpu.memory_space<hbm>>
    %dma_start3A_117 = tpu.memref_slice %arg3[%multiple_of3A_115] : memref<320000xi32, #tpu.memory_space<hbm>> -> memref<128xi32, #tpu.memory_space<hbm>>
    tpu.enqueue_dma source(%dma_start3A_117 : memref<128xi32, #tpu.memory_space<hbm>>) target(%arg7 : memref<128xi32, #tpu.memory_space<vmem>>) target_semaphore(%arg21 : memref<!tpu.dma_semaphore, #tpu.memory_space<semaphore_mem>>)
    %add3A_118 = arith.constant 9856 : i32
    %add3A_119 = arith.addi %mul3A_2, %add3A_118 : i32
    %multiple_of3A_120 = tpu.assume_multiple %add3A_119, 8 : i32
    %dma_start3A_121 = tpu.memref_slice %arg4[%multiple_of3A_120] : memref<320000xi32, #tpu.memory_space<hbm>> -> memref<128xi32, #tpu.memory_space<hbm>>
    %dma_start3A_122 = tpu.memref_slice %arg4[%multiple_of3A_120] : memref<320000xi32, #tpu.memory_space<hbm>> -> memref<128xi32, #tpu.memory_space<hbm>>
    tpu.enqueue_dma source(%dma_start3A_122 : memref<128xi32, #tpu.memory_space<hbm>>) target(%arg11 : memref<128xi32, #tpu.memory_space<vmem>>) target_semaphore(%arg21 : memref<!tpu.dma_semaphore, #tpu.memory_space<semaphore_mem>>)
    %dma_wait3A_123 = arith.constant 0 : i32
    %dma_wait3A_124 = arith.constant 0 : i32
    %dma_wait3A_125 = tpu.memref_slice %arg19[%dma_wait3A_123, %dma_wait3A_124] : memref<10000x128xf32, #tpu.memory_space<vmem_shared>> -> memref<10000x128xf32, #tpu.memory_space<vmem_shared>>
    tpu.wait_indirect_dma semaphore(%arg26 : memref<!tpu.dma_semaphore, #tpu.memory_space<semaphore_mem>>) src(%arg16 : memref<128x128xf32, #tpu.memory_space<vmem>>) dst(%dma_wait3A_125 : memref<10000x128xf32, #tpu.memory_space<vmem_shared>>)
    %add3A_126 = arith.constant 9728 : i32
    %add3A_127 = arith.addi %mul3A_2, %add3A_126 : i32
    %multiple_of3A_128 = tpu.assume_multiple %add3A_127, 8 : i32
    %dma_wait3A_129 = tpu.memref_slice %arg3[%multiple_of3A_128] : memref<320000xi32, #tpu.memory_space<hbm>> -> memref<128xi32, #tpu.memory_space<hbm>>
    %dma_wait3A_130 = tpu.memref_slice %arg3[%multiple_of3A_128] : memref<320000xi32, #tpu.memory_space<hbm>> -> memref<128xi32, #tpu.memory_space<hbm>>
    tpu.wait_dma2 semaphore(%arg20 : memref<!tpu.dma_semaphore, #tpu.memory_space<semaphore_mem>>) src(%dma_wait3A_130 : memref<128xi32, #tpu.memory_space<hbm>>) dst(%arg6 : memref<128xi32, #tpu.memory_space<vmem>>)
    %add3A_131 = arith.constant 9728 : i32
    %add3A_132 = arith.addi %mul3A_2, %add3A_131 : i32
    %multiple_of3A_133 = tpu.assume_multiple %add3A_132, 8 : i32
    %dma_wait3A_134 = tpu.memref_slice %arg4[%multiple_of3A_133] : memref<320000xi32, #tpu.memory_space<hbm>> -> memref<128xi32, #tpu.memory_space<hbm>>
    %dma_wait3A_135 = tpu.memref_slice %arg4[%multiple_of3A_133] : memref<320000xi32, #tpu.memory_space<hbm>> -> memref<128xi32, #tpu.memory_space<hbm>>
    tpu.wait_dma2 semaphore(%arg20 : memref<!tpu.dma_semaphore, #tpu.memory_space<semaphore_mem>>) src(%dma_wait3A_135 : memref<128xi32, #tpu.memory_space<hbm>>) dst(%arg10 : memref<128xi32, #tpu.memory_space<vmem>>)
    %dma_start3A_136 = arith.constant 0 : i32
    %dma_start3A_137 = arith.constant 0 : i32
    %dma_start3A_138 = tpu.memref_slice %arg2[%dma_start3A_136, %dma_start3A_137] : memref<10000x128xf32, #tpu.memory_space<hbm>> -> memref<10000x128xf32, #tpu.memory_space<hbm>>
    tpu.enqueue_indirect_dma source(%dma_start3A_138 : memref<10000x128xf32, #tpu.memory_space<hbm>>) target(%arg16 : memref<128x128xf32, #tpu.memory_space<vmem>>) offsets(%arg6 : memref<128xi32, #tpu.memory_space<vmem>>) semaphore(%arg24 : memref<!tpu.dma_semaphore, #tpu.memory_space<semaphore_mem>>)
    %dma_wait3A_139 = arith.constant 0 : i32
    %dma_wait3A_140 = arith.constant 0 : i32
    %dma_wait3A_141 = tpu.memref_slice %arg2[%dma_wait3A_139, %dma_wait3A_140] : memref<10000x128xf32, #tpu.memory_space<hbm>> -> memref<10000x128xf32, #tpu.memory_space<hbm>>
    tpu.wait_indirect_dma semaphore(%arg25 : memref<!tpu.dma_semaphore, #tpu.memory_space<semaphore_mem>>) src(%dma_wait3A_141 : memref<10000x128xf32, #tpu.memory_space<hbm>>) dst(%arg17 : memref<128x128xf32, #tpu.memory_space<vmem>>)
    %dma_start3A_142 = arith.constant 0 : i32
    %dma_start3A_143 = arith.constant 0 : i32
    %dma_start3A_144 = tpu.memref_slice %arg19[%dma_start3A_142, %dma_start3A_143] : memref<10000x128xf32, #tpu.memory_space<vmem_shared>> -> memref<10000x128xf32, #tpu.memory_space<vmem_shared>>
    tpu.enqueue_indirect_dma source(%arg17 : memref<128x128xf32, #tpu.memory_space<vmem>>) target(%dma_start3A_144 : memref<10000x128xf32, #tpu.memory_space<vmem_shared>>) offsets(%arg13 : memref<128xi32, #tpu.memory_space<vmem>>) semaphore(%arg27 : memref<!tpu.dma_semaphore, #tpu.memory_space<semaphore_mem>>) {add = true}
    %dma_wait3A_145 = arith.constant 0 : i32
    %dma_wait3A_146 = arith.constant 0 : i32
    %dma_wait3A_147 = tpu.memref_slice %arg19[%dma_wait3A_145, %dma_wait3A_146] : memref<10000x128xf32, #tpu.memory_space<vmem_shared>> -> memref<10000x128xf32, #tpu.memory_space<vmem_shared>>
    tpu.wait_indirect_dma semaphore(%arg27 : memref<!tpu.dma_semaphore, #tpu.memory_space<semaphore_mem>>) src(%arg17 : memref<128x128xf32, #tpu.memory_space<vmem>>) dst(%dma_wait3A_147 : memref<10000x128xf32, #tpu.memory_space<vmem_shared>>)
    %add3A_148 = arith.constant 9856 : i32
    %add3A_149 = arith.addi %mul3A_2, %add3A_148 : i32
    %multiple_of3A_150 = tpu.assume_multiple %add3A_149, 8 : i32
    %dma_wait3A_151 = tpu.memref_slice %arg3[%multiple_of3A_150] : memref<320000xi32, #tpu.memory_space<hbm>> -> memref<128xi32, #tpu.memory_space<hbm>>
    %dma_wait3A_152 = tpu.memref_slice %arg3[%multiple_of3A_150] : memref<320000xi32, #tpu.memory_space<hbm>> -> memref<128xi32, #tpu.memory_space<hbm>>
    tpu.wait_dma2 semaphore(%arg21 : memref<!tpu.dma_semaphore, #tpu.memory_space<semaphore_mem>>) src(%dma_wait3A_152 : memref<128xi32, #tpu.memory_space<hbm>>) dst(%arg7 : memref<128xi32, #tpu.memory_space<vmem>>)
    %add3A_153 = arith.constant 9856 : i32
    %add3A_154 = arith.addi %mul3A_2, %add3A_153 : i32
    %multiple_of3A_155 = tpu.assume_multiple %add3A_154, 8 : i32
    %dma_wait3A_156 = tpu.memref_slice %arg4[%multiple_of3A_155] : memref<320000xi32, #tpu.memory_space<hbm>> -> memref<128xi32, #tpu.memory_space<hbm>>
    %dma_wait3A_157 = tpu.memref_slice %arg4[%multiple_of3A_155] : memref<320000xi32, #tpu.memory_space<hbm>> -> memref<128xi32, #tpu.memory_space<hbm>>
    tpu.wait_dma2 semaphore(%arg21 : memref<!tpu.dma_semaphore, #tpu.memory_space<semaphore_mem>>) src(%dma_wait3A_157 : memref<128xi32, #tpu.memory_space<hbm>>) dst(%arg11 : memref<128xi32, #tpu.memory_space<vmem>>)
    %dma_start3A_158 = arith.constant 0 : i32
    %dma_start3A_159 = arith.constant 0 : i32
    %dma_start3A_160 = tpu.memref_slice %arg2[%dma_start3A_158, %dma_start3A_159] : memref<10000x128xf32, #tpu.memory_space<hbm>> -> memref<10000x128xf32, #tpu.memory_space<hbm>>
    tpu.enqueue_indirect_dma source(%dma_start3A_160 : memref<10000x128xf32, #tpu.memory_space<hbm>>) target(%arg17 : memref<128x128xf32, #tpu.memory_space<vmem>>) offsets(%arg7 : memref<128xi32, #tpu.memory_space<vmem>>) semaphore(%arg25 : memref<!tpu.dma_semaphore, #tpu.memory_space<semaphore_mem>>)
    %dma_wait3A_161 = arith.constant 0 : i32
    %dma_wait3A_162 = arith.constant 0 : i32
    %dma_wait3A_163 = tpu.memref_slice %arg2[%dma_wait3A_161, %dma_wait3A_162] : memref<10000x128xf32, #tpu.memory_space<hbm>> -> memref<10000x128xf32, #tpu.memory_space<hbm>>
    tpu.wait_indirect_dma semaphore(%arg24 : memref<!tpu.dma_semaphore, #tpu.memory_space<semaphore_mem>>) src(%dma_wait3A_163 : memref<10000x128xf32, #tpu.memory_space<hbm>>) dst(%arg16 : memref<128x128xf32, #tpu.memory_space<vmem>>)
    %dma_start3A_164 = arith.constant 0 : i32
    %dma_start3A_165 = arith.constant 0 : i32
    %dma_start3A_166 = tpu.memref_slice %arg19[%dma_start3A_164, %dma_start3A_165] : memref<10000x128xf32, #tpu.memory_space<vmem_shared>> -> memref<10000x128xf32, #tpu.memory_space<vmem_shared>>
    tpu.enqueue_indirect_dma source(%arg16 : memref<128x128xf32, #tpu.memory_space<vmem>>) target(%dma_start3A_166 : memref<10000x128xf32, #tpu.memory_space<vmem_shared>>) offsets(%arg10 : memref<128xi32, #tpu.memory_space<vmem>>) semaphore(%arg26 : memref<!tpu.dma_semaphore, #tpu.memory_space<semaphore_mem>>) {add = true}
    %dma_wait3A_167 = arith.constant 0 : i32
    %dma_wait3A_168 = arith.constant 0 : i32
    %dma_wait3A_169 = tpu.memref_slice %arg2[%dma_wait3A_167, %dma_wait3A_168] : memref<10000x128xf32, #tpu.memory_space<hbm>> -> memref<10000x128xf32, #tpu.memory_space<hbm>>
    tpu.wait_indirect_dma semaphore(%arg25 : memref<!tpu.dma_semaphore, #tpu.memory_space<semaphore_mem>>) src(%dma_wait3A_169 : memref<10000x128xf32, #tpu.memory_space<hbm>>) dst(%arg17 : memref<128x128xf32, #tpu.memory_space<vmem>>)
    %dma_start3A_170 = arith.constant 0 : i32
    %dma_start3A_171 = arith.constant 0 : i32
    %dma_start3A_172 = tpu.memref_slice %arg19[%dma_start3A_170, %dma_start3A_171] : memref<10000x128xf32, #tpu.memory_space<vmem_shared>> -> memref<10000x128xf32, #tpu.memory_space<vmem_shared>>
    tpu.enqueue_indirect_dma source(%arg17 : memref<128x128xf32, #tpu.memory_space<vmem>>) target(%dma_start3A_172 : memref<10000x128xf32, #tpu.memory_space<vmem_shared>>) offsets(%arg11 : memref<128xi32, #tpu.memory_space<vmem>>) semaphore(%arg27 : memref<!tpu.dma_semaphore, #tpu.memory_space<semaphore_mem>>) {add = true}
    %dma_wait3A_173 = tpu.memref_slice %arg3[%multiple_of3A_35] : memref<320000xi32, #tpu.memory_space<hbm>> -> memref<16xi32, #tpu.memory_space<hbm>>
    %dma_wait3A_174 = tpu.memref_slice %arg3[%multiple_of3A_35] : memref<320000xi32, #tpu.memory_space<hbm>> -> memref<16xi32, #tpu.memory_space<hbm>>
    tpu.wait_dma2 semaphore(%arg28 : memref<!tpu.dma_semaphore, #tpu.memory_space<semaphore_mem>>) src(%dma_wait3A_174 : memref<16xi32, #tpu.memory_space<hbm>>) dst(%arg14 : memref<16xi32, #tpu.memory_space<vmem>>)
    %dma_wait3A_175 = tpu.memref_slice %arg4[%multiple_of3A_35] : memref<320000xi32, #tpu.memory_space<hbm>> -> memref<16xi32, #tpu.memory_space<hbm>>
    %dma_wait3A_176 = tpu.memref_slice %arg4[%multiple_of3A_35] : memref<320000xi32, #tpu.memory_space<hbm>> -> memref<16xi32, #tpu.memory_space<hbm>>
    tpu.wait_dma2 semaphore(%arg28 : memref<!tpu.dma_semaphore, #tpu.memory_space<semaphore_mem>>) src(%dma_wait3A_176 : memref<16xi32, #tpu.memory_space<hbm>>) dst(%arg15 : memref<16xi32, #tpu.memory_space<vmem>>)
    %dma_start3A_177 = arith.constant 0 : i32
    %dma_start3A_178 = arith.constant 0 : i32
    %dma_start3A_179 = tpu.memref_slice %arg2[%dma_start3A_177, %dma_start3A_178] : memref<10000x128xf32, #tpu.memory_space<hbm>> -> memref<10000x128xf32, #tpu.memory_space<hbm>>
    tpu.enqueue_indirect_dma source(%dma_start3A_179 : memref<10000x128xf32, #tpu.memory_space<hbm>>) target(%arg18 : memref<16x128xf32, #tpu.memory_space<vmem>>) offsets(%arg14 : memref<16xi32, #tpu.memory_space<vmem>>) semaphore(%arg28 : memref<!tpu.dma_semaphore, #tpu.memory_space<semaphore_mem>>)
    %dma_wait3A_180 = arith.constant 0 : i32
    %dma_wait3A_181 = arith.constant 0 : i32
    %dma_wait3A_182 = tpu.memref_slice %arg19[%dma_wait3A_180, %dma_wait3A_181] : memref<10000x128xf32, #tpu.memory_space<vmem_shared>> -> memref<10000x128xf32, #tpu.memory_space<vmem_shared>>
    tpu.wait_indirect_dma semaphore(%arg26 : memref<!tpu.dma_semaphore, #tpu.memory_space<semaphore_mem>>) src(%arg16 : memref<128x128xf32, #tpu.memory_space<vmem>>) dst(%dma_wait3A_182 : memref<10000x128xf32, #tpu.memory_space<vmem_shared>>)
    %dma_wait3A_183 = arith.constant 0 : i32
    %dma_wait3A_184 = arith.constant 0 : i32
    %dma_wait3A_185 = tpu.memref_slice %arg19[%dma_wait3A_183, %dma_wait3A_184] : memref<10000x128xf32, #tpu.memory_space<vmem_shared>> -> memref<10000x128xf32, #tpu.memory_space<vmem_shared>>
    tpu.wait_indirect_dma semaphore(%arg27 : memref<!tpu.dma_semaphore, #tpu.memory_space<semaphore_mem>>) src(%arg17 : memref<128x128xf32, #tpu.memory_space<vmem>>) dst(%dma_wait3A_185 : memref<10000x128xf32, #tpu.memory_space<vmem_shared>>)
    %dma_wait3A_186 = arith.constant 0 : i32
    %dma_wait3A_187 = arith.constant 0 : i32
    %dma_wait3A_188 = tpu.memref_slice %arg2[%dma_wait3A_186, %dma_wait3A_187] : memref<10000x128xf32, #tpu.memory_space<hbm>> -> memref<10000x128xf32, #tpu.memory_space<hbm>>
    tpu.wait_indirect_dma semaphore(%arg28 : memref<!tpu.dma_semaphore, #tpu.memory_space<semaphore_mem>>) src(%dma_wait3A_188 : memref<10000x128xf32, #tpu.memory_space<hbm>>) dst(%arg18 : memref<16x128xf32, #tpu.memory_space<vmem>>)
    "tpu.region"() ({
      %run_scoped3A = tpu.sem_alloc : memref<!tpu.dma_semaphore, #tpu.memory_space<semaphore_mem>>
      %dma_start3A_190 = arith.constant 0 : i32
      %dma_start3A_191 = arith.constant 0 : i32
      %dma_start3A_192 = tpu.memref_slice %arg19[%dma_start3A_190, %dma_start3A_191] : memref<10000x128xf32, #tpu.memory_space<vmem_shared>> -> memref<10000x128xf32, #tpu.memory_space<vmem_shared>>
      tpu.enqueue_indirect_dma source(%arg18 : memref<16x128xf32, #tpu.memory_space<vmem>>) target(%dma_start3A_192 : memref<10000x128xf32, #tpu.memory_space<vmem_shared>>) offsets(%arg15 : memref<16xi32, #tpu.memory_space<vmem>>) semaphore(%run_scoped3A : memref<!tpu.dma_semaphore, #tpu.memory_space<semaphore_mem>>) {add = true}
      %dma_wait3A_193 = arith.constant 0 : i32
      %dma_wait3A_194 = arith.constant 0 : i32
      %dma_wait3A_195 = tpu.memref_slice %arg19[%dma_wait3A_193, %dma_wait3A_194] : memref<10000x128xf32, #tpu.memory_space<vmem_shared>> -> memref<10000x128xf32, #tpu.memory_space<vmem_shared>>
      tpu.wait_indirect_dma semaphore(%run_scoped3A : memref<!tpu.dma_semaphore, #tpu.memory_space<semaphore_mem>>) src(%arg18 : memref<16x128xf32, #tpu.memory_space<vmem>>) dst(%dma_wait3A_195 : memref<10000x128xf32, #tpu.memory_space<vmem_shared>>)
      tpu.yield
    }) : () -> ()
    %barrier3A_189 = arith.constant 0 : index
    tpu.barrier barrier_id(%barrier3A_189)
    "tpu.region"() ({
      %run_scoped3A = tpu.sem_alloc : memref<!tpu.dma_semaphore, #tpu.memory_space<semaphore_mem>>
      %dma_start3A_190 = arith.constant 0 : i32
      %dma_start3A_191 = tpu.memref_slice %arg5[%arg0, %multiple_of3A_45, %dma_start3A_190] : memref<2x10000x128xf32, #tpu.memory_space<hbm>> -> memref<1x640x128xf32, #tpu.memory_space<hbm>>
      %dma_start3A_192 = tpu.memref_squeeze %dma_start3A_191 : memref<1x640x128xf32, #tpu.memory_space<hbm>> -> memref<640x128xf32, #tpu.memory_space<hbm>>
      %dma_start3A_193 = arith.constant 0 : i32
      %dma_start3A_194 = tpu.memref_slice %arg19[%multiple_of3A_45, %dma_start3A_193] : memref<10000x128xf32, #tpu.memory_space<vmem_shared>> -> memref<640x128xf32, #tpu.memory_space<vmem_shared>>
      tpu.enqueue_dma source(%dma_start3A_194 : memref<640x128xf32, #tpu.memory_space<vmem_shared>>) target(%dma_start3A_192 : memref<640x128xf32, #tpu.memory_space<hbm>>) target_semaphore(%run_scoped3A : memref<!tpu.dma_semaphore, #tpu.memory_space<semaphore_mem>>)
      %dma_wait3A_195 = arith.constant 0 : i32
      %dma_wait3A_196 = tpu.memref_slice %arg5[%arg0, %multiple_of3A_45, %dma_wait3A_195] : memref<2x10000x128xf32, #tpu.memory_space<hbm>> -> memref<1x640x128xf32, #tpu.memory_space<hbm>>
      %dma_wait3A_197 = tpu.memref_squeeze %dma_wait3A_196 : memref<1x640x128xf32, #tpu.memory_space<hbm>> -> memref<640x128xf32, #tpu.memory_space<hbm>>
      %dma_wait3A_198 = arith.constant 0 : i32
      %dma_wait3A_199 = tpu.memref_slice %arg19[%multiple_of3A_45, %dma_wait3A_198] : memref<10000x128xf32, #tpu.memory_space<vmem_shared>> -> memref<640x128xf32, #tpu.memory_space<vmem_shared>>
      tpu.wait_dma2 semaphore(%run_scoped3A : memref<!tpu.dma_semaphore, #tpu.memory_space<semaphore_mem>>) src(%dma_wait3A_199 : memref<640x128xf32, #tpu.memory_space<vmem_shared>>) dst(%dma_wait3A_197 : memref<640x128xf32, #tpu.memory_space<hbm>>)
      tpu.yield
    }) : () -> ()
    return
  }
}

#map = affine_map<(d0, d1) -> (0, 0)>
#map1 = affine_map<(d0, d1) -> (0)>
#map2 = affine_map<(d0, d1) -> (0, 0, 0)>
module attributes {stable_mosaic.version = 14 : i64} {
  func.func @_scat_body(%arg0: i32, %arg1: i32, %arg2: memref<10000x128xf32, #tpu.memory_space<hbm>>, %arg3: memref<320000xi32, #tpu.memory_space<hbm>>, %arg4: memref<320000xi32, #tpu.memory_space<hbm>>, %arg5: memref<2x10000x128xf32, #tpu.memory_space<hbm>>, %arg6: memref<128xi32, #tpu.memory_space<vmem>>, %arg7: memref<128xi32, #tpu.memory_space<vmem>>, %arg8: memref<128xi32, #tpu.memory_space<vmem>>, %arg9: memref<128xi32, #tpu.memory_space<vmem>>, %arg10: memref<128xi32, #tpu.memory_space<vmem>>, %arg11: memref<128xi32, #tpu.memory_space<vmem>>, %arg12: memref<128xi32, #tpu.memory_space<vmem>>, %arg13: memref<128xi32, #tpu.memory_space<vmem>>, %arg14: memref<16xi32, #tpu.memory_space<vmem>>, %arg15: memref<16xi32, #tpu.memory_space<vmem>>, %arg16: memref<128x128xf32, #tpu.memory_space<vmem>>, %arg17: memref<128x128xf32, #tpu.memory_space<vmem>>, %arg18: memref<16x128xf32, #tpu.memory_space<vmem>>, %arg19: memref<10000x128xf32, #tpu.memory_space<vmem_shared>>, %arg20: memref<!tpu.dma_semaphore, #tpu.memory_space<semaphore_mem>>, %arg21: memref<!tpu.dma_semaphore, #tpu.memory_space<semaphore_mem>>, %arg22: memref<!tpu.dma_semaphore, #tpu.memory_space<semaphore_mem>>, %arg23: memref<!tpu.dma_semaphore, #tpu.memory_space<semaphore_mem>>, %arg24: memref<!tpu.dma_semaphore, #tpu.memory_space<semaphore_mem>>, %arg25: memref<!tpu.dma_semaphore, #tpu.memory_space<semaphore_mem>>, %arg26: memref<!tpu.dma_semaphore, #tpu.memory_space<semaphore_mem>>, %arg27: memref<!tpu.dma_semaphore, #tpu.memory_space<semaphore_mem>>, %arg28: memref<!tpu.dma_semaphore, #tpu.memory_space<semaphore_mem>>) attributes {dimension_semantics = [#tpu.dimension_semantics<core_parallel>, #tpu.dimension_semantics<subcore_parallel>], iteration_bounds = array<i64: 2, 16>, scalar_prefetch = 0 : i64, scratch_operands = 23 : i64, tpu.core_type = #tpu.core_type<sc_vector_subcore>, window_params = [{transform_indices = #map}, {transform_indices = #map1}, {transform_indices = #map1}, {transform_indices = #map2}]} {
    %mul3A = arith.constant 16 : i32
    %mul3A_0 = arith.muli %arg0, %mul3A : i32
    %add3A = arith.addi %mul3A_0, %arg1 : i32
    %mul3A_1 = arith.constant 10000 : i32
    %mul3A_2 = arith.muli %add3A, %mul3A_1 : i32
    %add3A_3 = arith.constant 0 : i32
    %add3A_4 = arith.addi %mul3A_2, %add3A_3 : i32
    %multiple_of3A = tpu.assume_multiple %add3A_4, 8 : i32
    "tpu.region"() ({
      %run_scoped3A = tpu.sem_alloc : memref<!tpu.dma_semaphore, #tpu.memory_space<semaphore_mem>>
      %dma_start3A_190 = tpu.memref_slice %arg3[%multiple_of3A] : memref<320000xi32, #tpu.memory_space<hbm>> -> memref<128xi32, #tpu.memory_space<hbm>>
      %dma_start3A_191 = tpu.memref_slice %arg3[%multiple_of3A] : memref<320000xi32, #tpu.memory_space<hbm>> -> memref<128xi32, #tpu.memory_space<hbm>>
      tpu.enqueue_dma source(%dma_start3A_191 : memref<128xi32, #tpu.memory_space<hbm>>) target(%arg6 : memref<128xi32, #tpu.memory_space<vmem>>) target_semaphore(%run_scoped3A : memref<!tpu.dma_semaphore, #tpu.memory_space<semaphore_mem>>)
      %dma_wait3A_192 = tpu.memref_slice %arg3[%multiple_of3A] : memref<320000xi32, #tpu.memory_space<hbm>> -> memref<128xi32, #tpu.memory_space<hbm>>
      %dma_wait3A_193 = tpu.memref_slice %arg3[%multiple_of3A] : memref<320000xi32, #tpu.memory_space<hbm>> -> memref<128xi32, #tpu.memory_space<hbm>>
      tpu.wait_dma2 semaphore(%run_scoped3A : memref<!tpu.dma_semaphore, #tpu.memory_space<semaphore_mem>>) src(%dma_wait3A_193 : memref<128xi32, #tpu.memory_space<hbm>>) dst(%arg6 : memref<128xi32, #tpu.memory_space<vmem>>)
      tpu.yield
    }) : () -> ()
    %add3A_5 = arith.constant 0 : i32
    %add3A_6 = arith.addi %mul3A_2, %add3A_5 : i32
    %multiple_of3A_7 = tpu.assume_multiple %add3A_6, 8 : i32
    "tpu.region"() ({
      %run_scoped3A = tpu.sem_alloc : memref<!tpu.dma_semaphore, #tpu.memory_space<semaphore_mem>>
      %dma_start3A_190 = tpu.memref_slice %arg4[%multiple_of3A_7] : memref<320000xi32, #tpu.memory_space<hbm>> -> memref<128xi32, #tpu.memory_space<hbm>>
      %dma_start3A_191 = tpu.memref_slice %arg4[%multiple_of3A_7] : memref<320000xi32, #tpu.memory_space<hbm>> -> memref<128xi32, #tpu.memory_space<hbm>>
      tpu.enqueue_dma source(%dma_start3A_191 : memref<128xi32, #tpu.memory_space<hbm>>) target(%arg10 : memref<128xi32, #tpu.memory_space<vmem>>) target_semaphore(%run_scoped3A : memref<!tpu.dma_semaphore, #tpu.memory_space<semaphore_mem>>)
      %dma_wait3A_192 = tpu.memref_slice %arg4[%multiple_of3A_7] : memref<320000xi32, #tpu.memory_space<hbm>> -> memref<128xi32, #tpu.memory_space<hbm>>
      %dma_wait3A_193 = tpu.memref_slice %arg4[%multiple_of3A_7] : memref<320000xi32, #tpu.memory_space<hbm>> -> memref<128xi32, #tpu.memory_space<hbm>>
      tpu.wait_dma2 semaphore(%run_scoped3A : memref<!tpu.dma_semaphore, #tpu.memory_space<semaphore_mem>>) src(%dma_wait3A_193 : memref<128xi32, #tpu.memory_space<hbm>>) dst(%arg10 : memref<128xi32, #tpu.memory_space<vmem>>)
      tpu.yield
    }) : () -> ()
    %add3A_8 = arith.constant 128 : i32
    %add3A_9 = arith.addi %mul3A_2, %add3A_8 : i32
    %multiple_of3A_10 = tpu.assume_multiple %add3A_9, 8 : i32
    "tpu.region"() ({
      %run_scoped3A = tpu.sem_alloc : memref<!tpu.dma_semaphore, #tpu.memory_space<semaphore_mem>>
      %dma_start3A_190 = tpu.memref_slice %arg3[%multiple_of3A_10] : memref<320000xi32, #tpu.memory_space<hbm>> -> memref<128xi32, #tpu.memory_space<hbm>>
      %dma_start3A_191 = tpu.memref_slice %arg3[%multiple_of3A_10] : memref<320000xi32, #tpu.memory_space<hbm>> -> memref<128xi32, #tpu.memory_space<hbm>>
      tpu.enqueue_dma source(%dma_start3A_191 : memref<128xi32, #tpu.memory_space<hbm>>) target(%arg7 : memref<128xi32, #tpu.memory_space<vmem>>) target_semaphore(%run_scoped3A : memref<!tpu.dma_semaphore, #tpu.memory_space<semaphore_mem>>)
      %dma_wait3A_192 = tpu.memref_slice %arg3[%multiple_of3A_10] : memref<320000xi32, #tpu.memory_space<hbm>> -> memref<128xi32, #tpu.memory_space<hbm>>
      %dma_wait3A_193 = tpu.memref_slice %arg3[%multiple_of3A_10] : memref<320000xi32, #tpu.memory_space<hbm>> -> memref<128xi32, #tpu.memory_space<hbm>>
      tpu.wait_dma2 semaphore(%run_scoped3A : memref<!tpu.dma_semaphore, #tpu.memory_space<semaphore_mem>>) src(%dma_wait3A_193 : memref<128xi32, #tpu.memory_space<hbm>>) dst(%arg7 : memref<128xi32, #tpu.memory_space<vmem>>)
      tpu.yield
    }) : () -> ()
    %add3A_11 = arith.constant 128 : i32
    %add3A_12 = arith.addi %mul3A_2, %add3A_11 : i32
    %multiple_of3A_13 = tpu.assume_multiple %add3A_12, 8 : i32
    "tpu.region"() ({
      %run_scoped3A = tpu.sem_alloc : memref<!tpu.dma_semaphore, #tpu.memory_space<semaphore_mem>>
      %dma_start3A_190 = tpu.memref_slice %arg4[%multiple_of3A_13] : memref<320000xi32, #tpu.memory_space<hbm>> -> memref<128xi32, #tpu.memory_space<hbm>>
      %dma_start3A_191 = tpu.memref_slice %arg4[%multiple_of3A_13] : memref<320000xi32, #tpu.memory_space<hbm>> -> memref<128xi32, #tpu.memory_space<hbm>>
      tpu.enqueue_dma source(%dma_start3A_191 : memref<128xi32, #tpu.memory_space<hbm>>) target(%arg11 : memref<128xi32, #tpu.memory_space<vmem>>) target_semaphore(%run_scoped3A : memref<!tpu.dma_semaphore, #tpu.memory_space<semaphore_mem>>)
      %dma_wait3A_192 = tpu.memref_slice %arg4[%multiple_of3A_13] : memref<320000xi32, #tpu.memory_space<hbm>> -> memref<128xi32, #tpu.memory_space<hbm>>
      %dma_wait3A_193 = tpu.memref_slice %arg4[%multiple_of3A_13] : memref<320000xi32, #tpu.memory_space<hbm>> -> memref<128xi32, #tpu.memory_space<hbm>>
      tpu.wait_dma2 semaphore(%run_scoped3A : memref<!tpu.dma_semaphore, #tpu.memory_space<semaphore_mem>>) src(%dma_wait3A_193 : memref<128xi32, #tpu.memory_space<hbm>>) dst(%arg11 : memref<128xi32, #tpu.memory_space<vmem>>)
      tpu.yield
    }) : () -> ()
    %add3A_14 = arith.constant 256 : i32
    %add3A_15 = arith.addi %mul3A_2, %add3A_14 : i32
    %multiple_of3A_16 = tpu.assume_multiple %add3A_15, 8 : i32
    %dma_start3A = tpu.memref_slice %arg3[%multiple_of3A_16] : memref<320000xi32, #tpu.memory_space<hbm>> -> memref<128xi32, #tpu.memory_space<hbm>>
    %dma_start3A_17 = tpu.memref_slice %arg3[%multiple_of3A_16] : memref<320000xi32, #tpu.memory_space<hbm>> -> memref<128xi32, #tpu.memory_space<hbm>>
    tpu.enqueue_dma source(%dma_start3A_17 : memref<128xi32, #tpu.memory_space<hbm>>) target(%arg8 : memref<128xi32, #tpu.memory_space<vmem>>) target_semaphore(%arg22 : memref<!tpu.dma_semaphore, #tpu.memory_space<semaphore_mem>>)
    %add3A_18 = arith.constant 256 : i32
    %add3A_19 = arith.addi %mul3A_2, %add3A_18 : i32
    %multiple_of3A_20 = tpu.assume_multiple %add3A_19, 8 : i32
    %dma_start3A_21 = tpu.memref_slice %arg4[%multiple_of3A_20] : memref<320000xi32, #tpu.memory_space<hbm>> -> memref<128xi32, #tpu.memory_space<hbm>>
    %dma_start3A_22 = tpu.memref_slice %arg4[%multiple_of3A_20] : memref<320000xi32, #tpu.memory_space<hbm>> -> memref<128xi32, #tpu.memory_space<hbm>>
    tpu.enqueue_dma source(%dma_start3A_22 : memref<128xi32, #tpu.memory_space<hbm>>) target(%arg12 : memref<128xi32, #tpu.memory_space<vmem>>) target_semaphore(%arg22 : memref<!tpu.dma_semaphore, #tpu.memory_space<semaphore_mem>>)
    %add3A_23 = arith.constant 384 : i32
    %add3A_24 = arith.addi %mul3A_2, %add3A_23 : i32
    %multiple_of3A_25 = tpu.assume_multiple %add3A_24, 8 : i32
    %dma_start3A_26 = tpu.memref_slice %arg3[%multiple_of3A_25] : memref<320000xi32, #tpu.memory_space<hbm>> -> memref<128xi32, #tpu.memory_space<hbm>>
    %dma_start3A_27 = tpu.memref_slice %arg3[%multiple_of3A_25] : memref<320000xi32, #tpu.memory_space<hbm>> -> memref<128xi32, #tpu.memory_space<hbm>>
    tpu.enqueue_dma source(%dma_start3A_27 : memref<128xi32, #tpu.memory_space<hbm>>) target(%arg9 : memref<128xi32, #tpu.memory_space<vmem>>) target_semaphore(%arg23 : memref<!tpu.dma_semaphore, #tpu.memory_space<semaphore_mem>>)
    %add3A_28 = arith.constant 384 : i32
    %add3A_29 = arith.addi %mul3A_2, %add3A_28 : i32
    %multiple_of3A_30 = tpu.assume_multiple %add3A_29, 8 : i32
    %dma_start3A_31 = tpu.memref_slice %arg4[%multiple_of3A_30] : memref<320000xi32, #tpu.memory_space<hbm>> -> memref<128xi32, #tpu.memory_space<hbm>>
    %dma_start3A_32 = tpu.memref_slice %arg4[%multiple_of3A_30] : memref<320000xi32, #tpu.memory_space<hbm>> -> memref<128xi32, #tpu.memory_space<hbm>>
    tpu.enqueue_dma source(%dma_start3A_32 : memref<128xi32, #tpu.memory_space<hbm>>) target(%arg13 : memref<128xi32, #tpu.memory_space<vmem>>) target_semaphore(%arg23 : memref<!tpu.dma_semaphore, #tpu.memory_space<semaphore_mem>>)
    %add3A_33 = arith.constant 9984 : i32
    %add3A_34 = arith.addi %mul3A_2, %add3A_33 : i32
    %multiple_of3A_35 = tpu.assume_multiple %add3A_34, 8 : i32
    %dma_start3A_36 = tpu.memref_slice %arg3[%multiple_of3A_35] : memref<320000xi32, #tpu.memory_space<hbm>> -> memref<16xi32, #tpu.memory_space<hbm>>
    %dma_start3A_37 = tpu.memref_slice %arg3[%multiple_of3A_35] : memref<320000xi32, #tpu.memory_space<hbm>> -> memref<16xi32, #tpu.memory_space<hbm>>
    tpu.enqueue_dma source(%dma_start3A_37 : memref<16xi32, #tpu.memory_space<hbm>>) target(%arg14 : memref<16xi32, #tpu.memory_space<vmem>>) target_semaphore(%arg28 : memref<!tpu.dma_semaphore, #tpu.memory_space<semaphore_mem>>)
    %dma_start3A_38 = tpu.memref_slice %arg4[%multiple_of3A_35] : memref<320000xi32, #tpu.memory_space<hbm>> -> memref<16xi32, #tpu.memory_space<hbm>>
    %dma_start3A_39 = tpu.memref_slice %arg4[%multiple_of3A_35] : memref<320000xi32, #tpu.memory_space<hbm>> -> memref<16xi32, #tpu.memory_space<hbm>>
    tpu.enqueue_dma source(%dma_start3A_39 : memref<16xi32, #tpu.memory_space<hbm>>) target(%arg15 : memref<16xi32, #tpu.memory_space<vmem>>) target_semaphore(%arg28 : memref<!tpu.dma_semaphore, #tpu.memory_space<semaphore_mem>>)
    %dma_start3A_40 = arith.constant 0 : i32
    %dma_start3A_41 = arith.constant 0 : i32
    %dma_start3A_42 = tpu.memref_slice %arg2[%dma_start3A_40, %dma_start3A_41] : memref<10000x128xf32, #tpu.memory_space<hbm>> -> memref<10000x128xf32, #tpu.memory_space<hbm>>
    tpu.enqueue_indirect_dma source(%dma_start3A_42 : memref<10000x128xf32, #tpu.memory_space<hbm>>) target(%arg16 : memref<128x128xf32, #tpu.memory_space<vmem>>) offsets(%arg6 : memref<128xi32, #tpu.memory_space<vmem>>) semaphore(%arg24 : memref<!tpu.dma_semaphore, #tpu.memory_space<semaphore_mem>>)
    %mul3A_43 = arith.constant 624 : i32
    %mul3A_44 = arith.muli %arg1, %mul3A_43 : i32
    %multiple_of3A_45 = tpu.assume_multiple %mul3A_44, 8 : i32
    "tpu.region"() ({
      %run_scoped3A = tpu.sem_alloc : memref<!tpu.dma_semaphore, #tpu.memory_space<semaphore_mem>>
      %dma_start3A_190 = arith.constant 0 : i32
      %dma_start3A_191 = tpu.memref_slice %arg19[%multiple_of3A_45, %dma_start3A_190] : memref<10000x128xf32, #tpu.memory_space<vmem_shared>> -> memref<640x128xf32, #tpu.memory_space<vmem_shared>>
      %dma_start3A_192 = arith.constant 0 : i32
      %dma_start3A_193 = tpu.memref_slice %arg2[%multiple_of3A_45, %dma_start3A_192] : memref<10000x128xf32, #tpu.memory_space<hbm>> -> memref<640x128xf32, #tpu.memory_space<hbm>>
      tpu.enqueue_dma source(%dma_start3A_193 : memref<640x128xf32, #tpu.memory_space<hbm>>) target(%dma_start3A_191 : memref<640x128xf32, #tpu.memory_space<vmem_shared>>) target_semaphore(%run_scoped3A : memref<!tpu.dma_semaphore, #tpu.memory_space<semaphore_mem>>)
      %dma_wait3A_194 = arith.constant 0 : i32
      %dma_wait3A_195 = tpu.memref_slice %arg19[%multiple_of3A_45, %dma_wait3A_194] : memref<10000x128xf32, #tpu.memory_space<vmem_shared>> -> memref<640x128xf32, #tpu.memory_space<vmem_shared>>
      %dma_wait3A_196 = arith.constant 0 : i32
      %dma_wait3A_197 = tpu.memref_slice %arg2[%multiple_of3A_45, %dma_wait3A_196] : memref<10000x128xf32, #tpu.memory_space<hbm>> -> memref<640x128xf32, #tpu.memory_space<hbm>>
      tpu.wait_dma2 semaphore(%run_scoped3A : memref<!tpu.dma_semaphore, #tpu.memory_space<semaphore_mem>>) src(%dma_wait3A_197 : memref<640x128xf32, #tpu.memory_space<hbm>>) dst(%dma_wait3A_195 : memref<640x128xf32, #tpu.memory_space<vmem_shared>>)
      tpu.yield
    }) : () -> ()
    %barrier3A = arith.constant 0 : index
    tpu.barrier barrier_id(%barrier3A)
    %dma_start3A_46 = arith.constant 0 : i32
    %dma_start3A_47 = arith.constant 0 : i32
    %dma_start3A_48 = tpu.memref_slice %arg2[%dma_start3A_46, %dma_start3A_47] : memref<10000x128xf32, #tpu.memory_space<hbm>> -> memref<10000x128xf32, #tpu.memory_space<hbm>>
    tpu.enqueue_indirect_dma source(%dma_start3A_48 : memref<10000x128xf32, #tpu.memory_space<hbm>>) target(%arg17 : memref<128x128xf32, #tpu.memory_space<vmem>>) offsets(%arg7 : memref<128xi32, #tpu.memory_space<vmem>>) semaphore(%arg25 : memref<!tpu.dma_semaphore, #tpu.memory_space<semaphore_mem>>)
    %dma_wait3A = arith.constant 0 : i32
    %dma_wait3A_49 = arith.constant 0 : i32
    %dma_wait3A_50 = tpu.memref_slice %arg2[%dma_wait3A, %dma_wait3A_49] : memref<10000x128xf32, #tpu.memory_space<hbm>> -> memref<10000x128xf32, #tpu.memory_space<hbm>>
    tpu.wait_indirect_dma semaphore(%arg24 : memref<!tpu.dma_semaphore, #tpu.memory_space<semaphore_mem>>) src(%dma_wait3A_50 : memref<10000x128xf32, #tpu.memory_space<hbm>>) dst(%arg16 : memref<128x128xf32, #tpu.memory_space<vmem>>)
    %dma_start3A_51 = arith.constant 0 : i32
    %dma_start3A_52 = arith.constant 0 : i32
    %dma_start3A_53 = tpu.memref_slice %arg19[%dma_start3A_51, %dma_start3A_52] : memref<10000x128xf32, #tpu.memory_space<vmem_shared>> -> memref<10000x128xf32, #tpu.memory_space<vmem_shared>>
    tpu.enqueue_indirect_dma source(%arg16 : memref<128x128xf32, #tpu.memory_space<vmem>>) target(%dma_start3A_53 : memref<10000x128xf32, #tpu.memory_space<vmem_shared>>) offsets(%arg10 : memref<128xi32, #tpu.memory_space<vmem>>) semaphore(%arg26 : memref<!tpu.dma_semaphore, #tpu.memory_space<semaphore_mem>>) {add = true}
    %scan3A = arith.constant 0 : i32
    %scan3A_54 = arith.constant 0 : i32
    %scan3A_55 = arith.constant 18 : i32
    %scan3A_56 = arith.addi %scan3A_54, %scan3A_55 : i32
    %scan3A_57 = arith.constant 1 : i32
    scf.for %scan3A_190 = %scan3A_54 to %scan3A_56 step %scan3A_57  : i32 {
      %mul3A_191 = arith.constant 4 : i32
      %mul3A_192 = arith.muli %mul3A_191, %scan3A_190 : i32
      %add3A_193 = arith.constant 2 : i32
      %add3A_194 = arith.addi %mul3A_192, %add3A_193 : i32
      %add3A_195 = arith.constant 0 : i32
      %add3A_196 = arith.addi %add3A_194, %add3A_195 : i32
      %dma_wait3A_197 = arith.constant 0 : i32
      %dma_wait3A_198 = arith.constant 0 : i32
      %dma_wait3A_199 = tpu.memref_slice %arg19[%dma_wait3A_197, %dma_wait3A_198] : memref<10000x128xf32, #tpu.memory_space<vmem_shared>> -> memref<10000x128xf32, #tpu.memory_space<vmem_shared>>
      tpu.wait_indirect_dma semaphore(%arg26 : memref<!tpu.dma_semaphore, #tpu.memory_space<semaphore_mem>>) src(%arg16 : memref<128x128xf32, #tpu.memory_space<vmem>>) dst(%dma_wait3A_199 : memref<10000x128xf32, #tpu.memory_space<vmem_shared>>)
      %mul3A_200 = arith.constant 128 : i32
      %mul3A_201 = arith.muli %add3A_196, %mul3A_200 : i32
      %add3A_202 = arith.addi %mul3A_2, %mul3A_201 : i32
      %multiple_of3A_203 = tpu.assume_multiple %add3A_202, 8 : i32
      %dma_wait3A_204 = tpu.memref_slice %arg3[%multiple_of3A_203] : memref<320000xi32, #tpu.memory_space<hbm>> -> memref<128xi32, #tpu.memory_space<hbm>>
      %dma_wait3A_205 = tpu.memref_slice %arg3[%multiple_of3A_203] : memref<320000xi32, #tpu.memory_space<hbm>> -> memref<128xi32, #tpu.memory_space<hbm>>
      tpu.wait_dma2 semaphore(%arg22 : memref<!tpu.dma_semaphore, #tpu.memory_space<semaphore_mem>>) src(%dma_wait3A_205 : memref<128xi32, #tpu.memory_space<hbm>>) dst(%arg8 : memref<128xi32, #tpu.memory_space<vmem>>)
      %mul3A_206 = arith.constant 128 : i32
      %mul3A_207 = arith.muli %add3A_196, %mul3A_206 : i32
      %add3A_208 = arith.addi %mul3A_2, %mul3A_207 : i32
      %multiple_of3A_209 = tpu.assume_multiple %add3A_208, 8 : i32
      %dma_wait3A_210 = tpu.memref_slice %arg4[%multiple_of3A_209] : memref<320000xi32, #tpu.memory_space<hbm>> -> memref<128xi32, #tpu.memory_space<hbm>>
      %dma_wait3A_211 = tpu.memref_slice %arg4[%multiple_of3A_209] : memref<320000xi32, #tpu.memory_space<hbm>> -> memref<128xi32, #tpu.memory_space<hbm>>
      tpu.wait_dma2 semaphore(%arg22 : memref<!tpu.dma_semaphore, #tpu.memory_space<semaphore_mem>>) src(%dma_wait3A_211 : memref<128xi32, #tpu.memory_space<hbm>>) dst(%arg12 : memref<128xi32, #tpu.memory_space<vmem>>)
      %dma_start3A_212 = arith.constant 0 : i32
      %dma_start3A_213 = arith.constant 0 : i32
      %dma_start3A_214 = tpu.memref_slice %arg2[%dma_start3A_212, %dma_start3A_213] : memref<10000x128xf32, #tpu.memory_space<hbm>> -> memref<10000x128xf32, #tpu.memory_space<hbm>>
      tpu.enqueue_indirect_dma source(%dma_start3A_214 : memref<10000x128xf32, #tpu.memory_space<hbm>>) target(%arg16 : memref<128x128xf32, #tpu.memory_space<vmem>>) offsets(%arg8 : memref<128xi32, #tpu.memory_space<vmem>>) semaphore(%arg24 : memref<!tpu.dma_semaphore, #tpu.memory_space<semaphore_mem>>)
      %dma_wait3A_215 = arith.constant 0 : i32
      %dma_wait3A_216 = arith.constant 0 : i32
      %dma_wait3A_217 = tpu.memref_slice %arg2[%dma_wait3A_215, %dma_wait3A_216] : memref<10000x128xf32, #tpu.memory_space<hbm>> -> memref<10000x128xf32, #tpu.memory_space<hbm>>
      tpu.wait_indirect_dma semaphore(%arg25 : memref<!tpu.dma_semaphore, #tpu.memory_space<semaphore_mem>>) src(%dma_wait3A_217 : memref<10000x128xf32, #tpu.memory_space<hbm>>) dst(%arg17 : memref<128x128xf32, #tpu.memory_space<vmem>>)
      %dma_start3A_218 = arith.constant 0 : i32
      %dma_start3A_219 = arith.constant 0 : i32
      %dma_start3A_220 = tpu.memref_slice %arg19[%dma_start3A_218, %dma_start3A_219] : memref<10000x128xf32, #tpu.memory_space<vmem_shared>> -> memref<10000x128xf32, #tpu.memory_space<vmem_shared>>
      tpu.enqueue_indirect_dma source(%arg17 : memref<128x128xf32, #tpu.memory_space<vmem>>) target(%dma_start3A_220 : memref<10000x128xf32, #tpu.memory_space<vmem_shared>>) offsets(%arg11 : memref<128xi32, #tpu.memory_space<vmem>>) semaphore(%arg27 : memref<!tpu.dma_semaphore, #tpu.memory_space<semaphore_mem>>) {add = true}
      %add3A_221 = arith.constant 2 : i32
      %add3A_222 = arith.addi %add3A_196, %add3A_221 : i32
      %mul3A_223 = arith.constant 128 : i32
      %mul3A_224 = arith.muli %add3A_222, %mul3A_223 : i32
      %add3A_225 = arith.addi %mul3A_2, %mul3A_224 : i32
      %multiple_of3A_226 = tpu.assume_multiple %add3A_225, 8 : i32
      %dma_start3A_227 = tpu.memref_slice %arg3[%multiple_of3A_226] : memref<320000xi32, #tpu.memory_space<hbm>> -> memref<128xi32, #tpu.memory_space<hbm>>
      %dma_start3A_228 = tpu.memref_slice %arg3[%multiple_of3A_226] : memref<320000xi32, #tpu.memory_space<hbm>> -> memref<128xi32, #tpu.memory_space<hbm>>
      tpu.enqueue_dma source(%dma_start3A_228 : memref<128xi32, #tpu.memory_space<hbm>>) target(%arg6 : memref<128xi32, #tpu.memory_space<vmem>>) target_semaphore(%arg20 : memref<!tpu.dma_semaphore, #tpu.memory_space<semaphore_mem>>)
      %mul3A_229 = arith.constant 128 : i32
      %mul3A_230 = arith.muli %add3A_222, %mul3A_229 : i32
      %add3A_231 = arith.addi %mul3A_2, %mul3A_230 : i32
      %multiple_of3A_232 = tpu.assume_multiple %add3A_231, 8 : i32
      %dma_start3A_233 = tpu.memref_slice %arg4[%multiple_of3A_232] : memref<320000xi32, #tpu.memory_space<hbm>> -> memref<128xi32, #tpu.memory_space<hbm>>
      %dma_start3A_234 = tpu.memref_slice %arg4[%multiple_of3A_232] : memref<320000xi32, #tpu.memory_space<hbm>> -> memref<128xi32, #tpu.memory_space<hbm>>
      tpu.enqueue_dma source(%dma_start3A_234 : memref<128xi32, #tpu.memory_space<hbm>>) target(%arg10 : memref<128xi32, #tpu.memory_space<vmem>>) target_semaphore(%arg20 : memref<!tpu.dma_semaphore, #tpu.memory_space<semaphore_mem>>)
      %mul3A_235 = arith.constant 4 : i32
      %mul3A_236 = arith.muli %mul3A_235, %scan3A_190 : i32
      %add3A_237 = arith.constant 2 : i32
      %add3A_238 = arith.addi %mul3A_236, %add3A_237 : i32
      %add3A_239 = arith.constant 1 : i32
      %add3A_240 = arith.addi %add3A_238, %add3A_239 : i32
      %dma_wait3A_241 = arith.constant 0 : i32
      %dma_wait3A_242 = arith.constant 0 : i32
      %dma_wait3A_243 = tpu.memref_slice %arg19[%dma_wait3A_241, %dma_wait3A_242] : memref<10000x128xf32, #tpu.memory_space<vmem_shared>> -> memref<10000x128xf32, #tpu.memory_space<vmem_shared>>
      tpu.wait_indirect_dma semaphore(%arg27 : memref<!tpu.dma_semaphore, #tpu.memory_space<semaphore_mem>>) src(%arg17 : memref<128x128xf32, #tpu.memory_space<vmem>>) dst(%dma_wait3A_243 : memref<10000x128xf32, #tpu.memory_space<vmem_shared>>)
      %mul3A_244 = arith.constant 128 : i32
      %mul3A_245 = arith.muli %add3A_240, %mul3A_244 : i32
      %add3A_246 = arith.addi %mul3A_2, %mul3A_245 : i32
      %multiple_of3A_247 = tpu.assume_multiple %add3A_246, 8 : i32
      %dma_wait3A_248 = tpu.memref_slice %arg3[%multiple_of3A_247] : memref<320000xi32, #tpu.memory_space<hbm>> -> memref<128xi32, #tpu.memory_space<hbm>>
      %dma_wait3A_249 = tpu.memref_slice %arg3[%multiple_of3A_247] : memref<320000xi32, #tpu.memory_space<hbm>> -> memref<128xi32, #tpu.memory_space<hbm>>
      tpu.wait_dma2 semaphore(%arg23 : memref<!tpu.dma_semaphore, #tpu.memory_space<semaphore_mem>>) src(%dma_wait3A_249 : memref<128xi32, #tpu.memory_space<hbm>>) dst(%arg9 : memref<128xi32, #tpu.memory_space<vmem>>)
      %mul3A_250 = arith.constant 128 : i32
      %mul3A_251 = arith.muli %add3A_240, %mul3A_250 : i32
      %add3A_252 = arith.addi %mul3A_2, %mul3A_251 : i32
      %multiple_of3A_253 = tpu.assume_multiple %add3A_252, 8 : i32
      %dma_wait3A_254 = tpu.memref_slice %arg4[%multiple_of3A_253] : memref<320000xi32, #tpu.memory_space<hbm>> -> memref<128xi32, #tpu.memory_space<hbm>>
      %dma_wait3A_255 = tpu.memref_slice %arg4[%multiple_of3A_253] : memref<320000xi32, #tpu.memory_space<hbm>> -> memref<128xi32, #tpu.memory_space<hbm>>
      tpu.wait_dma2 semaphore(%arg23 : memref<!tpu.dma_semaphore, #tpu.memory_space<semaphore_mem>>) src(%dma_wait3A_255 : memref<128xi32, #tpu.memory_space<hbm>>) dst(%arg13 : memref<128xi32, #tpu.memory_space<vmem>>)
      %dma_start3A_256 = arith.constant 0 : i32
      %dma_start3A_257 = arith.constant 0 : i32
      %dma_start3A_258 = tpu.memref_slice %arg2[%dma_start3A_256, %dma_start3A_257] : memref<10000x128xf32, #tpu.memory_space<hbm>> -> memref<10000x128xf32, #tpu.memory_space<hbm>>
      tpu.enqueue_indirect_dma source(%dma_start3A_258 : memref<10000x128xf32, #tpu.memory_space<hbm>>) target(%arg17 : memref<128x128xf32, #tpu.memory_space<vmem>>) offsets(%arg9 : memref<128xi32, #tpu.memory_space<vmem>>) semaphore(%arg25 : memref<!tpu.dma_semaphore, #tpu.memory_space<semaphore_mem>>)
      %dma_wait3A_259 = arith.constant 0 : i32
      %dma_wait3A_260 = arith.constant 0 : i32
      %dma_wait3A_261 = tpu.memref_slice %arg2[%dma_wait3A_259, %dma_wait3A_260] : memref<10000x128xf32, #tpu.memory_space<hbm>> -> memref<10000x128xf32, #tpu.memory_space<hbm>>
      tpu.wait_indirect_dma semaphore(%arg24 : memref<!tpu.dma_semaphore, #tpu.memory_space<semaphore_mem>>) src(%dma_wait3A_261 : memref<10000x128xf32, #tpu.memory_space<hbm>>) dst(%arg16 : memref<128x128xf32, #tpu.memory_space<vmem>>)
      %dma_start3A_262 = arith.constant 0 : i32
      %dma_start3A_263 = arith.constant 0 : i32
      %dma_start3A_264 = tpu.memref_slice %arg19[%dma_start3A_262, %dma_start3A_263] : memref<10000x128xf32, #tpu.memory_space<vmem_shared>> -> memref<10000x128xf32, #tpu.memory_space<vmem_shared>>
      tpu.enqueue_indirect_dma source(%arg16 : memref<128x128xf32, #tpu.memory_space<vmem>>) target(%dma_start3A_264 : memref<10000x128xf32, #tpu.memory_space<vmem_shared>>) offsets(%arg12 : memref<128xi32, #tpu.memory_space<vmem>>) semaphore(%arg26 : memref<!tpu.dma_semaphore, #tpu.memory_space<semaphore_mem>>) {add = true}
      %add3A_265 = arith.constant 2 : i32
      %add3A_266 = arith.addi %add3A_240, %add3A_265 : i32
      %mul3A_267 = arith.constant 128 : i32
      %mul3A_268 = arith.muli %add3A_266, %mul3A_267 : i32
      %add3A_269 = arith.addi %mul3A_2, %mul3A_268 : i32
      %multiple_of3A_270 = tpu.assume_multiple %add3A_269, 8 : i32
      %dma_start3A_271 = tpu.memref_slice %arg3[%multiple_of3A_270] : memref<320000xi32, #tpu.memory_space<hbm>> -> memref<128xi32, #tpu.memory_space<hbm>>
      %dma_start3A_272 = tpu.memref_slice %arg3[%multiple_of3A_270] : memref<320000xi32, #tpu.memory_space<hbm>> -> memref<128xi32, #tpu.memory_space<hbm>>
      tpu.enqueue_dma source(%dma_start3A_272 : memref<128xi32, #tpu.memory_space<hbm>>) target(%arg7 : memref<128xi32, #tpu.memory_space<vmem>>) target_semaphore(%arg21 : memref<!tpu.dma_semaphore, #tpu.memory_space<semaphore_mem>>)
      %mul3A_273 = arith.constant 128 : i32
      %mul3A_274 = arith.muli %add3A_266, %mul3A_273 : i32
      %add3A_275 = arith.addi %mul3A_2, %mul3A_274 : i32
      %multiple_of3A_276 = tpu.assume_multiple %add3A_275, 8 : i32
      %dma_start3A_277 = tpu.memref_slice %arg4[%multiple_of3A_276] : memref<320000xi32, #tpu.memory_space<hbm>> -> memref<128xi32, #tpu.memory_space<hbm>>
      %dma_start3A_278 = tpu.memref_slice %arg4[%multiple_of3A_276] : memref<320000xi32, #tpu.memory_space<hbm>> -> memref<128xi32, #tpu.memory_space<hbm>>
      tpu.enqueue_dma source(%dma_start3A_278 : memref<128xi32, #tpu.memory_space<hbm>>) target(%arg11 : memref<128xi32, #tpu.memory_space<vmem>>) target_semaphore(%arg21 : memref<!tpu.dma_semaphore, #tpu.memory_space<semaphore_mem>>)
      %mul3A_279 = arith.constant 4 : i32
      %mul3A_280 = arith.muli %mul3A_279, %scan3A_190 : i32
      %add3A_281 = arith.constant 2 : i32
      %add3A_282 = arith.addi %mul3A_280, %add3A_281 : i32
      %add3A_283 = arith.constant 2 : i32
      %add3A_284 = arith.addi %add3A_282, %add3A_283 : i32
      %dma_wait3A_285 = arith.constant 0 : i32
      %dma_wait3A_286 = arith.constant 0 : i32
      %dma_wait3A_287 = tpu.memref_slice %arg19[%dma_wait3A_285, %dma_wait3A_286] : memref<10000x128xf32, #tpu.memory_space<vmem_shared>> -> memref<10000x128xf32, #tpu.memory_space<vmem_shared>>
      tpu.wait_indirect_dma semaphore(%arg26 : memref<!tpu.dma_semaphore, #tpu.memory_space<semaphore_mem>>) src(%arg16 : memref<128x128xf32, #tpu.memory_space<vmem>>) dst(%dma_wait3A_287 : memref<10000x128xf32, #tpu.memory_space<vmem_shared>>)
      %mul3A_288 = arith.constant 128 : i32
      %mul3A_289 = arith.muli %add3A_284, %mul3A_288 : i32
      %add3A_290 = arith.addi %mul3A_2, %mul3A_289 : i32
      %multiple_of3A_291 = tpu.assume_multiple %add3A_290, 8 : i32
      %dma_wait3A_292 = tpu.memref_slice %arg3[%multiple_of3A_291] : memref<320000xi32, #tpu.memory_space<hbm>> -> memref<128xi32, #tpu.memory_space<hbm>>
      %dma_wait3A_293 = tpu.memref_slice %arg3[%multiple_of3A_291] : memref<320000xi32, #tpu.memory_space<hbm>> -> memref<128xi32, #tpu.memory_space<hbm>>
      tpu.wait_dma2 semaphore(%arg20 : memref<!tpu.dma_semaphore, #tpu.memory_space<semaphore_mem>>) src(%dma_wait3A_293 : memref<128xi32, #tpu.memory_space<hbm>>) dst(%arg6 : memref<128xi32, #tpu.memory_space<vmem>>)
      %mul3A_294 = arith.constant 128 : i32
      %mul3A_295 = arith.muli %add3A_284, %mul3A_294 : i32
      %add3A_296 = arith.addi %mul3A_2, %mul3A_295 : i32
      %multiple_of3A_297 = tpu.assume_multiple %add3A_296, 8 : i32
      %dma_wait3A_298 = tpu.memref_slice %arg4[%multiple_of3A_297] : memref<320000xi32, #tpu.memory_space<hbm>> -> memref<128xi32, #tpu.memory_space<hbm>>
      %dma_wait3A_299 = tpu.memref_slice %arg4[%multiple_of3A_297] : memref<320000xi32, #tpu.memory_space<hbm>> -> memref<128xi32, #tpu.memory_space<hbm>>
      tpu.wait_dma2 semaphore(%arg20 : memref<!tpu.dma_semaphore, #tpu.memory_space<semaphore_mem>>) src(%dma_wait3A_299 : memref<128xi32, #tpu.memory_space<hbm>>) dst(%arg10 : memref<128xi32, #tpu.memory_space<vmem>>)
      %dma_start3A_300 = arith.constant 0 : i32
      %dma_start3A_301 = arith.constant 0 : i32
      %dma_start3A_302 = tpu.memref_slice %arg2[%dma_start3A_300, %dma_start3A_301] : memref<10000x128xf32, #tpu.memory_space<hbm>> -> memref<10000x128xf32, #tpu.memory_space<hbm>>
      tpu.enqueue_indirect_dma source(%dma_start3A_302 : memref<10000x128xf32, #tpu.memory_space<hbm>>) target(%arg16 : memref<128x128xf32, #tpu.memory_space<vmem>>) offsets(%arg6 : memref<128xi32, #tpu.memory_space<vmem>>) semaphore(%arg24 : memref<!tpu.dma_semaphore, #tpu.memory_space<semaphore_mem>>)
      %dma_wait3A_303 = arith.constant 0 : i32
      %dma_wait3A_304 = arith.constant 0 : i32
      %dma_wait3A_305 = tpu.memref_slice %arg2[%dma_wait3A_303, %dma_wait3A_304] : memref<10000x128xf32, #tpu.memory_space<hbm>> -> memref<10000x128xf32, #tpu.memory_space<hbm>>
      tpu.wait_indirect_dma semaphore(%arg25 : memref<!tpu.dma_semaphore, #tpu.memory_space<semaphore_mem>>) src(%dma_wait3A_305 : memref<10000x128xf32, #tpu.memory_space<hbm>>) dst(%arg17 : memref<128x128xf32, #tpu.memory_space<vmem>>)
      %dma_start3A_306 = arith.constant 0 : i32
      %dma_start3A_307 = arith.constant 0 : i32
      %dma_start3A_308 = tpu.memref_slice %arg19[%dma_start3A_306, %dma_start3A_307] : memref<10000x128xf32, #tpu.memory_space<vmem_shared>> -> memref<10000x128xf32, #tpu.memory_space<vmem_shared>>
      tpu.enqueue_indirect_dma source(%arg17 : memref<128x128xf32, #tpu.memory_space<vmem>>) target(%dma_start3A_308 : memref<10000x128xf32, #tpu.memory_space<vmem_shared>>) offsets(%arg13 : memref<128xi32, #tpu.memory_space<vmem>>) semaphore(%arg27 : memref<!tpu.dma_semaphore, #tpu.memory_space<semaphore_mem>>) {add = true}
      %add3A_309 = arith.constant 2 : i32
      %add3A_310 = arith.addi %add3A_284, %add3A_309 : i32
      %mul3A_311 = arith.constant 128 : i32
      %mul3A_312 = arith.muli %add3A_310, %mul3A_311 : i32
      %add3A_313 = arith.addi %mul3A_2, %mul3A_312 : i32
      %multiple_of3A_314 = tpu.assume_multiple %add3A_313, 8 : i32
      %dma_start3A_315 = tpu.memref_slice %arg3[%multiple_of3A_314] : memref<320000xi32, #tpu.memory_space<hbm>> -> memref<128xi32, #tpu.memory_space<hbm>>
      %dma_start3A_316 = tpu.memref_slice %arg3[%multiple_of3A_314] : memref<320000xi32, #tpu.memory_space<hbm>> -> memref<128xi32, #tpu.memory_space<hbm>>
      tpu.enqueue_dma source(%dma_start3A_316 : memref<128xi32, #tpu.memory_space<hbm>>) target(%arg8 : memref<128xi32, #tpu.memory_space<vmem>>) target_semaphore(%arg22 : memref<!tpu.dma_semaphore, #tpu.memory_space<semaphore_mem>>)
      %mul3A_317 = arith.constant 128 : i32
      %mul3A_318 = arith.muli %add3A_310, %mul3A_317 : i32
      %add3A_319 = arith.addi %mul3A_2, %mul3A_318 : i32
      %multiple_of3A_320 = tpu.assume_multiple %add3A_319, 8 : i32
      %dma_start3A_321 = tpu.memref_slice %arg4[%multiple_of3A_320] : memref<320000xi32, #tpu.memory_space<hbm>> -> memref<128xi32, #tpu.memory_space<hbm>>
      %dma_start3A_322 = tpu.memref_slice %arg4[%multiple_of3A_320] : memref<320000xi32, #tpu.memory_space<hbm>> -> memref<128xi32, #tpu.memory_space<hbm>>
      tpu.enqueue_dma source(%dma_start3A_322 : memref<128xi32, #tpu.memory_space<hbm>>) target(%arg12 : memref<128xi32, #tpu.memory_space<vmem>>) target_semaphore(%arg22 : memref<!tpu.dma_semaphore, #tpu.memory_space<semaphore_mem>>)
      %mul3A_323 = arith.constant 4 : i32
      %mul3A_324 = arith.muli %mul3A_323, %scan3A_190 : i32
      %add3A_325 = arith.constant 2 : i32
      %add3A_326 = arith.addi %mul3A_324, %add3A_325 : i32
      %add3A_327 = arith.constant 3 : i32
      %add3A_328 = arith.addi %add3A_326, %add3A_327 : i32
      %dma_wait3A_329 = arith.constant 0 : i32
      %dma_wait3A_330 = arith.constant 0 : i32
      %dma_wait3A_331 = tpu.memref_slice %arg19[%dma_wait3A_329, %dma_wait3A_330] : memref<10000x128xf32, #tpu.memory_space<vmem_shared>> -> memref<10000x128xf32, #tpu.memory_space<vmem_shared>>
      tpu.wait_indirect_dma semaphore(%arg27 : memref<!tpu.dma_semaphore, #tpu.memory_space<semaphore_mem>>) src(%arg17 : memref<128x128xf32, #tpu.memory_space<vmem>>) dst(%dma_wait3A_331 : memref<10000x128xf32, #tpu.memory_space<vmem_shared>>)
      %mul3A_332 = arith.constant 128 : i32
      %mul3A_333 = arith.muli %add3A_328, %mul3A_332 : i32
      %add3A_334 = arith.addi %mul3A_2, %mul3A_333 : i32
      %multiple_of3A_335 = tpu.assume_multiple %add3A_334, 8 : i32
      %dma_wait3A_336 = tpu.memref_slice %arg3[%multiple_of3A_335] : memref<320000xi32, #tpu.memory_space<hbm>> -> memref<128xi32, #tpu.memory_space<hbm>>
      %dma_wait3A_337 = tpu.memref_slice %arg3[%multiple_of3A_335] : memref<320000xi32, #tpu.memory_space<hbm>> -> memref<128xi32, #tpu.memory_space<hbm>>
      tpu.wait_dma2 semaphore(%arg21 : memref<!tpu.dma_semaphore, #tpu.memory_space<semaphore_mem>>) src(%dma_wait3A_337 : memref<128xi32, #tpu.memory_space<hbm>>) dst(%arg7 : memref<128xi32, #tpu.memory_space<vmem>>)
      %mul3A_338 = arith.constant 128 : i32
      %mul3A_339 = arith.muli %add3A_328, %mul3A_338 : i32
      %add3A_340 = arith.addi %mul3A_2, %mul3A_339 : i32
      %multiple_of3A_341 = tpu.assume_multiple %add3A_340, 8 : i32
      %dma_wait3A_342 = tpu.memref_slice %arg4[%multiple_of3A_341] : memref<320000xi32, #tpu.memory_space<hbm>> -> memref<128xi32, #tpu.memory_space<hbm>>
      %dma_wait3A_343 = tpu.memref_slice %arg4[%multiple_of3A_341] : memref<320000xi32, #tpu.memory_space<hbm>> -> memref<128xi32, #tpu.memory_space<hbm>>
      tpu.wait_dma2 semaphore(%arg21 : memref<!tpu.dma_semaphore, #tpu.memory_space<semaphore_mem>>) src(%dma_wait3A_343 : memref<128xi32, #tpu.memory_space<hbm>>) dst(%arg11 : memref<128xi32, #tpu.memory_space<vmem>>)
      %dma_start3A_344 = arith.constant 0 : i32
      %dma_start3A_345 = arith.constant 0 : i32
      %dma_start3A_346 = tpu.memref_slice %arg2[%dma_start3A_344, %dma_start3A_345] : memref<10000x128xf32, #tpu.memory_space<hbm>> -> memref<10000x128xf32, #tpu.memory_space<hbm>>
      tpu.enqueue_indirect_dma source(%dma_start3A_346 : memref<10000x128xf32, #tpu.memory_space<hbm>>) target(%arg17 : memref<128x128xf32, #tpu.memory_space<vmem>>) offsets(%arg7 : memref<128xi32, #tpu.memory_space<vmem>>) semaphore(%arg25 : memref<!tpu.dma_semaphore, #tpu.memory_space<semaphore_mem>>)
      %dma_wait3A_347 = arith.constant 0 : i32
      %dma_wait3A_348 = arith.constant 0 : i32
      %dma_wait3A_349 = tpu.memref_slice %arg2[%dma_wait3A_347, %dma_wait3A_348] : memref<10000x128xf32, #tpu.memory_space<hbm>> -> memref<10000x128xf32, #tpu.memory_space<hbm>>
      tpu.wait_indirect_dma semaphore(%arg24 : memref<!tpu.dma_semaphore, #tpu.memory_space<semaphore_mem>>) src(%dma_wait3A_349 : memref<10000x128xf32, #tpu.memory_space<hbm>>) dst(%arg16 : memref<128x128xf32, #tpu.memory_space<vmem>>)
      %dma_start3A_350 = arith.constant 0 : i32
      %dma_start3A_351 = arith.constant 0 : i32
      %dma_start3A_352 = tpu.memref_slice %arg19[%dma_start3A_350, %dma_start3A_351] : memref<10000x128xf32, #tpu.memory_space<vmem_shared>> -> memref<10000x128xf32, #tpu.memory_space<vmem_shared>>
      tpu.enqueue_indirect_dma source(%arg16 : memref<128x128xf32, #tpu.memory_space<vmem>>) target(%dma_start3A_352 : memref<10000x128xf32, #tpu.memory_space<vmem_shared>>) offsets(%arg10 : memref<128xi32, #tpu.memory_space<vmem>>) semaphore(%arg26 : memref<!tpu.dma_semaphore, #tpu.memory_space<semaphore_mem>>) {add = true}
      %add3A_353 = arith.constant 2 : i32
      %add3A_354 = arith.addi %add3A_328, %add3A_353 : i32
      %mul3A_355 = arith.constant 128 : i32
      %mul3A_356 = arith.muli %add3A_354, %mul3A_355 : i32
      %add3A_357 = arith.addi %mul3A_2, %mul3A_356 : i32
      %multiple_of3A_358 = tpu.assume_multiple %add3A_357, 8 : i32
      %dma_start3A_359 = tpu.memref_slice %arg3[%multiple_of3A_358] : memref<320000xi32, #tpu.memory_space<hbm>> -> memref<128xi32, #tpu.memory_space<hbm>>
      %dma_start3A_360 = tpu.memref_slice %arg3[%multiple_of3A_358] : memref<320000xi32, #tpu.memory_space<hbm>> -> memref<128xi32, #tpu.memory_space<hbm>>
      tpu.enqueue_dma source(%dma_start3A_360 : memref<128xi32, #tpu.memory_space<hbm>>) target(%arg9 : memref<128xi32, #tpu.memory_space<vmem>>) target_semaphore(%arg23 : memref<!tpu.dma_semaphore, #tpu.memory_space<semaphore_mem>>)
      %mul3A_361 = arith.constant 128 : i32
      %mul3A_362 = arith.muli %add3A_354, %mul3A_361 : i32
      %add3A_363 = arith.addi %mul3A_2, %mul3A_362 : i32
      %multiple_of3A_364 = tpu.assume_multiple %add3A_363, 8 : i32
      %dma_start3A_365 = tpu.memref_slice %arg4[%multiple_of3A_364] : memref<320000xi32, #tpu.memory_space<hbm>> -> memref<128xi32, #tpu.memory_space<hbm>>
      %dma_start3A_366 = tpu.memref_slice %arg4[%multiple_of3A_364] : memref<320000xi32, #tpu.memory_space<hbm>> -> memref<128xi32, #tpu.memory_space<hbm>>
      tpu.enqueue_dma source(%dma_start3A_366 : memref<128xi32, #tpu.memory_space<hbm>>) target(%arg13 : memref<128xi32, #tpu.memory_space<vmem>>) target_semaphore(%arg23 : memref<!tpu.dma_semaphore, #tpu.memory_space<semaphore_mem>>)
    }
    %scan3A_58 = arith.constant 18 : i32
    %dma_wait3A_59 = arith.constant 0 : i32
    %dma_wait3A_60 = arith.constant 0 : i32
    %dma_wait3A_61 = tpu.memref_slice %arg19[%dma_wait3A_59, %dma_wait3A_60] : memref<10000x128xf32, #tpu.memory_space<vmem_shared>> -> memref<10000x128xf32, #tpu.memory_space<vmem_shared>>
    tpu.wait_indirect_dma semaphore(%arg26 : memref<!tpu.dma_semaphore, #tpu.memory_space<semaphore_mem>>) src(%arg16 : memref<128x128xf32, #tpu.memory_space<vmem>>) dst(%dma_wait3A_61 : memref<10000x128xf32, #tpu.memory_space<vmem_shared>>)
    %add3A_62 = arith.constant 9472 : i32
    %add3A_63 = arith.addi %mul3A_2, %add3A_62 : i32
    %multiple_of3A_64 = tpu.assume_multiple %add3A_63, 8 : i32
    %dma_wait3A_65 = tpu.memref_slice %arg3[%multiple_of3A_64] : memref<320000xi32, #tpu.memory_space<hbm>> -> memref<128xi32, #tpu.memory_space<hbm>>
    %dma_wait3A_66 = tpu.memref_slice %arg3[%multiple_of3A_64] : memref<320000xi32, #tpu.memory_space<hbm>> -> memref<128xi32, #tpu.memory_space<hbm>>
    tpu.wait_dma2 semaphore(%arg22 : memref<!tpu.dma_semaphore, #tpu.memory_space<semaphore_mem>>) src(%dma_wait3A_66 : memref<128xi32, #tpu.memory_space<hbm>>) dst(%arg8 : memref<128xi32, #tpu.memory_space<vmem>>)
    %add3A_67 = arith.constant 9472 : i32
    %add3A_68 = arith.addi %mul3A_2, %add3A_67 : i32
    %multiple_of3A_69 = tpu.assume_multiple %add3A_68, 8 : i32
    %dma_wait3A_70 = tpu.memref_slice %arg4[%multiple_of3A_69] : memref<320000xi32, #tpu.memory_space<hbm>> -> memref<128xi32, #tpu.memory_space<hbm>>
    %dma_wait3A_71 = tpu.memref_slice %arg4[%multiple_of3A_69] : memref<320000xi32, #tpu.memory_space<hbm>> -> memref<128xi32, #tpu.memory_space<hbm>>
    tpu.wait_dma2 semaphore(%arg22 : memref<!tpu.dma_semaphore, #tpu.memory_space<semaphore_mem>>) src(%dma_wait3A_71 : memref<128xi32, #tpu.memory_space<hbm>>) dst(%arg12 : memref<128xi32, #tpu.memory_space<vmem>>)
    %dma_start3A_72 = arith.constant 0 : i32
    %dma_start3A_73 = arith.constant 0 : i32
    %dma_start3A_74 = tpu.memref_slice %arg2[%dma_start3A_72, %dma_start3A_73] : memref<10000x128xf32, #tpu.memory_space<hbm>> -> memref<10000x128xf32, #tpu.memory_space<hbm>>
    tpu.enqueue_indirect_dma source(%dma_start3A_74 : memref<10000x128xf32, #tpu.memory_space<hbm>>) target(%arg16 : memref<128x128xf32, #tpu.memory_space<vmem>>) offsets(%arg8 : memref<128xi32, #tpu.memory_space<vmem>>) semaphore(%arg24 : memref<!tpu.dma_semaphore, #tpu.memory_space<semaphore_mem>>)
    %dma_wait3A_75 = arith.constant 0 : i32
    %dma_wait3A_76 = arith.constant 0 : i32
    %dma_wait3A_77 = tpu.memref_slice %arg2[%dma_wait3A_75, %dma_wait3A_76] : memref<10000x128xf32, #tpu.memory_space<hbm>> -> memref<10000x128xf32, #tpu.memory_space<hbm>>
    tpu.wait_indirect_dma semaphore(%arg25 : memref<!tpu.dma_semaphore, #tpu.memory_space<semaphore_mem>>) src(%dma_wait3A_77 : memref<10000x128xf32, #tpu.memory_space<hbm>>) dst(%arg17 : memref<128x128xf32, #tpu.memory_space<vmem>>)
    %dma_start3A_78 = arith.constant 0 : i32
    %dma_start3A_79 = arith.constant 0 : i32
    %dma_start3A_80 = tpu.memref_slice %arg19[%dma_start3A_78, %dma_start3A_79] : memref<10000x128xf32, #tpu.memory_space<vmem_shared>> -> memref<10000x128xf32, #tpu.memory_space<vmem_shared>>
    tpu.enqueue_indirect_dma source(%arg17 : memref<128x128xf32, #tpu.memory_space<vmem>>) target(%dma_start3A_80 : memref<10000x128xf32, #tpu.memory_space<vmem_shared>>) offsets(%arg11 : memref<128xi32, #tpu.memory_space<vmem>>) semaphore(%arg27 : memref<!tpu.dma_semaphore, #tpu.memory_space<semaphore_mem>>) {add = true}
    %add3A_81 = arith.constant 9728 : i32
    %add3A_82 = arith.addi %mul3A_2, %add3A_81 : i32
    %multiple_of3A_83 = tpu.assume_multiple %add3A_82, 8 : i32
    %dma_start3A_84 = tpu.memref_slice %arg3[%multiple_of3A_83] : memref<320000xi32, #tpu.memory_space<hbm>> -> memref<128xi32, #tpu.memory_space<hbm>>
    %dma_start3A_85 = tpu.memref_slice %arg3[%multiple_of3A_83] : memref<320000xi32, #tpu.memory_space<hbm>> -> memref<128xi32, #tpu.memory_space<hbm>>
    tpu.enqueue_dma source(%dma_start3A_85 : memref<128xi32, #tpu.memory_space<hbm>>) target(%arg6 : memref<128xi32, #tpu.memory_space<vmem>>) target_semaphore(%arg20 : memref<!tpu.dma_semaphore, #tpu.memory_space<semaphore_mem>>)
    %add3A_86 = arith.constant 9728 : i32
    %add3A_87 = arith.addi %mul3A_2, %add3A_86 : i32
    %multiple_of3A_88 = tpu.assume_multiple %add3A_87, 8 : i32
    %dma_start3A_89 = tpu.memref_slice %arg4[%multiple_of3A_88] : memref<320000xi32, #tpu.memory_space<hbm>> -> memref<128xi32, #tpu.memory_space<hbm>>
    %dma_start3A_90 = tpu.memref_slice %arg4[%multiple_of3A_88] : memref<320000xi32, #tpu.memory_space<hbm>> -> memref<128xi32, #tpu.memory_space<hbm>>
    tpu.enqueue_dma source(%dma_start3A_90 : memref<128xi32, #tpu.memory_space<hbm>>) target(%arg10 : memref<128xi32, #tpu.memory_space<vmem>>) target_semaphore(%arg20 : memref<!tpu.dma_semaphore, #tpu.memory_space<semaphore_mem>>)
    %dma_wait3A_91 = arith.constant 0 : i32
    %dma_wait3A_92 = arith.constant 0 : i32
    %dma_wait3A_93 = tpu.memref_slice %arg19[%dma_wait3A_91, %dma_wait3A_92] : memref<10000x128xf32, #tpu.memory_space<vmem_shared>> -> memref<10000x128xf32, #tpu.memory_space<vmem_shared>>
    tpu.wait_indirect_dma semaphore(%arg27 : memref<!tpu.dma_semaphore, #tpu.memory_space<semaphore_mem>>) src(%arg17 : memref<128x128xf32, #tpu.memory_space<vmem>>) dst(%dma_wait3A_93 : memref<10000x128xf32, #tpu.memory_space<vmem_shared>>)
    %add3A_94 = arith.constant 9600 : i32
    %add3A_95 = arith.addi %mul3A_2, %add3A_94 : i32
    %multiple_of3A_96 = tpu.assume_multiple %add3A_95, 8 : i32
    %dma_wait3A_97 = tpu.memref_slice %arg3[%multiple_of3A_96] : memref<320000xi32, #tpu.memory_space<hbm>> -> memref<128xi32, #tpu.memory_space<hbm>>
    %dma_wait3A_98 = tpu.memref_slice %arg3[%multiple_of3A_96] : memref<320000xi32, #tpu.memory_space<hbm>> -> memref<128xi32, #tpu.memory_space<hbm>>
    tpu.wait_dma2 semaphore(%arg23 : memref<!tpu.dma_semaphore, #tpu.memory_space<semaphore_mem>>) src(%dma_wait3A_98 : memref<128xi32, #tpu.memory_space<hbm>>) dst(%arg9 : memref<128xi32, #tpu.memory_space<vmem>>)
    %add3A_99 = arith.constant 9600 : i32
    %add3A_100 = arith.addi %mul3A_2, %add3A_99 : i32
    %multiple_of3A_101 = tpu.assume_multiple %add3A_100, 8 : i32
    %dma_wait3A_102 = tpu.memref_slice %arg4[%multiple_of3A_101] : memref<320000xi32, #tpu.memory_space<hbm>> -> memref<128xi32, #tpu.memory_space<hbm>>
    %dma_wait3A_103 = tpu.memref_slice %arg4[%multiple_of3A_101] : memref<320000xi32, #tpu.memory_space<hbm>> -> memref<128xi32, #tpu.memory_space<hbm>>
    tpu.wait_dma2 semaphore(%arg23 : memref<!tpu.dma_semaphore, #tpu.memory_space<semaphore_mem>>) src(%dma_wait3A_103 : memref<128xi32, #tpu.memory_space<hbm>>) dst(%arg13 : memref<128xi32, #tpu.memory_space<vmem>>)
    %dma_start3A_104 = arith.constant 0 : i32
    %dma_start3A_105 = arith.constant 0 : i32
    %dma_start3A_106 = tpu.memref_slice %arg2[%dma_start3A_104, %dma_start3A_105] : memref<10000x128xf32, #tpu.memory_space<hbm>> -> memref<10000x128xf32, #tpu.memory_space<hbm>>
    tpu.enqueue_indirect_dma source(%dma_start3A_106 : memref<10000x128xf32, #tpu.memory_space<hbm>>) target(%arg17 : memref<128x128xf32, #tpu.memory_space<vmem>>) offsets(%arg9 : memref<128xi32, #tpu.memory_space<vmem>>) semaphore(%arg25 : memref<!tpu.dma_semaphore, #tpu.memory_space<semaphore_mem>>)
    %dma_wait3A_107 = arith.constant 0 : i32
    %dma_wait3A_108 = arith.constant 0 : i32
    %dma_wait3A_109 = tpu.memref_slice %arg2[%dma_wait3A_107, %dma_wait3A_108] : memref<10000x128xf32, #tpu.memory_space<hbm>> -> memref<10000x128xf32, #tpu.memory_space<hbm>>
    tpu.wait_indirect_dma semaphore(%arg24 : memref<!tpu.dma_semaphore, #tpu.memory_space<semaphore_mem>>) src(%dma_wait3A_109 : memref<10000x128xf32, #tpu.memory_space<hbm>>) dst(%arg16 : memref<128x128xf32, #tpu.memory_space<vmem>>)
    %dma_start3A_110 = arith.constant 0 : i32
    %dma_start3A_111 = arith.constant 0 : i32
    %dma_start3A_112 = tpu.memref_slice %arg19[%dma_start3A_110, %dma_start3A_111] : memref<10000x128xf32, #tpu.memory_space<vmem_shared>> -> memref<10000x128xf32, #tpu.memory_space<vmem_shared>>
    tpu.enqueue_indirect_dma source(%arg16 : memref<128x128xf32, #tpu.memory_space<vmem>>) target(%dma_start3A_112 : memref<10000x128xf32, #tpu.memory_space<vmem_shared>>) offsets(%arg12 : memref<128xi32, #tpu.memory_space<vmem>>) semaphore(%arg26 : memref<!tpu.dma_semaphore, #tpu.memory_space<semaphore_mem>>) {add = true}
    %add3A_113 = arith.constant 9856 : i32
    %add3A_114 = arith.addi %mul3A_2, %add3A_113 : i32
    %multiple_of3A_115 = tpu.assume_multiple %add3A_114, 8 : i32
    %dma_start3A_116 = tpu.memref_slice %arg3[%multiple_of3A_115] : memref<320000xi32, #tpu.memory_space<hbm>> -> memref<128xi32, #tpu.memory_space<hbm>>
    %dma_start3A_117 = tpu.memref_slice %arg3[%multiple_of3A_115] : memref<320000xi32, #tpu.memory_space<hbm>> -> memref<128xi32, #tpu.memory_space<hbm>>
    tpu.enqueue_dma source(%dma_start3A_117 : memref<128xi32, #tpu.memory_space<hbm>>) target(%arg7 : memref<128xi32, #tpu.memory_space<vmem>>) target_semaphore(%arg21 : memref<!tpu.dma_semaphore, #tpu.memory_space<semaphore_mem>>)
    %add3A_118 = arith.constant 9856 : i32
    %add3A_119 = arith.addi %mul3A_2, %add3A_118 : i32
    %multiple_of3A_120 = tpu.assume_multiple %add3A_119, 8 : i32
    %dma_start3A_121 = tpu.memref_slice %arg4[%multiple_of3A_120] : memref<320000xi32, #tpu.memory_space<hbm>> -> memref<128xi32, #tpu.memory_space<hbm>>
    %dma_start3A_122 = tpu.memref_slice %arg4[%multiple_of3A_120] : memref<320000xi32, #tpu.memory_space<hbm>> -> memref<128xi32, #tpu.memory_space<hbm>>
    tpu.enqueue_dma source(%dma_start3A_122 : memref<128xi32, #tpu.memory_space<hbm>>) target(%arg11 : memref<128xi32, #tpu.memory_space<vmem>>) target_semaphore(%arg21 : memref<!tpu.dma_semaphore, #tpu.memory_space<semaphore_mem>>)
    %dma_wait3A_123 = arith.constant 0 : i32
    %dma_wait3A_124 = arith.constant 0 : i32
    %dma_wait3A_125 = tpu.memref_slice %arg19[%dma_wait3A_123, %dma_wait3A_124] : memref<10000x128xf32, #tpu.memory_space<vmem_shared>> -> memref<10000x128xf32, #tpu.memory_space<vmem_shared>>
    tpu.wait_indirect_dma semaphore(%arg26 : memref<!tpu.dma_semaphore, #tpu.memory_space<semaphore_mem>>) src(%arg16 : memref<128x128xf32, #tpu.memory_space<vmem>>) dst(%dma_wait3A_125 : memref<10000x128xf32, #tpu.memory_space<vmem_shared>>)
    %add3A_126 = arith.constant 9728 : i32
    %add3A_127 = arith.addi %mul3A_2, %add3A_126 : i32
    %multiple_of3A_128 = tpu.assume_multiple %add3A_127, 8 : i32
    %dma_wait3A_129 = tpu.memref_slice %arg3[%multiple_of3A_128] : memref<320000xi32, #tpu.memory_space<hbm>> -> memref<128xi32, #tpu.memory_space<hbm>>
    %dma_wait3A_130 = tpu.memref_slice %arg3[%multiple_of3A_128] : memref<320000xi32, #tpu.memory_space<hbm>> -> memref<128xi32, #tpu.memory_space<hbm>>
    tpu.wait_dma2 semaphore(%arg20 : memref<!tpu.dma_semaphore, #tpu.memory_space<semaphore_mem>>) src(%dma_wait3A_130 : memref<128xi32, #tpu.memory_space<hbm>>) dst(%arg6 : memref<128xi32, #tpu.memory_space<vmem>>)
    %add3A_131 = arith.constant 9728 : i32
    %add3A_132 = arith.addi %mul3A_2, %add3A_131 : i32
    %multiple_of3A_133 = tpu.assume_multiple %add3A_132, 8 : i32
    %dma_wait3A_134 = tpu.memref_slice %arg4[%multiple_of3A_133] : memref<320000xi32, #tpu.memory_space<hbm>> -> memref<128xi32, #tpu.memory_space<hbm>>
    %dma_wait3A_135 = tpu.memref_slice %arg4[%multiple_of3A_133] : memref<320000xi32, #tpu.memory_space<hbm>> -> memref<128xi32, #tpu.memory_space<hbm>>
    tpu.wait_dma2 semaphore(%arg20 : memref<!tpu.dma_semaphore, #tpu.memory_space<semaphore_mem>>) src(%dma_wait3A_135 : memref<128xi32, #tpu.memory_space<hbm>>) dst(%arg10 : memref<128xi32, #tpu.memory_space<vmem>>)
    %dma_start3A_136 = arith.constant 0 : i32
    %dma_start3A_137 = arith.constant 0 : i32
    %dma_start3A_138 = tpu.memref_slice %arg2[%dma_start3A_136, %dma_start3A_137] : memref<10000x128xf32, #tpu.memory_space<hbm>> -> memref<10000x128xf32, #tpu.memory_space<hbm>>
    tpu.enqueue_indirect_dma source(%dma_start3A_138 : memref<10000x128xf32, #tpu.memory_space<hbm>>) target(%arg16 : memref<128x128xf32, #tpu.memory_space<vmem>>) offsets(%arg6 : memref<128xi32, #tpu.memory_space<vmem>>) semaphore(%arg24 : memref<!tpu.dma_semaphore, #tpu.memory_space<semaphore_mem>>)
    %dma_wait3A_139 = arith.constant 0 : i32
    %dma_wait3A_140 = arith.constant 0 : i32
    %dma_wait3A_141 = tpu.memref_slice %arg2[%dma_wait3A_139, %dma_wait3A_140] : memref<10000x128xf32, #tpu.memory_space<hbm>> -> memref<10000x128xf32, #tpu.memory_space<hbm>>
    tpu.wait_indirect_dma semaphore(%arg25 : memref<!tpu.dma_semaphore, #tpu.memory_space<semaphore_mem>>) src(%dma_wait3A_141 : memref<10000x128xf32, #tpu.memory_space<hbm>>) dst(%arg17 : memref<128x128xf32, #tpu.memory_space<vmem>>)
    %dma_start3A_142 = arith.constant 0 : i32
    %dma_start3A_143 = arith.constant 0 : i32
    %dma_start3A_144 = tpu.memref_slice %arg19[%dma_start3A_142, %dma_start3A_143] : memref<10000x128xf32, #tpu.memory_space<vmem_shared>> -> memref<10000x128xf32, #tpu.memory_space<vmem_shared>>
    tpu.enqueue_indirect_dma source(%arg17 : memref<128x128xf32, #tpu.memory_space<vmem>>) target(%dma_start3A_144 : memref<10000x128xf32, #tpu.memory_space<vmem_shared>>) offsets(%arg13 : memref<128xi32, #tpu.memory_space<vmem>>) semaphore(%arg27 : memref<!tpu.dma_semaphore, #tpu.memory_space<semaphore_mem>>) {add = true}
    %dma_wait3A_145 = arith.constant 0 : i32
    %dma_wait3A_146 = arith.constant 0 : i32
    %dma_wait3A_147 = tpu.memref_slice %arg19[%dma_wait3A_145, %dma_wait3A_146] : memref<10000x128xf32, #tpu.memory_space<vmem_shared>> -> memref<10000x128xf32, #tpu.memory_space<vmem_shared>>
    tpu.wait_indirect_dma semaphore(%arg27 : memref<!tpu.dma_semaphore, #tpu.memory_space<semaphore_mem>>) src(%arg17 : memref<128x128xf32, #tpu.memory_space<vmem>>) dst(%dma_wait3A_147 : memref<10000x128xf32, #tpu.memory_space<vmem_shared>>)
    %add3A_148 = arith.constant 9856 : i32
    %add3A_149 = arith.addi %mul3A_2, %add3A_148 : i32
    %multiple_of3A_150 = tpu.assume_multiple %add3A_149, 8 : i32
    %dma_wait3A_151 = tpu.memref_slice %arg3[%multiple_of3A_150] : memref<320000xi32, #tpu.memory_space<hbm>> -> memref<128xi32, #tpu.memory_space<hbm>>
    %dma_wait3A_152 = tpu.memref_slice %arg3[%multiple_of3A_150] : memref<320000xi32, #tpu.memory_space<hbm>> -> memref<128xi32, #tpu.memory_space<hbm>>
    tpu.wait_dma2 semaphore(%arg21 : memref<!tpu.dma_semaphore, #tpu.memory_space<semaphore_mem>>) src(%dma_wait3A_152 : memref<128xi32, #tpu.memory_space<hbm>>) dst(%arg7 : memref<128xi32, #tpu.memory_space<vmem>>)
    %add3A_153 = arith.constant 9856 : i32
    %add3A_154 = arith.addi %mul3A_2, %add3A_153 : i32
    %multiple_of3A_155 = tpu.assume_multiple %add3A_154, 8 : i32
    %dma_wait3A_156 = tpu.memref_slice %arg4[%multiple_of3A_155] : memref<320000xi32, #tpu.memory_space<hbm>> -> memref<128xi32, #tpu.memory_space<hbm>>
    %dma_wait3A_157 = tpu.memref_slice %arg4[%multiple_of3A_155] : memref<320000xi32, #tpu.memory_space<hbm>> -> memref<128xi32, #tpu.memory_space<hbm>>
    tpu.wait_dma2 semaphore(%arg21 : memref<!tpu.dma_semaphore, #tpu.memory_space<semaphore_mem>>) src(%dma_wait3A_157 : memref<128xi32, #tpu.memory_space<hbm>>) dst(%arg11 : memref<128xi32, #tpu.memory_space<vmem>>)
    %dma_start3A_158 = arith.constant 0 : i32
    %dma_start3A_159 = arith.constant 0 : i32
    %dma_start3A_160 = tpu.memref_slice %arg2[%dma_start3A_158, %dma_start3A_159] : memref<10000x128xf32, #tpu.memory_space<hbm>> -> memref<10000x128xf32, #tpu.memory_space<hbm>>
    tpu.enqueue_indirect_dma source(%dma_start3A_160 : memref<10000x128xf32, #tpu.memory_space<hbm>>) target(%arg17 : memref<128x128xf32, #tpu.memory_space<vmem>>) offsets(%arg7 : memref<128xi32, #tpu.memory_space<vmem>>) semaphore(%arg25 : memref<!tpu.dma_semaphore, #tpu.memory_space<semaphore_mem>>)
    %dma_wait3A_161 = arith.constant 0 : i32
    %dma_wait3A_162 = arith.constant 0 : i32
    %dma_wait3A_163 = tpu.memref_slice %arg2[%dma_wait3A_161, %dma_wait3A_162] : memref<10000x128xf32, #tpu.memory_space<hbm>> -> memref<10000x128xf32, #tpu.memory_space<hbm>>
    tpu.wait_indirect_dma semaphore(%arg24 : memref<!tpu.dma_semaphore, #tpu.memory_space<semaphore_mem>>) src(%dma_wait3A_163 : memref<10000x128xf32, #tpu.memory_space<hbm>>) dst(%arg16 : memref<128x128xf32, #tpu.memory_space<vmem>>)
    %dma_start3A_164 = arith.constant 0 : i32
    %dma_start3A_165 = arith.constant 0 : i32
    %dma_start3A_166 = tpu.memref_slice %arg19[%dma_start3A_164, %dma_start3A_165] : memref<10000x128xf32, #tpu.memory_space<vmem_shared>> -> memref<10000x128xf32, #tpu.memory_space<vmem_shared>>
    tpu.enqueue_indirect_dma source(%arg16 : memref<128x128xf32, #tpu.memory_space<vmem>>) target(%dma_start3A_166 : memref<10000x128xf32, #tpu.memory_space<vmem_shared>>) offsets(%arg10 : memref<128xi32, #tpu.memory_space<vmem>>) semaphore(%arg26 : memref<!tpu.dma_semaphore, #tpu.memory_space<semaphore_mem>>) {add = true}
    %dma_wait3A_167 = arith.constant 0 : i32
    %dma_wait3A_168 = arith.constant 0 : i32
    %dma_wait3A_169 = tpu.memref_slice %arg2[%dma_wait3A_167, %dma_wait3A_168] : memref<10000x128xf32, #tpu.memory_space<hbm>> -> memref<10000x128xf32, #tpu.memory_space<hbm>>
    tpu.wait_indirect_dma semaphore(%arg25 : memref<!tpu.dma_semaphore, #tpu.memory_space<semaphore_mem>>) src(%dma_wait3A_169 : memref<10000x128xf32, #tpu.memory_space<hbm>>) dst(%arg17 : memref<128x128xf32, #tpu.memory_space<vmem>>)
    %dma_start3A_170 = arith.constant 0 : i32
    %dma_start3A_171 = arith.constant 0 : i32
    %dma_start3A_172 = tpu.memref_slice %arg19[%dma_start3A_170, %dma_start3A_171] : memref<10000x128xf32, #tpu.memory_space<vmem_shared>> -> memref<10000x128xf32, #tpu.memory_space<vmem_shared>>
    tpu.enqueue_indirect_dma source(%arg17 : memref<128x128xf32, #tpu.memory_space<vmem>>) target(%dma_start3A_172 : memref<10000x128xf32, #tpu.memory_space<vmem_shared>>) offsets(%arg11 : memref<128xi32, #tpu.memory_space<vmem>>) semaphore(%arg27 : memref<!tpu.dma_semaphore, #tpu.memory_space<semaphore_mem>>) {add = true}
    %dma_wait3A_173 = tpu.memref_slice %arg3[%multiple_of3A_35] : memref<320000xi32, #tpu.memory_space<hbm>> -> memref<16xi32, #tpu.memory_space<hbm>>
    %dma_wait3A_174 = tpu.memref_slice %arg3[%multiple_of3A_35] : memref<320000xi32, #tpu.memory_space<hbm>> -> memref<16xi32, #tpu.memory_space<hbm>>
    tpu.wait_dma2 semaphore(%arg28 : memref<!tpu.dma_semaphore, #tpu.memory_space<semaphore_mem>>) src(%dma_wait3A_174 : memref<16xi32, #tpu.memory_space<hbm>>) dst(%arg14 : memref<16xi32, #tpu.memory_space<vmem>>)
    %dma_wait3A_175 = tpu.memref_slice %arg4[%multiple_of3A_35] : memref<320000xi32, #tpu.memory_space<hbm>> -> memref<16xi32, #tpu.memory_space<hbm>>
    %dma_wait3A_176 = tpu.memref_slice %arg4[%multiple_of3A_35] : memref<320000xi32, #tpu.memory_space<hbm>> -> memref<16xi32, #tpu.memory_space<hbm>>
    tpu.wait_dma2 semaphore(%arg28 : memref<!tpu.dma_semaphore, #tpu.memory_space<semaphore_mem>>) src(%dma_wait3A_176 : memref<16xi32, #tpu.memory_space<hbm>>) dst(%arg15 : memref<16xi32, #tpu.memory_space<vmem>>)
    %dma_start3A_177 = arith.constant 0 : i32
    %dma_start3A_178 = arith.constant 0 : i32
    %dma_start3A_179 = tpu.memref_slice %arg2[%dma_start3A_177, %dma_start3A_178] : memref<10000x128xf32, #tpu.memory_space<hbm>> -> memref<10000x128xf32, #tpu.memory_space<hbm>>
    tpu.enqueue_indirect_dma source(%dma_start3A_179 : memref<10000x128xf32, #tpu.memory_space<hbm>>) target(%arg18 : memref<16x128xf32, #tpu.memory_space<vmem>>) offsets(%arg14 : memref<16xi32, #tpu.memory_space<vmem>>) semaphore(%arg28 : memref<!tpu.dma_semaphore, #tpu.memory_space<semaphore_mem>>)
    %dma_wait3A_180 = arith.constant 0 : i32
    %dma_wait3A_181 = arith.constant 0 : i32
    %dma_wait3A_182 = tpu.memref_slice %arg19[%dma_wait3A_180, %dma_wait3A_181] : memref<10000x128xf32, #tpu.memory_space<vmem_shared>> -> memref<10000x128xf32, #tpu.memory_space<vmem_shared>>
    tpu.wait_indirect_dma semaphore(%arg26 : memref<!tpu.dma_semaphore, #tpu.memory_space<semaphore_mem>>) src(%arg16 : memref<128x128xf32, #tpu.memory_space<vmem>>) dst(%dma_wait3A_182 : memref<10000x128xf32, #tpu.memory_space<vmem_shared>>)
    %dma_wait3A_183 = arith.constant 0 : i32
    %dma_wait3A_184 = arith.constant 0 : i32
    %dma_wait3A_185 = tpu.memref_slice %arg19[%dma_wait3A_183, %dma_wait3A_184] : memref<10000x128xf32, #tpu.memory_space<vmem_shared>> -> memref<10000x128xf32, #tpu.memory_space<vmem_shared>>
    tpu.wait_indirect_dma semaphore(%arg27 : memref<!tpu.dma_semaphore, #tpu.memory_space<semaphore_mem>>) src(%arg17 : memref<128x128xf32, #tpu.memory_space<vmem>>) dst(%dma_wait3A_185 : memref<10000x128xf32, #tpu.memory_space<vmem_shared>>)
    %dma_wait3A_186 = arith.constant 0 : i32
    %dma_wait3A_187 = arith.constant 0 : i32
    %dma_wait3A_188 = tpu.memref_slice %arg2[%dma_wait3A_186, %dma_wait3A_187] : memref<10000x128xf32, #tpu.memory_space<hbm>> -> memref<10000x128xf32, #tpu.memory_space<hbm>>
    tpu.wait_indirect_dma semaphore(%arg28 : memref<!tpu.dma_semaphore, #tpu.memory_space<semaphore_mem>>) src(%dma_wait3A_188 : memref<10000x128xf32, #tpu.memory_space<hbm>>) dst(%arg18 : memref<16x128xf32, #tpu.memory_space<vmem>>)
    "tpu.region"() ({
      %run_scoped3A = tpu.sem_alloc : memref<!tpu.dma_semaphore, #tpu.memory_space<semaphore_mem>>
      %dma_start3A_190 = arith.constant 0 : i32
      %dma_start3A_191 = arith.constant 0 : i32
      %dma_start3A_192 = tpu.memref_slice %arg19[%dma_start3A_190, %dma_start3A_191] : memref<10000x128xf32, #tpu.memory_space<vmem_shared>> -> memref<10000x128xf32, #tpu.memory_space<vmem_shared>>
      tpu.enqueue_indirect_dma source(%arg18 : memref<16x128xf32, #tpu.memory_space<vmem>>) target(%dma_start3A_192 : memref<10000x128xf32, #tpu.memory_space<vmem_shared>>) offsets(%arg15 : memref<16xi32, #tpu.memory_space<vmem>>) semaphore(%run_scoped3A : memref<!tpu.dma_semaphore, #tpu.memory_space<semaphore_mem>>) {add = true}
      %dma_wait3A_193 = arith.constant 0 : i32
      %dma_wait3A_194 = arith.constant 0 : i32
      %dma_wait3A_195 = tpu.memref_slice %arg19[%dma_wait3A_193, %dma_wait3A_194] : memref<10000x128xf32, #tpu.memory_space<vmem_shared>> -> memref<10000x128xf32, #tpu.memory_space<vmem_shared>>
      tpu.wait_indirect_dma semaphore(%run_scoped3A : memref<!tpu.dma_semaphore, #tpu.memory_space<semaphore_mem>>) src(%arg18 : memref<16x128xf32, #tpu.memory_space<vmem>>) dst(%dma_wait3A_195 : memref<10000x128xf32, #tpu.memory_space<vmem_shared>>)
      tpu.yield
    }) : () -> ()
    %barrier3A_189 = arith.constant 0 : index
    tpu.barrier barrier_id(%barrier3A_189)
    "tpu.region"() ({
      %run_scoped3A = tpu.sem_alloc : memref<!tpu.dma_semaphore, #tpu.memory_space<semaphore_mem>>
      %dma_start3A_190 = arith.constant 0 : i32
      %dma_start3A_191 = tpu.memref_slice %arg5[%arg0, %multiple_of3A_45, %dma_start3A_190] : memref<2x10000x128xf32, #tpu.memory_space<hbm>> -> memref<1x640x128xf32, #tpu.memory_space<hbm>>
      %dma_start3A_192 = tpu.memref_squeeze %dma_start3A_191 : memref<1x640x128xf32, #tpu.memory_space<hbm>> -> memref<640x128xf32, #tpu.memory_space<hbm>>
      %dma_start3A_193 = arith.constant 0 : i32
      %dma_start3A_194 = tpu.memref_slice %arg19[%multiple_of3A_45, %dma_start3A_193] : memref<10000x128xf32, #tpu.memory_space<vmem_shared>> -> memref<640x128xf32, #tpu.memory_space<vmem_shared>>
      tpu.enqueue_dma source(%dma_start3A_194 : memref<640x128xf32, #tpu.memory_space<vmem_shared>>) target(%dma_start3A_192 : memref<640x128xf32, #tpu.memory_space<hbm>>) target_semaphore(%run_scoped3A : memref<!tpu.dma_semaphore, #tpu.memory_space<semaphore_mem>>)
      %dma_wait3A_195 = arith.constant 0 : i32
      %dma_wait3A_196 = tpu.memref_slice %arg5[%arg0, %multiple_of3A_45, %dma_wait3A_195] : memref<2x10000x128xf32, #tpu.memory_space<hbm>> -> memref<1x640x128xf32, #tpu.memory_space<hbm>>
      %dma_wait3A_197 = tpu.memref_squeeze %dma_wait3A_196 : memref<1x640x128xf32, #tpu.memory_space<hbm>> -> memref<640x128xf32, #tpu.memory_space<hbm>>
      %dma_wait3A_198 = arith.constant 0 : i32
      %dma_wait3A_199 = tpu.memref_slice %arg19[%multiple_of3A_45, %dma_wait3A_198] : memref<10000x128xf32, #tpu.memory_space<vmem_shared>> -> memref<640x128xf32, #tpu.memory_space<vmem_shared>>
      tpu.wait_dma2 semaphore(%run_scoped3A : memref<!tpu.dma_semaphore, #tpu.memory_space<semaphore_mem>>) src(%dma_wait3A_199 : memref<640x128xf32, #tpu.memory_space<vmem_shared>>) dst(%dma_wait3A_197 : memref<640x128xf32, #tpu.memory_space<hbm>>)
      tpu.yield
    }) : () -> ()
    return
  }
}

module attributes {stable_mosaic.version = 14 : i64} {
  func.func @_pre_body(%arg0: i32, %arg1: memref<400x128xf32, #tpu.memory_space<vmem>>, %arg2: memref<128x128xf32, #tpu.memory_space<vmem>>, %arg3: memref<400x1xf32, #tpu.memory_space<vmem>>, %arg4: memref<400x128xf32, #tpu.memory_space<vmem>>, %arg5: memref<400x16xf32, #tpu.memory_space<vmem>>) attributes {dimension_semantics = [#tpu.dimension_semantics<arbitrary>], iteration_bounds = array<i64: 25>, scalar_prefetch = 0 : i64, scratch_operands = 0 : i64, tpu.core_type = #tpu.core_type<tc>, window_params = [{transform_indices = @transform_0, window_bounds = array<i64: 400, 128>}, {pipeline_mode = #tpu.pipeline_mode<synchronous>, transform_indices = @transform_1, window_bounds = array<i64: 128, 128>}, {transform_indices = @transform_2, window_bounds = array<i64: 400, 1>}, {transform_indices = @transform_3, window_bounds = array<i64: 400, 128>}, {transform_indices = @transform_4, window_bounds = array<i64: 400, 16>}]} {
    %get3A = arith.constant 0 : index
    %get3A_0 = arith.constant 0 : index
    %get3A_1 = vector.load %arg3[%get3A, %get3A_0] : memref<400x1xf32, #tpu.memory_space<vmem>>, vector<400x1xf32>
    %add3A = arith.constant 1.000000e+00 : f32
    %add3A_2 = vector.broadcast %add3A : f32 to vector<400x1xf32>
    %add3A_3 = arith.addf %get3A_1, %add3A_2 : vector<400x1xf32>
    %rsqrt3A = math.rsqrt %add3A_3 : vector<400x1xf32>
    %get3A_4 = arith.constant 0 : index
    %get3A_5 = arith.constant 0 : index
    %get3A_6 = vector.load %arg1[%get3A_4, %get3A_5] : memref<400x128xf32, #tpu.memory_space<vmem>>, vector<400x128xf32>
    %get3A_7 = arith.constant 0 : index
    %get3A_8 = arith.constant 0 : index
    %get3A_9 = vector.load %arg2[%get3A_7, %get3A_8] : memref<128x128xf32, #tpu.memory_space<vmem>>, vector<128x128xf32>
    %dot_general3A = arith.constant dense<0.000000e+00> : vector<400x128xf32>
    %dot_general3A_10 = tpu.matmul %get3A_6, %get3A_9, %dot_general3A {dimension_numbers = #tpu.dot_dimension_numbers<[1], [0], [0], [1], [0, 0, 1, 1], [], []>, transpose_lhs_hint = false} : vector<400x128xf32>, vector<128x128xf32>, vector<400x128xf32> -> vector<400x128xf32>
    %mul3A = vector.broadcast %rsqrt3A : vector<400x1xf32> to vector<400x128xf32>
    %mul3A_11 = arith.mulf %dot_general3A_10, %mul3A : vector<400x128xf32>
    %swap3A = arith.constant 0 : index
    %swap3A_12 = arith.constant 0 : index
    %swap3A_13 = vector.load %arg4[%swap3A, %swap3A_12] : memref<400x128xf32, #tpu.memory_space<vmem>>, vector<400x128xf32>
    tpu.vector_store %arg4[%swap3A, %swap3A_12], %mul3A_11 {strides = array<i32>} : memref<400x128xf32, #tpu.memory_space<vmem>>, vector<400x128xf32>,
    %broadcast_in_dim3A = vector.shape_cast %rsqrt3A : vector<400x1xf32> to vector<400x1xf32>
    %broadcast_in_dim3A_14 = vector.broadcast %broadcast_in_dim3A : vector<400x1xf32> to vector<400x16xf32>
    %swap3A_15 = arith.constant 0 : index
    %swap3A_16 = arith.constant 0 : index
    %swap3A_17 = vector.load %arg5[%swap3A_15, %swap3A_16] : memref<400x16xf32, #tpu.memory_space<vmem>>, vector<400x16xf32>
    tpu.vector_store %arg5[%swap3A_15, %swap3A_16], %broadcast_in_dim3A_14 {strides = array<i32>} : memref<400x16xf32, #tpu.memory_space<vmem>>, vector<400x16xf32>,
    return
  }
  func.func @transform_0(%arg0: i32) -> (i32, i32) {
    %c0_i32 = arith.constant 0 : i32
    %c0_i32_0 = arith.constant 0 : i32
    return %arg0, %c0_i32 : i32, i32
  }
  func.func @transform_1(%arg0: i32) -> (i32, i32) {
    %c0_i32 = arith.constant 0 : i32
    %c0_i32_0 = arith.constant 0 : i32
    %c0_i32_1 = arith.constant 0 : i32
    return %c0_i32, %c0_i32_0 : i32, i32
  }
  func.func @transform_2(%arg0: i32) -> (i32, i32) {
    %c0_i32 = arith.constant 0 : i32
    %c0_i32_0 = arith.constant 0 : i32
    return %arg0, %c0_i32 : i32, i32
  }
  func.func @transform_3(%arg0: i32) -> (i32, i32) {
    %c0_i32 = arith.constant 0 : i32
    %c0_i32_0 = arith.constant 0 : i32
    return %arg0, %c0_i32 : i32, i32
  }
  func.func @transform_4(%arg0: i32) -> (i32, i32) {
    %c0_i32 = arith.constant 0 : i32
    %c0_i32_0 = arith.constant 0 : i32
    return %arg0, %c0_i32 : i32, i32
  }
}

module attributes {stable_mosaic.version = 14 : i64} {
  func.func @_mid_body(%arg0: i32, %arg1: memref<2x400x128xf32, #tpu.memory_space<vmem>>, %arg2: memref<400x128xf32, #tpu.memory_space<vmem>>, %arg3: memref<400x16xf32, #tpu.memory_space<vmem>>, %arg4: memref<1x128xf32, #tpu.memory_space<vmem>>, %arg5: memref<128x128xf32, #tpu.memory_space<vmem>>, %arg6: memref<400x128xf32, #tpu.memory_space<vmem>>) attributes {dimension_semantics = [#tpu.dimension_semantics<arbitrary>], iteration_bounds = array<i64: 25>, scalar_prefetch = 0 : i64, scratch_operands = 0 : i64, tpu.core_type = #tpu.core_type<tc>, window_params = [{transform_indices = @transform_0, window_bounds = array<i64: 2, 400, 128>}, {transform_indices = @transform_1, window_bounds = array<i64: 400, 128>}, {transform_indices = @transform_2, window_bounds = array<i64: 400, 16>}, {pipeline_mode = #tpu.pipeline_mode<synchronous>, transform_indices = @transform_3, window_bounds = array<i64: 1, 128>}, {pipeline_mode = #tpu.pipeline_mode<synchronous>, transform_indices = @transform_4, window_bounds = array<i64: 128, 128>}, {transform_indices = @transform_5, window_bounds = array<i64: 400, 128>}]} {
    %get3A = arith.constant 0 : index
    %get3A_0 = arith.constant 0 : index
    %get3A_1 = vector.load %arg3[%get3A, %get3A_0] : memref<400x16xf32, #tpu.memory_space<vmem>>, vector<400x1xf32>
    %get3A_2 = arith.constant 0 : index
    %get3A_3 = arith.constant 0 : index
    %get3A_4 = arith.constant 0 : index
    %get3A_5 = vector.load %arg1[%get3A_2, %get3A_3, %get3A_4] : memref<2x400x128xf32, #tpu.memory_space<vmem>>, vector<1x400x128xf32>
    %get3A_6 = vector.shape_cast %get3A_5 : vector<1x400x128xf32> to vector<400x128xf32>
    %get3A_7 = arith.constant 1 : index
    %get3A_8 = arith.constant 0 : index
    %get3A_9 = arith.constant 0 : index
    %get3A_10 = vector.load %arg1[%get3A_7, %get3A_8, %get3A_9] : memref<2x400x128xf32, #tpu.memory_space<vmem>>, vector<1x400x128xf32>
    %get3A_11 = vector.shape_cast %get3A_10 : vector<1x400x128xf32> to vector<400x128xf32>
    %add3A = arith.addf %get3A_6, %get3A_11 : vector<400x128xf32>
    %get3A_12 = arith.constant 0 : index
    %get3A_13 = arith.constant 0 : index
    %get3A_14 = vector.load %arg2[%get3A_12, %get3A_13] : memref<400x128xf32, #tpu.memory_space<vmem>>, vector<400x128xf32>
    %sub3A = arith.subf %add3A, %get3A_14 : vector<400x128xf32>
    %mul3A = vector.broadcast %get3A_1 : vector<400x1xf32> to vector<400x128xf32>
    %mul3A_15 = arith.mulf %sub3A, %mul3A : vector<400x128xf32>
    %get3A_16 = arith.constant 0 : index
    %get3A_17 = arith.constant 0 : index
    %get3A_18 = vector.load %arg4[%get3A_16, %get3A_17] : memref<1x128xf32, #tpu.memory_space<vmem>>, vector<1x128xf32>
    %add3A_19 = vector.broadcast %get3A_18 : vector<1x128xf32> to vector<400x128xf32>
    %add3A_20 = arith.addf %mul3A_15, %add3A_19 : vector<400x128xf32>
    %max3A = arith.constant 0.000000e+00 : f32
    %max3A_21 = vector.broadcast %max3A : f32 to vector<400x128xf32>
    %max3A_22 = arith.maximumf %add3A_20, %max3A_21 : vector<400x128xf32>
    %get3A_23 = arith.constant 0 : index
    %get3A_24 = arith.constant 0 : index
    %get3A_25 = vector.load %arg5[%get3A_23, %get3A_24] : memref<128x128xf32, #tpu.memory_space<vmem>>, vector<128x128xf32>
    %dot_general3A = arith.constant dense<0.000000e+00> : vector<400x128xf32>
    %dot_general3A_26 = tpu.matmul %max3A_22, %get3A_25, %dot_general3A {dimension_numbers = #tpu.dot_dimension_numbers<[1], [0], [0], [1], [0, 0, 1, 1], [], []>, transpose_lhs_hint = false} : vector<400x128xf32>, vector<128x128xf32>, vector<400x128xf32> -> vector<400x128xf32>
    %mul3A_27 = vector.broadcast %get3A_1 : vector<400x1xf32> to vector<400x128xf32>
    %mul3A_28 = arith.mulf %dot_general3A_26, %mul3A_27 : vector<400x128xf32>
    %swap3A = arith.constant 0 : index
    %swap3A_29 = arith.constant 0 : index
    %swap3A_30 = vector.load %arg6[%swap3A, %swap3A_29] : memref<400x128xf32, #tpu.memory_space<vmem>>, vector<400x128xf32>
    tpu.vector_store %arg6[%swap3A, %swap3A_29], %mul3A_28 {strides = array<i32>} : memref<400x128xf32, #tpu.memory_space<vmem>>, vector<400x128xf32>,
    return
  }
  func.func @transform_0(%arg0: i32) -> (i32, i32, i32) {
    %c0_i32 = arith.constant 0 : i32
    %c0_i32_0 = arith.constant 0 : i32
    %c0_i32_1 = arith.constant 0 : i32
    return %c0_i32, %arg0, %c0_i32_0 : i32, i32, i32
  }
  func.func @transform_1(%arg0: i32) -> (i32, i32) {
    %c0_i32 = arith.constant 0 : i32
    %c0_i32_0 = arith.constant 0 : i32
    return %arg0, %c0_i32 : i32, i32
  }
  func.func @transform_2(%arg0: i32) -> (i32, i32) {
    %c0_i32 = arith.constant 0 : i32
    %c0_i32_0 = arith.constant 0 : i32
    return %arg0, %c0_i32 : i32, i32
  }
  func.func @transform_3(%arg0: i32) -> (i32, i32) {
    %c0_i32 = arith.constant 0 : i32
    %c0_i32_0 = arith.constant 0 : i32
    %c0_i32_1 = arith.constant 0 : i32
    return %c0_i32, %c0_i32_0 : i32, i32
  }
  func.func @transform_4(%arg0: i32) -> (i32, i32) {
    %c0_i32 = arith.constant 0 : i32
    %c0_i32_0 = arith.constant 0 : i32
    %c0_i32_1 = arith.constant 0 : i32
    return %c0_i32, %c0_i32_0 : i32, i32
  }
  func.func @transform_5(%arg0: i32) -> (i32, i32) {
    %c0_i32 = arith.constant 0 : i32
    %c0_i32_0 = arith.constant 0 : i32
    return %arg0, %c0_i32 : i32, i32
  }
}

module attributes {stable_mosaic.version = 14 : i64} {
  func.func @_fin_body(%arg0: i32, %arg1: memref<2x400x128xf32, #tpu.memory_space<vmem>>, %arg2: memref<400x128xf32, #tpu.memory_space<vmem>>, %arg3: memref<400x16xf32, #tpu.memory_space<vmem>>, %arg4: memref<1x128xf32, #tpu.memory_space<vmem>>, %arg5: memref<400x128xf32, #tpu.memory_space<vmem>>, %arg6: memref<128x128xf32, #tpu.memory_space<vmem>>, %arg7: memref<1x128xf32, #tpu.memory_space<vmem>>, %arg8: memref<400x128xf32, #tpu.memory_space<vmem>>, %arg9: memref<1x128xf32, #tpu.memory_space<vmem>>) attributes {dimension_semantics = [#tpu.dimension_semantics<arbitrary>], iteration_bounds = array<i64: 25>, scalar_prefetch = 0 : i64, scratch_operands = 0 : i64, tpu.core_type = #tpu.core_type<tc>, window_params = [{transform_indices = @transform_0, window_bounds = array<i64: 2, 400, 128>}, {transform_indices = @transform_1, window_bounds = array<i64: 400, 128>}, {transform_indices = @transform_2, window_bounds = array<i64: 400, 16>}, {pipeline_mode = #tpu.pipeline_mode<synchronous>, transform_indices = @transform_3, window_bounds = array<i64: 1, 128>}, {transform_indices = @transform_4, window_bounds = array<i64: 400, 128>}, {pipeline_mode = #tpu.pipeline_mode<synchronous>, transform_indices = @transform_5, window_bounds = array<i64: 128, 128>}, {pipeline_mode = #tpu.pipeline_mode<synchronous>, transform_indices = @transform_6, window_bounds = array<i64: 1, 128>}, {transform_indices = @transform_7, window_bounds = array<i64: 400, 128>}, {pipeline_mode = #tpu.pipeline_mode<synchronous>, transform_indices = @transform_8, window_bounds = array<i64: 1, 128>}]} {
    %get3A = arith.constant 0 : index
    %get3A_0 = arith.constant 0 : index
    %get3A_1 = vector.load %arg3[%get3A, %get3A_0] : memref<400x16xf32, #tpu.memory_space<vmem>>, vector<400x1xf32>
    %get3A_2 = arith.constant 0 : index
    %get3A_3 = arith.constant 0 : index
    %get3A_4 = arith.constant 0 : index
    %get3A_5 = vector.load %arg1[%get3A_2, %get3A_3, %get3A_4] : memref<2x400x128xf32, #tpu.memory_space<vmem>>, vector<1x400x128xf32>
    %get3A_6 = vector.shape_cast %get3A_5 : vector<1x400x128xf32> to vector<400x128xf32>
    %get3A_7 = arith.constant 1 : index
    %get3A_8 = arith.constant 0 : index
    %get3A_9 = arith.constant 0 : index
    %get3A_10 = vector.load %arg1[%get3A_7, %get3A_8, %get3A_9] : memref<2x400x128xf32, #tpu.memory_space<vmem>>, vector<1x400x128xf32>
    %get3A_11 = vector.shape_cast %get3A_10 : vector<1x400x128xf32> to vector<400x128xf32>
    %add3A = arith.addf %get3A_6, %get3A_11 : vector<400x128xf32>
    %get3A_12 = arith.constant 0 : index
    %get3A_13 = arith.constant 0 : index
    %get3A_14 = vector.load %arg2[%get3A_12, %get3A_13] : memref<400x128xf32, #tpu.memory_space<vmem>>, vector<400x128xf32>
    %sub3A = arith.subf %add3A, %get3A_14 : vector<400x128xf32>
    %mul3A = vector.broadcast %get3A_1 : vector<400x1xf32> to vector<400x128xf32>
    %mul3A_15 = arith.mulf %sub3A, %mul3A : vector<400x128xf32>
    %get3A_16 = arith.constant 0 : index
    %get3A_17 = arith.constant 0 : index
    %get3A_18 = vector.load %arg4[%get3A_16, %get3A_17] : memref<1x128xf32, #tpu.memory_space<vmem>>, vector<1x128xf32>
    %add3A_19 = vector.broadcast %get3A_18 : vector<1x128xf32> to vector<400x128xf32>
    %add3A_20 = arith.addf %mul3A_15, %add3A_19 : vector<400x128xf32>
    %max3A = arith.constant 0.000000e+00 : f32
    %max3A_21 = vector.broadcast %max3A : f32 to vector<400x128xf32>
    %max3A_22 = arith.maximumf %add3A_20, %max3A_21 : vector<400x128xf32>
    %get3A_23 = arith.constant 0 : index
    %get3A_24 = arith.constant 0 : index
    %get3A_25 = vector.load %arg5[%get3A_23, %get3A_24] : memref<400x128xf32, #tpu.memory_space<vmem>>, vector<400x128xf32>
    %add3A_26 = arith.addf %max3A_22, %get3A_25 : vector<400x128xf32>
    %swap3A = arith.constant 0 : index
    %swap3A_27 = arith.constant 0 : index
    %swap3A_28 = vector.load %arg8[%swap3A, %swap3A_27] : memref<400x128xf32, #tpu.memory_space<vmem>>, vector<400x128xf32>
    tpu.vector_store %arg8[%swap3A, %swap3A_27], %add3A_26 {strides = array<i32>} : memref<400x128xf32, #tpu.memory_space<vmem>>, vector<400x128xf32>,
    %eq3A = arith.constant 0 : i32
    %eq3A_29 = arith.cmpi eq, %arg0, %eq3A : i32
    %convert_element_type3A = arith.extui %eq3A_29 : i1 to i32
    %cond3A = arith.constant 0 : i32
    %cond3A_30 = arith.cmpi ne, %convert_element_type3A, %cond3A : i32
    scf.if %cond3A_30 {
      %broadcast_in_dim3A_44 = arith.constant 0.000000e+00 : f32
      %broadcast_in_dim3A_45 = vector.broadcast %broadcast_in_dim3A_44 : f32 to vector<1x128xf32>
      %swap3A_46 = arith.constant 0 : index
      %swap3A_47 = arith.constant 0 : index
      %swap3A_48 = vector.load %arg9[%swap3A_46, %swap3A_47] : memref<1x128xf32, #tpu.memory_space<vmem>>, vector<1x128xf32>
      tpu.vector_store %arg9[%swap3A_46, %swap3A_47], %broadcast_in_dim3A_45 {strides = array<i32>} : memref<1x128xf32, #tpu.memory_space<vmem>>, vector<1x128xf32>,
    } else {
    }
    %get3A_31 = arith.constant 0 : index
    %get3A_32 = arith.constant 0 : index
    %get3A_33 = vector.load %arg9[%get3A_31, %get3A_32] : memref<1x128xf32, #tpu.memory_space<vmem>>, vector<1x128xf32>
    %reduce_sum3A = arith.constant dense<0.000000e+00> : vector<128xf32>
    %reduce_sum3A_34 = vector.multi_reduction <add>, %add3A_26, %reduce_sum3A [0] : vector<400x128xf32> to vector<128xf32>
    %broadcast_in_dim3A = vector.shape_cast %reduce_sum3A_34 : vector<128xf32> to vector<1x128xf32>
    %add3A_35 = arith.addf %get3A_33, %broadcast_in_dim3A : vector<1x128xf32>
    %swap3A_36 = arith.constant 0 : index
    %swap3A_37 = arith.constant 0 : index
    %swap3A_38 = vector.load %arg9[%swap3A_36, %swap3A_37] : memref<1x128xf32, #tpu.memory_space<vmem>>, vector<1x128xf32>
    tpu.vector_store %arg9[%swap3A_36, %swap3A_37], %add3A_35 {strides = array<i32>} : memref<1x128xf32, #tpu.memory_space<vmem>>, vector<1x128xf32>,
    %eq3A_39 = arith.constant 24 : i32
    %eq3A_40 = arith.cmpi eq, %arg0, %eq3A_39 : i32
    %convert_element_type3A_41 = arith.extui %eq3A_40 : i1 to i32
    %cond3A_42 = arith.constant 0 : i32
    %cond3A_43 = arith.cmpi ne, %convert_element_type3A_41, %cond3A_42 : i32
    scf.if %cond3A_43 {
      %get3A_44 = arith.constant 0 : index
      %get3A_45 = arith.constant 0 : index
      %get3A_46 = vector.load %arg9[%get3A_44, %get3A_45] : memref<1x128xf32, #tpu.memory_space<vmem>>, vector<1x128xf32>
      %mul3A_47 = arith.constant 9.99999974E-5 : f32
      %mul3A_48 = vector.broadcast %mul3A_47 : f32 to vector<1x128xf32>
      %mul3A_49 = arith.mulf %get3A_46, %mul3A_48 : vector<1x128xf32>
      %get3A_50 = arith.constant 0 : index
      %get3A_51 = arith.constant 0 : index
      %get3A_52 = vector.load %arg6[%get3A_50, %get3A_51] : memref<128x128xf32, #tpu.memory_space<vmem>>, vector<128x128xf32>
      %dot_general3A = arith.constant dense<0.000000e+00> : vector<1x128xf32>
      %dot_general3A_53 = tpu.matmul %mul3A_49, %get3A_52, %dot_general3A {dimension_numbers = #tpu.dot_dimension_numbers<[1], [0], [0], [1], [0, 0, 1, 1], [], []>, transpose_lhs_hint = false} : vector<1x128xf32>, vector<128x128xf32>, vector<1x128xf32> -> vector<1x128xf32>
      %get3A_54 = arith.constant 0 : index
      %get3A_55 = arith.constant 0 : index
      %get3A_56 = vector.load %arg7[%get3A_54, %get3A_55] : memref<1x128xf32, #tpu.memory_space<vmem>>, vector<1x128xf32>
      %add3A_57 = arith.addf %dot_general3A_53, %get3A_56 : vector<1x128xf32>
      %swap3A_58 = arith.constant 0 : index
      %swap3A_59 = arith.constant 0 : index
      %swap3A_60 = vector.load %arg9[%swap3A_58, %swap3A_59] : memref<1x128xf32, #tpu.memory_space<vmem>>, vector<1x128xf32>
      tpu.vector_store %arg9[%swap3A_58, %swap3A_59], %add3A_57 {strides = array<i32>} : memref<1x128xf32, #tpu.memory_space<vmem>>, vector<1x128xf32>,
    } else {
    }
    return
  }
  func.func @transform_0(%arg0: i32) -> (i32, i32, i32) {
    %c0_i32 = arith.constant 0 : i32
    %c0_i32_0 = arith.constant 0 : i32
    %c0_i32_1 = arith.constant 0 : i32
    return %c0_i32, %arg0, %c0_i32_0 : i32, i32, i32
  }
  func.func @transform_1(%arg0: i32) -> (i32, i32) {
    %c0_i32 = arith.constant 0 : i32
    %c0_i32_0 = arith.constant 0 : i32
    return %arg0, %c0_i32 : i32, i32
  }
  func.func @transform_2(%arg0: i32) -> (i32, i32) {
    %c0_i32 = arith.constant 0 : i32
    %c0_i32_0 = arith.constant 0 : i32
    return %arg0, %c0_i32 : i32, i32
  }
  func.func @transform_3(%arg0: i32) -> (i32, i32) {
    %c0_i32 = arith.constant 0 : i32
    %c0_i32_0 = arith.constant 0 : i32
    %c0_i32_1 = arith.constant 0 : i32
    return %c0_i32, %c0_i32_0 : i32, i32
  }
  func.func @transform_4(%arg0: i32) -> (i32, i32) {
    %c0_i32 = arith.constant 0 : i32
    %c0_i32_0 = arith.constant 0 : i32
    return %arg0, %c0_i32 : i32, i32
  }
  func.func @transform_5(%arg0: i32) -> (i32, i32) {
    %c0_i32 = arith.constant 0 : i32
    %c0_i32_0 = arith.constant 0 : i32
    %c0_i32_1 = arith.constant 0 : i32
    return %c0_i32, %c0_i32_0 : i32, i32
  }
  func.func @transform_6(%arg0: i32) -> (i32, i32) {
    %c0_i32 = arith.constant 0 : i32
    %c0_i32_0 = arith.constant 0 : i32
    %c0_i32_1 = arith.constant 0 : i32
    return %c0_i32, %c0_i32_0 : i32, i32
  }
  func.func @transform_7(%arg0: i32) -> (i32, i32) {
    %c0_i32 = arith.constant 0 : i32
    %c0_i32_0 = arith.constant 0 : i32
    return %arg0, %c0_i32 : i32, i32
  }
  func.func @transform_8(%arg0: i32) -> (i32, i32) {
    %c0_i32 = arith.constant 0 : i32
    %c0_i32_0 = arith.constant 0 : i32
    %c0_i32_1 = arith.constant 0 : i32
    return %c0_i32, %c0_i32_0 : i32, i32
  }
}

</mosaic_0001>

<sc_bundles>
// kernel: kernel.10.cloned.1.call-start
scs
__scs_entry_jumppad:
0x0: {  	(pc) =	sbr.rel $0x88, $3  }
0x1: {  	(tag) =	ssettag $0x0;
	lr =	simm.s32 $0x1  }
0x2: {  	[smem:$0x3F97] =	sst lr;
	_ =	strace $0xD0000000  }
0x3: {  	_ = 	snop  }
0x4: {  	_ = 	snop  }
0x5: {  	_ = 	snop  }
0x6: {  	_ = 	snop  }
0x7: {  	_ = 	snop  }
__scs_overlays_trampoline_lowered:
0x8: {  	[smem:$0x3FA6] =	sst s0  }
0x9: {  	[smem:$0x3FA7] =	sst s1  }
0xa: {  	[smem:$0x3FA8] =	sst s2  }
0xb: {  	[smem:$0x3FA9] =	sst s3  }
0xc: {  	[smem:$0x3FAA] =	sst s4  }
0xd: {  	[smem:$0x3FAB] =	sst s5  }
0xe: {  	[smem:$0x3FAC] =	sst s6  }
0xf: {  	[smem:$0x3FAD] =	sst s7  }
0x10: {  	[smem:$0x3FAE] =	sst s8  }
0x11: {  	[smem:$0x3FAF] =	sst s9;
	s0 =	simm.s32 @!p0 $0x0  }
0x12: {  	s1 =	sld [smem:$0x3F95];
	s0 =	simm.s32 @p0 $0x1  }
0x13: {  	[smem:$0x3FB0] =	sst s0;
	s0 =	simm.s32 @!p1 $0x0  }
0x14: {  	s2 =	sld [smem:$0x3F94];
	s0 =	simm.s32 @p1 $0x1  }
0x15: {  	[smem:$0x3FB1] =	sst s0;
	s0 =	simm.s32 @!p2 $0x0  }
0x16: {  	s3 =	sld [smem:$0x3FDB];
	s0 =	simm.s32 @p2 $0x1  }
0x17: {  	s4 =	simm.s32 $0x1BF5;
	[smem:$0x3FB3] =	sst s0  }
0x18: {  	s0 =	sld [smem:$0x3F96];
	_ =	swait.ge [sflag:s4], $0x0  }
0x19: {  	s7 =	sld [smem:$0x3F97]  }
0x1a: {  	s8 =	sadd.s32 $0xFFFFE003, lr  }
0x1b: {  	s9 =	sadd.s32 $0xFFFFFEF7, lr;
	s5 =	simm.s32 $0xFFFFFFFF;
	p2 =	slt.u32 s8, $0xFFFFF086  }
0x1c: {  	p1 =	slt.u32 s9, $0xF7A;
	s5 =	simm.s32 @!p2 $0x0  }
0x1d: {  	s5 =	simm.s32 @p1 $0x1;
	p0 =	seq.s32 s7, s2  }
0x1e: {  	s7 =	smul.u32 @!p0 $0xF7A, s2;
	p2 =	seq.s32 @!p0 s5, $0x0  }
0x1f: {  	s9 =	smul.u32 $0xF7A, s1;
	s8 =	simm.s32 @!p0 $0x1BF5;
	p2 =	por !p2, p0  }
0x20: {  	[sflag:s8] =	ssyncset.s32 @!p0 $0xFFFFF086;
	s6 =	sadd.s32 @!p0 s3, s7;
	s7 =	simm.s32 @!p0 $0x108  }
0x21: {  	s3 =	sadd.s32 s3, s9;
	s6 =	sadd.s32 @!p0 $0x88, s6;
	s7 =	simm.s32 @p2 $0x1082  }
0x22: {  	[simem:s7], [sflag:s8] =	dma.local @!p0 [hbm:s6], $0xF7A  }
0x23: {  	s9 =	sor.u32 $0xD0000000, s2;
	s6 =	simm.s32 $0x108;
	_ =	swait.ge @!p0 [sflag:s8], $0x0  }
0x24: {  	s3 =	sadd.s32 $0x88, s3;
	s6 =	simm.s32 @!p1 $0x1082;
	[sflag:s4] =	ssyncset.s32 $0xFFFFF086  }
0x25: {  	[simem:s6], [sflag:s4] =	dma.local [hbm:s3], $0xF7A  }
0x26: {  	[smem:$0x3F97] =	sst s1;
	(tag) =	ssettag s2;
	_ =	strace s9  }
0x27: {  	s1 =	sld [smem:$0x3FA7]  }
0x28: {  	s2 =	sld [smem:$0x3FA8]  }
0x29: {  	s4 =	sld [smem:$0x3FAA]  }
0x2a: {  	p0 =	seq.s32 s5, $0x0;
	s5 =	sld [smem:$0x3FAB]  }
0x2b: {  	s6 =	sld [smem:$0x3FAC]  }
0x2c: {  	s7 =	sld [smem:$0x3FAD]  }
0x2d: {  	s3 =	simm.s32 $0x108;
	s8 =	sld [smem:$0x3FAE]  }
0x2e: {  	s3 =	simm.s32 @!p0 $0x1082;
	s9 =	sld [smem:$0x3FAF]  }
0x2f: {  	lr =	sadd.s32 s0, s3;
	s0 =	sld [smem:$0x3FA6]  }
0x30: {  	s3 =	sld [smem:$0x3FA9]  }
0x31: {  	[smem:$0x3FB2] =	sst s10  }
0x32: {  	s10 =	sld [smem:$0x3FB0];
	_ =	sdelay $0x3  }
0x33: {  	p0 =	seq.s32 s10, $0x1;
	s10 =	sld [smem:$0x3FB2];
	_ =	sdelay $0x3  }
0x34: {  	[smem:$0x3FB2] =	sst s10  }
0x35: {  	s10 =	sld [smem:$0x3FB1];
	_ =	sdelay $0x3  }
0x36: {  	p1 =	seq.s32 s10, $0x1;
	s10 =	sld [smem:$0x3FB2];
	_ =	sdelay $0x3  }
0x37: {  	[smem:$0x3FB2] =	sst s10  }
0x38: {  	s10 =	sld [smem:$0x3FB3]  }
0x39: {  	_ = 	snop;
	(pc) =	sbr.ind lr, $3  }
0x3a: {  	_ = 	snop  }
0x3b: {  	_ = 	snop  }
0x3c: {  	p2 =	seq.s32 s10, $0x1;
	s10 =	sld [smem:$0x3FB2]  }
0x3d: {  	_ =	shalt  }
0x3e: {  	_ =	shalt  }
0x3f: {  	_ =	shalt  }
0x40: {  	_ =	shalt  }
0x41: {  	_ =	shalt  }
0x42: {  	_ =	shalt  }
0x43: {  	_ =	shalt  }
0x44: {  	_ =	shalt  }
0x45: {  	_ =	shalt  }
0x46: {  	_ =	shalt  }
0x47: {  	_ =	shalt  }
0x48: {  	_ =	shalt  }
0x49: {  	_ =	shalt  }
0x4a: {  	_ =	shalt  }
0x4b: {  	_ =	shalt  }
0x4c: {  	_ =	shalt  }
0x4d: {  	_ =	shalt  }
0x4e: {  	_ =	shalt  }
0x4f: {  	_ =	shalt  }
0x50: {  	_ =	shalt  }
0x51: {  	_ =	shalt  }
0x52: {  	_ =	shalt  }
0x53: {  	_ =	shalt  }
0x54: {  	_ =	shalt  }
0x55: {  	_ =	shalt  }
0x56: {  	_ =	shalt  }
0x57: {  	_ =	shalt  }
0x58: {  	_ =	shalt  }
0x59: {  	_ =	shalt  }
0x5a: {  	_ =	shalt  }
0x5b: {  	_ =	shalt  }
0x5c: {  	_ =	shalt  }
0x5d: {  	_ =	shalt  }
0x5e: {  	_ =	shalt  }
0x5f: {  	_ =	shalt  }
0x60: {  	_ =	shalt  }
0x61: {  	_ =	shalt  }
0x62: {  	_ =	shalt  }
0x63: {  	_ =	shalt  }
0x64: {  	_ =	shalt  }
0x65: {  	_ =	shalt  }
0x66: {  	_ =	shalt  }
0x67: {  	_ =	shalt  }
0x68: {  	_ =	shalt  }
0x69: {  	_ =	shalt  }
0x6a: {  	_ =	shalt  }
0x6b: {  	_ =	shalt  }
0x6c: {  	_ =	shalt  }
0x6d: {  	_ =	shalt  }
0x6e: {  	_ =	shalt  }
0x6f: {  	_ =	shalt  }
0x70: {  	_ =	shalt  }
0x71: {  	_ =	shalt  }
0x72: {  	_ =	shalt  }
0x73: {  	_ =	shalt  }
0x74: {  	_ =	shalt  }
0x75: {  	_ =	shalt  }
0x76: {  	_ =	shalt  }
0x77: {  	_ =	shalt  }
0x78: {  	_ =	shalt  }
0x79: {  	_ =	shalt  }
0x7a: {  	_ =	shalt  }
0x7b: {  	_ =	shalt  }
0x7c: {  	_ =	shalt  }
0x7d: {  	_ =	shalt  }
0x7e: {  	_ =	shalt  }
0x7f: {  	_ =	shalt  }
0x80: {  	_ =	shalt  }
0x81: {  	_ =	shalt  }
0x82: {  	_ =	shalt  }
0x83: {  	_ =	shalt  }
0x84: {  	_ =	shalt  }
0x85: {  	_ =	shalt  }
0x86: {  	_ =	shalt  }
0x87: {  	_ =	shalt  }
.Lfunc_end0:
.L_simem_size_0:
called_computation_lowered:
.L_overlay_start_0:
0x88: {  	s2 =	sld [smem:$0x3FD9]  }
0x89: {  	s3 =	sld [smem:$0x3FFE];
	_ =	sdelay $0x1  }
0x8a: {  	s1 =	srdreg.scid  }
0x8b: {  	s0 =	sand.u32 $0x1, s1  }
0x8c: {  	s14 =	sshll.u32 s0, $0xA;
	s2 =	sadd.s32 s3, s2  }
0x8d: {  	s2 =	sadd.s32 s2, s14  }
0x8e: {  	[smem:$0x3FBE] =	sst s2  }
0x8f: {  	_ = 	snop  }
0x90: {  	s2 =	sld [smem:$0x3FD0];
	_ =	sdelay $0x2  }
0x91: {  	s15 =	simm.s32 $0xA;
	s4 =	simm.s32 $0x10  }
0x92: {  	[smem:s4], [sflag:s15] =	dma.local [hbm:s2], $0x1  }
0x93: {  	_ =	swait.eq [sflag:s15], $0x1  }
0x94: {  	[sflag:s15] =	ssyncset.done $0x0  }
0x95: {  	[sflag:s15] =	ssyncadd.s32 $0xFFFFFFFF  }
0x96: {  	s16 =	sld [smem:$0x10];
	(tm) =	ssettm $0x1  }
0x97: {  	s17 =	sld [smem:$0x3FFB];
	_ =	sdelay $0x3  }
0x98: {  	_ =	strace s17  }
0x99: {  	s3 =	sld [smem:$0x3FFC];
	_ =	sdelay $0x3  }
0x9a: {  	_ =	strace s3  }
0x9b: {  	s3 =	sld [smem:$0x3FFD];
	_ =	sdelay $0x3  }
0x9c: {  	_ =	strace s3  }
0x9d: {  	_ =	strace $0x8FFFFFFF  }
0x9e: {  	s18 =	sld [smem:$0x3FDB];
	_ =	sdelay $0x1  }
0x9f: {  	s19 =	simm.s32 $_scs_section_size  }
0xa0: {  	s5 =	simm.s32 $_size__tile_overlayer_lowered;
	s6 =	simm.s32 $_tile_overlayer_lowered  }
0xa1: {  	s22 =	simm.s32 $0x1BFF;
	s21 =	sshll.u32 s6, $0x1;
	s3 =	sadd.s32 s19, s18  }
0xa2: {  	s7 =	simm.s32 $0x0;
	s20 =	sshll.u32 s5, $0x1;
	s5 =	sadd.s32 s21, s3  }
0xa3: {  	[timem:s7], [sflag:s22] =	dma.local [hbm:s5], s20  }
0xa4: {  	_ =	swait.ge [sflag:s22], s20  }
0xa5: {  	s4 =	ssub.s32 $0x0, s20;
	[sflag:s22] =	ssyncset.done $0x0  }
0xa6: {  	[sflag:s22] =	ssyncadd.s32 s4;
	_ =	sdelay $0x1  }
0xa7: {  	s23 =	simm.s32 $0x1B8B  }
0xa8: {  	_ =	swait.ge [sflag:s23], $0x1  }
0xa9: {  	[sflag:s23] =	ssyncset.done $0x0  }
0xaa: {  	s25 =	simm.s32 $0x1B8E;
	s24 =	sld [smem:$0x3FFE];
	[sflag:s23] =	ssyncadd.s32 $0xFFFFFFFF  }
0xab: {  	s26 =	simm.s32 $execute0_lowered;
	[smem:$0x3FD2] =	sst s25  }
0xac: {  	s5 =	sshll.u32 s26, $0x1;
	_ =	strace $0x80000046;
	[dreg:$0x1] =	wrdreg $0xFFFFFFFF  }
0xad: {  	s28 =	simm.s32 $_size_execute0_lowered;
	s3 =	sadd.s32 s3, s5;
	[dreg:$0x0] =	wrdreg $0x0  }
0xae: {  	s5 =	sshll.u32 s28, $0x1;
	[dreg:$0x2] =	wrdreg s3  }
0xaf: {  	[dreg:$0x3] =	wrdreg s5  }
0xb0: {  	[dreg:$0x4] =	wrdreg $0xC0  }
0xb1: {  	_ =	task [dreg:s7], $0x5FFFF  }
0xb2: {  	[dreg:$0x1] =	wrdreg $0xFFFFFFFF  }
0xb3: {  	[dreg:$0x0] =	wrdreg $0x60  }
0xb4: {  	[dreg:$0x2] =	wrdreg s16  }
0xb5: {  	[dreg:$0x3] =	wrdreg s24  }
0xb6: {  	[dreg:$0x4] =	wrdreg $0x42800  }
0xb7: {  	[dreg:$0x5] =	wrdreg $0x9  }
0xb8: {  	_ =	task.clear_ibuf [dreg:s7], $0x6FFFF;
	_ =	strace $0x90000046  }
0xb9: {  	s29 =	simm.s32 $0x9;
	_ =	strace $0x80000048  }
0xba: {  	_ =	swait.ge [sflag:s29], $0x1  }
0xbb: {  	[sflag:s29] =	ssyncadd.s32 $0xFFFFFFFF  }
0xbc: {  	_ =	strace $0x90000048  }
0xbd: {  	_ =	sfence  }
0xbe: {  	s30 =	sld [smem:$0x0];
	_ =	sdelay $0x2  }
0xbf: {  	s31 =	sshll.u32 s1, $0xD;
	s1 =	sshrl.u32 s1, $0x2  }
0xc0: {  	s3 =	sand.u32 $0x4000, s31;
	s1 =	sadd.s32 s1, s30  }
0xc1: {  	s0 =	sor.u32 s3, s0;
	s1 =	sshll.u32 s1, $0x11  }
0xc2: {  	s0 =	sor.u32 s1, s0  }
0xc3: {  	s0 =	sadd.s32 $0x8F2B, s0  }
0xc4: {  	[sflag:s0] =	ssyncadd.remote.s32 $0x1  }
0xc5: {  	_ =	sfence.sel $0xFFFF  }
0xc6: {  	[dreg:$0x0] =	wrdreg $0xFFFFFFFF;
	(pc) =	sbr.abs _section_cstart, $3  }
0xc7: {  	[dreg:$0x1] =	wrdreg $0xFFFFFFFF  }
0xc8: {  	_ =	task.clear_ibuf [dreg:s7], $0x2FFFF;
	_ =	strace $0x9FFFFFFF  }
0xc9: {  	(tm) =	ssettm $0x7FFFFFFF  }
tec
execute0_lowered:
.L_overlay_start_1:
0x0: {  	(tag) =	ssettag $0x1  }
0x1: {  	s11 =	rddreg [dreg:$0x0]  }
0x2: {  	s0 =	rddreg [dreg:$0x1]  }
0x3: {  	s3 =	rddreg [dreg:$0x2];
	s1 =	srdreg.scid  }
0x4: {  	s10 =	stileid.u32;
	s4 =	simm.s32 $0x0;
	s28 =	simm.s32 $0x5  }
0x5: {  	s29 =	simm.s32 $0x3;
	s30 =	simm.s32 $0x6;
	s2 =	smul.u32 $0x13800, s10  }
0x6: {  	s31 =	simm.s32 $0x4;
	s1 =	sand.u32 $0x1, s1;
	s9 =	smul.u32 $0x4E000, s10  }
0x7: {  	[smem:$0x7FF] =	sst s4;
	s22 =	smul.u32 $0x2710, s10;
	s26 =	sshll.u32 s10, $0x6  }
0x8: {  	s5 =	smul.u32 $0x138800, s1;
	s6 =	sshll.u32 s1, $0x4;
	_ =	strace $0x80000047  }
0x9: {  	s8 =	ssub.s32 $0x2, s1;
	s1 =	smul.u32 $0x27100, s1;
	s6 =	sor.u32 s10, s6  }
0xa: {  	s17 =	sshrl.u32 s8, $0x1;
	s18 =	sshrl.u32 s9, $0x2;
	s5 =	sadd.s32 s2, s5  }
0xb: {  	s6 =	smul.u32 $0x2710, s6;
	s2 =	sshrl.u32 s2, $0x3;
	s24 =	sadd.s32 s22, s1  }
0xc: {  	s22 =	sor.u32 $0x1C07, s26;
	s26 =	simm.s32 $0x180;
	s7 =	sshrl.u32 s5, $0x3  }
0xd: {  	s5 =	sadd.s32 $0xCC00, s0;
	s2 =	sadd.s32 s11, s2;
	s1 =	sadd.s32 $0x380, s24  }
0xe: {  	s25 =	sadd.s32 $0x280, s24;
	s0 =	sadd.s32 s7, s0;
	s7 =	ssub.s32 s8, s17  }
0xf: {  	s6 =	sshrl.u32 s6, $0x3;
	s8 =	sadd.s32 s18, s3;
	[dreg:$0x4] =	wrdreg s2  }
0x10: {  	s2 =	sadd.s32 $0x300, s24;
	s1 =	sshrl.u32 s1, $0x3;
	s6 =	sadd.s32 s5, s6  }
0x11: {  	s14 =	sadd.s32 $0x16A00, s0;
	s15 =	smax.u32 s7, $0x1;
	s2 =	sshrl.u32 s2, $0x3  }
0x12: {  	s7 =	sshrl.u32 s25, $0x3;
	s16 =	sadd.s32 s1, s5;
	s25 =	simm.s32 $0x100  }
0x13: {  	s0 =	simm.s32 $0x1;
	s1 =	simm.s32 $0x2;
	s19 =	sadd.s32 $0x10, s6  }
0x14: {  	s20 =	sadd.s32 $0x20, s6;
	s21 =	sadd.s32 $0x30, s6;
	s23 =	sadd.s32 $0x4C0, s6  }
0x15: {  	s12 =	sadd.s32 $0x4D0, s6;
	s13 =	sadd.s32 $0x4E0, s6;
	[dreg:$0x5] =	wrdreg s19  }
0x16: {  	s17 =	sadd.s32 s2, s5;
	s18 =	sadd.s32 s7, s5;
	[dreg:$0x6] =	wrdreg s20  }
0x17: {  	s2 =	simm.s32 $0x200;
	s7 =	simm.s32 $0x0;
	[dreg:$0x7] =	wrdreg s21  }
0x18: {  	[dreg:$0x8] =	wrdreg s23;
	s19 =	sadd.s32 $0x200, s24;
	s20 =	simm.s32 $0x280  }
0x19: {  	s21 =	simm.s32 $0x7;
	s23 =	sshrl.u32 s8, $0x3;
	s24 =	simm.s32 $0x80  }
.LBB2_1:
0x1a: {  	s8 =	rddreg [dreg:$0x0]  }
0x1b: {  	[tilespmem:s20], [sflag:$0x7] =	stream.linear.gather [hbm4b:s8+s4], $0x4000, $0x38;
	[tilespmem:$0x17B00] =	vst v63  }
0x1c: {  	_ =	swait.ge [sflag:s21], $0x4000  }
0x1d: {  	[sflag:s21] =	ssyncset.done $0x0  }
0x1e: {  	s11 =	rddreg [dreg:$0x4];
	[sflag:s21] =	ssyncadd.s32 $0xFFFFC000  }
0x1f: {  	[spmem:s23], [sflag:s22] =	dma.local [hbm:s11], $0x2800  }
0x20: {  	_ =	swait.ge [sflag:s21], $0x2800  }
0x21: {  	[sflag:s21] =	ssyncset.done $0x0  }
0x22: {  	[sflag:s21] =	ssyncadd.s32 $0xFFFFD800  }
0x23: {  	[bflag:$0x0] =	sbarrier.arrive $0xFFFF  }
0x24: {  	[tilespmem:s4], [sflag:$0x7] =	stream.linear.gather [hbm4b:s6+s4], $0x80, $0x38;
	[tilespmem:$0x17B00] =	vst v63  }
0x25: {  	_ =	swait.ge [sflag:s21], $0x80  }
0x26: {  	[sflag:s21] =	ssyncset.done $0x0  }
0x27: {  	s9 =	rddreg [dreg:$0x5];
	[sflag:s21] =	ssyncadd.s32 $0xFFFFFF80  }
0x28: {  	[tilespmem:s24], [sflag:$0x7] =	stream.linear.gather [hbm4b:s9+s4], $0x80, $0x38;
	[tilespmem:$0x17B00] =	vst v63  }
0x29: {  	_ =	swait.ge [sflag:s21], $0x80  }
0x2a: {  	[sflag:s21] =	ssyncset.done $0x0  }
0x2b: {  	s10 =	rddreg [dreg:$0x6];
	[sflag:s21] =	ssyncadd.s32 $0xFFFFFF80  }
0x2c: {  	[tilespmem:s25], [sflag:$0x3] =	stream.linear.gather [hbm4b:s10+s4], $0x80, $0x38;
	[tilespmem:$0x17B00] =	vst v63  }
0x2d: {  	s11 =	rddreg [dreg:$0x7]  }
0x2e: {  	[tilespmem:s26], [sflag:$0x4] =	stream.linear.gather [hbm4b:s11+s4], $0x80, $0x38;
	[tilespmem:$0x17B00] =	vst v63  }
0x2f: {  	_ = 	snop  }
0x30: {  	[spmem:s3] =	stream.indirect.scatter.add.f32 [tilespmem:s20], [sflag:$0x5], $0x80, s4, s24, $0xb8;
	[tilespmem:$0x17B00] =	vst v63  }
0x31: {  	_ = 	snop  }
0x32: {  	[spmem:s3] =	stream.indirect.scatter.add.f32 [tilespmem:s20], [sflag:$0x6], $0x80, s24, s24, $0xb8;
	[tilespmem:$0x17B00] =	vst v63  }
0x33: {  	_ =	swait.ge [sflag:s28], $0x4000  }
0x34: {  	[sflag:s28] =	ssyncset.done $0x0  }
0x35: {  	[sflag:s28] =	ssyncadd.s32 $0xFFFFC000  }
0x36: {  	_ =	swait.ge [sflag:s29], $0x80  }
0x37: {  	[sflag:s29] =	ssyncset.done $0x0  }
0x38: {  	s9 =	sshrl.u32 s19, $0x3;
	[sflag:s29] =	ssyncadd.s32 $0xFFFFFF80  }
0x39: {  	[spmem:s3] =	stream.indirect.scatter.add.f32 [tilespmem:s20], [sflag:$0x5], $0x80, s25, s24, $0xb8;
	[tilespmem:$0x17B00] =	vst v63  }
0x3a: {  	s8 =	sadd.s32 s5, s9  }
0x3b: {  	[tilespmem:s4], [sflag:$0x1] =	stream.linear.gather [hbm4b:s8+s4], $0x80, $0x38;
	[tilespmem:$0x17B00] =	vst v63  }
0x3c: {  	_ =	swait.ge [sflag:s30], $0x4000  }
0x3d: {  	[sflag:s30] =	ssyncset.done $0x0  }
0x3e: {  	[sflag:s30] =	ssyncadd.s32 $0xFFFFC000  }
0x3f: {  	_ =	swait.ge [sflag:s31], $0x80  }
0x40: {  	[sflag:s31] =	ssyncset.done $0x0  }
0x41: {  	[sflag:s31] =	ssyncadd.s32 $0xFFFFFF80  }
0x42: {  	[spmem:s3] =	stream.indirect.scatter.add.f32 [tilespmem:s20], [sflag:$0x6], $0x80, s26, s24, $0xb8;
	[tilespmem:$0x17B00] =	vst v63  }
0x43: {  	s10 =	sadd.s32 $0x0, s18  }
0x44: {  	[tilespmem:s24], [sflag:$0x2] =	stream.linear.gather [hbm4b:s10+s4], $0x80, $0x38;
	[tilespmem:$0x17B00] =	vst v63  }
0x45: {  	_ =	swait.ge [sflag:s28], $0x4000  }
0x46: {  	[sflag:s28] =	ssyncset.done $0x0  }
0x47: {  	[sflag:s28] =	ssyncadd.s32 $0xFFFFC000  }
0x48: {  	_ =	swait.ge [sflag:s0], $0x80  }
0x49: {  	[sflag:s0] =	ssyncset.done $0x0  }
0x4a: {  	[sflag:s0] =	ssyncadd.s32 $0xFFFFFF80  }
0x4b: {  	[spmem:s3] =	stream.indirect.scatter.add.f32 [tilespmem:s20], [sflag:$0x5], $0x80, s4, s24, $0xb8;
	[tilespmem:$0x17B00] =	vst v63  }
0x4c: {  	s11 =	sadd.s32 $0x0, s17  }
0x4d: {  	[tilespmem:s25], [sflag:$0x3] =	stream.linear.gather [hbm4b:s11+s4], $0x80, $0x38;
	[tilespmem:$0x17B00] =	vst v63  }
0x4e: {  	_ =	swait.ge [sflag:s30], $0x4000  }
0x4f: {  	[sflag:s30] =	ssyncset.done $0x0  }
0x50: {  	[sflag:s30] =	ssyncadd.s32 $0xFFFFC000  }
0x51: {  	_ =	swait.ge [sflag:s1], $0x80  }
0x52: {  	s9 =	sadd.s32 $0x200, s19;
	[sflag:s1] =	ssyncset.done $0x0  }
0x53: {  	s8 =	simm.s32 $0x40;
	s10 =	sadd.s32 $0x0, s16;
	[sflag:s1] =	ssyncadd.s32 $0xFFFFFF80  }
0x54: {  	[spmem:s3] =	stream.indirect.scatter.add.f32 [tilespmem:s20], [sflag:$0x6], $0x80, s24, s24, $0xb8;
	[tilespmem:$0x17B00] =	vst v63  }
.LBB2_2:
0x55: {  	[tilespmem:s26], [sflag:$0x4] =	stream.linear.gather [hbm4b:s10+s4], $0x80, $0x38;
	[tilespmem:$0x17B00] =	vst v63  }
0x56: {  	s10 =	smov.u32 s8  }
0x57: {  	p0 =	sne.s32 s8, $0x440;
	s8 =	sadd.s32 $0x40, s8;
	_ =	swait.ge [sflag:s28], $0x4000  }
0x58: {  	[sflag:s28] =	ssyncset.done $0x0  }
0x59: {  	[sflag:s28] =	ssyncadd.s32 $0xFFFFC000  }
0x5a: {  	_ =	swait.ge [sflag:s29], $0x80  }
0x5b: {  	[sflag:s29] =	ssyncset.done $0x0  }
0x5c: {  	s11 =	sshrl.u32 s9, $0x3;
	[sflag:s29] =	ssyncadd.s32 $0xFFFFFF80  }
0x5d: {  	[spmem:s3] =	stream.indirect.scatter.add.f32 [tilespmem:s20], [sflag:$0x5], $0x80, s25, s24, $0xb8;
	[tilespmem:$0x17B00] =	vst v63  }
0x5e: {  	s11 =	sadd.s32 s5, s11  }
0x5f: {  	[tilespmem:s4], [sflag:$0x1] =	stream.linear.gather [hbm4b:s11+s4], $0x80, $0x38;
	[tilespmem:$0x17B00] =	vst v63  }
0x60: {  	_ =	swait.ge [sflag:s30], $0x4000  }
0x61: {  	[sflag:s30] =	ssyncset.done $0x0  }
0x62: {  	[sflag:s30] =	ssyncadd.s32 $0xFFFFC000  }
0x63: {  	_ =	swait.ge [sflag:s31], $0x80  }
0x64: {  	[sflag:s31] =	ssyncset.done $0x0  }
0x65: {  	[sflag:s31] =	ssyncadd.s32 $0xFFFFFF80  }
0x66: {  	[spmem:s3] =	stream.indirect.scatter.add.f32 [tilespmem:s20], [sflag:$0x6], $0x80, s26, s24, $0xb8;
	[tilespmem:$0x17B00] =	vst v63  }
0x67: {  	s11 =	sadd.s32 s10, s18  }
0x68: {  	[tilespmem:s24], [sflag:$0x2] =	stream.linear.gather [hbm4b:s11+s4], $0x80, $0x38;
	[tilespmem:$0x17B00] =	vst v63  }
0x69: {  	_ =	swait.ge [sflag:s28], $0x4000  }
0x6a: {  	[sflag:s28] =	ssyncset.done $0x0  }
0x6b: {  	[sflag:s28] =	ssyncadd.s32 $0xFFFFC000  }
0x6c: {  	_ =	swait.ge [sflag:s0], $0x80  }
0x6d: {  	[sflag:s0] =	ssyncset.done $0x0  }
0x6e: {  	[sflag:s0] =	ssyncadd.s32 $0xFFFFFF80  }
0x6f: {  	[spmem:s3] =	stream.indirect.scatter.add.f32 [tilespmem:s20], [sflag:$0x5], $0x80, s4, s24, $0xb8;
	[tilespmem:$0x17B00] =	vst v63  }
0x70: {  	s11 =	sadd.s32 s10, s17  }
0x71: {  	[tilespmem:s25], [sflag:$0x3] =	stream.linear.gather [hbm4b:s11+s4], $0x80, $0x38;
	[tilespmem:$0x17B00] =	vst v63  }
0x72: {  	_ =	swait.ge [sflag:s30], $0x4000  }
0x73: {  	[sflag:s30] =	ssyncset.done $0x0  }
0x74: {  	[sflag:s30] =	ssyncadd.s32 $0xFFFFC000  }
.Ltmp0:
0x75: {  	_ =	swait.ge [sflag:s1], $0x80;
	(pc) =	sbr.rel @p0 .LBB2_2-.Ltmp0, $4  }
0x76: {  	[sflag:s1] =	ssyncset.done $0x0  }
0x77: {  	[sflag:s1] =	ssyncadd.s32 $0xFFFFFF80  }
0x78: {  	[spmem:s3] =	stream.indirect.scatter.add.f32 [tilespmem:s20], [sflag:$0x6], $0x80, s24, s24, $0xb8;
	[tilespmem:$0x17B00] =	vst v63  }
0x79: {  	s9 =	sadd.s32 $0x200, s9;
	s10 =	sadd.s32 s10, s16  }
0x7a: {  	[tilespmem:s26], [sflag:$0x4] =	stream.linear.gather [hbm4b:s10+s4], $0x80, $0x38;
	[tilespmem:$0x17B00] =	vst v63  }
0x7b: {  	_ =	swait.ge [sflag:s28], $0x4000  }
0x7c: {  	[sflag:s28] =	ssyncset.done $0x0  }
0x7d: {  	[sflag:s28] =	ssyncadd.s32 $0xFFFFC000  }
0x7e: {  	_ =	swait.ge [sflag:s29], $0x80  }
0x7f: {  	[sflag:s29] =	ssyncset.done $0x0  }
0x80: {  	[sflag:s29] =	ssyncadd.s32 $0xFFFFFF80  }
0x81: {  	[spmem:s3] =	stream.indirect.scatter.add.f32 [tilespmem:s20], [sflag:$0x5], $0x80, s25, s24, $0xb8;
	[tilespmem:$0x17B00] =	vst v63  }
0x82: {  	s8 =	rddreg [dreg:$0x8]  }
0x83: {  	[tilespmem:s4], [sflag:$0x1] =	stream.linear.gather [hbm4b:s8+s4], $0x80, $0x38;
	[tilespmem:$0x17B00] =	vst v63  }
0x84: {  	_ =	swait.ge [sflag:s30], $0x4000  }
0x85: {  	[sflag:s30] =	ssyncset.done $0x0  }
0x86: {  	[sflag:s30] =	ssyncadd.s32 $0xFFFFC000  }
0x87: {  	_ =	swait.ge [sflag:s31], $0x80  }
0x88: {  	[sflag:s31] =	ssyncset.done $0x0  }
0x89: {  	[sflag:s31] =	ssyncadd.s32 $0xFFFFFF80  }
0x8a: {  	[spmem:s3] =	stream.indirect.scatter.add.f32 [tilespmem:s20], [sflag:$0x6], $0x80, s26, s24, $0xb8;
	[tilespmem:$0x17B00] =	vst v63  }
0x8b: {  	_ = 	snop  }
0x8c: {  	[tilespmem:s24], [sflag:$0x2] =	stream.linear.gather [hbm4b:s12+s4], $0x80, $0x38;
	[tilespmem:$0x17B00] =	vst v63  }
0x8d: {  	_ =	swait.ge [sflag:s28], $0x4000  }
0x8e: {  	[sflag:s28] =	ssyncset.done $0x0  }
0x8f: {  	[sflag:s28] =	ssyncadd.s32 $0xFFFFC000  }
0x90: {  	_ =	swait.ge [sflag:s0], $0x80  }
0x91: {  	[sflag:s0] =	ssyncset.done $0x0  }
0x92: {  	[sflag:s0] =	ssyncadd.s32 $0xFFFFFF80  }
0x93: {  	[spmem:s3] =	stream.indirect.scatter.add.f32 [tilespmem:s20], [sflag:$0x5], $0x80, s4, s24, $0xb8;
	[tilespmem:$0x17B00] =	vst v63  }
0x94: {  	_ =	swait.ge [sflag:s30], $0x4000  }
0x95: {  	[sflag:s30] =	ssyncset.done $0x0  }
0x96: {  	[sflag:s30] =	ssyncadd.s32 $0xFFFFC000  }
0x97: {  	_ =	swait.ge [sflag:s1], $0x80  }
0x98: {  	[sflag:s1] =	ssyncset.done $0x0  }
0x99: {  	[sflag:s1] =	ssyncadd.s32 $0xFFFFFF80  }
0x9a: {  	[spmem:s3] =	stream.indirect.scatter.add.f32 [tilespmem:s20], [sflag:$0x6], $0x80, s24, s24, $0xb8;
	[tilespmem:$0x17B00] =	vst v63  }
0x9b: {  	_ =	swait.ge [sflag:s28], $0x4000  }
0x9c: {  	[sflag:s28] =	ssyncset.done $0x0  }
0x9d: {  	[sflag:s28] =	ssyncadd.s32 $0xFFFFC000  }
0x9e: {  	_ =	swait.ge [sflag:s30], $0x4000  }
0x9f: {  	[sflag:s30] =	ssyncset.done $0x0  }
0xa0: {  	[sflag:s30] =	ssyncadd.s32 $0xFFFFC000  }
0xa1: {  	[tilespmem:s2], [sflag:$0x7] =	stream.linear.gather [hbm4b:s13+s4], $0x10, $0x38;
	[tilespmem:$0x17B00] =	vst v63  }
0xa2: {  	_ =	swait.ge [sflag:s21], $0x10  }
0xa3: {  	[sflag:s21] =	ssyncset.done $0x0  }
0xa4: {  	s11 =	simm.s32 $0x10;
	[sflag:s21] =	ssyncadd.s32 $0xFFFFFFF0  }
0xa5: {  	[spmem:s3] =	stream.indirect.scatter.add.f32 [tilespmem:s20], [sflag:$0x7], $0x80, s2, s11, $0xb8;
	[tilespmem:$0x17B00] =	vst v63  }
0xa6: {  	_ =	swait.ge [sflag:s21], $0x800  }
0xa7: {  	s7 =	sadd.s32 $0x1, s7;
	[sflag:s21] =	ssyncset.done $0x0  }
0xa8: {  	p0 =	sne.s32 s7, s15;
	[sflag:s21] =	ssyncadd.s32 $0xFFFFF800  }
.Ltmp1:
0xa9: {  	[bflag:$0x0] =	sbarrier.arrive $0xFFFF;
	(pc) =	sbr.rel @p0 .LBB2_1-.Ltmp1, $4  }
0xaa: {  	[hbm:s14], [sflag:s22] =	dma.local [spmem:s23], $0x2800  }
0xab: {  	_ =	swait.ge [sflag:s21], $0x2800  }
0xac: {  	[sflag:s21] =	ssyncset.done $0x0  }
0xad: {  	[sflag:s21] =	ssyncadd.s32 $0xFFFFD800  }
0xae: {  	_ =	sfence.sel $0x180000  }
0xaf: {  	[bflag:$0x0] =	sbarrier.arrive $0xFFFF  }
0xb0: {  	_ =	strace $0x90000047  }
0xb1: {  	s0 =	stileid.u32;
	[bflag:$0x2] =	sbarrier.arrive $0xFFFF  }
0xb2: {  	p0 =	sne.s32 s0, $0x0;
	s0 =	rddreg [dreg:$0x3]  }
0xb3: {  	s0 =	sadd.s32 @!p0 $0x100000, s0  }
0xb4: {  	[sflag:s0] =	ssyncadd.tile.s32 @!p0 $0x1;
	_ =	shalt  }
.Lfunc_end2:
_tile_overlayer_lowered:
.L_overlay_start_2:
0xb5: {  	(tag) =	ssettag $0x2  }
0xb6: {  	s0 =	rddreg [dreg:$0x0];
	s2 =	stileid.u32  }
0xb7: {  	s1 =	rddreg [dreg:$0x1];
	p0 =	sne.s32 s2, $0x0  }
0xb8: {  	s3 =	rddreg [dreg:$0x2];
	[bflag:$0x3] =	sbarrier.arrive $0xFFFF;
	s2 =	simm.s32 @!p0 $0x1C07  }
0xb9: {  	[timem:s3], [sflag:s2] =	dma.local @!p0 [hbm:s0], s1  }
0xba: {  	s0 =	simm.s32 @!p0 $0x7  }
0xbb: {  	_ =	swait.ge @!p0 [sflag:s0], s1  }
0xbc: {  	s1 =	ssub.s32 @!p0 $0x0, s1;
	[sflag:s0] =	ssyncset.done @!p0 $0x0  }
0xbd: {  	[sflag:s0] =	ssyncadd.s32 @!p0 s1  }
0xbe: {  	[bflag:$0x3] =	sbarrier.arrive $0xFFFF  }
0xbf: {  	_ =	shalt  }

// kernel: kernel.13.cloned.1.call-start
scs
__scs_entry_jumppad:
0x0: {  	(pc) =	sbr.rel $0x88, $3  }
0x1: {  	(tag) =	ssettag $0x0;
	lr =	simm.s32 $0x1  }
0x2: {  	[smem:$0x3F97] =	sst lr;
	_ =	strace $0xD0000000  }
0x3: {  	_ = 	snop  }
0x4: {  	_ = 	snop  }
0x5: {  	_ = 	snop  }
0x6: {  	_ = 	snop  }
0x7: {  	_ = 	snop  }
__scs_overlays_trampoline_lowered:
0x8: {  	[smem:$0x3FA6] =	sst s0  }
0x9: {  	[smem:$0x3FA7] =	sst s1  }
0xa: {  	[smem:$0x3FA8] =	sst s2  }
0xb: {  	[smem:$0x3FA9] =	sst s3  }
0xc: {  	[smem:$0x3FAA] =	sst s4  }
0xd: {  	[smem:$0x3FAB] =	sst s5  }
0xe: {  	[smem:$0x3FAC] =	sst s6  }
0xf: {  	[smem:$0x3FAD] =	sst s7  }
0x10: {  	[smem:$0x3FAE] =	sst s8  }
0x11: {  	[smem:$0x3FAF] =	sst s9;
	s0 =	simm.s32 @!p0 $0x0  }
0x12: {  	s1 =	sld [smem:$0x3F95];
	s0 =	simm.s32 @p0 $0x1  }
0x13: {  	[smem:$0x3FB0] =	sst s0;
	s0 =	simm.s32 @!p1 $0x0  }
0x14: {  	s2 =	sld [smem:$0x3F94];
	s0 =	simm.s32 @p1 $0x1  }
0x15: {  	[smem:$0x3FB1] =	sst s0;
	s0 =	simm.s32 @!p2 $0x0  }
0x16: {  	s3 =	sld [smem:$0x3FDB];
	s0 =	simm.s32 @p2 $0x1  }
0x17: {  	s4 =	simm.s32 $0x1BF5;
	[smem:$0x3FB3] =	sst s0  }
0x18: {  	s0 =	sld [smem:$0x3F96];
	_ =	swait.ge [sflag:s4], $0x0  }
0x19: {  	s7 =	sld [smem:$0x3F97]  }
0x1a: {  	s8 =	sadd.s32 $0xFFFFE003, lr  }
0x1b: {  	s9 =	sadd.s32 $0xFFFFFEF7, lr;
	s5 =	simm.s32 $0xFFFFFFFF;
	p2 =	slt.u32 s8, $0xFFFFF086  }
0x1c: {  	p1 =	slt.u32 s9, $0xF7A;
	s5 =	simm.s32 @!p2 $0x0  }
0x1d: {  	s5 =	simm.s32 @p1 $0x1;
	p0 =	seq.s32 s7, s2  }
0x1e: {  	s7 =	smul.u32 @!p0 $0xF7A, s2;
	p2 =	seq.s32 @!p0 s5, $0x0  }
0x1f: {  	s9 =	smul.u32 $0xF7A, s1;
	s8 =	simm.s32 @!p0 $0x1BF5;
	p2 =	por !p2, p0  }
0x20: {  	[sflag:s8] =	ssyncset.s32 @!p0 $0xFFFFF086;
	s6 =	sadd.s32 @!p0 s3, s7;
	s7 =	simm.s32 @!p0 $0x108  }
0x21: {  	s3 =	sadd.s32 s3, s9;
	s6 =	sadd.s32 @!p0 $0x88, s6;
	s7 =	simm.s32 @p2 $0x1082  }
0x22: {  	[simem:s7], [sflag:s8] =	dma.local @!p0 [hbm:s6], $0xF7A  }
0x23: {  	s9 =	sor.u32 $0xD0000000, s2;
	s6 =	simm.s32 $0x108;
	_ =	swait.ge @!p0 [sflag:s8], $0x0  }
0x24: {  	s3 =	sadd.s32 $0x88, s3;
	s6 =	simm.s32 @!p1 $0x1082;
	[sflag:s4] =	ssyncset.s32 $0xFFFFF086  }
0x25: {  	[simem:s6], [sflag:s4] =	dma.local [hbm:s3], $0xF7A  }
0x26: {  	[smem:$0x3F97] =	sst s1;
	(tag) =	ssettag s2;
	_ =	strace s9  }
0x27: {  	s1 =	sld [smem:$0x3FA7]  }
0x28: {  	s2 =	sld [smem:$0x3FA8]  }
0x29: {  	s4 =	sld [smem:$0x3FAA]  }
0x2a: {  	p0 =	seq.s32 s5, $0x0;
	s5 =	sld [smem:$0x3FAB]  }
0x2b: {  	s6 =	sld [smem:$0x3FAC]  }
0x2c: {  	s7 =	sld [smem:$0x3FAD]  }
0x2d: {  	s3 =	simm.s32 $0x108;
	s8 =	sld [smem:$0x3FAE]  }
0x2e: {  	s3 =	simm.s32 @!p0 $0x1082;
	s9 =	sld [smem:$0x3FAF]  }
0x2f: {  	lr =	sadd.s32 s0, s3;
	s0 =	sld [smem:$0x3FA6]  }
0x30: {  	s3 =	sld [smem:$0x3FA9]  }
0x31: {  	[smem:$0x3FB2] =	sst s10  }
0x32: {  	s10 =	sld [smem:$0x3FB0];
	_ =	sdelay $0x3  }
0x33: {  	p0 =	seq.s32 s10, $0x1;
	s10 =	sld [smem:$0x3FB2];
	_ =	sdelay $0x3  }
0x34: {  	[smem:$0x3FB2] =	sst s10  }
0x35: {  	s10 =	sld [smem:$0x3FB1];
	_ =	sdelay $0x3  }
0x36: {  	p1 =	seq.s32 s10, $0x1;
	s10 =	sld [smem:$0x3FB2];
	_ =	sdelay $0x3  }
0x37: {  	[smem:$0x3FB2] =	sst s10  }
0x38: {  	s10 =	sld [smem:$0x3FB3]  }
0x39: {  	_ = 	snop;
	(pc) =	sbr.ind lr, $3  }
0x3a: {  	_ = 	snop  }
0x3b: {  	_ = 	snop  }
0x3c: {  	p2 =	seq.s32 s10, $0x1;
	s10 =	sld [smem:$0x3FB2]  }
0x3d: {  	_ =	shalt  }
0x3e: {  	_ =	shalt  }
0x3f: {  	_ =	shalt  }
0x40: {  	_ =	shalt  }
0x41: {  	_ =	shalt  }
0x42: {  	_ =	shalt  }
0x43: {  	_ =	shalt  }
0x44: {  	_ =	shalt  }
0x45: {  	_ =	shalt  }
0x46: {  	_ =	shalt  }
0x47: {  	_ =	shalt  }
0x48: {  	_ =	shalt  }
0x49: {  	_ =	shalt  }
0x4a: {  	_ =	shalt  }
0x4b: {  	_ =	shalt  }
0x4c: {  	_ =	shalt  }
0x4d: {  	_ =	shalt  }
0x4e: {  	_ =	shalt  }
0x4f: {  	_ =	shalt  }
0x50: {  	_ =	shalt  }
0x51: {  	_ =	shalt  }
0x52: {  	_ =	shalt  }
0x53: {  	_ =	shalt  }
0x54: {  	_ =	shalt  }
0x55: {  	_ =	shalt  }
0x56: {  	_ =	shalt  }
0x57: {  	_ =	shalt  }
0x58: {  	_ =	shalt  }
0x59: {  	_ =	shalt  }
0x5a: {  	_ =	shalt  }
0x5b: {  	_ =	shalt  }
0x5c: {  	_ =	shalt  }
0x5d: {  	_ =	shalt  }
0x5e: {  	_ =	shalt  }
0x5f: {  	_ =	shalt  }
0x60: {  	_ =	shalt  }
0x61: {  	_ =	shalt  }
0x62: {  	_ =	shalt  }
0x63: {  	_ =	shalt  }
0x64: {  	_ =	shalt  }
0x65: {  	_ =	shalt  }
0x66: {  	_ =	shalt  }
0x67: {  	_ =	shalt  }
0x68: {  	_ =	shalt  }
0x69: {  	_ =	shalt  }
0x6a: {  	_ =	shalt  }
0x6b: {  	_ =	shalt  }
0x6c: {  	_ =	shalt  }
0x6d: {  	_ =	shalt  }
0x6e: {  	_ =	shalt  }
0x6f: {  	_ =	shalt  }
0x70: {  	_ =	shalt  }
0x71: {  	_ =	shalt  }
0x72: {  	_ =	shalt  }
0x73: {  	_ =	shalt  }
0x74: {  	_ =	shalt  }
0x75: {  	_ =	shalt  }
0x76: {  	_ =	shalt  }
0x77: {  	_ =	shalt  }
0x78: {  	_ =	shalt  }
0x79: {  	_ =	shalt  }
0x7a: {  	_ =	shalt  }
0x7b: {  	_ =	shalt  }
0x7c: {  	_ =	shalt  }
0x7d: {  	_ =	shalt  }
0x7e: {  	_ =	shalt  }
0x7f: {  	_ =	shalt  }
0x80: {  	_ =	shalt  }
0x81: {  	_ =	shalt  }
0x82: {  	_ =	shalt  }
0x83: {  	_ =	shalt  }
0x84: {  	_ =	shalt  }
0x85: {  	_ =	shalt  }
0x86: {  	_ =	shalt  }
0x87: {  	_ =	shalt  }
.Lfunc_end0:
.L_simem_size_0:
called_computation.1_lowered:
.L_overlay_start_0:
0x88: {  	s2 =	sld [smem:$0x3FD9]  }
0x89: {  	s3 =	sld [smem:$0x3FFE];
	_ =	sdelay $0x1  }
0x8a: {  	s1 =	srdreg.scid  }
0x8b: {  	s0 =	sand.u32 $0x1, s1  }
0x8c: {  	s14 =	sshll.u32 s0, $0xA;
	s2 =	sadd.s32 s3, s2  }
0x8d: {  	s2 =	sadd.s32 s2, s14  }
0x8e: {  	[smem:$0x3FBE] =	sst s2  }
0x8f: {  	_ = 	snop  }
0x90: {  	s2 =	sld [smem:$0x3FD0];
	_ =	sdelay $0x2  }
0x91: {  	s15 =	simm.s32 $0xA;
	s4 =	simm.s32 $0x10  }
0x92: {  	[smem:s4], [sflag:s15] =	dma.local [hbm:s2], $0x1  }
0x93: {  	_ =	swait.eq [sflag:s15], $0x1  }
0x94: {  	[sflag:s15] =	ssyncset.done $0x0  }
0x95: {  	[sflag:s15] =	ssyncadd.s32 $0xFFFFFFFF  }
0x96: {  	s16 =	sld [smem:$0x10];
	(tm) =	ssettm $0x1  }
0x97: {  	s17 =	sld [smem:$0x3FFB];
	_ =	sdelay $0x3  }
0x98: {  	_ =	strace s17  }
0x99: {  	s3 =	sld [smem:$0x3FFC];
	_ =	sdelay $0x3  }
0x9a: {  	_ =	strace s3  }
0x9b: {  	s3 =	sld [smem:$0x3FFD];
	_ =	sdelay $0x3  }
0x9c: {  	_ =	strace s3  }
0x9d: {  	_ =	strace $0x8FFFFFFF  }
0x9e: {  	s18 =	sld [smem:$0x3FDB];
	_ =	sdelay $0x1  }
0x9f: {  	s19 =	simm.s32 $_scs_section_size  }
0xa0: {  	s5 =	simm.s32 $_size__tile_overlayer_lowered;
	s6 =	simm.s32 $_tile_overlayer_lowered  }
0xa1: {  	s22 =	simm.s32 $0x1BFF;
	s21 =	sshll.u32 s6, $0x1;
	s3 =	sadd.s32 s19, s18  }
0xa2: {  	s7 =	simm.s32 $0x0;
	s20 =	sshll.u32 s5, $0x1;
	s5 =	sadd.s32 s21, s3  }
0xa3: {  	[timem:s7], [sflag:s22] =	dma.local [hbm:s5], s20  }
0xa4: {  	_ =	swait.ge [sflag:s22], s20  }
0xa5: {  	s4 =	ssub.s32 $0x0, s20;
	[sflag:s22] =	ssyncset.done $0x0  }
0xa6: {  	[sflag:s22] =	ssyncadd.s32 s4;
	_ =	sdelay $0x1  }
0xa7: {  	s23 =	simm.s32 $0x1B8B  }
0xa8: {  	_ =	swait.ge [sflag:s23], $0x1  }
0xa9: {  	[sflag:s23] =	ssyncset.done $0x0  }
0xaa: {  	s25 =	simm.s32 $0x1B8E;
	s24 =	sld [smem:$0x3FFE];
	[sflag:s23] =	ssyncadd.s32 $0xFFFFFFFF  }
0xab: {  	s26 =	simm.s32 $execute0_lowered;
	[smem:$0x3FD2] =	sst s25  }
0xac: {  	s5 =	sshll.u32 s26, $0x1;
	_ =	strace $0x80000049;
	[dreg:$0x1] =	wrdreg $0xFFFFFFFF  }
0xad: {  	s28 =	simm.s32 $_size_execute0_lowered;
	s3 =	sadd.s32 s3, s5;
	[dreg:$0x0] =	wrdreg $0x0  }
0xae: {  	s5 =	sshll.u32 s28, $0x1;
	[dreg:$0x2] =	wrdreg s3  }
0xaf: {  	[dreg:$0x3] =	wrdreg s5  }
0xb0: {  	[dreg:$0x4] =	wrdreg $0xC0  }
0xb1: {  	_ =	task [dreg:s7], $0x5FFFF  }
0xb2: {  	[dreg:$0x1] =	wrdreg $0xFFFFFFFF  }
0xb3: {  	[dreg:$0x0] =	wrdreg $0x60  }
0xb4: {  	[dreg:$0x2] =	wrdreg s16  }
0xb5: {  	[dreg:$0x3] =	wrdreg s24  }
0xb6: {  	[dreg:$0x4] =	wrdreg $0x8D000  }
0xb7: {  	[dreg:$0x5] =	wrdreg $0x9  }
0xb8: {  	_ =	task.clear_ibuf [dreg:s7], $0x6FFFF;
	_ =	strace $0x90000049  }
0xb9: {  	s29 =	simm.s32 $0x9;
	_ =	strace $0x8000004B  }
0xba: {  	_ =	swait.ge [sflag:s29], $0x1  }
0xbb: {  	[sflag:s29] =	ssyncadd.s32 $0xFFFFFFFF  }
0xbc: {  	_ =	strace $0x9000004B  }
0xbd: {  	_ =	sfence  }
0xbe: {  	s30 =	sld [smem:$0x0];
	_ =	sdelay $0x2  }
0xbf: {  	s31 =	sshll.u32 s1, $0xD;
	s1 =	sshrl.u32 s1, $0x2  }
0xc0: {  	s3 =	sand.u32 $0x4000, s31;
	s1 =	sadd.s32 s1, s30  }
0xc1: {  	s0 =	sor.u32 s3, s0;
	s1 =	sshll.u32 s1, $0x11  }
0xc2: {  	s0 =	sor.u32 s1, s0  }
0xc3: {  	s0 =	sadd.s32 $0x8F2B, s0  }
0xc4: {  	[sflag:s0] =	ssyncadd.remote.s32 $0x1  }
0xc5: {  	_ =	sfence.sel $0xFFFF  }
0xc6: {  	[dreg:$0x0] =	wrdreg $0xFFFFFFFF;
	(pc) =	sbr.abs _section_cstart, $3  }
0xc7: {  	[dreg:$0x1] =	wrdreg $0xFFFFFFFF  }
0xc8: {  	_ =	task.clear_ibuf [dreg:s7], $0x2FFFF;
	_ =	strace $0x9FFFFFFF  }
0xc9: {  	(tm) =	ssettm $0x7FFFFFFF  }
tec
execute0_lowered:
.L_overlay_start_1:
0x0: {  	(tag) =	ssettag $0x1  }
0x1: {  	s1 =	rddreg [dreg:$0x0]  }
0x2: {  	s0 =	rddreg [dreg:$0x1]  }
0x3: {  	s3 =	rddreg [dreg:$0x2]  }
0x4: {  	s2 =	srdreg.scid;
	s13 =	stileid.u32  }
0x5: {  	s4 =	simm.s32 $0x0;
	s28 =	simm.s32 $0x200;
	s29 =	simm.s32 $0x80  }
0x6: {  	s30 =	simm.s32 $0x280;
	s31 =	simm.s32 $0x100;
	s7 =	smul.u32 $0x13800, s13  }
0x7: {  	s2 =	sand.u32 $0x1, s2;
	[smem:$0x7FF] =	sst s4;
	s20 =	smul.u32 $0x4E000, s13  }
0x8: {  	s5 =	sshll.u32 s2, $0x4;
	s8 =	smul.u32 $0x138800, s2;
	_ =	strace $0x8000004A  }
0x9: {  	s10 =	ssub.s32 $0x2, s2;
	s2 =	smul.u32 $0x27100, s2;
	s6 =	sor.u32 s13, s5  }
0xa: {  	s5 =	sadd.s32 $0x2E00, s0;
	s11 =	sshrl.u32 s10, $0x1;
	s9 =	smul.u32 $0x2710, s6  }
0xb: {  	s6 =	sadd.s32 $0xCC00, s0;
	s8 =	sadd.s32 s7, s8;
	s7 =	sshrl.u32 s7, $0x3  }
0xc: {  	s8 =	sshrl.u32 s8, $0x3;
	s7 =	sadd.s32 s1, s7;
	s9 =	sshrl.u32 s9, $0x3  }
0xd: {  	s0 =	sadd.s32 s8, s0;
	[dreg:$0x15] =	wrdreg s7;
	s12 =	sadd.s32 s5, s9  }
0xe: {  	s8 =	ssub.s32 s10, s11;
	s14 =	sadd.s32 s6, s9;
	[dreg:$0xa] =	wrdreg s12  }
0xf: {  	s26 =	sadd.s32 $0x10, s9;
	s0 =	sadd.s32 $0x16A00, s0;
	[dreg:$0xb] =	wrdreg s14  }
0x10: {  	s16 =	sadd.s32 $0x20, s9;
	s15 =	sadd.s32 s5, s26;
	[dreg:$0x1a] =	wrdreg s0  }
0x11: {  	s18 =	sadd.s32 $0x30, s9;
	s10 =	sadd.s32 s6, s26;
	[dreg:$0xc] =	wrdreg s15  }
0x12: {  	s21 =	sadd.s32 $0x4E0, s9;
	s17 =	sadd.s32 s5, s16;
	[dreg:$0xd] =	wrdreg s10  }
0x13: {  	s12 =	smul.u32 $0x2710, s13;
	s19 =	sadd.s32 s5, s18;
	[dreg:$0xe] =	wrdreg s17  }
0x14: {  	s11 =	sadd.s32 s6, s18;
	s22 =	sadd.s32 s5, s21;
	[dreg:$0x10] =	wrdreg s19  }
0x15: {  	s18 =	sadd.s32 $0x4C0, s9;
	s0 =	simm.s32 $0x300;
	[dreg:$0x11] =	wrdreg s11  }
0x16: {  	s10 =	sadd.s32 s6, s16;
	[dreg:$0x12] =	wrdreg s22;
	s11 =	sadd.s32 s6, s21  }
0x17: {  	s21 =	sadd.s32 s6, s18;
	s22 =	sadd.s32 $0x4D0, s9;
	[dreg:$0xf] =	wrdreg s10  }
0x18: {  	s2 =	sadd.s32 s12, s2;
	s10 =	sshrl.u32 s20, $0x2;
	[dreg:$0x13] =	wrdreg s11  }
0x19: {  	s20 =	sadd.s32 s5, s18;
	[dreg:$0x17] =	wrdreg s21;
	s7 =	sadd.s32 s6, s22  }
0x1a: {  	s21 =	simm.s32 $0x400;
	s11 =	simm.s32 $0x4500;
	s12 =	simm.s32 $0x5  }
0x1b: {  	s18 =	simm.s32 $0x1;
	s23 =	sadd.s32 $0x380, s2;
	[dreg:$0x16] =	wrdreg s20  }
0x1c: {  	s10 =	sadd.s32 s10, s3;
	s26 =	sadd.s32 $0x300, s2;
	[dreg:$0x19] =	wrdreg s7  }
0x1d: {  	s15 =	sadd.s32 $0x280, s2;
	s7 =	simm.s32 $0x380;
	[dreg:$0x14] =	wrdreg s10  }
0x1e: {  	s24 =	sshrl.u32 s23, $0x3;
	s13 =	sshrl.u32 s26, $0x3;
	s26 =	sadd.s32 $0x200, s2  }
0x1f: {  	s20 =	simm.s32 $0x9;
	s25 =	sadd.s32 s24, s6;
	[dreg:$0x1c] =	wrdreg s26  }
0x20: {  	s17 =	sshrl.u32 s15, $0x3;
	s10 =	sadd.s32 s24, s5;
	[dreg:$0x4] =	wrdreg s25  }
0x21: {  	s2 =	simm.s32 $0x180;
	s14 =	sadd.s32 s13, s6;
	[dreg:$0x5] =	wrdreg s10  }
0x22: {  	s15 =	simm.s32 $0x6;
	s16 =	sadd.s32 s13, s5;
	[dreg:$0x6] =	wrdreg s14  }
0x23: {  	s19 =	sadd.s32 s17, s6;
	s23 =	sadd.s32 s17, s5;
	[dreg:$0x7] =	wrdreg s16  }
0x24: {  	s24 =	sadd.s32 s5, s22;
	s26 =	simm.s32 $0xA;
	[dreg:$0x8] =	wrdreg s19  }
0x25: {  	s22 =	simm.s32 $0x480;
	s13 =	simm.s32 $0x7;
	[dreg:$0x9] =	wrdreg s23  }
0x26: {  	s17 =	simm.s32 $0x4;
	[dreg:$0x18] =	wrdreg s24;
	s25 =	smax.u32 s8, $0x1  }
0x27: {  	s10 =	simm.s32 $0x500;
	s14 =	simm.s32 $0x3;
	s16 =	simm.s32 $0x8  }
0x28: {  	s19 =	simm.s32 $0x2;
	s23 =	simm.s32 $0x0;
	[dreg:$0x1b] =	wrdreg s25  }
.LBB2_1:
0x29: {  	s8 =	rddreg [dreg:$0xa]  }
0x2a: {  	[tilespmem:s4], [sflag:$0xA] =	stream.linear.gather [hbm4b:s8+s4], $0x80, $0x38;
	[tilespmem:$0x1C580] =	vst v63  }
0x2b: {  	_ =	swait.ge [sflag:s26], $0x80  }
0x2c: {  	[sflag:s26] =	ssyncset.done $0x0  }
0x2d: {  	s25 =	rddreg [dreg:$0xb];
	[sflag:s26] =	ssyncadd.s32 $0xFFFFFF80  }
0x2e: {  	[tilespmem:s28], [sflag:$0xA] =	stream.linear.gather [hbm4b:s25+s4], $0x80, $0x38;
	[tilespmem:$0x1C580] =	vst v63  }
0x2f: {  	_ =	swait.ge [sflag:s26], $0x80  }
0x30: {  	[sflag:s26] =	ssyncset.done $0x0  }
0x31: {  	s9 =	rddreg [dreg:$0xc];
	[sflag:s26] =	ssyncadd.s32 $0xFFFFFF80  }
0x32: {  	[tilespmem:s29], [sflag:$0xA] =	stream.linear.gather [hbm4b:s9+s4], $0x80, $0x38;
	[tilespmem:$0x1C580] =	vst v63  }
0x33: {  	_ =	swait.ge [sflag:s26], $0x80  }
0x34: {  	[sflag:s26] =	ssyncset.done $0x0  }
0x35: {  	s24 =	rddreg [dreg:$0xd];
	[sflag:s26] =	ssyncadd.s32 $0xFFFFFF80  }
0x36: {  	[tilespmem:s30], [sflag:$0xA] =	stream.linear.gather [hbm4b:s24+s4], $0x80, $0x38;
	[tilespmem:$0x1C580] =	vst v63  }
0x37: {  	_ =	swait.ge [sflag:s26], $0x80  }
0x38: {  	[sflag:s26] =	ssyncset.done $0x0  }
0x39: {  	s25 =	rddreg [dreg:$0xe];
	[sflag:s26] =	ssyncadd.s32 $0xFFFFFF80  }
0x3a: {  	[tilespmem:s31], [sflag:$0x3] =	stream.linear.gather [hbm4b:s25+s4], $0x80, $0x38;
	[tilespmem:$0x1C580] =	vst v63  }
0x3b: {  	s9 =	rddreg [dreg:$0xf]  }
0x3c: {  	[tilespmem:s0], [sflag:$0x3] =	stream.linear.gather [hbm4b:s9+s4], $0x80, $0x38;
	[tilespmem:$0x1C580] =	vst v63  }
0x3d: {  	s24 =	rddreg [dreg:$0x10]  }
0x3e: {  	[tilespmem:s2], [sflag:$0x4] =	stream.linear.gather [hbm4b:s24+s4], $0x80, $0x38;
	[tilespmem:$0x1C580] =	vst v63  }
0x3f: {  	s24 =	stileid.u32  }
0x40: {  	s25 =	rddreg [dreg:$0x11];
	s8 =	sshll.u32 s24, $0x6  }
0x41: {  	[tilespmem:s7], [sflag:$0x4] =	stream.linear.gather [hbm4b:s25+s4], $0x80, $0x38;
	[tilespmem:$0x1C580] =	vst v63  }
0x42: {  	s9 =	rddreg [dreg:$0x12];
	s25 =	sor.u32 $0x1C0A, s8  }
0x43: {  	[dreg:$0x1d] =	wrdreg s25  }
0x44: {  	[tilespmem:s21], [sflag:$0x9] =	stream.linear.gather [hbm4b:s9+s4], $0x10, $0x38;
	[tilespmem:$0x1C580] =	vst v63  }
0x45: {  	s21 =	rddreg [dreg:$0x13]  }
0x46: {  	s9 =	rddreg [dreg:$0x14]  }
0x47: {  	[tilespmem:s22], [sflag:$0x9] =	stream.linear.gather [hbm4b:s21+s4], $0x10, $0x38;
	[tilespmem:$0x1C580] =	vst v63  }
0x48: {  	s8 =	sshrl.u32 s9, $0x3;
	s9 =	rddreg [dreg:$0x15]  }
0x49: {  	[tilespmem:s10], [sflag:$0x5] =	stream.indirect.gather [hbm4b:s1+s29], $0x80, s4, s29, $0xb8;
	[tilespmem:$0x1C580] =	vst v63  }
0x4a: {  	[spmem:s8], [sflag:s25] =	dma.local [hbm:s9], $0x2800  }
0x4b: {  	_ =	swait.ge [sflag:s26], $0x2800  }
0x4c: {  	[sflag:s26] =	ssyncset.done $0x0  }
0x4d: {  	[sflag:s26] =	ssyncadd.s32 $0xFFFFD800  }
0x4e: {  	[bflag:$0x0] =	sbarrier.arrive $0xFFFF  }
0x4f: {  	[tilespmem:s11], [sflag:$0x6] =	stream.indirect.gather [hbm4b:s1+s29], $0x80, s29, s29, $0xb8;
	[tilespmem:$0x1C580] =	vst v63  }
0x50: {  	_ =	swait.ge [sflag:s12], $0x4000  }
0x51: {  	[sflag:s12] =	ssyncset.done $0x0  }
0x52: {  	[sflag:s12] =	ssyncadd.s32 $0xFFFFC000  }
0x53: {  	[spmem:s3] =	stream.indirect.scatter.add.f32 [tilespmem:s10], [sflag:$0x7], $0x80, s28, s29, $0xb8;
	[tilespmem:$0x1C580] =	vst v63  }
0x54: {  	_ =	swait.ge [sflag:s13], $0x4000  }
0x55: {  	[sflag:s13] =	ssyncset.done $0x0  }
0x56: {  	[sflag:s13] =	ssyncadd.s32 $0xFFFFC000  }
0x57: {  	_ =	swait.ge [sflag:s14], $0x80  }
0x58: {  	[sflag:s14] =	ssyncset.done $0x0  }
0x59: {  	[sflag:s14] =	ssyncadd.s32 $0xFFFFFF80  }
0x5a: {  	_ =	swait.ge [sflag:s14], $0x80  }
0x5b: {  	[sflag:s14] =	ssyncset.done $0x0  }
0x5c: {  	[sflag:s14] =	ssyncadd.s32 $0xFFFFFF80  }
0x5d: {  	[tilespmem:s10], [sflag:$0x5] =	stream.indirect.gather [hbm4b:s1+s29], $0x80, s31, s29, $0xb8;
	[tilespmem:$0x1C580] =	vst v63  }
0x5e: {  	_ =	swait.ge [sflag:s15], $0x4000  }
0x5f: {  	[sflag:s15] =	ssyncset.done $0x0;
	s24 =	rddreg [dreg:$0x1c]  }
0x60: {  	[sflag:s15] =	ssyncadd.s32 $0xFFFFC000;
	s22 =	sshrl.u32 s24, $0x3  }
0x61: {  	[spmem:s3] =	stream.indirect.scatter.add.f32 [tilespmem:s11], [sflag:$0x8], $0x80, s30, s29, $0xb8;
	[tilespmem:$0x1C580] =	vst v63  }
0x62: {  	s25 =	sadd.s32 s5, s22  }
0x63: {  	[tilespmem:s4], [sflag:$0x1] =	stream.linear.gather [hbm4b:s25+s4], $0x80, $0x38;
	[tilespmem:$0x1C580] =	vst v63  }
0x64: {  	s9 =	sadd.s32 s6, s22  }
0x65: {  	[tilespmem:s28], [sflag:$0x1] =	stream.linear.gather [hbm4b:s9+s4], $0x80, $0x38;
	[tilespmem:$0x1C580] =	vst v63  }
0x66: {  	_ =	swait.ge [sflag:s16], $0x4000  }
0x67: {  	[sflag:s16] =	ssyncset.done $0x0  }
0x68: {  	[sflag:s16] =	ssyncadd.s32 $0xFFFFC000  }
0x69: {  	_ =	swait.ge [sflag:s17], $0x80  }
0x6a: {  	[sflag:s17] =	ssyncset.done $0x0  }
0x6b: {  	[sflag:s17] =	ssyncadd.s32 $0xFFFFFF80  }
0x6c: {  	_ =	swait.ge [sflag:s17], $0x80  }
0x6d: {  	[sflag:s17] =	ssyncset.done $0x0  }
0x6e: {  	[sflag:s17] =	ssyncadd.s32 $0xFFFFFF80  }
0x6f: {  	[tilespmem:s11], [sflag:$0x6] =	stream.indirect.gather [hbm4b:s1+s29], $0x80, s2, s29, $0xb8;
	[tilespmem:$0x1C580] =	vst v63  }
0x70: {  	_ =	swait.ge [sflag:s12], $0x4000  }
0x71: {  	[sflag:s12] =	ssyncset.done $0x0  }
0x72: {  	s22 =	rddreg [dreg:$0x9];
	[sflag:s12] =	ssyncadd.s32 $0xFFFFC000  }
0x73: {  	[spmem:s3] =	stream.indirect.scatter.add.f32 [tilespmem:s10], [sflag:$0x7], $0x80, s0, s29, $0xb8;
	[tilespmem:$0x1C580] =	vst v63  }
0x74: {  	s25 =	rddreg [dreg:$0x8];
	s9 =	sadd.s32 $0x0, s22  }
0x75: {  	[tilespmem:s29], [sflag:$0x2] =	stream.linear.gather [hbm4b:s9+s4], $0x80, $0x38;
	[tilespmem:$0x1C580] =	vst v63  }
0x76: {  	s21 =	sadd.s32 $0x0, s25  }
0x77: {  	[tilespmem:s30], [sflag:$0x2] =	stream.linear.gather [hbm4b:s21+s4], $0x80, $0x38;
	[tilespmem:$0x1C580] =	vst v63  }
0x78: {  	_ =	swait.ge [sflag:s13], $0x4000  }
0x79: {  	[sflag:s13] =	ssyncset.done $0x0  }
0x7a: {  	[sflag:s13] =	ssyncadd.s32 $0xFFFFC000  }
0x7b: {  	_ =	swait.ge [sflag:s18], $0x80  }
0x7c: {  	[sflag:s18] =	ssyncset.done $0x0  }
0x7d: {  	[sflag:s18] =	ssyncadd.s32 $0xFFFFFF80  }
0x7e: {  	_ =	swait.ge [sflag:s18], $0x80  }
0x7f: {  	[sflag:s18] =	ssyncset.done $0x0  }
0x80: {  	[sflag:s18] =	ssyncadd.s32 $0xFFFFFF80  }
0x81: {  	[tilespmem:s10], [sflag:$0x5] =	stream.indirect.gather [hbm4b:s1+s29], $0x80, s4, s29, $0xb8;
	[tilespmem:$0x1C580] =	vst v63  }
0x82: {  	_ =	swait.ge [sflag:s15], $0x4000  }
0x83: {  	[sflag:s15] =	ssyncset.done $0x0  }
0x84: {  	s22 =	rddreg [dreg:$0x7];
	[sflag:s15] =	ssyncadd.s32 $0xFFFFC000  }
0x85: {  	[spmem:s3] =	stream.indirect.scatter.add.f32 [tilespmem:s11], [sflag:$0x8], $0x80, s7, s29, $0xb8;
	[tilespmem:$0x1C580] =	vst v63  }
0x86: {  	s25 =	rddreg [dreg:$0x6];
	s9 =	sadd.s32 $0x0, s22  }
0x87: {  	[tilespmem:s31], [sflag:$0x3] =	stream.linear.gather [hbm4b:s9+s4], $0x80, $0x38;
	[tilespmem:$0x1C580] =	vst v63  }
0x88: {  	s21 =	sadd.s32 $0x0, s25  }
0x89: {  	[tilespmem:s0], [sflag:$0x3] =	stream.linear.gather [hbm4b:s21+s4], $0x80, $0x38;
	[tilespmem:$0x1C580] =	vst v63  }
0x8a: {  	_ =	swait.ge [sflag:s16], $0x4000  }
0x8b: {  	[sflag:s16] =	ssyncset.done $0x0  }
0x8c: {  	[sflag:s16] =	ssyncadd.s32 $0xFFFFC000  }
0x8d: {  	_ =	swait.ge [sflag:s19], $0x80  }
0x8e: {  	[sflag:s19] =	ssyncset.done $0x0  }
0x8f: {  	[sflag:s19] =	ssyncadd.s32 $0xFFFFFF80  }
0x90: {  	_ =	swait.ge [sflag:s19], $0x80  }
0x91: {  	[sflag:s19] =	ssyncset.done $0x0  }
0x92: {  	[sflag:s19] =	ssyncadd.s32 $0xFFFFFF80  }
0x93: {  	[tilespmem:s11], [sflag:$0x6] =	stream.indirect.gather [hbm4b:s1+s29], $0x80, s29, s29, $0xb8;
	[tilespmem:$0x1C580] =	vst v63  }
0x94: {  	_ =	swait.ge [sflag:s12], $0x4000  }
0x95: {  	[sflag:s12] =	ssyncset.done $0x0  }
0x96: {  	s22 =	rddreg [dreg:$0x5];
	[sflag:s12] =	ssyncadd.s32 $0xFFFFC000  }
0x97: {  	[spmem:s3] =	stream.indirect.scatter.add.f32 [tilespmem:s10], [sflag:$0x7], $0x80, s28, s29, $0xb8;
	[tilespmem:$0x1C580] =	vst v63  }
0x98: {  	s25 =	rddreg [dreg:$0x4];
	s9 =	sadd.s32 $0x0, s22  }
0x99: {  	[tilespmem:s2], [sflag:$0x4] =	stream.linear.gather [hbm4b:s9+s4], $0x80, $0x38;
	[tilespmem:$0x1C580] =	vst v63  }
0x9a: {  	s21 =	sadd.s32 $0x200, s24;
	s22 =	sadd.s32 $0x0, s25;
	s9 =	simm.s32 $0x40  }
.LBB2_2:
0x9b: {  	[tilespmem:s7], [sflag:$0x4] =	stream.linear.gather [hbm4b:s22+s4], $0x80, $0x38;
	[tilespmem:$0x1C580] =	vst v63  }
0x9c: {  	_ =	swait.ge [sflag:s13], $0x4000  }
0x9d: {  	[sflag:s13] =	ssyncset.done $0x0  }
0x9e: {  	[sflag:s13] =	ssyncadd.s32 $0xFFFFC000  }
0x9f: {  	_ =	swait.ge [sflag:s14], $0x80  }
0xa0: {  	[sflag:s14] =	ssyncset.done $0x0  }
0xa1: {  	[sflag:s14] =	ssyncadd.s32 $0xFFFFFF80  }
0xa2: {  	_ =	swait.ge [sflag:s14], $0x80  }
0xa3: {  	[sflag:s14] =	ssyncset.done $0x0  }
0xa4: {  	[sflag:s14] =	ssyncadd.s32 $0xFFFFFF80  }
0xa5: {  	[tilespmem:s10], [sflag:$0x5] =	stream.indirect.gather [hbm4b:s1+s29], $0x80, s31, s29, $0xb8;
	[tilespmem:$0x1C580] =	vst v63  }
0xa6: {  	_ =	swait.ge [sflag:s15], $0x4000  }
0xa7: {  	[sflag:s15] =	ssyncset.done $0x0  }
0xa8: {  	s25 =	sshrl.u32 s21, $0x3;
	[sflag:s15] =	ssyncadd.s32 $0xFFFFC000  }
0xa9: {  	[spmem:s3] =	stream.indirect.scatter.add.f32 [tilespmem:s11], [sflag:$0x8], $0x80, s30, s29, $0xb8;
	[tilespmem:$0x1C580] =	vst v63  }
0xaa: {  	s24 =	sadd.s32 s5, s25  }
0xab: {  	[tilespmem:s4], [sflag:$0x1] =	stream.linear.gather [hbm4b:s24+s4], $0x80, $0x38;
	[tilespmem:$0x1C580] =	vst v63  }
0xac: {  	s25 =	sadd.s32 s6, s25  }
0xad: {  	[tilespmem:s28], [sflag:$0x1] =	stream.linear.gather [hbm4b:s25+s4], $0x80, $0x38;
	[tilespmem:$0x1C580] =	vst v63  }
0xae: {  	_ =	swait.ge [sflag:s16], $0x4000  }
0xaf: {  	[sflag:s16] =	ssyncset.done $0x0  }
0xb0: {  	[sflag:s16] =	ssyncadd.s32 $0xFFFFC000  }
0xb1: {  	_ =	swait.ge [sflag:s17], $0x80  }
0xb2: {  	[sflag:s17] =	ssyncset.done $0x0  }
0xb3: {  	[sflag:s17] =	ssyncadd.s32 $0xFFFFFF80  }
0xb4: {  	_ =	swait.ge [sflag:s17], $0x80  }
0xb5: {  	[sflag:s17] =	ssyncset.done $0x0  }
0xb6: {  	[sflag:s17] =	ssyncadd.s32 $0xFFFFFF80  }
0xb7: {  	[tilespmem:s11], [sflag:$0x6] =	stream.indirect.gather [hbm4b:s1+s29], $0x80, s2, s29, $0xb8;
	[tilespmem:$0x1C580] =	vst v63  }
0xb8: {  	_ =	swait.ge [sflag:s12], $0x4000  }
0xb9: {  	[sflag:s12] =	ssyncset.done $0x0  }
0xba: {  	s22 =	smov.u32 s9;
	s24 =	rddreg [dreg:$0x9];
	[sflag:s12] =	ssyncadd.s32 $0xFFFFC000  }
0xbb: {  	[spmem:s3] =	stream.indirect.scatter.add.f32 [tilespmem:s10], [sflag:$0x7], $0x80, s0, s29, $0xb8;
	[tilespmem:$0x1C580] =	vst v63  }
0xbc: {  	s25 =	rddreg [dreg:$0x8];
	s24 =	sadd.s32 s22, s24  }
0xbd: {  	[tilespmem:s29], [sflag:$0x2] =	stream.linear.gather [hbm4b:s24+s4], $0x80, $0x38;
	[tilespmem:$0x1C580] =	vst v63  }
0xbe: {  	s25 =	sadd.s32 s22, s25  }
0xbf: {  	[tilespmem:s30], [sflag:$0x2] =	stream.linear.gather [hbm4b:s25+s4], $0x80, $0x38;
	[tilespmem:$0x1C580] =	vst v63  }
0xc0: {  	_ =	swait.ge [sflag:s13], $0x4000  }
0xc1: {  	[sflag:s13] =	ssyncset.done $0x0  }
0xc2: {  	[sflag:s13] =	ssyncadd.s32 $0xFFFFC000  }
0xc3: {  	_ =	swait.ge [sflag:s18], $0x80  }
0xc4: {  	[sflag:s18] =	ssyncset.done $0x0  }
0xc5: {  	[sflag:s18] =	ssyncadd.s32 $0xFFFFFF80  }
0xc6: {  	_ =	swait.ge [sflag:s18], $0x80  }
0xc7: {  	[sflag:s18] =	ssyncset.done $0x0  }
0xc8: {  	[sflag:s18] =	ssyncadd.s32 $0xFFFFFF80  }
0xc9: {  	[tilespmem:s10], [sflag:$0x5] =	stream.indirect.gather [hbm4b:s1+s29], $0x80, s4, s29, $0xb8;
	[tilespmem:$0x1C580] =	vst v63  }
0xca: {  	_ =	swait.ge [sflag:s15], $0x4000  }
0xcb: {  	[sflag:s15] =	ssyncset.done $0x0  }
0xcc: {  	s24 =	rddreg [dreg:$0x7];
	[sflag:s15] =	ssyncadd.s32 $0xFFFFC000  }
0xcd: {  	[spmem:s3] =	stream.indirect.scatter.add.f32 [tilespmem:s11], [sflag:$0x8], $0x80, s7, s29, $0xb8;
	[tilespmem:$0x1C580] =	vst v63  }
0xce: {  	s25 =	rddreg [dreg:$0x6];
	s24 =	sadd.s32 s22, s24  }
0xcf: {  	[tilespmem:s31], [sflag:$0x3] =	stream.linear.gather [hbm4b:s24+s4], $0x80, $0x38;
	[tilespmem:$0x1C580] =	vst v63  }
0xd0: {  	s25 =	sadd.s32 s22, s25  }
0xd1: {  	[tilespmem:s0], [sflag:$0x3] =	stream.linear.gather [hbm4b:s25+s4], $0x80, $0x38;
	[tilespmem:$0x1C580] =	vst v63  }
0xd2: {  	_ =	swait.ge [sflag:s16], $0x4000  }
0xd3: {  	[sflag:s16] =	ssyncset.done $0x0  }
0xd4: {  	[sflag:s16] =	ssyncadd.s32 $0xFFFFC000  }
0xd5: {  	_ =	swait.ge [sflag:s19], $0x80  }
0xd6: {  	[sflag:s19] =	ssyncset.done $0x0  }
0xd7: {  	[sflag:s19] =	ssyncadd.s32 $0xFFFFFF80  }
0xd8: {  	_ =	swait.ge [sflag:s19], $0x80  }
0xd9: {  	[sflag:s19] =	ssyncset.done $0x0  }
0xda: {  	[sflag:s19] =	ssyncadd.s32 $0xFFFFFF80  }
0xdb: {  	[tilespmem:s11], [sflag:$0x6] =	stream.indirect.gather [hbm4b:s1+s29], $0x80, s29, s29, $0xb8;
	[tilespmem:$0x1C580] =	vst v63  }
0xdc: {  	p0 =	sne.s32 s9, $0x440;
	_ =	swait.ge [sflag:s12], $0x4000  }
.Ltmp0:
0xdd: {  	[sflag:s12] =	ssyncset.done $0x0;
	s24 =	rddreg [dreg:$0x5];
	(pc) =	sbr.rel @p0 .LBB2_2-.Ltmp0, $4  }
0xde: {  	s9 =	sadd.s32 $0x40, s9;
	s25 =	rddreg [dreg:$0x4];
	[sflag:s12] =	ssyncadd.s32 $0xFFFFC000  }
0xdf: {  	[spmem:s3] =	stream.indirect.scatter.add.f32 [tilespmem:s10], [sflag:$0x7], $0x80, s28, s29, $0xb8;
	[tilespmem:$0x1C580] =	vst v63  }
0xe0: {  	s21 =	sadd.s32 $0x200, s21;
	s24 =	sadd.s32 s22, s24;
	s22 =	sadd.s32 s22, s25  }
0xe1: {  	[tilespmem:s2], [sflag:$0x4] =	stream.linear.gather [hbm4b:s24+s4], $0x80, $0x38;
	[tilespmem:$0x1C580] =	vst v63  }
0xe2: {  	[tilespmem:s7], [sflag:$0x4] =	stream.linear.gather [hbm4b:s22+s4], $0x80, $0x38;
	[tilespmem:$0x1C580] =	vst v63  }
0xe3: {  	_ =	swait.ge [sflag:s13], $0x4000  }
0xe4: {  	[sflag:s13] =	ssyncset.done $0x0  }
0xe5: {  	[sflag:s13] =	ssyncadd.s32 $0xFFFFC000  }
0xe6: {  	_ =	swait.ge [sflag:s14], $0x80  }
0xe7: {  	[sflag:s14] =	ssyncset.done $0x0  }
0xe8: {  	[sflag:s14] =	ssyncadd.s32 $0xFFFFFF80  }
0xe9: {  	_ =	swait.ge [sflag:s14], $0x80  }
0xea: {  	[sflag:s14] =	ssyncset.done $0x0  }
0xeb: {  	[sflag:s14] =	ssyncadd.s32 $0xFFFFFF80  }
0xec: {  	[tilespmem:s10], [sflag:$0x5] =	stream.indirect.gather [hbm4b:s1+s29], $0x80, s31, s29, $0xb8;
	[tilespmem:$0x1C580] =	vst v63  }
0xed: {  	_ =	swait.ge [sflag:s15], $0x4000  }
0xee: {  	[sflag:s15] =	ssyncset.done $0x0  }
0xef: {  	[sflag:s15] =	ssyncadd.s32 $0xFFFFC000  }
0xf0: {  	[spmem:s3] =	stream.indirect.scatter.add.f32 [tilespmem:s11], [sflag:$0x8], $0x80, s30, s29, $0xb8;
	[tilespmem:$0x1C580] =	vst v63  }
0xf1: {  	s9 =	rddreg [dreg:$0x16]  }
0xf2: {  	[tilespmem:s4], [sflag:$0x1] =	stream.linear.gather [hbm4b:s9+s4], $0x80, $0x38;
	[tilespmem:$0x1C580] =	vst v63  }
0xf3: {  	s21 =	rddreg [dreg:$0x17]  }
0xf4: {  	[tilespmem:s28], [sflag:$0x1] =	stream.linear.gather [hbm4b:s21+s4], $0x80, $0x38;
	[tilespmem:$0x1C580] =	vst v63  }
0xf5: {  	_ =	swait.ge [sflag:s16], $0x4000  }
0xf6: {  	[sflag:s16] =	ssyncset.done $0x0  }
0xf7: {  	[sflag:s16] =	ssyncadd.s32 $0xFFFFC000  }
0xf8: {  	_ =	swait.ge [sflag:s17], $0x80  }
0xf9: {  	[sflag:s17] =	ssyncset.done $0x0  }
0xfa: {  	[sflag:s17] =	ssyncadd.s32 $0xFFFFFF80  }
0xfb: {  	_ =	swait.ge [sflag:s17], $0x80  }
0xfc: {  	[sflag:s17] =	ssyncset.done $0x0  }
0xfd: {  	[sflag:s17] =	ssyncadd.s32 $0xFFFFFF80  }
0xfe: {  	[tilespmem:s11], [sflag:$0x6] =	stream.indirect.gather [hbm4b:s1+s29], $0x80, s2, s29, $0xb8;
	[tilespmem:$0x1C580] =	vst v63  }
0xff: {  	_ =	swait.ge [sflag:s12], $0x4000  }
0x100: {  	[sflag:s12] =	ssyncset.done $0x0  }
0x101: {  	[sflag:s12] =	ssyncadd.s32 $0xFFFFC000  }
0x102: {  	[spmem:s3] =	stream.indirect.scatter.add.f32 [tilespmem:s10], [sflag:$0x7], $0x80, s0, s29, $0xb8;
	[tilespmem:$0x1C580] =	vst v63  }
0x103: {  	s22 =	rddreg [dreg:$0x18]  }
0x104: {  	[tilespmem:s29], [sflag:$0x2] =	stream.linear.gather [hbm4b:s22+s4], $0x80, $0x38;
	[tilespmem:$0x1C580] =	vst v63  }
0x105: {  	s24 =	rddreg [dreg:$0x19]  }
0x106: {  	[tilespmem:s30], [sflag:$0x2] =	stream.linear.gather [hbm4b:s24+s4], $0x80, $0x38;
	[tilespmem:$0x1C580] =	vst v63  }
0x107: {  	_ =	swait.ge [sflag:s13], $0x4000  }
0x108: {  	[sflag:s13] =	ssyncset.done $0x0  }
0x109: {  	[sflag:s13] =	ssyncadd.s32 $0xFFFFC000  }
0x10a: {  	_ =	swait.ge [sflag:s18], $0x80  }
0x10b: {  	[sflag:s18] =	ssyncset.done $0x0  }
0x10c: {  	[sflag:s18] =	ssyncadd.s32 $0xFFFFFF80  }
0x10d: {  	_ =	swait.ge [sflag:s18], $0x80  }
0x10e: {  	[sflag:s18] =	ssyncset.done $0x0  }
0x10f: {  	[sflag:s18] =	ssyncadd.s32 $0xFFFFFF80  }
0x110: {  	[tilespmem:s10], [sflag:$0x5] =	stream.indirect.gather [hbm4b:s1+s29], $0x80, s4, s29, $0xb8;
	[tilespmem:$0x1C580] =	vst v63  }
0x111: {  	_ =	swait.ge [sflag:s15], $0x4000  }
0x112: {  	[sflag:s15] =	ssyncset.done $0x0  }
0x113: {  	[sflag:s15] =	ssyncadd.s32 $0xFFFFC000  }
0x114: {  	[spmem:s3] =	stream.indirect.scatter.add.f32 [tilespmem:s11], [sflag:$0x8], $0x80, s7, s29, $0xb8;
	[tilespmem:$0x1C580] =	vst v63  }
0x115: {  	_ =	swait.ge [sflag:s16], $0x4000  }
0x116: {  	[sflag:s16] =	ssyncset.done $0x0  }
0x117: {  	[sflag:s16] =	ssyncadd.s32 $0xFFFFC000  }
0x118: {  	_ =	swait.ge [sflag:s19], $0x80  }
0x119: {  	[sflag:s19] =	ssyncset.done $0x0  }
0x11a: {  	[sflag:s19] =	ssyncadd.s32 $0xFFFFFF80  }
0x11b: {  	_ =	swait.ge [sflag:s19], $0x80  }
0x11c: {  	[sflag:s19] =	ssyncset.done $0x0  }
0x11d: {  	[sflag:s19] =	ssyncadd.s32 $0xFFFFFF80  }
0x11e: {  	[tilespmem:s11], [sflag:$0x6] =	stream.indirect.gather [hbm4b:s1+s29], $0x80, s29, s29, $0xb8;
	[tilespmem:$0x1C580] =	vst v63  }
0x11f: {  	_ =	swait.ge [sflag:s12], $0x4000  }
0x120: {  	[sflag:s12] =	ssyncset.done $0x0  }
0x121: {  	[sflag:s12] =	ssyncadd.s32 $0xFFFFC000  }
0x122: {  	[spmem:s3] =	stream.indirect.scatter.add.f32 [tilespmem:s10], [sflag:$0x7], $0x80, s28, s29, $0xb8;
	[tilespmem:$0x1C580] =	vst v63  }
0x123: {  	_ =	swait.ge [sflag:s15], $0x4000  }
0x124: {  	[sflag:s15] =	ssyncset.done $0x0  }
0x125: {  	[sflag:s15] =	ssyncadd.s32 $0xFFFFC000  }
0x126: {  	[spmem:s3] =	stream.indirect.scatter.add.f32 [tilespmem:s11], [sflag:$0x8], $0x80, s30, s29, $0xb8;
	[tilespmem:$0x1C580] =	vst v63  }
0x127: {  	_ =	swait.ge [sflag:s20], $0x10  }
0x128: {  	[sflag:s20] =	ssyncset.done $0x0  }
0x129: {  	[sflag:s20] =	ssyncadd.s32 $0xFFFFFFF0  }
0x12a: {  	_ =	swait.ge [sflag:s20], $0x10  }
0x12b: {  	s25 =	simm.s32 $0x10;
	[sflag:s20] =	ssyncset.done $0x0  }
0x12c: {  	s21 =	simm.s32 $0x400;
	s24 =	simm.s32 $0x8500;
	[sflag:s20] =	ssyncadd.s32 $0xFFFFFFF0  }
0x12d: {  	[tilespmem:s24], [sflag:$0x9] =	stream.indirect.gather [hbm4b:s1+s25], $0x80, s21, s25, $0xb8;
	[tilespmem:$0x1C580] =	vst v63  }
0x12e: {  	_ =	swait.ge [sflag:s13], $0x4000  }
0x12f: {  	[sflag:s13] =	ssyncset.done $0x0  }
0x130: {  	[sflag:s13] =	ssyncadd.s32 $0xFFFFC000  }
0x131: {  	_ =	swait.ge [sflag:s16], $0x4000  }
0x132: {  	[sflag:s16] =	ssyncset.done $0x0  }
0x133: {  	[sflag:s16] =	ssyncadd.s32 $0xFFFFC000  }
0x134: {  	_ =	swait.ge [sflag:s20], $0x800  }
0x135: {  	[sflag:s20] =	ssyncset.done $0x0  }
0x136: {  	s22 =	simm.s32 $0x480;
	[sflag:s20] =	ssyncadd.s32 $0xFFFFF800  }
0x137: {  	[spmem:s3] =	stream.indirect.scatter.add.f32 [tilespmem:s24], [sflag:$0xA], $0x80, s22, s25, $0xb8;
	[tilespmem:$0x1C580] =	vst v63  }
0x138: {  	_ =	swait.ge [sflag:s26], $0x800  }
0x139: {  	[sflag:s26] =	ssyncset.done $0x0  }
0x13a: {  	[sflag:s26] =	ssyncadd.s32 $0xFFFFF800  }
0x13b: {  	[bflag:$0x0] =	sbarrier.arrive $0xFFFF  }
0x13c: {  	s24 =	rddreg [dreg:$0x1a]  }
0x13d: {  	s25 =	rddreg [dreg:$0x1d]  }
0x13e: {  	[hbm:s24], [sflag:s25] =	dma.local [spmem:s8], $0x2800  }
0x13f: {  	_ =	swait.ge [sflag:s26], $0x2800  }
0x140: {  	s23 =	sadd.s32 $0x1, s23;
	s25 =	rddreg [dreg:$0x1b]  }
0x141: {  	p0 =	sne.s32 s23, s25  }
.Ltmp1:
0x142: {  	_ = 	snop;
	(pc) =	sbr.rel @p0 .LBB2_1-.Ltmp1, $3  }
0x143: {  	_ =	sdelay $0x1  }
0x144: {  	[sflag:s26] =	ssyncset.done $0x0  }
0x145: {  	[sflag:s26] =	ssyncadd.s32 $0xFFFFD800  }
0x146: {  	_ =	sfence.sel $0x180000  }
0x147: {  	[bflag:$0x0] =	sbarrier.arrive $0xFFFF  }
0x148: {  	_ =	strace $0x9000004A  }
0x149: {  	s0 =	stileid.u32;
	[bflag:$0x2] =	sbarrier.arrive $0xFFFF  }
0x14a: {  	p0 =	sne.s32 s0, $0x0;
	s0 =	rddreg [dreg:$0x3]  }
0x14b: {  	s0 =	sadd.s32 @!p0 $0x100000, s0  }
0x14c: {  	[sflag:s0] =	ssyncadd.tile.s32 @!p0 $0x1;
	_ =	shalt  }
.Lfunc_end2:
_tile_overlayer_lowered:
.L_overlay_start_2:
0x14d: {  	(tag) =	ssettag $0x2  }
0x14e: {  	s0 =	rddreg [dreg:$0x0];
	s2 =	stileid.u32  }
0x14f: {  	s1 =	rddreg [dreg:$0x1];
	p0 =	sne.s32 s2, $0x0  }
0x150: {  	s3 =	rddreg [dreg:$0x2];
	[bflag:$0x3] =	sbarrier.arrive $0xFFFF;
	s2 =	simm.s32 @!p0 $0x1C0A  }
0x151: {  	[timem:s3], [sflag:s2] =	dma.local @!p0 [hbm:s0], s1  }
0x152: {  	s0 =	simm.s32 @!p0 $0xA  }
0x153: {  	_ =	swait.ge @!p0 [sflag:s0], s1  }
0x154: {  	s1 =	ssub.s32 @!p0 $0x0, s1;
	[sflag:s0] =	ssyncset.done @!p0 $0x0  }
0x155: {  	[sflag:s0] =	ssyncadd.s32 @!p0 s1  }
0x156: {  	[bflag:$0x3] =	sbarrier.arrive $0xFFFF  }
0x157: {  	_ =	shalt  }

// kernel: kernel.16.cloned.1.call-start
scs
__scs_entry_jumppad:
0x0: {  	(pc) =	sbr.rel $0x88, $3  }
0x1: {  	(tag) =	ssettag $0x0;
	lr =	simm.s32 $0x1  }
0x2: {  	[smem:$0x3F97] =	sst lr;
	_ =	strace $0xD0000000  }
0x3: {  	_ = 	snop  }
0x4: {  	_ = 	snop  }
0x5: {  	_ = 	snop  }
0x6: {  	_ = 	snop  }
0x7: {  	_ = 	snop  }
__scs_overlays_trampoline_lowered:
0x8: {  	[smem:$0x3FA6] =	sst s0  }
0x9: {  	[smem:$0x3FA7] =	sst s1  }
0xa: {  	[smem:$0x3FA8] =	sst s2  }
0xb: {  	[smem:$0x3FA9] =	sst s3  }
0xc: {  	[smem:$0x3FAA] =	sst s4  }
0xd: {  	[smem:$0x3FAB] =	sst s5  }
0xe: {  	[smem:$0x3FAC] =	sst s6  }
0xf: {  	[smem:$0x3FAD] =	sst s7  }
0x10: {  	[smem:$0x3FAE] =	sst s8  }
0x11: {  	[smem:$0x3FAF] =	sst s9;
	s0 =	simm.s32 @!p0 $0x0  }
0x12: {  	s1 =	sld [smem:$0x3F95];
	s0 =	simm.s32 @p0 $0x1  }
0x13: {  	[smem:$0x3FB0] =	sst s0;
	s0 =	simm.s32 @!p1 $0x0  }
0x14: {  	s2 =	sld [smem:$0x3F94];
	s0 =	simm.s32 @p1 $0x1  }
0x15: {  	[smem:$0x3FB1] =	sst s0;
	s0 =	simm.s32 @!p2 $0x0  }
0x16: {  	s3 =	sld [smem:$0x3FDB];
	s0 =	simm.s32 @p2 $0x1  }
0x17: {  	s4 =	simm.s32 $0x1BF5;
	[smem:$0x3FB3] =	sst s0  }
0x18: {  	s0 =	sld [smem:$0x3F96];
	_ =	swait.ge [sflag:s4], $0x0  }
0x19: {  	s7 =	sld [smem:$0x3F97]  }
0x1a: {  	s8 =	sadd.s32 $0xFFFFE003, lr  }
0x1b: {  	s9 =	sadd.s32 $0xFFFFFEF7, lr;
	s5 =	simm.s32 $0xFFFFFFFF;
	p2 =	slt.u32 s8, $0xFFFFF086  }
0x1c: {  	p1 =	slt.u32 s9, $0xF7A;
	s5 =	simm.s32 @!p2 $0x0  }
0x1d: {  	s5 =	simm.s32 @p1 $0x1;
	p0 =	seq.s32 s7, s2  }
0x1e: {  	s7 =	smul.u32 @!p0 $0xF7A, s2;
	p2 =	seq.s32 @!p0 s5, $0x0  }
0x1f: {  	s9 =	smul.u32 $0xF7A, s1;
	s8 =	simm.s32 @!p0 $0x1BF5;
	p2 =	por !p2, p0  }
0x20: {  	[sflag:s8] =	ssyncset.s32 @!p0 $0xFFFFF086;
	s6 =	sadd.s32 @!p0 s3, s7;
	s7 =	simm.s32 @!p0 $0x108  }
0x21: {  	s3 =	sadd.s32 s3, s9;
	s6 =	sadd.s32 @!p0 $0x88, s6;
	s7 =	simm.s32 @p2 $0x1082  }
0x22: {  	[simem:s7], [sflag:s8] =	dma.local @!p0 [hbm:s6], $0xF7A  }
0x23: {  	s9 =	sor.u32 $0xD0000000, s2;
	s6 =	simm.s32 $0x108;
	_ =	swait.ge @!p0 [sflag:s8], $0x0  }
0x24: {  	s3 =	sadd.s32 $0x88, s3;
	s6 =	simm.s32 @!p1 $0x1082;
	[sflag:s4] =	ssyncset.s32 $0xFFFFF086  }
0x25: {  	[simem:s6], [sflag:s4] =	dma.local [hbm:s3], $0xF7A  }
0x26: {  	[smem:$0x3F97] =	sst s1;
	(tag) =	ssettag s2;
	_ =	strace s9  }
0x27: {  	s1 =	sld [smem:$0x3FA7]  }
0x28: {  	s2 =	sld [smem:$0x3FA8]  }
0x29: {  	s4 =	sld [smem:$0x3FAA]  }
0x2a: {  	p0 =	seq.s32 s5, $0x0;
	s5 =	sld [smem:$0x3FAB]  }
0x2b: {  	s6 =	sld [smem:$0x3FAC]  }
0x2c: {  	s7 =	sld [smem:$0x3FAD]  }
0x2d: {  	s3 =	simm.s32 $0x108;
	s8 =	sld [smem:$0x3FAE]  }
0x2e: {  	s3 =	simm.s32 @!p0 $0x1082;
	s9 =	sld [smem:$0x3FAF]  }
0x2f: {  	lr =	sadd.s32 s0, s3;
	s0 =	sld [smem:$0x3FA6]  }
0x30: {  	s3 =	sld [smem:$0x3FA9]  }
0x31: {  	[smem:$0x3FB2] =	sst s10  }
0x32: {  	s10 =	sld [smem:$0x3FB0];
	_ =	sdelay $0x3  }
0x33: {  	p0 =	seq.s32 s10, $0x1;
	s10 =	sld [smem:$0x3FB2];
	_ =	sdelay $0x3  }
0x34: {  	[smem:$0x3FB2] =	sst s10  }
0x35: {  	s10 =	sld [smem:$0x3FB1];
	_ =	sdelay $0x3  }
0x36: {  	p1 =	seq.s32 s10, $0x1;
	s10 =	sld [smem:$0x3FB2];
	_ =	sdelay $0x3  }
0x37: {  	[smem:$0x3FB2] =	sst s10  }
0x38: {  	s10 =	sld [smem:$0x3FB3]  }
0x39: {  	_ = 	snop;
	(pc) =	sbr.ind lr, $3  }
0x3a: {  	_ = 	snop  }
0x3b: {  	_ = 	snop  }
0x3c: {  	p2 =	seq.s32 s10, $0x1;
	s10 =	sld [smem:$0x3FB2]  }
0x3d: {  	_ =	shalt  }
0x3e: {  	_ =	shalt  }
0x3f: {  	_ =	shalt  }
0x40: {  	_ =	shalt  }
0x41: {  	_ =	shalt  }
0x42: {  	_ =	shalt  }
0x43: {  	_ =	shalt  }
0x44: {  	_ =	shalt  }
0x45: {  	_ =	shalt  }
0x46: {  	_ =	shalt  }
0x47: {  	_ =	shalt  }
0x48: {  	_ =	shalt  }
0x49: {  	_ =	shalt  }
0x4a: {  	_ =	shalt  }
0x4b: {  	_ =	shalt  }
0x4c: {  	_ =	shalt  }
0x4d: {  	_ =	shalt  }
0x4e: {  	_ =	shalt  }
0x4f: {  	_ =	shalt  }
0x50: {  	_ =	shalt  }
0x51: {  	_ =	shalt  }
0x52: {  	_ =	shalt  }
0x53: {  	_ =	shalt  }
0x54: {  	_ =	shalt  }
0x55: {  	_ =	shalt  }
0x56: {  	_ =	shalt  }
0x57: {  	_ =	shalt  }
0x58: {  	_ =	shalt  }
0x59: {  	_ =	shalt  }
0x5a: {  	_ =	shalt  }
0x5b: {  	_ =	shalt  }
0x5c: {  	_ =	shalt  }
0x5d: {  	_ =	shalt  }
0x5e: {  	_ =	shalt  }
0x5f: {  	_ =	shalt  }
0x60: {  	_ =	shalt  }
0x61: {  	_ =	shalt  }
0x62: {  	_ =	shalt  }
0x63: {  	_ =	shalt  }
0x64: {  	_ =	shalt  }
0x65: {  	_ =	shalt  }
0x66: {  	_ =	shalt  }
0x67: {  	_ =	shalt  }
0x68: {  	_ =	shalt  }
0x69: {  	_ =	shalt  }
0x6a: {  	_ =	shalt  }
0x6b: {  	_ =	shalt  }
0x6c: {  	_ =	shalt  }
0x6d: {  	_ =	shalt  }
0x6e: {  	_ =	shalt  }
0x6f: {  	_ =	shalt  }
0x70: {  	_ =	shalt  }
0x71: {  	_ =	shalt  }
0x72: {  	_ =	shalt  }
0x73: {  	_ =	shalt  }
0x74: {  	_ =	shalt  }
0x75: {  	_ =	shalt  }
0x76: {  	_ =	shalt  }
0x77: {  	_ =	shalt  }
0x78: {  	_ =	shalt  }
0x79: {  	_ =	shalt  }
0x7a: {  	_ =	shalt  }
0x7b: {  	_ =	shalt  }
0x7c: {  	_ =	shalt  }
0x7d: {  	_ =	shalt  }
0x7e: {  	_ =	shalt  }
0x7f: {  	_ =	shalt  }
0x80: {  	_ =	shalt  }
0x81: {  	_ =	shalt  }
0x82: {  	_ =	shalt  }
0x83: {  	_ =	shalt  }
0x84: {  	_ =	shalt  }
0x85: {  	_ =	shalt  }
0x86: {  	_ =	shalt  }
0x87: {  	_ =	shalt  }
.Lfunc_end0:
.L_simem_size_0:
called_computation.2_lowered:
.L_overlay_start_0:
0x88: {  	s2 =	sld [smem:$0x3FD9]  }
0x89: {  	s3 =	sld [smem:$0x3FFE];
	_ =	sdelay $0x1  }
0x8a: {  	s1 =	srdreg.scid  }
0x8b: {  	s0 =	sand.u32 $0x1, s1  }
0x8c: {  	s14 =	sshll.u32 s0, $0xA;
	s2 =	sadd.s32 s3, s2  }
0x8d: {  	s2 =	sadd.s32 s2, s14  }
0x8e: {  	[smem:$0x3FBE] =	sst s2  }
0x8f: {  	_ = 	snop  }
0x90: {  	s2 =	sld [smem:$0x3FD0];
	_ =	sdelay $0x2  }
0x91: {  	s15 =	simm.s32 $0xA;
	s4 =	simm.s32 $0x10  }
0x92: {  	[smem:s4], [sflag:s15] =	dma.local [hbm:s2], $0x1  }
0x93: {  	_ =	swait.eq [sflag:s15], $0x1  }
0x94: {  	[sflag:s15] =	ssyncset.done $0x0  }
0x95: {  	[sflag:s15] =	ssyncadd.s32 $0xFFFFFFFF  }
0x96: {  	s16 =	sld [smem:$0x10];
	(tm) =	ssettm $0x1  }
0x97: {  	s17 =	sld [smem:$0x3FFB];
	_ =	sdelay $0x3  }
0x98: {  	_ =	strace s17  }
0x99: {  	s3 =	sld [smem:$0x3FFC];
	_ =	sdelay $0x3  }
0x9a: {  	_ =	strace s3  }
0x9b: {  	s3 =	sld [smem:$0x3FFD];
	_ =	sdelay $0x3  }
0x9c: {  	_ =	strace s3  }
0x9d: {  	_ =	strace $0x8FFFFFFF  }
0x9e: {  	s18 =	sld [smem:$0x3FDB];
	_ =	sdelay $0x1  }
0x9f: {  	s19 =	simm.s32 $_scs_section_size  }
0xa0: {  	s5 =	simm.s32 $_size__tile_overlayer_lowered;
	s6 =	simm.s32 $_tile_overlayer_lowered  }
0xa1: {  	s22 =	simm.s32 $0x1BFF;
	s21 =	sshll.u32 s6, $0x1;
	s3 =	sadd.s32 s19, s18  }
0xa2: {  	s7 =	simm.s32 $0x0;
	s20 =	sshll.u32 s5, $0x1;
	s5 =	sadd.s32 s21, s3  }
0xa3: {  	[timem:s7], [sflag:s22] =	dma.local [hbm:s5], s20  }
0xa4: {  	_ =	swait.ge [sflag:s22], s20  }
0xa5: {  	s4 =	ssub.s32 $0x0, s20;
	[sflag:s22] =	ssyncset.done $0x0  }
0xa6: {  	[sflag:s22] =	ssyncadd.s32 s4;
	_ =	sdelay $0x1  }
0xa7: {  	s23 =	simm.s32 $0x1B8B  }
0xa8: {  	_ =	swait.ge [sflag:s23], $0x1  }
0xa9: {  	[sflag:s23] =	ssyncset.done $0x0  }
0xaa: {  	s25 =	simm.s32 $0x1B8E;
	s24 =	sld [smem:$0x3FFE];
	[sflag:s23] =	ssyncadd.s32 $0xFFFFFFFF  }
0xab: {  	s26 =	simm.s32 $execute0_lowered;
	[smem:$0x3FD2] =	sst s25  }
0xac: {  	s5 =	sshll.u32 s26, $0x1;
	_ =	strace $0x8000004C;
	[dreg:$0x1] =	wrdreg $0xFFFFFFFF  }
0xad: {  	s28 =	simm.s32 $_size_execute0_lowered;
	s3 =	sadd.s32 s3, s5;
	[dreg:$0x0] =	wrdreg $0x0  }
0xae: {  	s5 =	sshll.u32 s28, $0x1;
	[dreg:$0x2] =	wrdreg s3  }
0xaf: {  	[dreg:$0x3] =	wrdreg s5  }
0xb0: {  	[dreg:$0x4] =	wrdreg $0xC0  }
0xb1: {  	_ =	task [dreg:s7], $0x5FFFF  }
0xb2: {  	[dreg:$0x1] =	wrdreg $0xFFFFFFFF  }
0xb3: {  	[dreg:$0x0] =	wrdreg $0x60  }
0xb4: {  	[dreg:$0x2] =	wrdreg s16  }
0xb5: {  	[dreg:$0x3] =	wrdreg s24  }
0xb6: {  	[dreg:$0x4] =	wrdreg $0x8D000  }
0xb7: {  	[dreg:$0x5] =	wrdreg $0x9  }
0xb8: {  	_ =	task.clear_ibuf [dreg:s7], $0x6FFFF;
	_ =	strace $0x9000004C  }
0xb9: {  	s29 =	simm.s32 $0x9;
	_ =	strace $0x8000004E  }
0xba: {  	_ =	swait.ge [sflag:s29], $0x1  }
0xbb: {  	[sflag:s29] =	ssyncadd.s32 $0xFFFFFFFF  }
0xbc: {  	_ =	strace $0x9000004E  }
0xbd: {  	_ =	sfence  }
0xbe: {  	s30 =	sld [smem:$0x0];
	_ =	sdelay $0x2  }
0xbf: {  	s31 =	sshll.u32 s1, $0xD;
	s1 =	sshrl.u32 s1, $0x2  }
0xc0: {  	s3 =	sand.u32 $0x4000, s31;
	s1 =	sadd.s32 s1, s30  }
0xc1: {  	s0 =	sor.u32 s3, s0;
	s1 =	sshll.u32 s1, $0x11  }
0xc2: {  	s0 =	sor.u32 s1, s0  }
0xc3: {  	s0 =	sadd.s32 $0x8F2B, s0  }
0xc4: {  	[sflag:s0] =	ssyncadd.remote.s32 $0x1  }
0xc5: {  	_ =	sfence.sel $0xFFFF  }
0xc6: {  	[dreg:$0x0] =	wrdreg $0xFFFFFFFF;
	(pc) =	sbr.abs _section_cstart, $3  }
0xc7: {  	[dreg:$0x1] =	wrdreg $0xFFFFFFFF  }
0xc8: {  	_ =	task.clear_ibuf [dreg:s7], $0x2FFFF;
	_ =	strace $0x9FFFFFFF  }
0xc9: {  	(tm) =	ssettm $0x7FFFFFFF  }
tec
execute0_lowered:
.L_overlay_start_1:
0x0: {  	(tag) =	ssettag $0x1  }
0x1: {  	s1 =	rddreg [dreg:$0x0]  }
0x2: {  	s0 =	rddreg [dreg:$0x1]  }
0x3: {  	s3 =	rddreg [dreg:$0x2]  }
0x4: {  	s2 =	srdreg.scid;
	s13 =	stileid.u32  }
0x5: {  	s4 =	simm.s32 $0x0;
	s28 =	simm.s32 $0x200;
	s29 =	simm.s32 $0x80  }
0x6: {  	s30 =	simm.s32 $0x280;
	s31 =	simm.s32 $0x100;
	s7 =	smul.u32 $0x13800, s13  }
0x7: {  	s2 =	sand.u32 $0x1, s2;
	[smem:$0x7FF] =	sst s4;
	s20 =	smul.u32 $0x4E000, s13  }
0x8: {  	s5 =	sshll.u32 s2, $0x4;
	s8 =	smul.u32 $0x138800, s2;
	_ =	strace $0x8000004D  }
0x9: {  	s10 =	ssub.s32 $0x2, s2;
	s2 =	smul.u32 $0x27100, s2;
	s6 =	sor.u32 s13, s5  }
0xa: {  	s5 =	sadd.s32 $0x2E00, s0;
	s11 =	sshrl.u32 s10, $0x1;
	s9 =	smul.u32 $0x2710, s6  }
0xb: {  	s6 =	sadd.s32 $0xCC00, s0;
	s8 =	sadd.s32 s7, s8;
	s7 =	sshrl.u32 s7, $0x3  }
0xc: {  	s8 =	sshrl.u32 s8, $0x3;
	s7 =	sadd.s32 s1, s7;
	s9 =	sshrl.u32 s9, $0x3  }
0xd: {  	s0 =	sadd.s32 s8, s0;
	[dreg:$0x15] =	wrdreg s7;
	s12 =	sadd.s32 s5, s9  }
0xe: {  	s8 =	ssub.s32 s10, s11;
	s14 =	sadd.s32 s6, s9;
	[dreg:$0xa] =	wrdreg s12  }
0xf: {  	s26 =	sadd.s32 $0x10, s9;
	s0 =	sadd.s32 $0x16A00, s0;
	[dreg:$0xb] =	wrdreg s14  }
0x10: {  	s16 =	sadd.s32 $0x20, s9;
	s15 =	sadd.s32 s5, s26;
	[dreg:$0x1a] =	wrdreg s0  }
0x11: {  	s18 =	sadd.s32 $0x30, s9;
	s10 =	sadd.s32 s6, s26;
	[dreg:$0xc] =	wrdreg s15  }
0x12: {  	s21 =	sadd.s32 $0x4E0, s9;
	s17 =	sadd.s32 s5, s16;
	[dreg:$0xd] =	wrdreg s10  }
0x13: {  	s12 =	smul.u32 $0x2710, s13;
	s19 =	sadd.s32 s5, s18;
	[dreg:$0xe] =	wrdreg s17  }
0x14: {  	s11 =	sadd.s32 s6, s18;
	s22 =	sadd.s32 s5, s21;
	[dreg:$0x10] =	wrdreg s19  }
0x15: {  	s18 =	sadd.s32 $0x4C0, s9;
	s0 =	simm.s32 $0x300;
	[dreg:$0x11] =	wrdreg s11  }
0x16: {  	s10 =	sadd.s32 s6, s16;
	[dreg:$0x12] =	wrdreg s22;
	s11 =	sadd.s32 s6, s21  }
0x17: {  	s21 =	sadd.s32 s6, s18;
	s22 =	sadd.s32 $0x4D0, s9;
	[dreg:$0xf] =	wrdreg s10  }
0x18: {  	s2 =	sadd.s32 s12, s2;
	s10 =	sshrl.u32 s20, $0x2;
	[dreg:$0x13] =	wrdreg s11  }
0x19: {  	s20 =	sadd.s32 s5, s18;
	[dreg:$0x17] =	wrdreg s21;
	s7 =	sadd.s32 s6, s22  }
0x1a: {  	s21 =	simm.s32 $0x400;
	s11 =	simm.s32 $0x4500;
	s12 =	simm.s32 $0x5  }
0x1b: {  	s18 =	simm.s32 $0x1;
	s23 =	sadd.s32 $0x380, s2;
	[dreg:$0x16] =	wrdreg s20  }
0x1c: {  	s10 =	sadd.s32 s10, s3;
	s26 =	sadd.s32 $0x300, s2;
	[dreg:$0x19] =	wrdreg s7  }
0x1d: {  	s15 =	sadd.s32 $0x280, s2;
	s7 =	simm.s32 $0x380;
	[dreg:$0x14] =	wrdreg s10  }
0x1e: {  	s24 =	sshrl.u32 s23, $0x3;
	s13 =	sshrl.u32 s26, $0x3;
	s26 =	sadd.s32 $0x200, s2  }
0x1f: {  	s20 =	simm.s32 $0x9;
	s25 =	sadd.s32 s24, s6;
	[dreg:$0x1c] =	wrdreg s26  }
0x20: {  	s17 =	sshrl.u32 s15, $0x3;
	s10 =	sadd.s32 s24, s5;
	[dreg:$0x4] =	wrdreg s25  }
0x21: {  	s2 =	simm.s32 $0x180;
	s14 =	sadd.s32 s13, s6;
	[dreg:$0x5] =	wrdreg s10  }
0x22: {  	s15 =	simm.s32 $0x6;
	s16 =	sadd.s32 s13, s5;
	[dreg:$0x6] =	wrdreg s14  }
0x23: {  	s19 =	sadd.s32 s17, s6;
	s23 =	sadd.s32 s17, s5;
	[dreg:$0x7] =	wrdreg s16  }
0x24: {  	s24 =	sadd.s32 s5, s22;
	s26 =	simm.s32 $0xA;
	[dreg:$0x8] =	wrdreg s19  }
0x25: {  	s22 =	simm.s32 $0x480;
	s13 =	simm.s32 $0x7;
	[dreg:$0x9] =	wrdreg s23  }
0x26: {  	s17 =	simm.s32 $0x4;
	[dreg:$0x18] =	wrdreg s24;
	s25 =	smax.u32 s8, $0x1  }
0x27: {  	s10 =	simm.s32 $0x500;
	s14 =	simm.s32 $0x3;
	s16 =	simm.s32 $0x8  }
0x28: {  	s19 =	simm.s32 $0x2;
	s23 =	simm.s32 $0x0;
	[dreg:$0x1b] =	wrdreg s25  }
.LBB2_1:
0x29: {  	s8 =	rddreg [dreg:$0xa]  }
0x2a: {  	[tilespmem:s4], [sflag:$0xA] =	stream.linear.gather [hbm4b:s8+s4], $0x80, $0x38;
	[tilespmem:$0x1C580] =	vst v63  }
0x2b: {  	_ =	swait.ge [sflag:s26], $0x80  }
0x2c: {  	[sflag:s26] =	ssyncset.done $0x0  }
0x2d: {  	s25 =	rddreg [dreg:$0xb];
	[sflag:s26] =	ssyncadd.s32 $0xFFFFFF80  }
0x2e: {  	[tilespmem:s28], [sflag:$0xA] =	stream.linear.gather [hbm4b:s25+s4], $0x80, $0x38;
	[tilespmem:$0x1C580] =	vst v63  }
0x2f: {  	_ =	swait.ge [sflag:s26], $0x80  }
0x30: {  	[sflag:s26] =	ssyncset.done $0x0  }
0x31: {  	s9 =	rddreg [dreg:$0xc];
	[sflag:s26] =	ssyncadd.s32 $0xFFFFFF80  }
0x32: {  	[tilespmem:s29], [sflag:$0xA] =	stream.linear.gather [hbm4b:s9+s4], $0x80, $0x38;
	[tilespmem:$0x1C580] =	vst v63  }
0x33: {  	_ =	swait.ge [sflag:s26], $0x80  }
0x34: {  	[sflag:s26] =	ssyncset.done $0x0  }
0x35: {  	s24 =	rddreg [dreg:$0xd];
	[sflag:s26] =	ssyncadd.s32 $0xFFFFFF80  }
0x36: {  	[tilespmem:s30], [sflag:$0xA] =	stream.linear.gather [hbm4b:s24+s4], $0x80, $0x38;
	[tilespmem:$0x1C580] =	vst v63  }
0x37: {  	_ =	swait.ge [sflag:s26], $0x80  }
0x38: {  	[sflag:s26] =	ssyncset.done $0x0  }
0x39: {  	s25 =	rddreg [dreg:$0xe];
	[sflag:s26] =	ssyncadd.s32 $0xFFFFFF80  }
0x3a: {  	[tilespmem:s31], [sflag:$0x3] =	stream.linear.gather [hbm4b:s25+s4], $0x80, $0x38;
	[tilespmem:$0x1C580] =	vst v63  }
0x3b: {  	s9 =	rddreg [dreg:$0xf]  }
0x3c: {  	[tilespmem:s0], [sflag:$0x3] =	stream.linear.gather [hbm4b:s9+s4], $0x80, $0x38;
	[tilespmem:$0x1C580] =	vst v63  }
0x3d: {  	s24 =	rddreg [dreg:$0x10]  }
0x3e: {  	[tilespmem:s2], [sflag:$0x4] =	stream.linear.gather [hbm4b:s24+s4], $0x80, $0x38;
	[tilespmem:$0x1C580] =	vst v63  }
0x3f: {  	s24 =	stileid.u32  }
0x40: {  	s25 =	rddreg [dreg:$0x11];
	s8 =	sshll.u32 s24, $0x6  }
0x41: {  	[tilespmem:s7], [sflag:$0x4] =	stream.linear.gather [hbm4b:s25+s4], $0x80, $0x38;
	[tilespmem:$0x1C580] =	vst v63  }
0x42: {  	s9 =	rddreg [dreg:$0x12];
	s25 =	sor.u32 $0x1C0A, s8  }
0x43: {  	[dreg:$0x1d] =	wrdreg s25  }
0x44: {  	[tilespmem:s21], [sflag:$0x9] =	stream.linear.gather [hbm4b:s9+s4], $0x10, $0x38;
	[tilespmem:$0x1C580] =	vst v63  }
0x45: {  	s21 =	rddreg [dreg:$0x13]  }
0x46: {  	s9 =	rddreg [dreg:$0x14]  }
0x47: {  	[tilespmem:s22], [sflag:$0x9] =	stream.linear.gather [hbm4b:s21+s4], $0x10, $0x38;
	[tilespmem:$0x1C580] =	vst v63  }
0x48: {  	s8 =	sshrl.u32 s9, $0x3;
	s9 =	rddreg [dreg:$0x15]  }
0x49: {  	[tilespmem:s10], [sflag:$0x5] =	stream.indirect.gather [hbm4b:s1+s29], $0x80, s4, s29, $0xb8;
	[tilespmem:$0x1C580] =	vst v63  }
0x4a: {  	[spmem:s8], [sflag:s25] =	dma.local [hbm:s9], $0x2800  }
0x4b: {  	_ =	swait.ge [sflag:s26], $0x2800  }
0x4c: {  	[sflag:s26] =	ssyncset.done $0x0  }
0x4d: {  	[sflag:s26] =	ssyncadd.s32 $0xFFFFD800  }
0x4e: {  	[bflag:$0x0] =	sbarrier.arrive $0xFFFF  }
0x4f: {  	[tilespmem:s11], [sflag:$0x6] =	stream.indirect.gather [hbm4b:s1+s29], $0x80, s29, s29, $0xb8;
	[tilespmem:$0x1C580] =	vst v63  }
0x50: {  	_ =	swait.ge [sflag:s12], $0x4000  }
0x51: {  	[sflag:s12] =	ssyncset.done $0x0  }
0x52: {  	[sflag:s12] =	ssyncadd.s32 $0xFFFFC000  }
0x53: {  	[spmem:s3] =	stream.indirect.scatter.add.f32 [tilespmem:s10], [sflag:$0x7], $0x80, s28, s29, $0xb8;
	[tilespmem:$0x1C580] =	vst v63  }
0x54: {  	_ =	swait.ge [sflag:s13], $0x4000  }
0x55: {  	[sflag:s13] =	ssyncset.done $0x0  }
0x56: {  	[sflag:s13] =	ssyncadd.s32 $0xFFFFC000  }
0x57: {  	_ =	swait.ge [sflag:s14], $0x80  }
0x58: {  	[sflag:s14] =	ssyncset.done $0x0  }
0x59: {  	[sflag:s14] =	ssyncadd.s32 $0xFFFFFF80  }
0x5a: {  	_ =	swait.ge [sflag:s14], $0x80  }
0x5b: {  	[sflag:s14] =	ssyncset.done $0x0  }
0x5c: {  	[sflag:s14] =	ssyncadd.s32 $0xFFFFFF80  }
0x5d: {  	[tilespmem:s10], [sflag:$0x5] =	stream.indirect.gather [hbm4b:s1+s29], $0x80, s31, s29, $0xb8;
	[tilespmem:$0x1C580] =	vst v63  }
0x5e: {  	_ =	swait.ge [sflag:s15], $0x4000  }
0x5f: {  	[sflag:s15] =	ssyncset.done $0x0;
	s24 =	rddreg [dreg:$0x1c]  }
0x60: {  	[sflag:s15] =	ssyncadd.s32 $0xFFFFC000;
	s22 =	sshrl.u32 s24, $0x3  }
0x61: {  	[spmem:s3] =	stream.indirect.scatter.add.f32 [tilespmem:s11], [sflag:$0x8], $0x80, s30, s29, $0xb8;
	[tilespmem:$0x1C580] =	vst v63  }
0x62: {  	s25 =	sadd.s32 s5, s22  }
0x63: {  	[tilespmem:s4], [sflag:$0x1] =	stream.linear.gather [hbm4b:s25+s4], $0x80, $0x38;
	[tilespmem:$0x1C580] =	vst v63  }
0x64: {  	s9 =	sadd.s32 s6, s22  }
0x65: {  	[tilespmem:s28], [sflag:$0x1] =	stream.linear.gather [hbm4b:s9+s4], $0x80, $0x38;
	[tilespmem:$0x1C580] =	vst v63  }
0x66: {  	_ =	swait.ge [sflag:s16], $0x4000  }
0x67: {  	[sflag:s16] =	ssyncset.done $0x0  }
0x68: {  	[sflag:s16] =	ssyncadd.s32 $0xFFFFC000  }
0x69: {  	_ =	swait.ge [sflag:s17], $0x80  }
0x6a: {  	[sflag:s17] =	ssyncset.done $0x0  }
0x6b: {  	[sflag:s17] =	ssyncadd.s32 $0xFFFFFF80  }
0x6c: {  	_ =	swait.ge [sflag:s17], $0x80  }
0x6d: {  	[sflag:s17] =	ssyncset.done $0x0  }
0x6e: {  	[sflag:s17] =	ssyncadd.s32 $0xFFFFFF80  }
0x6f: {  	[tilespmem:s11], [sflag:$0x6] =	stream.indirect.gather [hbm4b:s1+s29], $0x80, s2, s29, $0xb8;
	[tilespmem:$0x1C580] =	vst v63  }
0x70: {  	_ =	swait.ge [sflag:s12], $0x4000  }
0x71: {  	[sflag:s12] =	ssyncset.done $0x0  }
0x72: {  	s22 =	rddreg [dreg:$0x9];
	[sflag:s12] =	ssyncadd.s32 $0xFFFFC000  }
0x73: {  	[spmem:s3] =	stream.indirect.scatter.add.f32 [tilespmem:s10], [sflag:$0x7], $0x80, s0, s29, $0xb8;
	[tilespmem:$0x1C580] =	vst v63  }
0x74: {  	s25 =	rddreg [dreg:$0x8];
	s9 =	sadd.s32 $0x0, s22  }
0x75: {  	[tilespmem:s29], [sflag:$0x2] =	stream.linear.gather [hbm4b:s9+s4], $0x80, $0x38;
	[tilespmem:$0x1C580] =	vst v63  }
0x76: {  	s21 =	sadd.s32 $0x0, s25  }
0x77: {  	[tilespmem:s30], [sflag:$0x2] =	stream.linear.gather [hbm4b:s21+s4], $0x80, $0x38;
	[tilespmem:$0x1C580] =	vst v63  }
0x78: {  	_ =	swait.ge [sflag:s13], $0x4000  }
0x79: {  	[sflag:s13] =	ssyncset.done $0x0  }
0x7a: {  	[sflag:s13] =	ssyncadd.s32 $0xFFFFC000  }
0x7b: {  	_ =	swait.ge [sflag:s18], $0x80  }
0x7c: {  	[sflag:s18] =	ssyncset.done $0x0  }
0x7d: {  	[sflag:s18] =	ssyncadd.s32 $0xFFFFFF80  }
0x7e: {  	_ =	swait.ge [sflag:s18], $0x80  }
0x7f: {  	[sflag:s18] =	ssyncset.done $0x0  }
0x80: {  	[sflag:s18] =	ssyncadd.s32 $0xFFFFFF80  }
0x81: {  	[tilespmem:s10], [sflag:$0x5] =	stream.indirect.gather [hbm4b:s1+s29], $0x80, s4, s29, $0xb8;
	[tilespmem:$0x1C580] =	vst v63  }
0x82: {  	_ =	swait.ge [sflag:s15], $0x4000  }
0x83: {  	[sflag:s15] =	ssyncset.done $0x0  }
0x84: {  	s22 =	rddreg [dreg:$0x7];
	[sflag:s15] =	ssyncadd.s32 $0xFFFFC000  }
0x85: {  	[spmem:s3] =	stream.indirect.scatter.add.f32 [tilespmem:s11], [sflag:$0x8], $0x80, s7, s29, $0xb8;
	[tilespmem:$0x1C580] =	vst v63  }
0x86: {  	s25 =	rddreg [dreg:$0x6];
	s9 =	sadd.s32 $0x0, s22  }
0x87: {  	[tilespmem:s31], [sflag:$0x3] =	stream.linear.gather [hbm4b:s9+s4], $0x80, $0x38;
	[tilespmem:$0x1C580] =	vst v63  }
0x88: {  	s21 =	sadd.s32 $0x0, s25  }
0x89: {  	[tilespmem:s0], [sflag:$0x3] =	stream.linear.gather [hbm4b:s21+s4], $0x80, $0x38;
	[tilespmem:$0x1C580] =	vst v63  }
0x8a: {  	_ =	swait.ge [sflag:s16], $0x4000  }
0x8b: {  	[sflag:s16] =	ssyncset.done $0x0  }
0x8c: {  	[sflag:s16] =	ssyncadd.s32 $0xFFFFC000  }
0x8d: {  	_ =	swait.ge [sflag:s19], $0x80  }
0x8e: {  	[sflag:s19] =	ssyncset.done $0x0  }
0x8f: {  	[sflag:s19] =	ssyncadd.s32 $0xFFFFFF80  }
0x90: {  	_ =	swait.ge [sflag:s19], $0x80  }
0x91: {  	[sflag:s19] =	ssyncset.done $0x0  }
0x92: {  	[sflag:s19] =	ssyncadd.s32 $0xFFFFFF80  }
0x93: {  	[tilespmem:s11], [sflag:$0x6] =	stream.indirect.gather [hbm4b:s1+s29], $0x80, s29, s29, $0xb8;
	[tilespmem:$0x1C580] =	vst v63  }
0x94: {  	_ =	swait.ge [sflag:s12], $0x4000  }
0x95: {  	[sflag:s12] =	ssyncset.done $0x0  }
0x96: {  	s22 =	rddreg [dreg:$0x5];
	[sflag:s12] =	ssyncadd.s32 $0xFFFFC000  }
0x97: {  	[spmem:s3] =	stream.indirect.scatter.add.f32 [tilespmem:s10], [sflag:$0x7], $0x80, s28, s29, $0xb8;
	[tilespmem:$0x1C580] =	vst v63  }
0x98: {  	s25 =	rddreg [dreg:$0x4];
	s9 =	sadd.s32 $0x0, s22  }
0x99: {  	[tilespmem:s2], [sflag:$0x4] =	stream.linear.gather [hbm4b:s9+s4], $0x80, $0x38;
	[tilespmem:$0x1C580] =	vst v63  }
0x9a: {  	s21 =	sadd.s32 $0x200, s24;
	s22 =	sadd.s32 $0x0, s25;
	s9 =	simm.s32 $0x40  }
.LBB2_2:
0x9b: {  	[tilespmem:s7], [sflag:$0x4] =	stream.linear.gather [hbm4b:s22+s4], $0x80, $0x38;
	[tilespmem:$0x1C580] =	vst v63  }
0x9c: {  	_ =	swait.ge [sflag:s13], $0x4000  }
0x9d: {  	[sflag:s13] =	ssyncset.done $0x0  }
0x9e: {  	[sflag:s13] =	ssyncadd.s32 $0xFFFFC000  }
0x9f: {  	_ =	swait.ge [sflag:s14], $0x80  }
0xa0: {  	[sflag:s14] =	ssyncset.done $0x0  }
0xa1: {  	[sflag:s14] =	ssyncadd.s32 $0xFFFFFF80  }
0xa2: {  	_ =	swait.ge [sflag:s14], $0x80  }
0xa3: {  	[sflag:s14] =	ssyncset.done $0x0  }
0xa4: {  	[sflag:s14] =	ssyncadd.s32 $0xFFFFFF80  }
0xa5: {  	[tilespmem:s10], [sflag:$0x5] =	stream.indirect.gather [hbm4b:s1+s29], $0x80, s31, s29, $0xb8;
	[tilespmem:$0x1C580] =	vst v63  }
0xa6: {  	_ =	swait.ge [sflag:s15], $0x4000  }
0xa7: {  	[sflag:s15] =	ssyncset.done $0x0  }
0xa8: {  	s25 =	sshrl.u32 s21, $0x3;
	[sflag:s15] =	ssyncadd.s32 $0xFFFFC000  }
0xa9: {  	[spmem:s3] =	stream.indirect.scatter.add.f32 [tilespmem:s11], [sflag:$0x8], $0x80, s30, s29, $0xb8;
	[tilespmem:$0x1C580] =	vst v63  }
0xaa: {  	s24 =	sadd.s32 s5, s25  }
0xab: {  	[tilespmem:s4], [sflag:$0x1] =	stream.linear.gather [hbm4b:s24+s4], $0x80, $0x38;
	[tilespmem:$0x1C580] =	vst v63  }
0xac: {  	s25 =	sadd.s32 s6, s25  }
0xad: {  	[tilespmem:s28], [sflag:$0x1] =	stream.linear.gather [hbm4b:s25+s4], $0x80, $0x38;
	[tilespmem:$0x1C580] =	vst v63  }
0xae: {  	_ =	swait.ge [sflag:s16], $0x4000  }
0xaf: {  	[sflag:s16] =	ssyncset.done $0x0  }
0xb0: {  	[sflag:s16] =	ssyncadd.s32 $0xFFFFC000  }
0xb1: {  	_ =	swait.ge [sflag:s17], $0x80  }
0xb2: {  	[sflag:s17] =	ssyncset.done $0x0  }
0xb3: {  	[sflag:s17] =	ssyncadd.s32 $0xFFFFFF80  }
0xb4: {  	_ =	swait.ge [sflag:s17], $0x80  }
0xb5: {  	[sflag:s17] =	ssyncset.done $0x0  }
0xb6: {  	[sflag:s17] =	ssyncadd.s32 $0xFFFFFF80  }
0xb7: {  	[tilespmem:s11], [sflag:$0x6] =	stream.indirect.gather [hbm4b:s1+s29], $0x80, s2, s29, $0xb8;
	[tilespmem:$0x1C580] =	vst v63  }
0xb8: {  	_ =	swait.ge [sflag:s12], $0x4000  }
0xb9: {  	[sflag:s12] =	ssyncset.done $0x0  }
0xba: {  	s22 =	smov.u32 s9;
	s24 =	rddreg [dreg:$0x9];
	[sflag:s12] =	ssyncadd.s32 $0xFFFFC000  }
0xbb: {  	[spmem:s3] =	stream.indirect.scatter.add.f32 [tilespmem:s10], [sflag:$0x7], $0x80, s0, s29, $0xb8;
	[tilespmem:$0x1C580] =	vst v63  }
0xbc: {  	s25 =	rddreg [dreg:$0x8];
	s24 =	sadd.s32 s22, s24  }
0xbd: {  	[tilespmem:s29], [sflag:$0x2] =	stream.linear.gather [hbm4b:s24+s4], $0x80, $0x38;
	[tilespmem:$0x1C580] =	vst v63  }
0xbe: {  	s25 =	sadd.s32 s22, s25  }
0xbf: {  	[tilespmem:s30], [sflag:$0x2] =	stream.linear.gather [hbm4b:s25+s4], $0x80, $0x38;
	[tilespmem:$0x1C580] =	vst v63  }
0xc0: {  	_ =	swait.ge [sflag:s13], $0x4000  }
0xc1: {  	[sflag:s13] =	ssyncset.done $0x0  }
0xc2: {  	[sflag:s13] =	ssyncadd.s32 $0xFFFFC000  }
0xc3: {  	_ =	swait.ge [sflag:s18], $0x80  }
0xc4: {  	[sflag:s18] =	ssyncset.done $0x0  }
0xc5: {  	[sflag:s18] =	ssyncadd.s32 $0xFFFFFF80  }
0xc6: {  	_ =	swait.ge [sflag:s18], $0x80  }
0xc7: {  	[sflag:s18] =	ssyncset.done $0x0  }
0xc8: {  	[sflag:s18] =	ssyncadd.s32 $0xFFFFFF80  }
0xc9: {  	[tilespmem:s10], [sflag:$0x5] =	stream.indirect.gather [hbm4b:s1+s29], $0x80, s4, s29, $0xb8;
	[tilespmem:$0x1C580] =	vst v63  }
0xca: {  	_ =	swait.ge [sflag:s15], $0x4000  }
0xcb: {  	[sflag:s15] =	ssyncset.done $0x0  }
0xcc: {  	s24 =	rddreg [dreg:$0x7];
	[sflag:s15] =	ssyncadd.s32 $0xFFFFC000  }
0xcd: {  	[spmem:s3] =	stream.indirect.scatter.add.f32 [tilespmem:s11], [sflag:$0x8], $0x80, s7, s29, $0xb8;
	[tilespmem:$0x1C580] =	vst v63  }
0xce: {  	s25 =	rddreg [dreg:$0x6];
	s24 =	sadd.s32 s22, s24  }
0xcf: {  	[tilespmem:s31], [sflag:$0x3] =	stream.linear.gather [hbm4b:s24+s4], $0x80, $0x38;
	[tilespmem:$0x1C580] =	vst v63  }
0xd0: {  	s25 =	sadd.s32 s22, s25  }
0xd1: {  	[tilespmem:s0], [sflag:$0x3] =	stream.linear.gather [hbm4b:s25+s4], $0x80, $0x38;
	[tilespmem:$0x1C580] =	vst v63  }
0xd2: {  	_ =	swait.ge [sflag:s16], $0x4000  }
0xd3: {  	[sflag:s16] =	ssyncset.done $0x0  }
0xd4: {  	[sflag:s16] =	ssyncadd.s32 $0xFFFFC000  }
0xd5: {  	_ =	swait.ge [sflag:s19], $0x80  }
0xd6: {  	[sflag:s19] =	ssyncset.done $0x0  }
0xd7: {  	[sflag:s19] =	ssyncadd.s32 $0xFFFFFF80  }
0xd8: {  	_ =	swait.ge [sflag:s19], $0x80  }
0xd9: {  	[sflag:s19] =	ssyncset.done $0x0  }
0xda: {  	[sflag:s19] =	ssyncadd.s32 $0xFFFFFF80  }
0xdb: {  	[tilespmem:s11], [sflag:$0x6] =	stream.indirect.gather [hbm4b:s1+s29], $0x80, s29, s29, $0xb8;
	[tilespmem:$0x1C580] =	vst v63  }
0xdc: {  	p0 =	sne.s32 s9, $0x440;
	_ =	swait.ge [sflag:s12], $0x4000  }
.Ltmp0:
0xdd: {  	[sflag:s12] =	ssyncset.done $0x0;
	s24 =	rddreg [dreg:$0x5];
	(pc) =	sbr.rel @p0 .LBB2_2-.Ltmp0, $4  }
0xde: {  	s9 =	sadd.s32 $0x40, s9;
	s25 =	rddreg [dreg:$0x4];
	[sflag:s12] =	ssyncadd.s32 $0xFFFFC000  }
0xdf: {  	[spmem:s3] =	stream.indirect.scatter.add.f32 [tilespmem:s10], [sflag:$0x7], $0x80, s28, s29, $0xb8;
	[tilespmem:$0x1C580] =	vst v63  }
0xe0: {  	s21 =	sadd.s32 $0x200, s21;
	s24 =	sadd.s32 s22, s24;
	s22 =	sadd.s32 s22, s25  }
0xe1: {  	[tilespmem:s2], [sflag:$0x4] =	stream.linear.gather [hbm4b:s24+s4], $0x80, $0x38;
	[tilespmem:$0x1C580] =	vst v63  }
0xe2: {  	[tilespmem:s7], [sflag:$0x4] =	stream.linear.gather [hbm4b:s22+s4], $0x80, $0x38;
	[tilespmem:$0x1C580] =	vst v63  }
0xe3: {  	_ =	swait.ge [sflag:s13], $0x4000  }
0xe4: {  	[sflag:s13] =	ssyncset.done $0x0  }
0xe5: {  	[sflag:s13] =	ssyncadd.s32 $0xFFFFC000  }
0xe6: {  	_ =	swait.ge [sflag:s14], $0x80  }
0xe7: {  	[sflag:s14] =	ssyncset.done $0x0  }
0xe8: {  	[sflag:s14] =	ssyncadd.s32 $0xFFFFFF80  }
0xe9: {  	_ =	swait.ge [sflag:s14], $0x80  }
0xea: {  	[sflag:s14] =	ssyncset.done $0x0  }
0xeb: {  	[sflag:s14] =	ssyncadd.s32 $0xFFFFFF80  }
0xec: {  	[tilespmem:s10], [sflag:$0x5] =	stream.indirect.gather [hbm4b:s1+s29], $0x80, s31, s29, $0xb8;
	[tilespmem:$0x1C580] =	vst v63  }
0xed: {  	_ =	swait.ge [sflag:s15], $0x4000  }
0xee: {  	[sflag:s15] =	ssyncset.done $0x0  }
0xef: {  	[sflag:s15] =	ssyncadd.s32 $0xFFFFC000  }
0xf0: {  	[spmem:s3] =	stream.indirect.scatter.add.f32 [tilespmem:s11], [sflag:$0x8], $0x80, s30, s29, $0xb8;
	[tilespmem:$0x1C580] =	vst v63  }
0xf1: {  	s9 =	rddreg [dreg:$0x16]  }
0xf2: {  	[tilespmem:s4], [sflag:$0x1] =	stream.linear.gather [hbm4b:s9+s4], $0x80, $0x38;
	[tilespmem:$0x1C580] =	vst v63  }
0xf3: {  	s21 =	rddreg [dreg:$0x17]  }
0xf4: {  	[tilespmem:s28], [sflag:$0x1] =	stream.linear.gather [hbm4b:s21+s4], $0x80, $0x38;
	[tilespmem:$0x1C580] =	vst v63  }
0xf5: {  	_ =	swait.ge [sflag:s16], $0x4000  }
0xf6: {  	[sflag:s16] =	ssyncset.done $0x0  }
0xf7: {  	[sflag:s16] =	ssyncadd.s32 $0xFFFFC000  }
0xf8: {  	_ =	swait.ge [sflag:s17], $0x80  }
0xf9: {  	[sflag:s17] =	ssyncset.done $0x0  }
0xfa: {  	[sflag:s17] =	ssyncadd.s32 $0xFFFFFF80  }
0xfb: {  	_ =	swait.ge [sflag:s17], $0x80  }
0xfc: {  	[sflag:s17] =	ssyncset.done $0x0  }
0xfd: {  	[sflag:s17] =	ssyncadd.s32 $0xFFFFFF80  }
0xfe: {  	[tilespmem:s11], [sflag:$0x6] =	stream.indirect.gather [hbm4b:s1+s29], $0x80, s2, s29, $0xb8;
	[tilespmem:$0x1C580] =	vst v63  }
0xff: {  	_ =	swait.ge [sflag:s12], $0x4000  }
0x100: {  	[sflag:s12] =	ssyncset.done $0x0  }
0x101: {  	[sflag:s12] =	ssyncadd.s32 $0xFFFFC000  }
0x102: {  	[spmem:s3] =	stream.indirect.scatter.add.f32 [tilespmem:s10], [sflag:$0x7], $0x80, s0, s29, $0xb8;
	[tilespmem:$0x1C580] =	vst v63  }
0x103: {  	s22 =	rddreg [dreg:$0x18]  }
0x104: {  	[tilespmem:s29], [sflag:$0x2] =	stream.linear.gather [hbm4b:s22+s4], $0x80, $0x38;
	[tilespmem:$0x1C580] =	vst v63  }
0x105: {  	s24 =	rddreg [dreg:$0x19]  }
0x106: {  	[tilespmem:s30], [sflag:$0x2] =	stream.linear.gather [hbm4b:s24+s4], $0x80, $0x38;
	[tilespmem:$0x1C580] =	vst v63  }
0x107: {  	_ =	swait.ge [sflag:s13], $0x4000  }
0x108: {  	[sflag:s13] =	ssyncset.done $0x0  }
0x109: {  	[sflag:s13] =	ssyncadd.s32 $0xFFFFC000  }
0x10a: {  	_ =	swait.ge [sflag:s18], $0x80  }
0x10b: {  	[sflag:s18] =	ssyncset.done $0x0  }
0x10c: {  	[sflag:s18] =	ssyncadd.s32 $0xFFFFFF80  }
0x10d: {  	_ =	swait.ge [sflag:s18], $0x80  }
0x10e: {  	[sflag:s18] =	ssyncset.done $0x0  }
0x10f: {  	[sflag:s18] =	ssyncadd.s32 $0xFFFFFF80  }
0x110: {  	[tilespmem:s10], [sflag:$0x5] =	stream.indirect.gather [hbm4b:s1+s29], $0x80, s4, s29, $0xb8;
	[tilespmem:$0x1C580] =	vst v63  }
0x111: {  	_ =	swait.ge [sflag:s15], $0x4000  }
0x112: {  	[sflag:s15] =	ssyncset.done $0x0  }
0x113: {  	[sflag:s15] =	ssyncadd.s32 $0xFFFFC000  }
0x114: {  	[spmem:s3] =	stream.indirect.scatter.add.f32 [tilespmem:s11], [sflag:$0x8], $0x80, s7, s29, $0xb8;
	[tilespmem:$0x1C580] =	vst v63  }
0x115: {  	_ =	swait.ge [sflag:s16], $0x4000  }
0x116: {  	[sflag:s16] =	ssyncset.done $0x0  }
0x117: {  	[sflag:s16] =	ssyncadd.s32 $0xFFFFC000  }
0x118: {  	_ =	swait.ge [sflag:s19], $0x80  }
0x119: {  	[sflag:s19] =	ssyncset.done $0x0  }
0x11a: {  	[sflag:s19] =	ssyncadd.s32 $0xFFFFFF80  }
0x11b: {  	_ =	swait.ge [sflag:s19], $0x80  }
0x11c: {  	[sflag:s19] =	ssyncset.done $0x0  }
0x11d: {  	[sflag:s19] =	ssyncadd.s32 $0xFFFFFF80  }
0x11e: {  	[tilespmem:s11], [sflag:$0x6] =	stream.indirect.gather [hbm4b:s1+s29], $0x80, s29, s29, $0xb8;
	[tilespmem:$0x1C580] =	vst v63  }
0x11f: {  	_ =	swait.ge [sflag:s12], $0x4000  }
0x120: {  	[sflag:s12] =	ssyncset.done $0x0  }
0x121: {  	[sflag:s12] =	ssyncadd.s32 $0xFFFFC000  }
0x122: {  	[spmem:s3] =	stream.indirect.scatter.add.f32 [tilespmem:s10], [sflag:$0x7], $0x80, s28, s29, $0xb8;
	[tilespmem:$0x1C580] =	vst v63  }
0x123: {  	_ =	swait.ge [sflag:s15], $0x4000  }
0x124: {  	[sflag:s15] =	ssyncset.done $0x0  }
0x125: {  	[sflag:s15] =	ssyncadd.s32 $0xFFFFC000  }
0x126: {  	[spmem:s3] =	stream.indirect.scatter.add.f32 [tilespmem:s11], [sflag:$0x8], $0x80, s30, s29, $0xb8;
	[tilespmem:$0x1C580] =	vst v63  }
0x127: {  	_ =	swait.ge [sflag:s20], $0x10  }
0x128: {  	[sflag:s20] =	ssyncset.done $0x0  }
0x129: {  	[sflag:s20] =	ssyncadd.s32 $0xFFFFFFF0  }
0x12a: {  	_ =	swait.ge [sflag:s20], $0x10  }
0x12b: {  	s25 =	simm.s32 $0x10;
	[sflag:s20] =	ssyncset.done $0x0  }
0x12c: {  	s21 =	simm.s32 $0x400;
	s24 =	simm.s32 $0x8500;
	[sflag:s20] =	ssyncadd.s32 $0xFFFFFFF0  }
0x12d: {  	[tilespmem:s24], [sflag:$0x9] =	stream.indirect.gather [hbm4b:s1+s25], $0x80, s21, s25, $0xb8;
	[tilespmem:$0x1C580] =	vst v63  }
0x12e: {  	_ =	swait.ge [sflag:s13], $0x4000  }
0x12f: {  	[sflag:s13] =	ssyncset.done $0x0  }
0x130: {  	[sflag:s13] =	ssyncadd.s32 $0xFFFFC000  }
0x131: {  	_ =	swait.ge [sflag:s16], $0x4000  }
0x132: {  	[sflag:s16] =	ssyncset.done $0x0  }
0x133: {  	[sflag:s16] =	ssyncadd.s32 $0xFFFFC000  }
0x134: {  	_ =	swait.ge [sflag:s20], $0x800  }
0x135: {  	[sflag:s20] =	ssyncset.done $0x0  }
0x136: {  	s22 =	simm.s32 $0x480;
	[sflag:s20] =	ssyncadd.s32 $0xFFFFF800  }
0x137: {  	[spmem:s3] =	stream.indirect.scatter.add.f32 [tilespmem:s24], [sflag:$0xA], $0x80, s22, s25, $0xb8;
	[tilespmem:$0x1C580] =	vst v63  }
0x138: {  	_ =	swait.ge [sflag:s26], $0x800  }
0x139: {  	[sflag:s26] =	ssyncset.done $0x0  }
0x13a: {  	[sflag:s26] =	ssyncadd.s32 $0xFFFFF800  }
0x13b: {  	[bflag:$0x0] =	sbarrier.arrive $0xFFFF  }
0x13c: {  	s24 =	rddreg [dreg:$0x1a]  }
0x13d: {  	s25 =	rddreg [dreg:$0x1d]  }
0x13e: {  	[hbm:s24], [sflag:s25] =	dma.local [spmem:s8], $0x2800  }
0x13f: {  	_ =	swait.ge [sflag:s26], $0x2800  }
0x140: {  	s23 =	sadd.s32 $0x1, s23;
	s25 =	rddreg [dreg:$0x1b]  }
0x141: {  	p0 =	sne.s32 s23, s25  }
.Ltmp1:
0x142: {  	_ = 	snop;
	(pc) =	sbr.rel @p0 .LBB2_1-.Ltmp1, $3  }
0x143: {  	_ =	sdelay $0x1  }
0x144: {  	[sflag:s26] =	ssyncset.done $0x0  }
0x145: {  	[sflag:s26] =	ssyncadd.s32 $0xFFFFD800  }
0x146: {  	_ =	sfence.sel $0x180000  }
0x147: {  	[bflag:$0x0] =	sbarrier.arrive $0xFFFF  }
0x148: {  	_ =	strace $0x9000004D  }
0x149: {  	s0 =	stileid.u32;
	[bflag:$0x2] =	sbarrier.arrive $0xFFFF  }
0x14a: {  	p0 =	sne.s32 s0, $0x0;
	s0 =	rddreg [dreg:$0x3]  }
0x14b: {  	s0 =	sadd.s32 @!p0 $0x100000, s0  }
0x14c: {  	[sflag:s0] =	ssyncadd.tile.s32 @!p0 $0x1;
	_ =	shalt  }
.Lfunc_end2:
_tile_overlayer_lowered:
.L_overlay_start_2:
0x14d: {  	(tag) =	ssettag $0x2  }
0x14e: {  	s0 =	rddreg [dreg:$0x0];
	s2 =	stileid.u32  }
0x14f: {  	s1 =	rddreg [dreg:$0x1];
	p0 =	sne.s32 s2, $0x0  }
0x150: {  	s3 =	rddreg [dreg:$0x2];
	[bflag:$0x3] =	sbarrier.arrive $0xFFFF;
	s2 =	simm.s32 @!p0 $0x1C0A  }
0x151: {  	[timem:s3], [sflag:s2] =	dma.local @!p0 [hbm:s0], s1  }
0x152: {  	s0 =	simm.s32 @!p0 $0xA  }
0x153: {  	_ =	swait.ge @!p0 [sflag:s0], s1  }
0x154: {  	s1 =	ssub.s32 @!p0 $0x0, s1;
	[sflag:s0] =	ssyncset.done @!p0 $0x0  }
0x155: {  	[sflag:s0] =	ssyncadd.s32 @!p0 s1  }
0x156: {  	[bflag:$0x3] =	sbarrier.arrive $0xFFFF  }
0x157: {  	_ =	shalt  }

// kernel: kernel.19.cloned.1.call-start
scs
__scs_entry_jumppad:
0x0: {  	(pc) =	sbr.rel $0x88, $3  }
0x1: {  	(tag) =	ssettag $0x0;
	lr =	simm.s32 $0x1  }
0x2: {  	[smem:$0x3F97] =	sst lr;
	_ =	strace $0xD0000000  }
0x3: {  	_ = 	snop  }
0x4: {  	_ = 	snop  }
0x5: {  	_ = 	snop  }
0x6: {  	_ = 	snop  }
0x7: {  	_ = 	snop  }
__scs_overlays_trampoline_lowered:
0x8: {  	[smem:$0x3FA6] =	sst s0  }
0x9: {  	[smem:$0x3FA7] =	sst s1  }
0xa: {  	[smem:$0x3FA8] =	sst s2  }
0xb: {  	[smem:$0x3FA9] =	sst s3  }
0xc: {  	[smem:$0x3FAA] =	sst s4  }
0xd: {  	[smem:$0x3FAB] =	sst s5  }
0xe: {  	[smem:$0x3FAC] =	sst s6  }
0xf: {  	[smem:$0x3FAD] =	sst s7  }
0x10: {  	[smem:$0x3FAE] =	sst s8  }
0x11: {  	[smem:$0x3FAF] =	sst s9;
	s0 =	simm.s32 @!p0 $0x0  }
0x12: {  	s1 =	sld [smem:$0x3F95];
	s0 =	simm.s32 @p0 $0x1  }
0x13: {  	[smem:$0x3FB0] =	sst s0;
	s0 =	simm.s32 @!p1 $0x0  }
0x14: {  	s2 =	sld [smem:$0x3F94];
	s0 =	simm.s32 @p1 $0x1  }
0x15: {  	[smem:$0x3FB1] =	sst s0;
	s0 =	simm.s32 @!p2 $0x0  }
0x16: {  	s3 =	sld [smem:$0x3FDB];
	s0 =	simm.s32 @p2 $0x1  }
0x17: {  	s4 =	simm.s32 $0x1BF5;
	[smem:$0x3FB3] =	sst s0  }
0x18: {  	s0 =	sld [smem:$0x3F96];
	_ =	swait.ge [sflag:s4], $0x0  }
0x19: {  	s7 =	sld [smem:$0x3F97]  }
0x1a: {  	s8 =	sadd.s32 $0xFFFFE003, lr  }
0x1b: {  	s9 =	sadd.s32 $0xFFFFFEF7, lr;
	s5 =	simm.s32 $0xFFFFFFFF;
	p2 =	slt.u32 s8, $0xFFFFF086  }
0x1c: {  	p1 =	slt.u32 s9, $0xF7A;
	s5 =	simm.s32 @!p2 $0x0  }
0x1d: {  	s5 =	simm.s32 @p1 $0x1;
	p0 =	seq.s32 s7, s2  }
0x1e: {  	s7 =	smul.u32 @!p0 $0xF7A, s2;
	p2 =	seq.s32 @!p0 s5, $0x0  }
0x1f: {  	s9 =	smul.u32 $0xF7A, s1;
	s8 =	simm.s32 @!p0 $0x1BF5;
	p2 =	por !p2, p0  }
0x20: {  	[sflag:s8] =	ssyncset.s32 @!p0 $0xFFFFF086;
	s6 =	sadd.s32 @!p0 s3, s7;
	s7 =	simm.s32 @!p0 $0x108  }
0x21: {  	s3 =	sadd.s32 s3, s9;
	s6 =	sadd.s32 @!p0 $0x88, s6;
	s7 =	simm.s32 @p2 $0x1082  }
0x22: {  	[simem:s7], [sflag:s8] =	dma.local @!p0 [hbm:s6], $0xF7A  }
0x23: {  	s9 =	sor.u32 $0xD0000000, s2;
	s6 =	simm.s32 $0x108;
	_ =	swait.ge @!p0 [sflag:s8], $0x0  }
0x24: {  	s3 =	sadd.s32 $0x88, s3;
	s6 =	simm.s32 @!p1 $0x1082;
	[sflag:s4] =	ssyncset.s32 $0xFFFFF086  }
0x25: {  	[simem:s6], [sflag:s4] =	dma.local [hbm:s3], $0xF7A  }
0x26: {  	[smem:$0x3F97] =	sst s1;
	(tag) =	ssettag s2;
	_ =	strace s9  }
0x27: {  	s1 =	sld [smem:$0x3FA7]  }
0x28: {  	s2 =	sld [smem:$0x3FA8]  }
0x29: {  	s4 =	sld [smem:$0x3FAA]  }
0x2a: {  	p0 =	seq.s32 s5, $0x0;
	s5 =	sld [smem:$0x3FAB]  }
0x2b: {  	s6 =	sld [smem:$0x3FAC]  }
0x2c: {  	s7 =	sld [smem:$0x3FAD]  }
0x2d: {  	s3 =	simm.s32 $0x108;
	s8 =	sld [smem:$0x3FAE]  }
0x2e: {  	s3 =	simm.s32 @!p0 $0x1082;
	s9 =	sld [smem:$0x3FAF]  }
0x2f: {  	lr =	sadd.s32 s0, s3;
	s0 =	sld [smem:$0x3FA6]  }
0x30: {  	s3 =	sld [smem:$0x3FA9]  }
0x31: {  	[smem:$0x3FB2] =	sst s10  }
0x32: {  	s10 =	sld [smem:$0x3FB0];
	_ =	sdelay $0x3  }
0x33: {  	p0 =	seq.s32 s10, $0x1;
	s10 =	sld [smem:$0x3FB2];
	_ =	sdelay $0x3  }
0x34: {  	[smem:$0x3FB2] =	sst s10  }
0x35: {  	s10 =	sld [smem:$0x3FB1];
	_ =	sdelay $0x3  }
0x36: {  	p1 =	seq.s32 s10, $0x1;
	s10 =	sld [smem:$0x3FB2];
	_ =	sdelay $0x3  }
0x37: {  	[smem:$0x3FB2] =	sst s10  }
0x38: {  	s10 =	sld [smem:$0x3FB3]  }
0x39: {  	_ = 	snop;
	(pc) =	sbr.ind lr, $3  }
0x3a: {  	_ = 	snop  }
0x3b: {  	_ = 	snop  }
0x3c: {  	p2 =	seq.s32 s10, $0x1;
	s10 =	sld [smem:$0x3FB2]  }
0x3d: {  	_ =	shalt  }
0x3e: {  	_ =	shalt  }
0x3f: {  	_ =	shalt  }
0x40: {  	_ =	shalt  }
0x41: {  	_ =	shalt  }
0x42: {  	_ =	shalt  }
0x43: {  	_ =	shalt  }
0x44: {  	_ =	shalt  }
0x45: {  	_ =	shalt  }
0x46: {  	_ =	shalt  }
0x47: {  	_ =	shalt  }
0x48: {  	_ =	shalt  }
0x49: {  	_ =	shalt  }
0x4a: {  	_ =	shalt  }
0x4b: {  	_ =	shalt  }
0x4c: {  	_ =	shalt  }
0x4d: {  	_ =	shalt  }
0x4e: {  	_ =	shalt  }
0x4f: {  	_ =	shalt  }
0x50: {  	_ =	shalt  }
0x51: {  	_ =	shalt  }
0x52: {  	_ =	shalt  }
0x53: {  	_ =	shalt  }
0x54: {  	_ =	shalt  }
0x55: {  	_ =	shalt  }
0x56: {  	_ =	shalt  }
0x57: {  	_ =	shalt  }
0x58: {  	_ =	shalt  }
0x59: {  	_ =	shalt  }
0x5a: {  	_ =	shalt  }
0x5b: {  	_ =	shalt  }
0x5c: {  	_ =	shalt  }
0x5d: {  	_ =	shalt  }
0x5e: {  	_ =	shalt  }
0x5f: {  	_ =	shalt  }
0x60: {  	_ =	shalt  }
0x61: {  	_ =	shalt  }
0x62: {  	_ =	shalt  }
0x63: {  	_ =	shalt  }
0x64: {  	_ =	shalt  }
0x65: {  	_ =	shalt  }
0x66: {  	_ =	shalt  }
0x67: {  	_ =	shalt  }
0x68: {  	_ =	shalt  }
0x69: {  	_ =	shalt  }
0x6a: {  	_ =	shalt  }
0x6b: {  	_ =	shalt  }
0x6c: {  	_ =	shalt  }
0x6d: {  	_ =	shalt  }
0x6e: {  	_ =	shalt  }
0x6f: {  	_ =	shalt  }
0x70: {  	_ =	shalt  }
0x71: {  	_ =	shalt  }
0x72: {  	_ =	shalt  }
0x73: {  	_ =	shalt  }
0x74: {  	_ =	shalt  }
0x75: {  	_ =	shalt  }
0x76: {  	_ =	shalt  }
0x77: {  	_ =	shalt  }
0x78: {  	_ =	shalt  }
0x79: {  	_ =	shalt  }
0x7a: {  	_ =	shalt  }
0x7b: {  	_ =	shalt  }
0x7c: {  	_ =	shalt  }
0x7d: {  	_ =	shalt  }
0x7e: {  	_ =	shalt  }
0x7f: {  	_ =	shalt  }
0x80: {  	_ =	shalt  }
0x81: {  	_ =	shalt  }
0x82: {  	_ =	shalt  }
0x83: {  	_ =	shalt  }
0x84: {  	_ =	shalt  }
0x85: {  	_ =	shalt  }
0x86: {  	_ =	shalt  }
0x87: {  	_ =	shalt  }
.Lfunc_end0:
.L_simem_size_0:
called_computation.3_lowered:
.L_overlay_start_0:
0x88: {  	s2 =	sld [smem:$0x3FD9]  }
0x89: {  	s3 =	sld [smem:$0x3FFE];
	_ =	sdelay $0x1  }
0x8a: {  	s1 =	srdreg.scid  }
0x8b: {  	s0 =	sand.u32 $0x1, s1  }
0x8c: {  	s14 =	sshll.u32 s0, $0xA;
	s2 =	sadd.s32 s3, s2  }
0x8d: {  	s2 =	sadd.s32 s2, s14  }
0x8e: {  	[smem:$0x3FBE] =	sst s2  }
0x8f: {  	_ = 	snop  }
0x90: {  	s2 =	sld [smem:$0x3FD0];
	_ =	sdelay $0x2  }
0x91: {  	s15 =	simm.s32 $0xA;
	s4 =	simm.s32 $0x10  }
0x92: {  	[smem:s4], [sflag:s15] =	dma.local [hbm:s2], $0x1  }
0x93: {  	_ =	swait.eq [sflag:s15], $0x1  }
0x94: {  	[sflag:s15] =	ssyncset.done $0x0  }
0x95: {  	[sflag:s15] =	ssyncadd.s32 $0xFFFFFFFF  }
0x96: {  	s16 =	sld [smem:$0x10];
	(tm) =	ssettm $0x1  }
0x97: {  	s17 =	sld [smem:$0x3FFB];
	_ =	sdelay $0x3  }
0x98: {  	_ =	strace s17  }
0x99: {  	s3 =	sld [smem:$0x3FFC];
	_ =	sdelay $0x3  }
0x9a: {  	_ =	strace s3  }
0x9b: {  	s3 =	sld [smem:$0x3FFD];
	_ =	sdelay $0x3  }
0x9c: {  	_ =	strace s3  }
0x9d: {  	_ =	strace $0x8FFFFFFF  }
0x9e: {  	s18 =	sld [smem:$0x3FDB];
	_ =	sdelay $0x1  }
0x9f: {  	s19 =	simm.s32 $_scs_section_size  }
0xa0: {  	s5 =	simm.s32 $_size__tile_overlayer_lowered;
	s6 =	simm.s32 $_tile_overlayer_lowered  }
0xa1: {  	s22 =	simm.s32 $0x1BFF;
	s21 =	sshll.u32 s6, $0x1;
	s3 =	sadd.s32 s19, s18  }
0xa2: {  	s7 =	simm.s32 $0x0;
	s20 =	sshll.u32 s5, $0x1;
	s5 =	sadd.s32 s21, s3  }
0xa3: {  	[timem:s7], [sflag:s22] =	dma.local [hbm:s5], s20  }
0xa4: {  	_ =	swait.ge [sflag:s22], s20  }
0xa5: {  	s4 =	ssub.s32 $0x0, s20;
	[sflag:s22] =	ssyncset.done $0x0  }
0xa6: {  	[sflag:s22] =	ssyncadd.s32 s4;
	_ =	sdelay $0x1  }
0xa7: {  	s23 =	simm.s32 $0x1B8B  }
0xa8: {  	_ =	swait.ge [sflag:s23], $0x1  }
0xa9: {  	[sflag:s23] =	ssyncset.done $0x0  }
0xaa: {  	s25 =	simm.s32 $0x1B8E;
	s24 =	sld [smem:$0x3FFE];
	[sflag:s23] =	ssyncadd.s32 $0xFFFFFFFF  }
0xab: {  	s26 =	simm.s32 $execute0_lowered;
	[smem:$0x3FD2] =	sst s25  }
0xac: {  	s5 =	sshll.u32 s26, $0x1;
	_ =	strace $0x8000004F;
	[dreg:$0x1] =	wrdreg $0xFFFFFFFF  }
0xad: {  	s28 =	simm.s32 $_size_execute0_lowered;
	s3 =	sadd.s32 s3, s5;
	[dreg:$0x0] =	wrdreg $0x0  }
0xae: {  	s5 =	sshll.u32 s28, $0x1;
	[dreg:$0x2] =	wrdreg s3  }
0xaf: {  	[dreg:$0x3] =	wrdreg s5  }
0xb0: {  	[dreg:$0x4] =	wrdreg $0xC0  }
0xb1: {  	_ =	task [dreg:s7], $0x5FFFF  }
0xb2: {  	[dreg:$0x1] =	wrdreg $0xFFFFFFFF  }
0xb3: {  	[dreg:$0x0] =	wrdreg $0x60  }
0xb4: {  	[dreg:$0x2] =	wrdreg s16  }
0xb5: {  	[dreg:$0x3] =	wrdreg s24  }
0xb6: {  	[dreg:$0x4] =	wrdreg $0x8D000  }
0xb7: {  	[dreg:$0x5] =	wrdreg $0x9  }
0xb8: {  	_ =	task.clear_ibuf [dreg:s7], $0x6FFFF;
	_ =	strace $0x9000004F  }
0xb9: {  	s29 =	simm.s32 $0x9;
	_ =	strace $0x80000051  }
0xba: {  	_ =	swait.ge [sflag:s29], $0x1  }
0xbb: {  	[sflag:s29] =	ssyncadd.s32 $0xFFFFFFFF  }
0xbc: {  	_ =	strace $0x90000051  }
0xbd: {  	_ =	sfence  }
0xbe: {  	s30 =	sld [smem:$0x0];
	_ =	sdelay $0x2  }
0xbf: {  	s31 =	sshll.u32 s1, $0xD;
	s1 =	sshrl.u32 s1, $0x2  }
0xc0: {  	s3 =	sand.u32 $0x4000, s31;
	s1 =	sadd.s32 s1, s30  }
0xc1: {  	s0 =	sor.u32 s3, s0;
	s1 =	sshll.u32 s1, $0x11  }
0xc2: {  	s0 =	sor.u32 s1, s0  }
0xc3: {  	s0 =	sadd.s32 $0x8F2B, s0  }
0xc4: {  	[sflag:s0] =	ssyncadd.remote.s32 $0x1  }
0xc5: {  	_ =	sfence.sel $0xFFFF  }
0xc6: {  	[dreg:$0x0] =	wrdreg $0xFFFFFFFF;
	(pc) =	sbr.abs _section_cstart, $3  }
0xc7: {  	[dreg:$0x1] =	wrdreg $0xFFFFFFFF  }
0xc8: {  	_ =	task.clear_ibuf [dreg:s7], $0x2FFFF;
	_ =	strace $0x9FFFFFFF  }
0xc9: {  	(tm) =	ssettm $0x7FFFFFFF  }
tec
execute0_lowered:
.L_overlay_start_1:
0x0: {  	(tag) =	ssettag $0x1  }
0x1: {  	s1 =	rddreg [dreg:$0x0]  }
0x2: {  	s0 =	rddreg [dreg:$0x1]  }
0x3: {  	s3 =	rddreg [dreg:$0x2]  }
0x4: {  	s2 =	srdreg.scid;
	s13 =	stileid.u32  }
0x5: {  	s4 =	simm.s32 $0x0;
	s28 =	simm.s32 $0x200;
	s29 =	simm.s32 $0x80  }
0x6: {  	s30 =	simm.s32 $0x280;
	s31 =	simm.s32 $0x100;
	s7 =	smul.u32 $0x13800, s13  }
0x7: {  	s2 =	sand.u32 $0x1, s2;
	[smem:$0x7FF] =	sst s4;
	s20 =	smul.u32 $0x4E000, s13  }
0x8: {  	s5 =	sshll.u32 s2, $0x4;
	s8 =	smul.u32 $0x138800, s2;
	_ =	strace $0x80000050  }
0x9: {  	s10 =	ssub.s32 $0x2, s2;
	s2 =	smul.u32 $0x27100, s2;
	s6 =	sor.u32 s13, s5  }
0xa: {  	s5 =	sadd.s32 $0x2E00, s0;
	s11 =	sshrl.u32 s10, $0x1;
	s9 =	smul.u32 $0x2710, s6  }
0xb: {  	s6 =	sadd.s32 $0xCC00, s0;
	s8 =	sadd.s32 s7, s8;
	s7 =	sshrl.u32 s7, $0x3  }
0xc: {  	s8 =	sshrl.u32 s8, $0x3;
	s7 =	sadd.s32 s1, s7;
	s9 =	sshrl.u32 s9, $0x3  }
0xd: {  	s0 =	sadd.s32 s8, s0;
	[dreg:$0x15] =	wrdreg s7;
	s12 =	sadd.s32 s5, s9  }
0xe: {  	s8 =	ssub.s32 s10, s11;
	s14 =	sadd.s32 s6, s9;
	[dreg:$0xa] =	wrdreg s12  }
0xf: {  	s26 =	sadd.s32 $0x10, s9;
	s0 =	sadd.s32 $0x16A00, s0;
	[dreg:$0xb] =	wrdreg s14  }
0x10: {  	s16 =	sadd.s32 $0x20, s9;
	s15 =	sadd.s32 s5, s26;
	[dreg:$0x1a] =	wrdreg s0  }
0x11: {  	s18 =	sadd.s32 $0x30, s9;
	s10 =	sadd.s32 s6, s26;
	[dreg:$0xc] =	wrdreg s15  }
0x12: {  	s21 =	sadd.s32 $0x4E0, s9;
	s17 =	sadd.s32 s5, s16;
	[dreg:$0xd] =	wrdreg s10  }
0x13: {  	s12 =	smul.u32 $0x2710, s13;
	s19 =	sadd.s32 s5, s18;
	[dreg:$0xe] =	wrdreg s17  }
0x14: {  	s11 =	sadd.s32 s6, s18;
	s22 =	sadd.s32 s5, s21;
	[dreg:$0x10] =	wrdreg s19  }
0x15: {  	s18 =	sadd.s32 $0x4C0, s9;
	s0 =	simm.s32 $0x300;
	[dreg:$0x11] =	wrdreg s11  }
0x16: {  	s10 =	sadd.s32 s6, s16;
	[dreg:$0x12] =	wrdreg s22;
	s11 =	sadd.s32 s6, s21  }
0x17: {  	s21 =	sadd.s32 s6, s18;
	s22 =	sadd.s32 $0x4D0, s9;
	[dreg:$0xf] =	wrdreg s10  }
0x18: {  	s2 =	sadd.s32 s12, s2;
	s10 =	sshrl.u32 s20, $0x2;
	[dreg:$0x13] =	wrdreg s11  }
0x19: {  	s20 =	sadd.s32 s5, s18;
	[dreg:$0x17] =	wrdreg s21;
	s7 =	sadd.s32 s6, s22  }
0x1a: {  	s21 =	simm.s32 $0x400;
	s11 =	simm.s32 $0x4500;
	s12 =	simm.s32 $0x5  }
0x1b: {  	s18 =	simm.s32 $0x1;
	s23 =	sadd.s32 $0x380, s2;
	[dreg:$0x16] =	wrdreg s20  }
0x1c: {  	s10 =	sadd.s32 s10, s3;
	s26 =	sadd.s32 $0x300, s2;
	[dreg:$0x19] =	wrdreg s7  }
0x1d: {  	s15 =	sadd.s32 $0x280, s2;
	s7 =	simm.s32 $0x380;
	[dreg:$0x14] =	wrdreg s10  }
0x1e: {  	s24 =	sshrl.u32 s23, $0x3;
	s13 =	sshrl.u32 s26, $0x3;
	s26 =	sadd.s32 $0x200, s2  }
0x1f: {  	s20 =	simm.s32 $0x9;
	s25 =	sadd.s32 s24, s6;
	[dreg:$0x1c] =	wrdreg s26  }
0x20: {  	s17 =	sshrl.u32 s15, $0x3;
	s10 =	sadd.s32 s24, s5;
	[dreg:$0x4] =	wrdreg s25  }
0x21: {  	s2 =	simm.s32 $0x180;
	s14 =	sadd.s32 s13, s6;
	[dreg:$0x5] =	wrdreg s10  }
0x22: {  	s15 =	simm.s32 $0x6;
	s16 =	sadd.s32 s13, s5;
	[dreg:$0x6] =	wrdreg s14  }
0x23: {  	s19 =	sadd.s32 s17, s6;
	s23 =	sadd.s32 s17, s5;
	[dreg:$0x7] =	wrdreg s16  }
0x24: {  	s24 =	sadd.s32 s5, s22;
	s26 =	simm.s32 $0xA;
	[dreg:$0x8] =	wrdreg s19  }
0x25: {  	s22 =	simm.s32 $0x480;
	s13 =	simm.s32 $0x7;
	[dreg:$0x9] =	wrdreg s23  }
0x26: {  	s17 =	simm.s32 $0x4;
	[dreg:$0x18] =	wrdreg s24;
	s25 =	smax.u32 s8, $0x1  }
0x27: {  	s10 =	simm.s32 $0x500;
	s14 =	simm.s32 $0x3;
	s16 =	simm.s32 $0x8  }
0x28: {  	s19 =	simm.s32 $0x2;
	s23 =	simm.s32 $0x0;
	[dreg:$0x1b] =	wrdreg s25  }
.LBB2_1:
0x29: {  	s8 =	rddreg [dreg:$0xa]  }
0x2a: {  	[tilespmem:s4], [sflag:$0xA] =	stream.linear.gather [hbm4b:s8+s4], $0x80, $0x38;
	[tilespmem:$0x1C580] =	vst v63  }
0x2b: {  	_ =	swait.ge [sflag:s26], $0x80  }
0x2c: {  	[sflag:s26] =	ssyncset.done $0x0  }
0x2d: {  	s25 =	rddreg [dreg:$0xb];
	[sflag:s26] =	ssyncadd.s32 $0xFFFFFF80  }
0x2e: {  	[tilespmem:s28], [sflag:$0xA] =	stream.linear.gather [hbm4b:s25+s4], $0x80, $0x38;
	[tilespmem:$0x1C580] =	vst v63  }
0x2f: {  	_ =	swait.ge [sflag:s26], $0x80  }
0x30: {  	[sflag:s26] =	ssyncset.done $0x0  }
0x31: {  	s9 =	rddreg [dreg:$0xc];
	[sflag:s26] =	ssyncadd.s32 $0xFFFFFF80  }
0x32: {  	[tilespmem:s29], [sflag:$0xA] =	stream.linear.gather [hbm4b:s9+s4], $0x80, $0x38;
	[tilespmem:$0x1C580] =	vst v63  }
0x33: {  	_ =	swait.ge [sflag:s26], $0x80  }
0x34: {  	[sflag:s26] =	ssyncset.done $0x0  }
0x35: {  	s24 =	rddreg [dreg:$0xd];
	[sflag:s26] =	ssyncadd.s32 $0xFFFFFF80  }
0x36: {  	[tilespmem:s30], [sflag:$0xA] =	stream.linear.gather [hbm4b:s24+s4], $0x80, $0x38;
	[tilespmem:$0x1C580] =	vst v63  }
0x37: {  	_ =	swait.ge [sflag:s26], $0x80  }
0x38: {  	[sflag:s26] =	ssyncset.done $0x0  }
0x39: {  	s25 =	rddreg [dreg:$0xe];
	[sflag:s26] =	ssyncadd.s32 $0xFFFFFF80  }
0x3a: {  	[tilespmem:s31], [sflag:$0x3] =	stream.linear.gather [hbm4b:s25+s4], $0x80, $0x38;
	[tilespmem:$0x1C580] =	vst v63  }
0x3b: {  	s9 =	rddreg [dreg:$0xf]  }
0x3c: {  	[tilespmem:s0], [sflag:$0x3] =	stream.linear.gather [hbm4b:s9+s4], $0x80, $0x38;
	[tilespmem:$0x1C580] =	vst v63  }
0x3d: {  	s24 =	rddreg [dreg:$0x10]  }
0x3e: {  	[tilespmem:s2], [sflag:$0x4] =	stream.linear.gather [hbm4b:s24+s4], $0x80, $0x38;
	[tilespmem:$0x1C580] =	vst v63  }
0x3f: {  	s24 =	stileid.u32  }
0x40: {  	s25 =	rddreg [dreg:$0x11];
	s8 =	sshll.u32 s24, $0x6  }
0x41: {  	[tilespmem:s7], [sflag:$0x4] =	stream.linear.gather [hbm4b:s25+s4], $0x80, $0x38;
	[tilespmem:$0x1C580] =	vst v63  }
0x42: {  	s9 =	rddreg [dreg:$0x12];
	s25 =	sor.u32 $0x1C0A, s8  }
0x43: {  	[dreg:$0x1d] =	wrdreg s25  }
0x44: {  	[tilespmem:s21], [sflag:$0x9] =	stream.linear.gather [hbm4b:s9+s4], $0x10, $0x38;
	[tilespmem:$0x1C580] =	vst v63  }
0x45: {  	s21 =	rddreg [dreg:$0x13]  }
0x46: {  	s9 =	rddreg [dreg:$0x14]  }
0x47: {  	[tilespmem:s22], [sflag:$0x9] =	stream.linear.gather [hbm4b:s21+s4], $0x10, $0x38;
	[tilespmem:$0x1C580] =	vst v63  }
0x48: {  	s8 =	sshrl.u32 s9, $0x3;
	s9 =	rddreg [dreg:$0x15]  }
0x49: {  	[tilespmem:s10], [sflag:$0x5] =	stream.indirect.gather [hbm4b:s1+s29], $0x80, s4, s29, $0xb8;
	[tilespmem:$0x1C580] =	vst v63  }
0x4a: {  	[spmem:s8], [sflag:s25] =	dma.local [hbm:s9], $0x2800  }
0x4b: {  	_ =	swait.ge [sflag:s26], $0x2800  }
0x4c: {  	[sflag:s26] =	ssyncset.done $0x0  }
0x4d: {  	[sflag:s26] =	ssyncadd.s32 $0xFFFFD800  }
0x4e: {  	[bflag:$0x0] =	sbarrier.arrive $0xFFFF  }
0x4f: {  	[tilespmem:s11], [sflag:$0x6] =	stream.indirect.gather [hbm4b:s1+s29], $0x80, s29, s29, $0xb8;
	[tilespmem:$0x1C580] =	vst v63  }
0x50: {  	_ =	swait.ge [sflag:s12], $0x4000  }
0x51: {  	[sflag:s12] =	ssyncset.done $0x0  }
0x52: {  	[sflag:s12] =	ssyncadd.s32 $0xFFFFC000  }
0x53: {  	[spmem:s3] =	stream.indirect.scatter.add.f32 [tilespmem:s10], [sflag:$0x7], $0x80, s28, s29, $0xb8;
	[tilespmem:$0x1C580] =	vst v63  }
0x54: {  	_ =	swait.ge [sflag:s13], $0x4000  }
0x55: {  	[sflag:s13] =	ssyncset.done $0x0  }
0x56: {  	[sflag:s13] =	ssyncadd.s32 $0xFFFFC000  }
0x57: {  	_ =	swait.ge [sflag:s14], $0x80  }
0x58: {  	[sflag:s14] =	ssyncset.done $0x0  }
0x59: {  	[sflag:s14] =	ssyncadd.s32 $0xFFFFFF80  }
0x5a: {  	_ =	swait.ge [sflag:s14], $0x80  }
0x5b: {  	[sflag:s14] =	ssyncset.done $0x0  }
0x5c: {  	[sflag:s14] =	ssyncadd.s32 $0xFFFFFF80  }
0x5d: {  	[tilespmem:s10], [sflag:$0x5] =	stream.indirect.gather [hbm4b:s1+s29], $0x80, s31, s29, $0xb8;
	[tilespmem:$0x1C580] =	vst v63  }
0x5e: {  	_ =	swait.ge [sflag:s15], $0x4000  }
0x5f: {  	[sflag:s15] =	ssyncset.done $0x0;
	s24 =	rddreg [dreg:$0x1c]  }
0x60: {  	[sflag:s15] =	ssyncadd.s32 $0xFFFFC000;
	s22 =	sshrl.u32 s24, $0x3  }
0x61: {  	[spmem:s3] =	stream.indirect.scatter.add.f32 [tilespmem:s11], [sflag:$0x8], $0x80, s30, s29, $0xb8;
	[tilespmem:$0x1C580] =	vst v63  }
0x62: {  	s25 =	sadd.s32 s5, s22  }
0x63: {  	[tilespmem:s4], [sflag:$0x1] =	stream.linear.gather [hbm4b:s25+s4], $0x80, $0x38;
	[tilespmem:$0x1C580] =	vst v63  }
0x64: {  	s9 =	sadd.s32 s6, s22  }
0x65: {  	[tilespmem:s28], [sflag:$0x1] =	stream.linear.gather [hbm4b:s9+s4], $0x80, $0x38;
	[tilespmem:$0x1C580] =	vst v63  }
0x66: {  	_ =	swait.ge [sflag:s16], $0x4000  }
0x67: {  	[sflag:s16] =	ssyncset.done $0x0  }
0x68: {  	[sflag:s16] =	ssyncadd.s32 $0xFFFFC000  }
0x69: {  	_ =	swait.ge [sflag:s17], $0x80  }
0x6a: {  	[sflag:s17] =	ssyncset.done $0x0  }
0x6b: {  	[sflag:s17] =	ssyncadd.s32 $0xFFFFFF80  }
0x6c: {  	_ =	swait.ge [sflag:s17], $0x80  }
0x6d: {  	[sflag:s17] =	ssyncset.done $0x0  }
0x6e: {  	[sflag:s17] =	ssyncadd.s32 $0xFFFFFF80  }
0x6f: {  	[tilespmem:s11], [sflag:$0x6] =	stream.indirect.gather [hbm4b:s1+s29], $0x80, s2, s29, $0xb8;
	[tilespmem:$0x1C580] =	vst v63  }
0x70: {  	_ =	swait.ge [sflag:s12], $0x4000  }
0x71: {  	[sflag:s12] =	ssyncset.done $0x0  }
0x72: {  	s22 =	rddreg [dreg:$0x9];
	[sflag:s12] =	ssyncadd.s32 $0xFFFFC000  }
0x73: {  	[spmem:s3] =	stream.indirect.scatter.add.f32 [tilespmem:s10], [sflag:$0x7], $0x80, s0, s29, $0xb8;
	[tilespmem:$0x1C580] =	vst v63  }
0x74: {  	s25 =	rddreg [dreg:$0x8];
	s9 =	sadd.s32 $0x0, s22  }
0x75: {  	[tilespmem:s29], [sflag:$0x2] =	stream.linear.gather [hbm4b:s9+s4], $0x80, $0x38;
	[tilespmem:$0x1C580] =	vst v63  }
0x76: {  	s21 =	sadd.s32 $0x0, s25  }
0x77: {  	[tilespmem:s30], [sflag:$0x2] =	stream.linear.gather [hbm4b:s21+s4], $0x80, $0x38;
	[tilespmem:$0x1C580] =	vst v63  }
0x78: {  	_ =	swait.ge [sflag:s13], $0x4000  }
0x79: {  	[sflag:s13] =	ssyncset.done $0x0  }
0x7a: {  	[sflag:s13] =	ssyncadd.s32 $0xFFFFC000  }
0x7b: {  	_ =	swait.ge [sflag:s18], $0x80  }
0x7c: {  	[sflag:s18] =	ssyncset.done $0x0  }
0x7d: {  	[sflag:s18] =	ssyncadd.s32 $0xFFFFFF80  }
0x7e: {  	_ =	swait.ge [sflag:s18], $0x80  }
0x7f: {  	[sflag:s18] =	ssyncset.done $0x0  }
0x80: {  	[sflag:s18] =	ssyncadd.s32 $0xFFFFFF80  }
0x81: {  	[tilespmem:s10], [sflag:$0x5] =	stream.indirect.gather [hbm4b:s1+s29], $0x80, s4, s29, $0xb8;
	[tilespmem:$0x1C580] =	vst v63  }
0x82: {  	_ =	swait.ge [sflag:s15], $0x4000  }
0x83: {  	[sflag:s15] =	ssyncset.done $0x0  }
0x84: {  	s22 =	rddreg [dreg:$0x7];
	[sflag:s15] =	ssyncadd.s32 $0xFFFFC000  }
0x85: {  	[spmem:s3] =	stream.indirect.scatter.add.f32 [tilespmem:s11], [sflag:$0x8], $0x80, s7, s29, $0xb8;
	[tilespmem:$0x1C580] =	vst v63  }
0x86: {  	s25 =	rddreg [dreg:$0x6];
	s9 =	sadd.s32 $0x0, s22  }
0x87: {  	[tilespmem:s31], [sflag:$0x3] =	stream.linear.gather [hbm4b:s9+s4], $0x80, $0x38;
	[tilespmem:$0x1C580] =	vst v63  }
0x88: {  	s21 =	sadd.s32 $0x0, s25  }
0x89: {  	[tilespmem:s0], [sflag:$0x3] =	stream.linear.gather [hbm4b:s21+s4], $0x80, $0x38;
	[tilespmem:$0x1C580] =	vst v63  }
0x8a: {  	_ =	swait.ge [sflag:s16], $0x4000  }
0x8b: {  	[sflag:s16] =	ssyncset.done $0x0  }
0x8c: {  	[sflag:s16] =	ssyncadd.s32 $0xFFFFC000  }
0x8d: {  	_ =	swait.ge [sflag:s19], $0x80  }
0x8e: {  	[sflag:s19] =	ssyncset.done $0x0  }
0x8f: {  	[sflag:s19] =	ssyncadd.s32 $0xFFFFFF80  }
0x90: {  	_ =	swait.ge [sflag:s19], $0x80  }
0x91: {  	[sflag:s19] =	ssyncset.done $0x0  }
0x92: {  	[sflag:s19] =	ssyncadd.s32 $0xFFFFFF80  }
0x93: {  	[tilespmem:s11], [sflag:$0x6] =	stream.indirect.gather [hbm4b:s1+s29], $0x80, s29, s29, $0xb8;
	[tilespmem:$0x1C580] =	vst v63  }
0x94: {  	_ =	swait.ge [sflag:s12], $0x4000  }
0x95: {  	[sflag:s12] =	ssyncset.done $0x0  }
0x96: {  	s22 =	rddreg [dreg:$0x5];
	[sflag:s12] =	ssyncadd.s32 $0xFFFFC000  }
0x97: {  	[spmem:s3] =	stream.indirect.scatter.add.f32 [tilespmem:s10], [sflag:$0x7], $0x80, s28, s29, $0xb8;
	[tilespmem:$0x1C580] =	vst v63  }
0x98: {  	s25 =	rddreg [dreg:$0x4];
	s9 =	sadd.s32 $0x0, s22  }
0x99: {  	[tilespmem:s2], [sflag:$0x4] =	stream.linear.gather [hbm4b:s9+s4], $0x80, $0x38;
	[tilespmem:$0x1C580] =	vst v63  }
0x9a: {  	s21 =	sadd.s32 $0x200, s24;
	s22 =	sadd.s32 $0x0, s25;
	s9 =	simm.s32 $0x40  }
.LBB2_2:
0x9b: {  	[tilespmem:s7], [sflag:$0x4] =	stream.linear.gather [hbm4b:s22+s4], $0x80, $0x38;
	[tilespmem:$0x1C580] =	vst v63  }
0x9c: {  	_ =	swait.ge [sflag:s13], $0x4000  }
0x9d: {  	[sflag:s13] =	ssyncset.done $0x0  }
0x9e: {  	[sflag:s13] =	ssyncadd.s32 $0xFFFFC000  }
0x9f: {  	_ =	swait.ge [sflag:s14], $0x80  }
0xa0: {  	[sflag:s14] =	ssyncset.done $0x0  }
0xa1: {  	[sflag:s14] =	ssyncadd.s32 $0xFFFFFF80  }
0xa2: {  	_ =	swait.ge [sflag:s14], $0x80  }
0xa3: {  	[sflag:s14] =	ssyncset.done $0x0  }
0xa4: {  	[sflag:s14] =	ssyncadd.s32 $0xFFFFFF80  }
0xa5: {  	[tilespmem:s10], [sflag:$0x5] =	stream.indirect.gather [hbm4b:s1+s29], $0x80, s31, s29, $0xb8;
	[tilespmem:$0x1C580] =	vst v63  }
0xa6: {  	_ =	swait.ge [sflag:s15], $0x4000  }
0xa7: {  	[sflag:s15] =	ssyncset.done $0x0  }
0xa8: {  	s25 =	sshrl.u32 s21, $0x3;
	[sflag:s15] =	ssyncadd.s32 $0xFFFFC000  }
0xa9: {  	[spmem:s3] =	stream.indirect.scatter.add.f32 [tilespmem:s11], [sflag:$0x8], $0x80, s30, s29, $0xb8;
	[tilespmem:$0x1C580] =	vst v63  }
0xaa: {  	s24 =	sadd.s32 s5, s25  }
0xab: {  	[tilespmem:s4], [sflag:$0x1] =	stream.linear.gather [hbm4b:s24+s4], $0x80, $0x38;
	[tilespmem:$0x1C580] =	vst v63  }
0xac: {  	s25 =	sadd.s32 s6, s25  }
0xad: {  	[tilespmem:s28], [sflag:$0x1] =	stream.linear.gather [hbm4b:s25+s4], $0x80, $0x38;
	[tilespmem:$0x1C580] =	vst v63  }
0xae: {  	_ =	swait.ge [sflag:s16], $0x4000  }
0xaf: {  	[sflag:s16] =	ssyncset.done $0x0  }
0xb0: {  	[sflag:s16] =	ssyncadd.s32 $0xFFFFC000  }
0xb1: {  	_ =	swait.ge [sflag:s17], $0x80  }
0xb2: {  	[sflag:s17] =	ssyncset.done $0x0  }
0xb3: {  	[sflag:s17] =	ssyncadd.s32 $0xFFFFFF80  }
0xb4: {  	_ =	swait.ge [sflag:s17], $0x80  }
0xb5: {  	[sflag:s17] =	ssyncset.done $0x0  }
0xb6: {  	[sflag:s17] =	ssyncadd.s32 $0xFFFFFF80  }
0xb7: {  	[tilespmem:s11], [sflag:$0x6] =	stream.indirect.gather [hbm4b:s1+s29], $0x80, s2, s29, $0xb8;
	[tilespmem:$0x1C580] =	vst v63  }
0xb8: {  	_ =	swait.ge [sflag:s12], $0x4000  }
0xb9: {  	[sflag:s12] =	ssyncset.done $0x0  }
0xba: {  	s22 =	smov.u32 s9;
	s24 =	rddreg [dreg:$0x9];
	[sflag:s12] =	ssyncadd.s32 $0xFFFFC000  }
0xbb: {  	[spmem:s3] =	stream.indirect.scatter.add.f32 [tilespmem:s10], [sflag:$0x7], $0x80, s0, s29, $0xb8;
	[tilespmem:$0x1C580] =	vst v63  }
0xbc: {  	s25 =	rddreg [dreg:$0x8];
	s24 =	sadd.s32 s22, s24  }
0xbd: {  	[tilespmem:s29], [sflag:$0x2] =	stream.linear.gather [hbm4b:s24+s4], $0x80, $0x38;
	[tilespmem:$0x1C580] =	vst v63  }
0xbe: {  	s25 =	sadd.s32 s22, s25  }
0xbf: {  	[tilespmem:s30], [sflag:$0x2] =	stream.linear.gather [hbm4b:s25+s4], $0x80, $0x38;
	[tilespmem:$0x1C580] =	vst v63  }
0xc0: {  	_ =	swait.ge [sflag:s13], $0x4000  }
0xc1: {  	[sflag:s13] =	ssyncset.done $0x0  }
0xc2: {  	[sflag:s13] =	ssyncadd.s32 $0xFFFFC000  }
0xc3: {  	_ =	swait.ge [sflag:s18], $0x80  }
0xc4: {  	[sflag:s18] =	ssyncset.done $0x0  }
0xc5: {  	[sflag:s18] =	ssyncadd.s32 $0xFFFFFF80  }
0xc6: {  	_ =	swait.ge [sflag:s18], $0x80  }
0xc7: {  	[sflag:s18] =	ssyncset.done $0x0  }
0xc8: {  	[sflag:s18] =	ssyncadd.s32 $0xFFFFFF80  }
0xc9: {  	[tilespmem:s10], [sflag:$0x5] =	stream.indirect.gather [hbm4b:s1+s29], $0x80, s4, s29, $0xb8;
	[tilespmem:$0x1C580] =	vst v63  }
0xca: {  	_ =	swait.ge [sflag:s15], $0x4000  }
0xcb: {  	[sflag:s15] =	ssyncset.done $0x0  }
0xcc: {  	s24 =	rddreg [dreg:$0x7];
	[sflag:s15] =	ssyncadd.s32 $0xFFFFC000  }
0xcd: {  	[spmem:s3] =	stream.indirect.scatter.add.f32 [tilespmem:s11], [sflag:$0x8], $0x80, s7, s29, $0xb8;
	[tilespmem:$0x1C580] =	vst v63  }
0xce: {  	s25 =	rddreg [dreg:$0x6];
	s24 =	sadd.s32 s22, s24  }
0xcf: {  	[tilespmem:s31], [sflag:$0x3] =	stream.linear.gather [hbm4b:s24+s4], $0x80, $0x38;
	[tilespmem:$0x1C580] =	vst v63  }
0xd0: {  	s25 =	sadd.s32 s22, s25  }
0xd1: {  	[tilespmem:s0], [sflag:$0x3] =	stream.linear.gather [hbm4b:s25+s4], $0x80, $0x38;
	[tilespmem:$0x1C580] =	vst v63  }
0xd2: {  	_ =	swait.ge [sflag:s16], $0x4000  }
0xd3: {  	[sflag:s16] =	ssyncset.done $0x0  }
0xd4: {  	[sflag:s16] =	ssyncadd.s32 $0xFFFFC000  }
0xd5: {  	_ =	swait.ge [sflag:s19], $0x80  }
0xd6: {  	[sflag:s19] =	ssyncset.done $0x0  }
0xd7: {  	[sflag:s19] =	ssyncadd.s32 $0xFFFFFF80  }
0xd8: {  	_ =	swait.ge [sflag:s19], $0x80  }
0xd9: {  	[sflag:s19] =	ssyncset.done $0x0  }
0xda: {  	[sflag:s19] =	ssyncadd.s32 $0xFFFFFF80  }
0xdb: {  	[tilespmem:s11], [sflag:$0x6] =	stream.indirect.gather [hbm4b:s1+s29], $0x80, s29, s29, $0xb8;
	[tilespmem:$0x1C580] =	vst v63  }
0xdc: {  	p0 =	sne.s32 s9, $0x440;
	_ =	swait.ge [sflag:s12], $0x4000  }
.Ltmp0:
0xdd: {  	[sflag:s12] =	ssyncset.done $0x0;
	s24 =	rddreg [dreg:$0x5];
	(pc) =	sbr.rel @p0 .LBB2_2-.Ltmp0, $4  }
0xde: {  	s9 =	sadd.s32 $0x40, s9;
	s25 =	rddreg [dreg:$0x4];
	[sflag:s12] =	ssyncadd.s32 $0xFFFFC000  }
0xdf: {  	[spmem:s3] =	stream.indirect.scatter.add.f32 [tilespmem:s10], [sflag:$0x7], $0x80, s28, s29, $0xb8;
	[tilespmem:$0x1C580] =	vst v63  }
0xe0: {  	s21 =	sadd.s32 $0x200, s21;
	s24 =	sadd.s32 s22, s24;
	s22 =	sadd.s32 s22, s25  }
0xe1: {  	[tilespmem:s2], [sflag:$0x4] =	stream.linear.gather [hbm4b:s24+s4], $0x80, $0x38;
	[tilespmem:$0x1C580] =	vst v63  }
0xe2: {  	[tilespmem:s7], [sflag:$0x4] =	stream.linear.gather [hbm4b:s22+s4], $0x80, $0x38;
	[tilespmem:$0x1C580] =	vst v63  }
0xe3: {  	_ =	swait.ge [sflag:s13], $0x4000  }
0xe4: {  	[sflag:s13] =	ssyncset.done $0x0  }
0xe5: {  	[sflag:s13] =	ssyncadd.s32 $0xFFFFC000  }
0xe6: {  	_ =	swait.ge [sflag:s14], $0x80  }
0xe7: {  	[sflag:s14] =	ssyncset.done $0x0  }
0xe8: {  	[sflag:s14] =	ssyncadd.s32 $0xFFFFFF80  }
0xe9: {  	_ =	swait.ge [sflag:s14], $0x80  }
0xea: {  	[sflag:s14] =	ssyncset.done $0x0  }
0xeb: {  	[sflag:s14] =	ssyncadd.s32 $0xFFFFFF80  }
0xec: {  	[tilespmem:s10], [sflag:$0x5] =	stream.indirect.gather [hbm4b:s1+s29], $0x80, s31, s29, $0xb8;
	[tilespmem:$0x1C580] =	vst v63  }
0xed: {  	_ =	swait.ge [sflag:s15], $0x4000  }
0xee: {  	[sflag:s15] =	ssyncset.done $0x0  }
0xef: {  	[sflag:s15] =	ssyncadd.s32 $0xFFFFC000  }
0xf0: {  	[spmem:s3] =	stream.indirect.scatter.add.f32 [tilespmem:s11], [sflag:$0x8], $0x80, s30, s29, $0xb8;
	[tilespmem:$0x1C580] =	vst v63  }
0xf1: {  	s9 =	rddreg [dreg:$0x16]  }
0xf2: {  	[tilespmem:s4], [sflag:$0x1] =	stream.linear.gather [hbm4b:s9+s4], $0x80, $0x38;
	[tilespmem:$0x1C580] =	vst v63  }
0xf3: {  	s21 =	rddreg [dreg:$0x17]  }
0xf4: {  	[tilespmem:s28], [sflag:$0x1] =	stream.linear.gather [hbm4b:s21+s4], $0x80, $0x38;
	[tilespmem:$0x1C580] =	vst v63  }
0xf5: {  	_ =	swait.ge [sflag:s16], $0x4000  }
0xf6: {  	[sflag:s16] =	ssyncset.done $0x0  }
0xf7: {  	[sflag:s16] =	ssyncadd.s32 $0xFFFFC000  }
0xf8: {  	_ =	swait.ge [sflag:s17], $0x80  }
0xf9: {  	[sflag:s17] =	ssyncset.done $0x0  }
0xfa: {  	[sflag:s17] =	ssyncadd.s32 $0xFFFFFF80  }
0xfb: {  	_ =	swait.ge [sflag:s17], $0x80  }
0xfc: {  	[sflag:s17] =	ssyncset.done $0x0  }
0xfd: {  	[sflag:s17] =	ssyncadd.s32 $0xFFFFFF80  }
0xfe: {  	[tilespmem:s11], [sflag:$0x6] =	stream.indirect.gather [hbm4b:s1+s29], $0x80, s2, s29, $0xb8;
	[tilespmem:$0x1C580] =	vst v63  }
0xff: {  	_ =	swait.ge [sflag:s12], $0x4000  }
0x100: {  	[sflag:s12] =	ssyncset.done $0x0  }
0x101: {  	[sflag:s12] =	ssyncadd.s32 $0xFFFFC000  }
0x102: {  	[spmem:s3] =	stream.indirect.scatter.add.f32 [tilespmem:s10], [sflag:$0x7], $0x80, s0, s29, $0xb8;
	[tilespmem:$0x1C580] =	vst v63  }
0x103: {  	s22 =	rddreg [dreg:$0x18]  }
0x104: {  	[tilespmem:s29], [sflag:$0x2] =	stream.linear.gather [hbm4b:s22+s4], $0x80, $0x38;
	[tilespmem:$0x1C580] =	vst v63  }
0x105: {  	s24 =	rddreg [dreg:$0x19]  }
0x106: {  	[tilespmem:s30], [sflag:$0x2] =	stream.linear.gather [hbm4b:s24+s4], $0x80, $0x38;
	[tilespmem:$0x1C580] =	vst v63  }
0x107: {  	_ =	swait.ge [sflag:s13], $0x4000  }
0x108: {  	[sflag:s13] =	ssyncset.done $0x0  }
0x109: {  	[sflag:s13] =	ssyncadd.s32 $0xFFFFC000  }
0x10a: {  	_ =	swait.ge [sflag:s18], $0x80  }
0x10b: {  	[sflag:s18] =	ssyncset.done $0x0  }
0x10c: {  	[sflag:s18] =	ssyncadd.s32 $0xFFFFFF80  }
0x10d: {  	_ =	swait.ge [sflag:s18], $0x80  }
0x10e: {  	[sflag:s18] =	ssyncset.done $0x0  }
0x10f: {  	[sflag:s18] =	ssyncadd.s32 $0xFFFFFF80  }
0x110: {  	[tilespmem:s10], [sflag:$0x5] =	stream.indirect.gather [hbm4b:s1+s29], $0x80, s4, s29, $0xb8;
	[tilespmem:$0x1C580] =	vst v63  }
0x111: {  	_ =	swait.ge [sflag:s15], $0x4000  }
0x112: {  	[sflag:s15] =	ssyncset.done $0x0  }
0x113: {  	[sflag:s15] =	ssyncadd.s32 $0xFFFFC000  }
0x114: {  	[spmem:s3] =	stream.indirect.scatter.add.f32 [tilespmem:s11], [sflag:$0x8], $0x80, s7, s29, $0xb8;
	[tilespmem:$0x1C580] =	vst v63  }
0x115: {  	_ =	swait.ge [sflag:s16], $0x4000  }
0x116: {  	[sflag:s16] =	ssyncset.done $0x0  }
0x117: {  	[sflag:s16] =	ssyncadd.s32 $0xFFFFC000  }
0x118: {  	_ =	swait.ge [sflag:s19], $0x80  }
0x119: {  	[sflag:s19] =	ssyncset.done $0x0  }
0x11a: {  	[sflag:s19] =	ssyncadd.s32 $0xFFFFFF80  }
0x11b: {  	_ =	swait.ge [sflag:s19], $0x80  }
0x11c: {  	[sflag:s19] =	ssyncset.done $0x0  }
0x11d: {  	[sflag:s19] =	ssyncadd.s32 $0xFFFFFF80  }
0x11e: {  	[tilespmem:s11], [sflag:$0x6] =	stream.indirect.gather [hbm4b:s1+s29], $0x80, s29, s29, $0xb8;
	[tilespmem:$0x1C580] =	vst v63  }
0x11f: {  	_ =	swait.ge [sflag:s12], $0x4000  }
0x120: {  	[sflag:s12] =	ssyncset.done $0x0  }
0x121: {  	[sflag:s12] =	ssyncadd.s32 $0xFFFFC000  }
0x122: {  	[spmem:s3] =	stream.indirect.scatter.add.f32 [tilespmem:s10], [sflag:$0x7], $0x80, s28, s29, $0xb8;
	[tilespmem:$0x1C580] =	vst v63  }
0x123: {  	_ =	swait.ge [sflag:s15], $0x4000  }
0x124: {  	[sflag:s15] =	ssyncset.done $0x0  }
0x125: {  	[sflag:s15] =	ssyncadd.s32 $0xFFFFC000  }
0x126: {  	[spmem:s3] =	stream.indirect.scatter.add.f32 [tilespmem:s11], [sflag:$0x8], $0x80, s30, s29, $0xb8;
	[tilespmem:$0x1C580] =	vst v63  }
0x127: {  	_ =	swait.ge [sflag:s20], $0x10  }
0x128: {  	[sflag:s20] =	ssyncset.done $0x0  }
0x129: {  	[sflag:s20] =	ssyncadd.s32 $0xFFFFFFF0  }
0x12a: {  	_ =	swait.ge [sflag:s20], $0x10  }
0x12b: {  	s25 =	simm.s32 $0x10;
	[sflag:s20] =	ssyncset.done $0x0  }
0x12c: {  	s21 =	simm.s32 $0x400;
	s24 =	simm.s32 $0x8500;
	[sflag:s20] =	ssyncadd.s32 $0xFFFFFFF0  }
0x12d: {  	[tilespmem:s24], [sflag:$0x9] =	stream.indirect.gather [hbm4b:s1+s25], $0x80, s21, s25, $0xb8;
	[tilespmem:$0x1C580] =	vst v63  }
0x12e: {  	_ =	swait.ge [sflag:s13], $0x4000  }
0x12f: {  	[sflag:s13] =	ssyncset.done $0x0  }
0x130: {  	[sflag:s13] =	ssyncadd.s32 $0xFFFFC000  }
0x131: {  	_ =	swait.ge [sflag:s16], $0x4000  }
0x132: {  	[sflag:s16] =	ssyncset.done $0x0  }
0x133: {  	[sflag:s16] =	ssyncadd.s32 $0xFFFFC000  }
0x134: {  	_ =	swait.ge [sflag:s20], $0x800  }
0x135: {  	[sflag:s20] =	ssyncset.done $0x0  }
0x136: {  	s22 =	simm.s32 $0x480;
	[sflag:s20] =	ssyncadd.s32 $0xFFFFF800  }
0x137: {  	[spmem:s3] =	stream.indirect.scatter.add.f32 [tilespmem:s24], [sflag:$0xA], $0x80, s22, s25, $0xb8;
	[tilespmem:$0x1C580] =	vst v63  }
0x138: {  	_ =	swait.ge [sflag:s26], $0x800  }
0x139: {  	[sflag:s26] =	ssyncset.done $0x0  }
0x13a: {  	[sflag:s26] =	ssyncadd.s32 $0xFFFFF800  }
0x13b: {  	[bflag:$0x0] =	sbarrier.arrive $0xFFFF  }
0x13c: {  	s24 =	rddreg [dreg:$0x1a]  }
0x13d: {  	s25 =	rddreg [dreg:$0x1d]  }
0x13e: {  	[hbm:s24], [sflag:s25] =	dma.local [spmem:s8], $0x2800  }
0x13f: {  	_ =	swait.ge [sflag:s26], $0x2800  }
0x140: {  	s23 =	sadd.s32 $0x1, s23;
	s25 =	rddreg [dreg:$0x1b]  }
0x141: {  	p0 =	sne.s32 s23, s25  }
.Ltmp1:
0x142: {  	_ = 	snop;
	(pc) =	sbr.rel @p0 .LBB2_1-.Ltmp1, $3  }
0x143: {  	_ =	sdelay $0x1  }
0x144: {  	[sflag:s26] =	ssyncset.done $0x0  }
0x145: {  	[sflag:s26] =	ssyncadd.s32 $0xFFFFD800  }
0x146: {  	_ =	sfence.sel $0x180000  }
0x147: {  	[bflag:$0x0] =	sbarrier.arrive $0xFFFF  }
0x148: {  	_ =	strace $0x90000050  }
0x149: {  	s0 =	stileid.u32;
	[bflag:$0x2] =	sbarrier.arrive $0xFFFF  }
0x14a: {  	p0 =	sne.s32 s0, $0x0;
	s0 =	rddreg [dreg:$0x3]  }
0x14b: {  	s0 =	sadd.s32 @!p0 $0x100000, s0  }
0x14c: {  	[sflag:s0] =	ssyncadd.tile.s32 @!p0 $0x1;
	_ =	shalt  }
.Lfunc_end2:
_tile_overlayer_lowered:
.L_overlay_start_2:
0x14d: {  	(tag) =	ssettag $0x2  }
0x14e: {  	s0 =	rddreg [dreg:$0x0];
	s2 =	stileid.u32  }
0x14f: {  	s1 =	rddreg [dreg:$0x1];
	p0 =	sne.s32 s2, $0x0  }
0x150: {  	s3 =	rddreg [dreg:$0x2];
	[bflag:$0x3] =	sbarrier.arrive $0xFFFF;
	s2 =	simm.s32 @!p0 $0x1C0A  }
0x151: {  	[timem:s3], [sflag:s2] =	dma.local @!p0 [hbm:s0], s1  }
0x152: {  	s0 =	simm.s32 @!p0 $0xA  }
0x153: {  	_ =	swait.ge @!p0 [sflag:s0], s1  }
0x154: {  	s1 =	ssub.s32 @!p0 $0x0, s1;
	[sflag:s0] =	ssyncset.done @!p0 $0x0  }
0x155: {  	[sflag:s0] =	ssyncadd.s32 @!p0 s1  }
0x156: {  	[bflag:$0x3] =	sbarrier.arrive $0xFFFF  }
0x157: {  	_ =	shalt  }

</sc_bundles>
